<compile_context>
chip_gen: v7x
topology: tpu7x:2x2x1
jax: 0.10.2.dev20260603
libtpu: 0.0.44.dev20260713+nightly
codegen_flags: <defaults>
</compile_context>

<pallas_src>
import functools

import numpy as np
import jax
import jax.numpy as jnp
from jax import lax
from jax.experimental import pallas as pl
from jax.experimental.pallas import tpu as pltpu
from jax.experimental.pallas import tpu_sc as plsc

COUNTS_ = 2000
LANE_ = 128
CHUNK_ = 128
NBUF_ = 16


@functools.lru_cache(maxsize=None)
def _choice_indices(anchors_num: int) -> np.ndarray:
    rng = np.random.default_rng(0)
    return rng.choice(np.arange(anchors_num), size=COUNTS_, replace=False)


@functools.lru_cache(maxsize=None)
def _make_retile(batches: int, coords: int, anchors_num: int):
    info = plsc.get_sparse_core_info()
    nc, ns = info.num_cores, info.num_subcores
    nw = nc * ns
    full_tiles = anchors_num // LANE_
    pairs_per_b = full_tiles // 2
    npairs = batches * pairs_per_b
    per_w = -(-npairs // nw)
    rows = batches * full_tiles * coords
    assert rows % 8 == 0
    mesh = plsc.VectorSubcoreMesh(core_axis_name="c", subcore_axis_name="s")

    @functools.partial(
        pl.kernel,
        mesh=mesh,
        out_type=jax.ShapeDtypeStruct((rows, LANE_), jnp.float32),
        compiler_params=pltpu.CompilerParams(needs_layout_passes=False),
        scratch_types=(
            [pltpu.VMEM((2 * coords, LANE_), jnp.float32)] * NBUF_
            + [pltpu.SemaphoreType.DMA, pltpu.SemaphoreType.DMA]
        ),
    )
    def retile_kernel(tab3d, out_hbm, *rest):
        bufs = rest[:NBUF_]
        sem_in, sem_out = rest[NBUF_:]
        wid = lax.axis_index("s") * nc + lax.axis_index("c")
        g0 = wid * per_w

        def block(i0, _):
            for j in range(NBUF_):
                g = g0 + i0 + j

                @pl.when(g < npairs)
                def _():
                    b = g // pairs_per_b
                    t2 = g % pairs_per_b
                    a0 = pl.multiple_of(t2 * (2 * LANE_), 2 * LANE_)
                    pltpu.async_copy(
                        tab3d.at[b, pl.ds(0, coords), pl.ds(a0, LANE_)],
                        bufs[j].at[pl.ds(0, coords)], sem_in)
                    pltpu.async_copy(
                        tab3d.at[b, pl.ds(0, coords),
                                 pl.ds(a0 + LANE_, LANE_)],
                        bufs[j].at[pl.ds(coords, coords)], sem_in)

            for j in range(NBUF_):
                g = g0 + i0 + j

                @pl.when(g < npairs)
                def _():
                    pltpu.make_async_copy(
                        tab3d.at[0, pl.ds(0, coords), pl.ds(0, LANE_)],
                        bufs[j].at[pl.ds(0, coords)], sem_in).wait()
                    pltpu.make_async_copy(
                        tab3d.at[0, pl.ds(0, coords), pl.ds(0, LANE_)],
                        bufs[j].at[pl.ds(coords, coords)], sem_in).wait()
                    r0 = pl.multiple_of(g * (2 * coords), 2 * coords)
                    pltpu.async_copy(
                        bufs[j], out_hbm.at[pl.ds(r0, 2 * coords)], sem_out)

            for j in range(NBUF_):
                g = g0 + i0 + j

                @pl.when(g < npairs)
                def _():
                    pltpu.make_async_copy(
                        out_hbm.at[pl.ds(0, 2 * coords)], bufs[j],
                        sem_out).wait()
            return ()

        lax.fori_loop(0, -(-per_w // NBUF_),
                      lambda k, c: block(k * NBUF_, c), (), unroll=False)

    return retile_kernel


@functools.lru_cache(maxsize=None)
def _make_gather(num_elems: int, e_pad: int, fixups: tuple):
    info = plsc.get_sparse_core_info()
    nc, ns, nl = info.num_cores, info.num_subcores, info.num_lanes
    nw = nc * ns
    e_per_w = e_pad // nw
    chunks = e_per_w // CHUNK_
    mesh = plsc.VectorSubcoreMesh(core_axis_name="c", subcore_axis_name="s")

    @functools.partial(
        pl.kernel,
        mesh=mesh,
        out_type=jax.ShapeDtypeStruct((e_pad,), jnp.float32),
        compiler_params=pltpu.CompilerParams(needs_layout_passes=False),
        scratch_types=[
            pltpu.VMEM((chunks, CHUNK_), jnp.int32),
            pltpu.VMEM((e_per_w,), jnp.float32),
            pltpu.VMEM((nl,), jnp.float32),
            pltpu.SemaphoreType.DMA,
        ],
    )
    def gather_kernel(table_hbm, fidx_hbm, tab3d, out_hbm,
                      fidx_v, vals_v, stage_v, sem):
        wid = lax.axis_index("s") * nc + lax.axis_index("c")
        pltpu.sync_copy(fidx_hbm.at[pl.ds(wid * chunks, chunks)], fidx_v)
        copies = [
            pltpu.async_copy(
                table_hbm.at[fidx_v.at[c]],
                vals_v.at[pl.ds(c * CHUNK_, CHUNK_)], sem)
            for c in range(chunks)
        ]
        for cp in copies:
            cp.wait()
        for (k, b, c, a) in fixups:
            owner, vec, lane = k // e_per_w, (k % e_per_w) // nl, k % nl

            @pl.when(wid == owner)
            def _():
                pltpu.sync_copy(tab3d.at[b, c, pl.ds(a, 1)],
                                stage_v.at[pl.ds(0, 1)])
                sv = stage_v[pl.ds(0, nl)]
                dn = lax.GatherDimensionNumbers(
                    offset_dims=(), collapsed_slice_dims=(0,),
                    start_index_map=(0,))
                bc = lax.gather(
                    sv, jnp.zeros((nl, 1), jnp.int32), dn, (1,),
                    mode=lax.GatherScatterMode.PROMISE_IN_BOUNDS)
                old = vals_v[pl.ds(vec * nl, nl)]
                sel = lax.iota(jnp.int32, nl) == lane
                vals_v[pl.ds(vec * nl, nl)] = jnp.where(sel, bc, old)
        pltpu.sync_copy(vals_v, out_hbm.at[pl.ds(wid * e_per_w, e_per_w)])

    return gather_kernel


def kernel(feature_maps, anchors):
    anc = anchors[0]
    batches, anchors_num, coords = anc.shape
    full_tiles = anchors_num // LANE_
    idx = np.asarray(_choice_indices(anchors_num)).astype(np.int64)

    b_arr = np.repeat(np.arange(batches, dtype=np.int64), COUNTS_ * coords)
    j_arr = np.tile(np.repeat(np.arange(COUNTS_, dtype=np.int64), coords),
                    batches)
    c_arr = np.tile(np.arange(coords, dtype=np.int64), batches * COUNTS_)
    a_arr = idx[j_arr]
    main = a_arr < full_tiles * LANE_
    fidx = np.where(
        main,
        ((b_arr * full_tiles + a_arr // LANE_) * coords + c_arr) * LANE_
        + a_arr % LANE_,
        0,
    )
    fixups = tuple(
        (int(k), int(b_arr[k]), int(c_arr[k]), int(a_arr[k]))
        for k in np.nonzero(~main)[0]
    )
    e = fidx.shape[0]
    info = plsc.get_sparse_core_info()
    nw = info.num_cores * info.num_subcores
    e_pad = -(-e // (nw * CHUNK_)) * (nw * CHUNK_)
    fidx_pad = np.zeros((e_pad,), dtype=np.int32)
    fidx_pad[:e] = fidx

    t3d = jnp.transpose(anc, (0, 2, 1))
    dense = _make_retile(batches, coords, anchors_num)(t3d)
    out = _make_gather(dense.shape[0] * LANE_, e_pad, fixups)(
        dense.reshape(-1), jnp.asarray(fidx_pad.reshape(-1, CHUNK_)), t3d)
    return out[:e].reshape(batches, COUNTS_, coords)

# --- scband reference (transcript-rebuilt; emitter-appended) ---
"""Pipeline reference for scband-random-proposal-layer-32830730011551 (READ-ONLY COPY).

The authoritative reference and input builder live on the scoring server;
editing this copy changes nothing except your own understanding.
"""

import jax, jax.numpy as jnp
import numpy as np

COUNTS = 2000

def setup_inputs(seed: int = 0) -> dict:
    key = jax.random.key(seed)
    k1, k2 = jax.random.split(key)
    feature_maps = jax.random.normal(k1, (1, 4, 128, 128, 256), dtype=jnp.float32)
    anchors = jax.random.uniform(k2, (1, 4, 500000, 4), dtype=jnp.float32)
    return {"feature_maps": feature_maps, "anchors": anchors}

def reference(feature_maps, anchors):
    # list-emulation: leading dim of size 1 plays the role of the python list
    fm = feature_maps[0]          # (batch, h, w, c)
    anc = anchors[0]              # (batch, A, 4)
    batches = fm.shape[0]
    if anc.ndim == 2:
        anc = jnp.broadcast_to(anc[None, :, :], (batches,) + anc.shape)
    assert anc.shape[0] == batches, 'the batch num must match, fmap & anchors'
    anchors_num = anc.shape[1]
    # deterministic stand-in for np.random.choice(replace=False)
    rng = np.random.default_rng(0)
    index_np = rng.choice(np.arange(anchors_num), size=COUNTS, replace=False)
    index = jnp.asarray(index_np)
    # torch.gather(anchors, dim=1, index) with index expanded over batch and coord dims
    # is equivalent to taking the same anchor rows for every batch element:
    proposals = jnp.take(anc, index, axis=1)   # (batch, COUNTS, 4)
    return proposals

if __name__ == "__main__":
    import jax
    _d = setup_inputs()
    print(jax.jit(kernel)(*tuple(_d.values())))

</pallas_src>

<mosaic_0001>
#map = affine_map<(d0, d1) -> (0, 0, 0)>
#map1 = affine_map<(d0, d1) -> (0, 0)>
module attributes {stable_mosaic.version = 14 : i64} {
  func.func @retile_kernel(%arg0: i32, %arg1: i32, %arg2: memref<4x4x500000xf32, #tpu.memory_space<hbm>>, %arg3: memref<62496x128xf32, #tpu.memory_space<hbm>>, %arg4: memref<8x128xf32, #tpu.memory_space<vmem>>, %arg5: memref<8x128xf32, #tpu.memory_space<vmem>>, %arg6: memref<8x128xf32, #tpu.memory_space<vmem>>, %arg7: memref<8x128xf32, #tpu.memory_space<vmem>>, %arg8: memref<8x128xf32, #tpu.memory_space<vmem>>, %arg9: memref<8x128xf32, #tpu.memory_space<vmem>>, %arg10: memref<8x128xf32, #tpu.memory_space<vmem>>, %arg11: memref<8x128xf32, #tpu.memory_space<vmem>>, %arg12: memref<8x128xf32, #tpu.memory_space<vmem>>, %arg13: memref<8x128xf32, #tpu.memory_space<vmem>>, %arg14: memref<8x128xf32, #tpu.memory_space<vmem>>, %arg15: memref<8x128xf32, #tpu.memory_space<vmem>>, %arg16: memref<8x128xf32, #tpu.memory_space<vmem>>, %arg17: memref<8x128xf32, #tpu.memory_space<vmem>>, %arg18: memref<8x128xf32, #tpu.memory_space<vmem>>, %arg19: memref<8x128xf32, #tpu.memory_space<vmem>>, %arg20: memref<!tpu.dma_semaphore, #tpu.memory_space<semaphore_mem>>, %arg21: memref<!tpu.dma_semaphore, #tpu.memory_space<semaphore_mem>>) attributes {dimension_semantics = [#tpu.dimension_semantics<core_parallel>, #tpu.dimension_semantics<subcore_parallel>], iteration_bounds = array<i64: 2, 16>, scalar_prefetch = 0 : i64, scratch_operands = 18 : i64, tpu.core_type = #tpu.core_type<sc_vector_subcore>, window_params = [{transform_indices = #map}, {transform_indices = #map1}]} {
    %mul3A = arith.constant 2 : i32
    %mul3A_0 = arith.muli %arg1, %mul3A : i32
    %add3A = arith.addi %mul3A_0, %arg0 : i32
    %mul3A_1 = arith.constant 245 : i32
    %mul3A_2 = arith.muli %add3A, %mul3A_1 : i32
    %scan3A = arith.constant 0 : i32
    %scan3A_3 = arith.constant 16 : i32
    %scan3A_4 = arith.addi %scan3A, %scan3A_3 : i32
    %scan3A_5 = arith.constant 1 : i32
    scf.for %scan3A_7 = %scan3A to %scan3A_4 step %scan3A_5  : i32 {
      %mul3A_8 = arith.constant 16 : i32
      %mul3A_9 = arith.muli %scan3A_7, %mul3A_8 : i32
      %add3A_10 = arith.addi %mul3A_2, %mul3A_9 : i32
      %add3A_11 = arith.constant 0 : i32
      %add3A_12 = arith.addi %add3A_10, %add3A_11 : i32
      %lt3A = arith.constant 7812 : i32
      %lt3A_13 = arith.cmpi slt, %add3A_12, %lt3A : i32
      %convert_element_type3A = arith.extui %lt3A_13 : i1 to i32
      %cond3A = arith.constant 0 : i32
      %cond3A_14 = arith.cmpi ne, %convert_element_type3A, %cond3A : i32
      scf.if %cond3A_14 {
        %jit3A = arith.constant 1953 : i32
        %div3A = arith.divsi %add3A_12, %jit3A : i32
        %sign3A = arith.constant 0 : i32
        %sign3A_391 = arith.cmpi sgt, %add3A_12, %sign3A : i32
        %sign3A_392 = arith.extui %sign3A_391 : i1 to i32
        %sign3A_393 = arith.constant 0 : i32
        %sign3A_394 = arith.cmpi slt, %add3A_12, %sign3A_393 : i32
        %sign3A_395 = arith.extui %sign3A_394 : i1 to i32
        %sign3A_396 = arith.subi %sign3A_392, %sign3A_395 : i32
        %sign3A_397 = arith.constant 0 : i32
        %sign3A_398 = arith.cmpi sgt, %jit3A, %sign3A_397 : i32
        %sign3A_399 = arith.extui %sign3A_398 : i1 to i32
        %sign3A_400 = arith.constant 0 : i32
        %sign3A_401 = arith.cmpi slt, %jit3A, %sign3A_400 : i32
        %sign3A_402 = arith.extui %sign3A_401 : i1 to i32
        %sign3A_403 = arith.subi %sign3A_399, %sign3A_402 : i32
        %ne3A = arith.cmpi ne, %sign3A_396, %sign3A_403 : i32
        %rem3A = arith.remsi %add3A_12, %jit3A : i32
        %ne3A_404 = arith.constant 0 : i32
        %ne3A_405 = arith.cmpi ne, %rem3A, %ne3A_404 : i32
        %and3A = arith.andi %ne3A, %ne3A_405 : i1
        %sub3A = arith.constant 1 : i32
        %sub3A_406 = arith.subi %div3A, %sub3A : i32
        %select_n3A = arith.select %and3A, %sub3A_406, %div3A : i32
        %jit3A_407 = arith.constant 1953 : i32
        %eq3A = arith.constant 0 : i32
        %eq3A_408 = arith.cmpi eq, %jit3A_407, %eq3A : i32
        %jit3A_409 = arith.constant 1 : i32
        %select_n3A_410 = arith.select %eq3A_408, %jit3A_409, %jit3A_407 : i32
        %rem3A_411 = arith.remsi %add3A_12, %select_n3A_410 : i32
        %ne3A_412 = arith.constant 0 : i32
        %ne3A_413 = arith.cmpi ne, %rem3A_411, %ne3A_412 : i32
        %lt3A_414 = arith.constant 0 : i32
        %lt3A_415 = arith.cmpi slt, %rem3A_411, %lt3A_414 : i32
        %lt3A_416 = arith.constant 0 : i32
        %lt3A_417 = arith.cmpi slt, %select_n3A_410, %lt3A_416 : i32
        %ne3A_418 = arith.xori %lt3A_415, %lt3A_417 : i1
        %and3A_419 = arith.andi %ne3A_418, %ne3A_413 : i1
        %add3A_420 = arith.addi %rem3A_411, %select_n3A_410 : i32
        %select_n3A_421 = arith.select %and3A_419, %add3A_420, %rem3A_411 : i32
        %mul3A_422 = arith.constant 256 : i32
        %mul3A_423 = arith.muli %select_n3A_421, %mul3A_422 : i32
        %multiple_of3A = tpu.assume_multiple %mul3A_423, 256 : i32
        %dma_start3A = arith.constant 0 : i32
        %dma_start3A_424 = arith.constant 0 : i32
        %dma_start3A_425 = tpu.memref_slice %arg4[%dma_start3A, %dma_start3A_424] : memref<8x128xf32, #tpu.memory_space<vmem>> -> memref<4x128xf32, #tpu.memory_space<vmem>>
        %dma_start3A_426 = arith.constant 0 : i32
        %dma_start3A_427 = tpu.memref_slice %arg2[%select_n3A, %dma_start3A_426, %multiple_of3A] : memref<4x4x500000xf32, #tpu.memory_space<hbm>> -> memref<1x4x128xf32, #tpu.memory_space<hbm>>
        %dma_start3A_428 = tpu.memref_squeeze %dma_start3A_427 : memref<1x4x128xf32, #tpu.memory_space<hbm>> -> memref<4x128xf32, #tpu.memory_space<hbm>>
        %dma_start3A_429 = arith.constant 0 : i32
        %dma_start3A_430 = arith.constant 0 : i32
        %dma_start3A_431 = tpu.memref_slice %arg4[%dma_start3A_429, %dma_start3A_430] : memref<8x128xf32, #tpu.memory_space<vmem>> -> memref<4x128xf32, #tpu.memory_space<vmem>>
        %dma_start3A_432 = arith.constant 0 : i32
        %dma_start3A_433 = tpu.memref_slice %arg2[%select_n3A, %dma_start3A_432, %multiple_of3A] : memref<4x4x500000xf32, #tpu.memory_space<hbm>> -> memref<1x4x128xf32, #tpu.memory_space<hbm>>
        %dma_start3A_434 = tpu.memref_squeeze %dma_start3A_433 : memref<1x4x128xf32, #tpu.memory_space<hbm>> -> memref<4x128xf32, #tpu.memory_space<hbm>>
        tpu.enqueue_dma source(%dma_start3A_434 : memref<4x128xf32, #tpu.memory_space<hbm>>) target(%dma_start3A_431 : memref<4x128xf32, #tpu.memory_space<vmem>>) target_semaphore(%arg20 : memref<!tpu.dma_semaphore, #tpu.memory_space<semaphore_mem>>)
        %add3A_435 = arith.constant 128 : i32
        %add3A_436 = arith.addi %multiple_of3A, %add3A_435 : i32
        %dma_start3A_437 = arith.constant 4 : i32
        %dma_start3A_438 = arith.constant 0 : i32
        %dma_start3A_439 = tpu.memref_slice %arg4[%dma_start3A_437, %dma_start3A_438] : memref<8x128xf32, #tpu.memory_space<vmem>> -> memref<4x128xf32, #tpu.memory_space<vmem>>
        %dma_start3A_440 = arith.constant 0 : i32
        %dma_start3A_441 = tpu.memref_slice %arg2[%select_n3A, %dma_start3A_440, %add3A_436] : memref<4x4x500000xf32, #tpu.memory_space<hbm>> -> memref<1x4x128xf32, #tpu.memory_space<hbm>>
        %dma_start3A_442 = tpu.memref_squeeze %dma_start3A_441 : memref<1x4x128xf32, #tpu.memory_space<hbm>> -> memref<4x128xf32, #tpu.memory_space<hbm>>
        %dma_start3A_443 = arith.constant 4 : i32
        %dma_start3A_444 = arith.constant 0 : i32
        %dma_start3A_445 = tpu.memref_slice %arg4[%dma_start3A_443, %dma_start3A_444] : memref<8x128xf32, #tpu.memory_space<vmem>> -> memref<4x128xf32, #tpu.memory_space<vmem>>
        %dma_start3A_446 = arith.constant 0 : i32
        %dma_start3A_447 = tpu.memref_slice %arg2[%select_n3A, %dma_start3A_446, %add3A_436] : memref<4x4x500000xf32, #tpu.memory_space<hbm>> -> memref<1x4x128xf32, #tpu.memory_space<hbm>>
        %dma_start3A_448 = tpu.memref_squeeze %dma_start3A_447 : memref<1x4x128xf32, #tpu.memory_space<hbm>> -> memref<4x128xf32, #tpu.memory_space<hbm>>
        tpu.enqueue_dma source(%dma_start3A_448 : memref<4x128xf32, #tpu.memory_space<hbm>>) target(%dma_start3A_445 : memref<4x128xf32, #tpu.memory_space<vmem>>) target_semaphore(%arg20 : memref<!tpu.dma_semaphore, #tpu.memory_space<semaphore_mem>>)
      } else {
      }
      %add3A_15 = arith.addi %mul3A_2, %mul3A_9 : i32
      %add3A_16 = arith.constant 1 : i32
      %add3A_17 = arith.addi %add3A_15, %add3A_16 : i32
      %lt3A_18 = arith.constant 7812 : i32
      %lt3A_19 = arith.cmpi slt, %add3A_17, %lt3A_18 : i32
      %convert_element_type3A_20 = arith.extui %lt3A_19 : i1 to i32
      %cond3A_21 = arith.constant 0 : i32
      %cond3A_22 = arith.cmpi ne, %convert_element_type3A_20, %cond3A_21 : i32
      scf.if %cond3A_22 {
        %jit3A = arith.constant 1953 : i32
        %div3A = arith.divsi %add3A_17, %jit3A : i32
        %sign3A = arith.constant 0 : i32
        %sign3A_391 = arith.cmpi sgt, %add3A_17, %sign3A : i32
        %sign3A_392 = arith.extui %sign3A_391 : i1 to i32
        %sign3A_393 = arith.constant 0 : i32
        %sign3A_394 = arith.cmpi slt, %add3A_17, %sign3A_393 : i32
        %sign3A_395 = arith.extui %sign3A_394 : i1 to i32
        %sign3A_396 = arith.subi %sign3A_392, %sign3A_395 : i32
        %sign3A_397 = arith.constant 0 : i32
        %sign3A_398 = arith.cmpi sgt, %jit3A, %sign3A_397 : i32
        %sign3A_399 = arith.extui %sign3A_398 : i1 to i32
        %sign3A_400 = arith.constant 0 : i32
        %sign3A_401 = arith.cmpi slt, %jit3A, %sign3A_400 : i32
        %sign3A_402 = arith.extui %sign3A_401 : i1 to i32
        %sign3A_403 = arith.subi %sign3A_399, %sign3A_402 : i32
        %ne3A = arith.cmpi ne, %sign3A_396, %sign3A_403 : i32
        %rem3A = arith.remsi %add3A_17, %jit3A : i32
        %ne3A_404 = arith.constant 0 : i32
        %ne3A_405 = arith.cmpi ne, %rem3A, %ne3A_404 : i32
        %and3A = arith.andi %ne3A, %ne3A_405 : i1
        %sub3A = arith.constant 1 : i32
        %sub3A_406 = arith.subi %div3A, %sub3A : i32
        %select_n3A = arith.select %and3A, %sub3A_406, %div3A : i32
        %jit3A_407 = arith.constant 1953 : i32
        %eq3A = arith.constant 0 : i32
        %eq3A_408 = arith.cmpi eq, %jit3A_407, %eq3A : i32
        %jit3A_409 = arith.constant 1 : i32
        %select_n3A_410 = arith.select %eq3A_408, %jit3A_409, %jit3A_407 : i32
        %rem3A_411 = arith.remsi %add3A_17, %select_n3A_410 : i32
        %ne3A_412 = arith.constant 0 : i32
        %ne3A_413 = arith.cmpi ne, %rem3A_411, %ne3A_412 : i32
        %lt3A_414 = arith.constant 0 : i32
        %lt3A_415 = arith.cmpi slt, %rem3A_411, %lt3A_414 : i32
        %lt3A_416 = arith.constant 0 : i32
        %lt3A_417 = arith.cmpi slt, %select_n3A_410, %lt3A_416 : i32
        %ne3A_418 = arith.xori %lt3A_415, %lt3A_417 : i1
        %and3A_419 = arith.andi %ne3A_418, %ne3A_413 : i1
        %add3A_420 = arith.addi %rem3A_411, %select_n3A_410 : i32
        %select_n3A_421 = arith.select %and3A_419, %add3A_420, %rem3A_411 : i32
        %mul3A_422 = arith.constant 256 : i32
        %mul3A_423 = arith.muli %select_n3A_421, %mul3A_422 : i32
        %multiple_of3A = tpu.assume_multiple %mul3A_423, 256 : i32
        %dma_start3A = arith.constant 0 : i32
        %dma_start3A_424 = arith.constant 0 : i32
        %dma_start3A_425 = tpu.memref_slice %arg5[%dma_start3A, %dma_start3A_424] : memref<8x128xf32, #tpu.memory_space<vmem>> -> memref<4x128xf32, #tpu.memory_space<vmem>>
        %dma_start3A_426 = arith.constant 0 : i32
        %dma_start3A_427 = tpu.memref_slice %arg2[%select_n3A, %dma_start3A_426, %multiple_of3A] : memref<4x4x500000xf32, #tpu.memory_space<hbm>> -> memref<1x4x128xf32, #tpu.memory_space<hbm>>
        %dma_start3A_428 = tpu.memref_squeeze %dma_start3A_427 : memref<1x4x128xf32, #tpu.memory_space<hbm>> -> memref<4x128xf32, #tpu.memory_space<hbm>>
        %dma_start3A_429 = arith.constant 0 : i32
        %dma_start3A_430 = arith.constant 0 : i32
        %dma_start3A_431 = tpu.memref_slice %arg5[%dma_start3A_429, %dma_start3A_430] : memref<8x128xf32, #tpu.memory_space<vmem>> -> memref<4x128xf32, #tpu.memory_space<vmem>>
        %dma_start3A_432 = arith.constant 0 : i32
        %dma_start3A_433 = tpu.memref_slice %arg2[%select_n3A, %dma_start3A_432, %multiple_of3A] : memref<4x4x500000xf32, #tpu.memory_space<hbm>> -> memref<1x4x128xf32, #tpu.memory_space<hbm>>
        %dma_start3A_434 = tpu.memref_squeeze %dma_start3A_433 : memref<1x4x128xf32, #tpu.memory_space<hbm>> -> memref<4x128xf32, #tpu.memory_space<hbm>>
        tpu.enqueue_dma source(%dma_start3A_434 : memref<4x128xf32, #tpu.memory_space<hbm>>) target(%dma_start3A_431 : memref<4x128xf32, #tpu.memory_space<vmem>>) target_semaphore(%arg20 : memref<!tpu.dma_semaphore, #tpu.memory_space<semaphore_mem>>)
        %add3A_435 = arith.constant 128 : i32
        %add3A_436 = arith.addi %multiple_of3A, %add3A_435 : i32
        %dma_start3A_437 = arith.constant 4 : i32
        %dma_start3A_438 = arith.constant 0 : i32
        %dma_start3A_439 = tpu.memref_slice %arg5[%dma_start3A_437, %dma_start3A_438] : memref<8x128xf32, #tpu.memory_space<vmem>> -> memref<4x128xf32, #tpu.memory_space<vmem>>
        %dma_start3A_440 = arith.constant 0 : i32
        %dma_start3A_441 = tpu.memref_slice %arg2[%select_n3A, %dma_start3A_440, %add3A_436] : memref<4x4x500000xf32, #tpu.memory_space<hbm>> -> memref<1x4x128xf32, #tpu.memory_space<hbm>>
        %dma_start3A_442 = tpu.memref_squeeze %dma_start3A_441 : memref<1x4x128xf32, #tpu.memory_space<hbm>> -> memref<4x128xf32, #tpu.memory_space<hbm>>
        %dma_start3A_443 = arith.constant 4 : i32
        %dma_start3A_444 = arith.constant 0 : i32
        %dma_start3A_445 = tpu.memref_slice %arg5[%dma_start3A_443, %dma_start3A_444] : memref<8x128xf32, #tpu.memory_space<vmem>> -> memref<4x128xf32, #tpu.memory_space<vmem>>
        %dma_start3A_446 = arith.constant 0 : i32
        %dma_start3A_447 = tpu.memref_slice %arg2[%select_n3A, %dma_start3A_446, %add3A_436] : memref<4x4x500000xf32, #tpu.memory_space<hbm>> -> memref<1x4x128xf32, #tpu.memory_space<hbm>>
        %dma_start3A_448 = tpu.memref_squeeze %dma_start3A_447 : memref<1x4x128xf32, #tpu.memory_space<hbm>> -> memref<4x128xf32, #tpu.memory_space<hbm>>
        tpu.enqueue_dma source(%dma_start3A_448 : memref<4x128xf32, #tpu.memory_space<hbm>>) target(%dma_start3A_445 : memref<4x128xf32, #tpu.memory_space<vmem>>) target_semaphore(%arg20 : memref<!tpu.dma_semaphore, #tpu.memory_space<semaphore_mem>>)
      } else {
      }
      %add3A_23 = arith.addi %mul3A_2, %mul3A_9 : i32
      %add3A_24 = arith.constant 2 : i32
      %add3A_25 = arith.addi %add3A_23, %add3A_24 : i32
      %lt3A_26 = arith.constant 7812 : i32
      %lt3A_27 = arith.cmpi slt, %add3A_25, %lt3A_26 : i32
      %convert_element_type3A_28 = arith.extui %lt3A_27 : i1 to i32
      %cond3A_29 = arith.constant 0 : i32
      %cond3A_30 = arith.cmpi ne, %convert_element_type3A_28, %cond3A_29 : i32
      scf.if %cond3A_30 {
        %jit3A = arith.constant 1953 : i32
        %div3A = arith.divsi %add3A_25, %jit3A : i32
        %sign3A = arith.constant 0 : i32
        %sign3A_391 = arith.cmpi sgt, %add3A_25, %sign3A : i32
        %sign3A_392 = arith.extui %sign3A_391 : i1 to i32
        %sign3A_393 = arith.constant 0 : i32
        %sign3A_394 = arith.cmpi slt, %add3A_25, %sign3A_393 : i32
        %sign3A_395 = arith.extui %sign3A_394 : i1 to i32
        %sign3A_396 = arith.subi %sign3A_392, %sign3A_395 : i32
        %sign3A_397 = arith.constant 0 : i32
        %sign3A_398 = arith.cmpi sgt, %jit3A, %sign3A_397 : i32
        %sign3A_399 = arith.extui %sign3A_398 : i1 to i32
        %sign3A_400 = arith.constant 0 : i32
        %sign3A_401 = arith.cmpi slt, %jit3A, %sign3A_400 : i32
        %sign3A_402 = arith.extui %sign3A_401 : i1 to i32
        %sign3A_403 = arith.subi %sign3A_399, %sign3A_402 : i32
        %ne3A = arith.cmpi ne, %sign3A_396, %sign3A_403 : i32
        %rem3A = arith.remsi %add3A_25, %jit3A : i32
        %ne3A_404 = arith.constant 0 : i32
        %ne3A_405 = arith.cmpi ne, %rem3A, %ne3A_404 : i32
        %and3A = arith.andi %ne3A, %ne3A_405 : i1
        %sub3A = arith.constant 1 : i32
        %sub3A_406 = arith.subi %div3A, %sub3A : i32
        %select_n3A = arith.select %and3A, %sub3A_406, %div3A : i32
        %jit3A_407 = arith.constant 1953 : i32
        %eq3A = arith.constant 0 : i32
        %eq3A_408 = arith.cmpi eq, %jit3A_407, %eq3A : i32
        %jit3A_409 = arith.constant 1 : i32
        %select_n3A_410 = arith.select %eq3A_408, %jit3A_409, %jit3A_407 : i32
        %rem3A_411 = arith.remsi %add3A_25, %select_n3A_410 : i32
        %ne3A_412 = arith.constant 0 : i32
        %ne3A_413 = arith.cmpi ne, %rem3A_411, %ne3A_412 : i32
        %lt3A_414 = arith.constant 0 : i32
        %lt3A_415 = arith.cmpi slt, %rem3A_411, %lt3A_414 : i32
        %lt3A_416 = arith.constant 0 : i32
        %lt3A_417 = arith.cmpi slt, %select_n3A_410, %lt3A_416 : i32
        %ne3A_418 = arith.xori %lt3A_415, %lt3A_417 : i1
        %and3A_419 = arith.andi %ne3A_418, %ne3A_413 : i1
        %add3A_420 = arith.addi %rem3A_411, %select_n3A_410 : i32
        %select_n3A_421 = arith.select %and3A_419, %add3A_420, %rem3A_411 : i32
        %mul3A_422 = arith.constant 256 : i32
        %mul3A_423 = arith.muli %select_n3A_421, %mul3A_422 : i32
        %multiple_of3A = tpu.assume_multiple %mul3A_423, 256 : i32
        %dma_start3A = arith.constant 0 : i32
        %dma_start3A_424 = arith.constant 0 : i32
        %dma_start3A_425 = tpu.memref_slice %arg6[%dma_start3A, %dma_start3A_424] : memref<8x128xf32, #tpu.memory_space<vmem>> -> memref<4x128xf32, #tpu.memory_space<vmem>>
        %dma_start3A_426 = arith.constant 0 : i32
        %dma_start3A_427 = tpu.memref_slice %arg2[%select_n3A, %dma_start3A_426, %multiple_of3A] : memref<4x4x500000xf32, #tpu.memory_space<hbm>> -> memref<1x4x128xf32, #tpu.memory_space<hbm>>
        %dma_start3A_428 = tpu.memref_squeeze %dma_start3A_427 : memref<1x4x128xf32, #tpu.memory_space<hbm>> -> memref<4x128xf32, #tpu.memory_space<hbm>>
        %dma_start3A_429 = arith.constant 0 : i32
        %dma_start3A_430 = arith.constant 0 : i32
        %dma_start3A_431 = tpu.memref_slice %arg6[%dma_start3A_429, %dma_start3A_430] : memref<8x128xf32, #tpu.memory_space<vmem>> -> memref<4x128xf32, #tpu.memory_space<vmem>>
        %dma_start3A_432 = arith.constant 0 : i32
        %dma_start3A_433 = tpu.memref_slice %arg2[%select_n3A, %dma_start3A_432, %multiple_of3A] : memref<4x4x500000xf32, #tpu.memory_space<hbm>> -> memref<1x4x128xf32, #tpu.memory_space<hbm>>
        %dma_start3A_434 = tpu.memref_squeeze %dma_start3A_433 : memref<1x4x128xf32, #tpu.memory_space<hbm>> -> memref<4x128xf32, #tpu.memory_space<hbm>>
        tpu.enqueue_dma source(%dma_start3A_434 : memref<4x128xf32, #tpu.memory_space<hbm>>) target(%dma_start3A_431 : memref<4x128xf32, #tpu.memory_space<vmem>>) target_semaphore(%arg20 : memref<!tpu.dma_semaphore, #tpu.memory_space<semaphore_mem>>)
        %add3A_435 = arith.constant 128 : i32
        %add3A_436 = arith.addi %multiple_of3A, %add3A_435 : i32
        %dma_start3A_437 = arith.constant 4 : i32
        %dma_start3A_438 = arith.constant 0 : i32
        %dma_start3A_439 = tpu.memref_slice %arg6[%dma_start3A_437, %dma_start3A_438] : memref<8x128xf32, #tpu.memory_space<vmem>> -> memref<4x128xf32, #tpu.memory_space<vmem>>
        %dma_start3A_440 = arith.constant 0 : i32
        %dma_start3A_441 = tpu.memref_slice %arg2[%select_n3A, %dma_start3A_440, %add3A_436] : memref<4x4x500000xf32, #tpu.memory_space<hbm>> -> memref<1x4x128xf32, #tpu.memory_space<hbm>>
        %dma_start3A_442 = tpu.memref_squeeze %dma_start3A_441 : memref<1x4x128xf32, #tpu.memory_space<hbm>> -> memref<4x128xf32, #tpu.memory_space<hbm>>
        %dma_start3A_443 = arith.constant 4 : i32
        %dma_start3A_444 = arith.constant 0 : i32
        %dma_start3A_445 = tpu.memref_slice %arg6[%dma_start3A_443, %dma_start3A_444] : memref<8x128xf32, #tpu.memory_space<vmem>> -> memref<4x128xf32, #tpu.memory_space<vmem>>
        %dma_start3A_446 = arith.constant 0 : i32
        %dma_start3A_447 = tpu.memref_slice %arg2[%select_n3A, %dma_start3A_446, %add3A_436] : memref<4x4x500000xf32, #tpu.memory_space<hbm>> -> memref<1x4x128xf32, #tpu.memory_space<hbm>>
        %dma_start3A_448 = tpu.memref_squeeze %dma_start3A_447 : memref<1x4x128xf32, #tpu.memory_space<hbm>> -> memref<4x128xf32, #tpu.memory_space<hbm>>
        tpu.enqueue_dma source(%dma_start3A_448 : memref<4x128xf32, #tpu.memory_space<hbm>>) target(%dma_start3A_445 : memref<4x128xf32, #tpu.memory_space<vmem>>) target_semaphore(%arg20 : memref<!tpu.dma_semaphore, #tpu.memory_space<semaphore_mem>>)
      } else {
      }
      %add3A_31 = arith.addi %mul3A_2, %mul3A_9 : i32
      %add3A_32 = arith.constant 3 : i32
      %add3A_33 = arith.addi %add3A_31, %add3A_32 : i32
      %lt3A_34 = arith.constant 7812 : i32
      %lt3A_35 = arith.cmpi slt, %add3A_33, %lt3A_34 : i32
      %convert_element_type3A_36 = arith.extui %lt3A_35 : i1 to i32
      %cond3A_37 = arith.constant 0 : i32
      %cond3A_38 = arith.cmpi ne, %convert_element_type3A_36, %cond3A_37 : i32
      scf.if %cond3A_38 {
        %jit3A = arith.constant 1953 : i32
        %div3A = arith.divsi %add3A_33, %jit3A : i32
        %sign3A = arith.constant 0 : i32
        %sign3A_391 = arith.cmpi sgt, %add3A_33, %sign3A : i32
        %sign3A_392 = arith.extui %sign3A_391 : i1 to i32
        %sign3A_393 = arith.constant 0 : i32
        %sign3A_394 = arith.cmpi slt, %add3A_33, %sign3A_393 : i32
        %sign3A_395 = arith.extui %sign3A_394 : i1 to i32
        %sign3A_396 = arith.subi %sign3A_392, %sign3A_395 : i32
        %sign3A_397 = arith.constant 0 : i32
        %sign3A_398 = arith.cmpi sgt, %jit3A, %sign3A_397 : i32
        %sign3A_399 = arith.extui %sign3A_398 : i1 to i32
        %sign3A_400 = arith.constant 0 : i32
        %sign3A_401 = arith.cmpi slt, %jit3A, %sign3A_400 : i32
        %sign3A_402 = arith.extui %sign3A_401 : i1 to i32
        %sign3A_403 = arith.subi %sign3A_399, %sign3A_402 : i32
        %ne3A = arith.cmpi ne, %sign3A_396, %sign3A_403 : i32
        %rem3A = arith.remsi %add3A_33, %jit3A : i32
        %ne3A_404 = arith.constant 0 : i32
        %ne3A_405 = arith.cmpi ne, %rem3A, %ne3A_404 : i32
        %and3A = arith.andi %ne3A, %ne3A_405 : i1
        %sub3A = arith.constant 1 : i32
        %sub3A_406 = arith.subi %div3A, %sub3A : i32
        %select_n3A = arith.select %and3A, %sub3A_406, %div3A : i32
        %jit3A_407 = arith.constant 1953 : i32
        %eq3A = arith.constant 0 : i32
        %eq3A_408 = arith.cmpi eq, %jit3A_407, %eq3A : i32
        %jit3A_409 = arith.constant 1 : i32
        %select_n3A_410 = arith.select %eq3A_408, %jit3A_409, %jit3A_407 : i32
        %rem3A_411 = arith.remsi %add3A_33, %select_n3A_410 : i32
        %ne3A_412 = arith.constant 0 : i32
        %ne3A_413 = arith.cmpi ne, %rem3A_411, %ne3A_412 : i32
        %lt3A_414 = arith.constant 0 : i32
        %lt3A_415 = arith.cmpi slt, %rem3A_411, %lt3A_414 : i32
        %lt3A_416 = arith.constant 0 : i32
        %lt3A_417 = arith.cmpi slt, %select_n3A_410, %lt3A_416 : i32
        %ne3A_418 = arith.xori %lt3A_415, %lt3A_417 : i1
        %and3A_419 = arith.andi %ne3A_418, %ne3A_413 : i1
        %add3A_420 = arith.addi %rem3A_411, %select_n3A_410 : i32
        %select_n3A_421 = arith.select %and3A_419, %add3A_420, %rem3A_411 : i32
        %mul3A_422 = arith.constant 256 : i32
        %mul3A_423 = arith.muli %select_n3A_421, %mul3A_422 : i32
        %multiple_of3A = tpu.assume_multiple %mul3A_423, 256 : i32
        %dma_start3A = arith.constant 0 : i32
        %dma_start3A_424 = arith.constant 0 : i32
        %dma_start3A_425 = tpu.memref_slice %arg7[%dma_start3A, %dma_start3A_424] : memref<8x128xf32, #tpu.memory_space<vmem>> -> memref<4x128xf32, #tpu.memory_space<vmem>>
        %dma_start3A_426 = arith.constant 0 : i32
        %dma_start3A_427 = tpu.memref_slice %arg2[%select_n3A, %dma_start3A_426, %multiple_of3A] : memref<4x4x500000xf32, #tpu.memory_space<hbm>> -> memref<1x4x128xf32, #tpu.memory_space<hbm>>
        %dma_start3A_428 = tpu.memref_squeeze %dma_start3A_427 : memref<1x4x128xf32, #tpu.memory_space<hbm>> -> memref<4x128xf32, #tpu.memory_space<hbm>>
        %dma_start3A_429 = arith.constant 0 : i32
        %dma_start3A_430 = arith.constant 0 : i32
        %dma_start3A_431 = tpu.memref_slice %arg7[%dma_start3A_429, %dma_start3A_430] : memref<8x128xf32, #tpu.memory_space<vmem>> -> memref<4x128xf32, #tpu.memory_space<vmem>>
        %dma_start3A_432 = arith.constant 0 : i32
        %dma_start3A_433 = tpu.memref_slice %arg2[%select_n3A, %dma_start3A_432, %multiple_of3A] : memref<4x4x500000xf32, #tpu.memory_space<hbm>> -> memref<1x4x128xf32, #tpu.memory_space<hbm>>
        %dma_start3A_434 = tpu.memref_squeeze %dma_start3A_433 : memref<1x4x128xf32, #tpu.memory_space<hbm>> -> memref<4x128xf32, #tpu.memory_space<hbm>>
        tpu.enqueue_dma source(%dma_start3A_434 : memref<4x128xf32, #tpu.memory_space<hbm>>) target(%dma_start3A_431 : memref<4x128xf32, #tpu.memory_space<vmem>>) target_semaphore(%arg20 : memref<!tpu.dma_semaphore, #tpu.memory_space<semaphore_mem>>)
        %add3A_435 = arith.constant 128 : i32
        %add3A_436 = arith.addi %multiple_of3A, %add3A_435 : i32
        %dma_start3A_437 = arith.constant 4 : i32
        %dma_start3A_438 = arith.constant 0 : i32
        %dma_start3A_439 = tpu.memref_slice %arg7[%dma_start3A_437, %dma_start3A_438] : memref<8x128xf32, #tpu.memory_space<vmem>> -> memref<4x128xf32, #tpu.memory_space<vmem>>
        %dma_start3A_440 = arith.constant 0 : i32
        %dma_start3A_441 = tpu.memref_slice %arg2[%select_n3A, %dma_start3A_440, %add3A_436] : memref<4x4x500000xf32, #tpu.memory_space<hbm>> -> memref<1x4x128xf32, #tpu.memory_space<hbm>>
        %dma_start3A_442 = tpu.memref_squeeze %dma_start3A_441 : memref<1x4x128xf32, #tpu.memory_space<hbm>> -> memref<4x128xf32, #tpu.memory_space<hbm>>
        %dma_start3A_443 = arith.constant 4 : i32
        %dma_start3A_444 = arith.constant 0 : i32
        %dma_start3A_445 = tpu.memref_slice %arg7[%dma_start3A_443, %dma_start3A_444] : memref<8x128xf32, #tpu.memory_space<vmem>> -> memref<4x128xf32, #tpu.memory_space<vmem>>
        %dma_start3A_446 = arith.constant 0 : i32
        %dma_start3A_447 = tpu.memref_slice %arg2[%select_n3A, %dma_start3A_446, %add3A_436] : memref<4x4x500000xf32, #tpu.memory_space<hbm>> -> memref<1x4x128xf32, #tpu.memory_space<hbm>>
        %dma_start3A_448 = tpu.memref_squeeze %dma_start3A_447 : memref<1x4x128xf32, #tpu.memory_space<hbm>> -> memref<4x128xf32, #tpu.memory_space<hbm>>
        tpu.enqueue_dma source(%dma_start3A_448 : memref<4x128xf32, #tpu.memory_space<hbm>>) target(%dma_start3A_445 : memref<4x128xf32, #tpu.memory_space<vmem>>) target_semaphore(%arg20 : memref<!tpu.dma_semaphore, #tpu.memory_space<semaphore_mem>>)
      } else {
      }
      %add3A_39 = arith.addi %mul3A_2, %mul3A_9 : i32
      %add3A_40 = arith.constant 4 : i32
      %add3A_41 = arith.addi %add3A_39, %add3A_40 : i32
      %lt3A_42 = arith.constant 7812 : i32
      %lt3A_43 = arith.cmpi slt, %add3A_41, %lt3A_42 : i32
      %convert_element_type3A_44 = arith.extui %lt3A_43 : i1 to i32
      %cond3A_45 = arith.constant 0 : i32
      %cond3A_46 = arith.cmpi ne, %convert_element_type3A_44, %cond3A_45 : i32
      scf.if %cond3A_46 {
        %jit3A = arith.constant 1953 : i32
        %div3A = arith.divsi %add3A_41, %jit3A : i32
        %sign3A = arith.constant 0 : i32
        %sign3A_391 = arith.cmpi sgt, %add3A_41, %sign3A : i32
        %sign3A_392 = arith.extui %sign3A_391 : i1 to i32
        %sign3A_393 = arith.constant 0 : i32
        %sign3A_394 = arith.cmpi slt, %add3A_41, %sign3A_393 : i32
        %sign3A_395 = arith.extui %sign3A_394 : i1 to i32
        %sign3A_396 = arith.subi %sign3A_392, %sign3A_395 : i32
        %sign3A_397 = arith.constant 0 : i32
        %sign3A_398 = arith.cmpi sgt, %jit3A, %sign3A_397 : i32
        %sign3A_399 = arith.extui %sign3A_398 : i1 to i32
        %sign3A_400 = arith.constant 0 : i32
        %sign3A_401 = arith.cmpi slt, %jit3A, %sign3A_400 : i32
        %sign3A_402 = arith.extui %sign3A_401 : i1 to i32
        %sign3A_403 = arith.subi %sign3A_399, %sign3A_402 : i32
        %ne3A = arith.cmpi ne, %sign3A_396, %sign3A_403 : i32
        %rem3A = arith.remsi %add3A_41, %jit3A : i32
        %ne3A_404 = arith.constant 0 : i32
        %ne3A_405 = arith.cmpi ne, %rem3A, %ne3A_404 : i32
        %and3A = arith.andi %ne3A, %ne3A_405 : i1
        %sub3A = arith.constant 1 : i32
        %sub3A_406 = arith.subi %div3A, %sub3A : i32
        %select_n3A = arith.select %and3A, %sub3A_406, %div3A : i32
        %jit3A_407 = arith.constant 1953 : i32
        %eq3A = arith.constant 0 : i32
        %eq3A_408 = arith.cmpi eq, %jit3A_407, %eq3A : i32
        %jit3A_409 = arith.constant 1 : i32
        %select_n3A_410 = arith.select %eq3A_408, %jit3A_409, %jit3A_407 : i32
        %rem3A_411 = arith.remsi %add3A_41, %select_n3A_410 : i32
        %ne3A_412 = arith.constant 0 : i32
        %ne3A_413 = arith.cmpi ne, %rem3A_411, %ne3A_412 : i32
        %lt3A_414 = arith.constant 0 : i32
        %lt3A_415 = arith.cmpi slt, %rem3A_411, %lt3A_414 : i32
        %lt3A_416 = arith.constant 0 : i32
        %lt3A_417 = arith.cmpi slt, %select_n3A_410, %lt3A_416 : i32
        %ne3A_418 = arith.xori %lt3A_415, %lt3A_417 : i1
        %and3A_419 = arith.andi %ne3A_418, %ne3A_413 : i1
        %add3A_420 = arith.addi %rem3A_411, %select_n3A_410 : i32
        %select_n3A_421 = arith.select %and3A_419, %add3A_420, %rem3A_411 : i32
        %mul3A_422 = arith.constant 256 : i32
        %mul3A_423 = arith.muli %select_n3A_421, %mul3A_422 : i32
        %multiple_of3A = tpu.assume_multiple %mul3A_423, 256 : i32
        %dma_start3A = arith.constant 0 : i32
        %dma_start3A_424 = arith.constant 0 : i32
        %dma_start3A_425 = tpu.memref_slice %arg8[%dma_start3A, %dma_start3A_424] : memref<8x128xf32, #tpu.memory_space<vmem>> -> memref<4x128xf32, #tpu.memory_space<vmem>>
        %dma_start3A_426 = arith.constant 0 : i32
        %dma_start3A_427 = tpu.memref_slice %arg2[%select_n3A, %dma_start3A_426, %multiple_of3A] : memref<4x4x500000xf32, #tpu.memory_space<hbm>> -> memref<1x4x128xf32, #tpu.memory_space<hbm>>
        %dma_start3A_428 = tpu.memref_squeeze %dma_start3A_427 : memref<1x4x128xf32, #tpu.memory_space<hbm>> -> memref<4x128xf32, #tpu.memory_space<hbm>>
        %dma_start3A_429 = arith.constant 0 : i32
        %dma_start3A_430 = arith.constant 0 : i32
        %dma_start3A_431 = tpu.memref_slice %arg8[%dma_start3A_429, %dma_start3A_430] : memref<8x128xf32, #tpu.memory_space<vmem>> -> memref<4x128xf32, #tpu.memory_space<vmem>>
        %dma_start3A_432 = arith.constant 0 : i32
        %dma_start3A_433 = tpu.memref_slice %arg2[%select_n3A, %dma_start3A_432, %multiple_of3A] : memref<4x4x500000xf32, #tpu.memory_space<hbm>> -> memref<1x4x128xf32, #tpu.memory_space<hbm>>
        %dma_start3A_434 = tpu.memref_squeeze %dma_start3A_433 : memref<1x4x128xf32, #tpu.memory_space<hbm>> -> memref<4x128xf32, #tpu.memory_space<hbm>>
        tpu.enqueue_dma source(%dma_start3A_434 : memref<4x128xf32, #tpu.memory_space<hbm>>) target(%dma_start3A_431 : memref<4x128xf32, #tpu.memory_space<vmem>>) target_semaphore(%arg20 : memref<!tpu.dma_semaphore, #tpu.memory_space<semaphore_mem>>)
        %add3A_435 = arith.constant 128 : i32
        %add3A_436 = arith.addi %multiple_of3A, %add3A_435 : i32
        %dma_start3A_437 = arith.constant 4 : i32
        %dma_start3A_438 = arith.constant 0 : i32
        %dma_start3A_439 = tpu.memref_slice %arg8[%dma_start3A_437, %dma_start3A_438] : memref<8x128xf32, #tpu.memory_space<vmem>> -> memref<4x128xf32, #tpu.memory_space<vmem>>
        %dma_start3A_440 = arith.constant 0 : i32
        %dma_start3A_441 = tpu.memref_slice %arg2[%select_n3A, %dma_start3A_440, %add3A_436] : memref<4x4x500000xf32, #tpu.memory_space<hbm>> -> memref<1x4x128xf32, #tpu.memory_space<hbm>>
        %dma_start3A_442 = tpu.memref_squeeze %dma_start3A_441 : memref<1x4x128xf32, #tpu.memory_space<hbm>> -> memref<4x128xf32, #tpu.memory_space<hbm>>
        %dma_start3A_443 = arith.constant 4 : i32
        %dma_start3A_444 = arith.constant 0 : i32
        %dma_start3A_445 = tpu.memref_slice %arg8[%dma_start3A_443, %dma_start3A_444] : memref<8x128xf32, #tpu.memory_space<vmem>> -> memref<4x128xf32, #tpu.memory_space<vmem>>
        %dma_start3A_446 = arith.constant 0 : i32
        %dma_start3A_447 = tpu.memref_slice %arg2[%select_n3A, %dma_start3A_446, %add3A_436] : memref<4x4x500000xf32, #tpu.memory_space<hbm>> -> memref<1x4x128xf32, #tpu.memory_space<hbm>>
        %dma_start3A_448 = tpu.memref_squeeze %dma_start3A_447 : memref<1x4x128xf32, #tpu.memory_space<hbm>> -> memref<4x128xf32, #tpu.memory_space<hbm>>
        tpu.enqueue_dma source(%dma_start3A_448 : memref<4x128xf32, #tpu.memory_space<hbm>>) target(%dma_start3A_445 : memref<4x128xf32, #tpu.memory_space<vmem>>) target_semaphore(%arg20 : memref<!tpu.dma_semaphore, #tpu.memory_space<semaphore_mem>>)
      } else {
      }
      %add3A_47 = arith.addi %mul3A_2, %mul3A_9 : i32
      %add3A_48 = arith.constant 5 : i32
      %add3A_49 = arith.addi %add3A_47, %add3A_48 : i32
      %lt3A_50 = arith.constant 7812 : i32
      %lt3A_51 = arith.cmpi slt, %add3A_49, %lt3A_50 : i32
      %convert_element_type3A_52 = arith.extui %lt3A_51 : i1 to i32
      %cond3A_53 = arith.constant 0 : i32
      %cond3A_54 = arith.cmpi ne, %convert_element_type3A_52, %cond3A_53 : i32
      scf.if %cond3A_54 {
        %jit3A = arith.constant 1953 : i32
        %div3A = arith.divsi %add3A_49, %jit3A : i32
        %sign3A = arith.constant 0 : i32
        %sign3A_391 = arith.cmpi sgt, %add3A_49, %sign3A : i32
        %sign3A_392 = arith.extui %sign3A_391 : i1 to i32
        %sign3A_393 = arith.constant 0 : i32
        %sign3A_394 = arith.cmpi slt, %add3A_49, %sign3A_393 : i32
        %sign3A_395 = arith.extui %sign3A_394 : i1 to i32
        %sign3A_396 = arith.subi %sign3A_392, %sign3A_395 : i32
        %sign3A_397 = arith.constant 0 : i32
        %sign3A_398 = arith.cmpi sgt, %jit3A, %sign3A_397 : i32
        %sign3A_399 = arith.extui %sign3A_398 : i1 to i32
        %sign3A_400 = arith.constant 0 : i32
        %sign3A_401 = arith.cmpi slt, %jit3A, %sign3A_400 : i32
        %sign3A_402 = arith.extui %sign3A_401 : i1 to i32
        %sign3A_403 = arith.subi %sign3A_399, %sign3A_402 : i32
        %ne3A = arith.cmpi ne, %sign3A_396, %sign3A_403 : i32
        %rem3A = arith.remsi %add3A_49, %jit3A : i32
        %ne3A_404 = arith.constant 0 : i32
        %ne3A_405 = arith.cmpi ne, %rem3A, %ne3A_404 : i32
        %and3A = arith.andi %ne3A, %ne3A_405 : i1
        %sub3A = arith.constant 1 : i32
        %sub3A_406 = arith.subi %div3A, %sub3A : i32
        %select_n3A = arith.select %and3A, %sub3A_406, %div3A : i32
        %jit3A_407 = arith.constant 1953 : i32
        %eq3A = arith.constant 0 : i32
        %eq3A_408 = arith.cmpi eq, %jit3A_407, %eq3A : i32
        %jit3A_409 = arith.constant 1 : i32
        %select_n3A_410 = arith.select %eq3A_408, %jit3A_409, %jit3A_407 : i32
        %rem3A_411 = arith.remsi %add3A_49, %select_n3A_410 : i32
        %ne3A_412 = arith.constant 0 : i32
        %ne3A_413 = arith.cmpi ne, %rem3A_411, %ne3A_412 : i32
        %lt3A_414 = arith.constant 0 : i32
        %lt3A_415 = arith.cmpi slt, %rem3A_411, %lt3A_414 : i32
        %lt3A_416 = arith.constant 0 : i32
        %lt3A_417 = arith.cmpi slt, %select_n3A_410, %lt3A_416 : i32
        %ne3A_418 = arith.xori %lt3A_415, %lt3A_417 : i1
        %and3A_419 = arith.andi %ne3A_418, %ne3A_413 : i1
        %add3A_420 = arith.addi %rem3A_411, %select_n3A_410 : i32
        %select_n3A_421 = arith.select %and3A_419, %add3A_420, %rem3A_411 : i32
        %mul3A_422 = arith.constant 256 : i32
        %mul3A_423 = arith.muli %select_n3A_421, %mul3A_422 : i32
        %multiple_of3A = tpu.assume_multiple %mul3A_423, 256 : i32
        %dma_start3A = arith.constant 0 : i32
        %dma_start3A_424 = arith.constant 0 : i32
        %dma_start3A_425 = tpu.memref_slice %arg9[%dma_start3A, %dma_start3A_424] : memref<8x128xf32, #tpu.memory_space<vmem>> -> memref<4x128xf32, #tpu.memory_space<vmem>>
        %dma_start3A_426 = arith.constant 0 : i32
        %dma_start3A_427 = tpu.memref_slice %arg2[%select_n3A, %dma_start3A_426, %multiple_of3A] : memref<4x4x500000xf32, #tpu.memory_space<hbm>> -> memref<1x4x128xf32, #tpu.memory_space<hbm>>
        %dma_start3A_428 = tpu.memref_squeeze %dma_start3A_427 : memref<1x4x128xf32, #tpu.memory_space<hbm>> -> memref<4x128xf32, #tpu.memory_space<hbm>>
        %dma_start3A_429 = arith.constant 0 : i32
        %dma_start3A_430 = arith.constant 0 : i32
        %dma_start3A_431 = tpu.memref_slice %arg9[%dma_start3A_429, %dma_start3A_430] : memref<8x128xf32, #tpu.memory_space<vmem>> -> memref<4x128xf32, #tpu.memory_space<vmem>>
        %dma_start3A_432 = arith.constant 0 : i32
        %dma_start3A_433 = tpu.memref_slice %arg2[%select_n3A, %dma_start3A_432, %multiple_of3A] : memref<4x4x500000xf32, #tpu.memory_space<hbm>> -> memref<1x4x128xf32, #tpu.memory_space<hbm>>
        %dma_start3A_434 = tpu.memref_squeeze %dma_start3A_433 : memref<1x4x128xf32, #tpu.memory_space<hbm>> -> memref<4x128xf32, #tpu.memory_space<hbm>>
        tpu.enqueue_dma source(%dma_start3A_434 : memref<4x128xf32, #tpu.memory_space<hbm>>) target(%dma_start3A_431 : memref<4x128xf32, #tpu.memory_space<vmem>>) target_semaphore(%arg20 : memref<!tpu.dma_semaphore, #tpu.memory_space<semaphore_mem>>)
        %add3A_435 = arith.constant 128 : i32
        %add3A_436 = arith.addi %multiple_of3A, %add3A_435 : i32
        %dma_start3A_437 = arith.constant 4 : i32
        %dma_start3A_438 = arith.constant 0 : i32
        %dma_start3A_439 = tpu.memref_slice %arg9[%dma_start3A_437, %dma_start3A_438] : memref<8x128xf32, #tpu.memory_space<vmem>> -> memref<4x128xf32, #tpu.memory_space<vmem>>
        %dma_start3A_440 = arith.constant 0 : i32
        %dma_start3A_441 = tpu.memref_slice %arg2[%select_n3A, %dma_start3A_440, %add3A_436] : memref<4x4x500000xf32, #tpu.memory_space<hbm>> -> memref<1x4x128xf32, #tpu.memory_space<hbm>>
        %dma_start3A_442 = tpu.memref_squeeze %dma_start3A_441 : memref<1x4x128xf32, #tpu.memory_space<hbm>> -> memref<4x128xf32, #tpu.memory_space<hbm>>
        %dma_start3A_443 = arith.constant 4 : i32
        %dma_start3A_444 = arith.constant 0 : i32
        %dma_start3A_445 = tpu.memref_slice %arg9[%dma_start3A_443, %dma_start3A_444] : memref<8x128xf32, #tpu.memory_space<vmem>> -> memref<4x128xf32, #tpu.memory_space<vmem>>
        %dma_start3A_446 = arith.constant 0 : i32
        %dma_start3A_447 = tpu.memref_slice %arg2[%select_n3A, %dma_start3A_446, %add3A_436] : memref<4x4x500000xf32, #tpu.memory_space<hbm>> -> memref<1x4x128xf32, #tpu.memory_space<hbm>>
        %dma_start3A_448 = tpu.memref_squeeze %dma_start3A_447 : memref<1x4x128xf32, #tpu.memory_space<hbm>> -> memref<4x128xf32, #tpu.memory_space<hbm>>
        tpu.enqueue_dma source(%dma_start3A_448 : memref<4x128xf32, #tpu.memory_space<hbm>>) target(%dma_start3A_445 : memref<4x128xf32, #tpu.memory_space<vmem>>) target_semaphore(%arg20 : memref<!tpu.dma_semaphore, #tpu.memory_space<semaphore_mem>>)
      } else {
      }
      %add3A_55 = arith.addi %mul3A_2, %mul3A_9 : i32
      %add3A_56 = arith.constant 6 : i32
      %add3A_57 = arith.addi %add3A_55, %add3A_56 : i32
      %lt3A_58 = arith.constant 7812 : i32
      %lt3A_59 = arith.cmpi slt, %add3A_57, %lt3A_58 : i32
      %convert_element_type3A_60 = arith.extui %lt3A_59 : i1 to i32
      %cond3A_61 = arith.constant 0 : i32
      %cond3A_62 = arith.cmpi ne, %convert_element_type3A_60, %cond3A_61 : i32
      scf.if %cond3A_62 {
        %jit3A = arith.constant 1953 : i32
        %div3A = arith.divsi %add3A_57, %jit3A : i32
        %sign3A = arith.constant 0 : i32
        %sign3A_391 = arith.cmpi sgt, %add3A_57, %sign3A : i32
        %sign3A_392 = arith.extui %sign3A_391 : i1 to i32
        %sign3A_393 = arith.constant 0 : i32
        %sign3A_394 = arith.cmpi slt, %add3A_57, %sign3A_393 : i32
        %sign3A_395 = arith.extui %sign3A_394 : i1 to i32
        %sign3A_396 = arith.subi %sign3A_392, %sign3A_395 : i32
        %sign3A_397 = arith.constant 0 : i32
        %sign3A_398 = arith.cmpi sgt, %jit3A, %sign3A_397 : i32
        %sign3A_399 = arith.extui %sign3A_398 : i1 to i32
        %sign3A_400 = arith.constant 0 : i32
        %sign3A_401 = arith.cmpi slt, %jit3A, %sign3A_400 : i32
        %sign3A_402 = arith.extui %sign3A_401 : i1 to i32
        %sign3A_403 = arith.subi %sign3A_399, %sign3A_402 : i32
        %ne3A = arith.cmpi ne, %sign3A_396, %sign3A_403 : i32
        %rem3A = arith.remsi %add3A_57, %jit3A : i32
        %ne3A_404 = arith.constant 0 : i32
        %ne3A_405 = arith.cmpi ne, %rem3A, %ne3A_404 : i32
        %and3A = arith.andi %ne3A, %ne3A_405 : i1
        %sub3A = arith.constant 1 : i32
        %sub3A_406 = arith.subi %div3A, %sub3A : i32
        %select_n3A = arith.select %and3A, %sub3A_406, %div3A : i32
        %jit3A_407 = arith.constant 1953 : i32
        %eq3A = arith.constant 0 : i32
        %eq3A_408 = arith.cmpi eq, %jit3A_407, %eq3A : i32
        %jit3A_409 = arith.constant 1 : i32
        %select_n3A_410 = arith.select %eq3A_408, %jit3A_409, %jit3A_407 : i32
        %rem3A_411 = arith.remsi %add3A_57, %select_n3A_410 : i32
        %ne3A_412 = arith.constant 0 : i32
        %ne3A_413 = arith.cmpi ne, %rem3A_411, %ne3A_412 : i32
        %lt3A_414 = arith.constant 0 : i32
        %lt3A_415 = arith.cmpi slt, %rem3A_411, %lt3A_414 : i32
        %lt3A_416 = arith.constant 0 : i32
        %lt3A_417 = arith.cmpi slt, %select_n3A_410, %lt3A_416 : i32
        %ne3A_418 = arith.xori %lt3A_415, %lt3A_417 : i1
        %and3A_419 = arith.andi %ne3A_418, %ne3A_413 : i1
        %add3A_420 = arith.addi %rem3A_411, %select_n3A_410 : i32
        %select_n3A_421 = arith.select %and3A_419, %add3A_420, %rem3A_411 : i32
        %mul3A_422 = arith.constant 256 : i32
        %mul3A_423 = arith.muli %select_n3A_421, %mul3A_422 : i32
        %multiple_of3A = tpu.assume_multiple %mul3A_423, 256 : i32
        %dma_start3A = arith.constant 0 : i32
        %dma_start3A_424 = arith.constant 0 : i32
        %dma_start3A_425 = tpu.memref_slice %arg10[%dma_start3A, %dma_start3A_424] : memref<8x128xf32, #tpu.memory_space<vmem>> -> memref<4x128xf32, #tpu.memory_space<vmem>>
        %dma_start3A_426 = arith.constant 0 : i32
        %dma_start3A_427 = tpu.memref_slice %arg2[%select_n3A, %dma_start3A_426, %multiple_of3A] : memref<4x4x500000xf32, #tpu.memory_space<hbm>> -> memref<1x4x128xf32, #tpu.memory_space<hbm>>
        %dma_start3A_428 = tpu.memref_squeeze %dma_start3A_427 : memref<1x4x128xf32, #tpu.memory_space<hbm>> -> memref<4x128xf32, #tpu.memory_space<hbm>>
        %dma_start3A_429 = arith.constant 0 : i32
        %dma_start3A_430 = arith.constant 0 : i32
        %dma_start3A_431 = tpu.memref_slice %arg10[%dma_start3A_429, %dma_start3A_430] : memref<8x128xf32, #tpu.memory_space<vmem>> -> memref<4x128xf32, #tpu.memory_space<vmem>>
        %dma_start3A_432 = arith.constant 0 : i32
        %dma_start3A_433 = tpu.memref_slice %arg2[%select_n3A, %dma_start3A_432, %multiple_of3A] : memref<4x4x500000xf32, #tpu.memory_space<hbm>> -> memref<1x4x128xf32, #tpu.memory_space<hbm>>
        %dma_start3A_434 = tpu.memref_squeeze %dma_start3A_433 : memref<1x4x128xf32, #tpu.memory_space<hbm>> -> memref<4x128xf32, #tpu.memory_space<hbm>>
        tpu.enqueue_dma source(%dma_start3A_434 : memref<4x128xf32, #tpu.memory_space<hbm>>) target(%dma_start3A_431 : memref<4x128xf32, #tpu.memory_space<vmem>>) target_semaphore(%arg20 : memref<!tpu.dma_semaphore, #tpu.memory_space<semaphore_mem>>)
        %add3A_435 = arith.constant 128 : i32
        %add3A_436 = arith.addi %multiple_of3A, %add3A_435 : i32
        %dma_start3A_437 = arith.constant 4 : i32
        %dma_start3A_438 = arith.constant 0 : i32
        %dma_start3A_439 = tpu.memref_slice %arg10[%dma_start3A_437, %dma_start3A_438] : memref<8x128xf32, #tpu.memory_space<vmem>> -> memref<4x128xf32, #tpu.memory_space<vmem>>
        %dma_start3A_440 = arith.constant 0 : i32
        %dma_start3A_441 = tpu.memref_slice %arg2[%select_n3A, %dma_start3A_440, %add3A_436] : memref<4x4x500000xf32, #tpu.memory_space<hbm>> -> memref<1x4x128xf32, #tpu.memory_space<hbm>>
        %dma_start3A_442 = tpu.memref_squeeze %dma_start3A_441 : memref<1x4x128xf32, #tpu.memory_space<hbm>> -> memref<4x128xf32, #tpu.memory_space<hbm>>
        %dma_start3A_443 = arith.constant 4 : i32
        %dma_start3A_444 = arith.constant 0 : i32
        %dma_start3A_445 = tpu.memref_slice %arg10[%dma_start3A_443, %dma_start3A_444] : memref<8x128xf32, #tpu.memory_space<vmem>> -> memref<4x128xf32, #tpu.memory_space<vmem>>
        %dma_start3A_446 = arith.constant 0 : i32
        %dma_start3A_447 = tpu.memref_slice %arg2[%select_n3A, %dma_start3A_446, %add3A_436] : memref<4x4x500000xf32, #tpu.memory_space<hbm>> -> memref<1x4x128xf32, #tpu.memory_space<hbm>>
        %dma_start3A_448 = tpu.memref_squeeze %dma_start3A_447 : memref<1x4x128xf32, #tpu.memory_space<hbm>> -> memref<4x128xf32, #tpu.memory_space<hbm>>
        tpu.enqueue_dma source(%dma_start3A_448 : memref<4x128xf32, #tpu.memory_space<hbm>>) target(%dma_start3A_445 : memref<4x128xf32, #tpu.memory_space<vmem>>) target_semaphore(%arg20 : memref<!tpu.dma_semaphore, #tpu.memory_space<semaphore_mem>>)
      } else {
      }
      %add3A_63 = arith.addi %mul3A_2, %mul3A_9 : i32
      %add3A_64 = arith.constant 7 : i32
      %add3A_65 = arith.addi %add3A_63, %add3A_64 : i32
      %lt3A_66 = arith.constant 7812 : i32
      %lt3A_67 = arith.cmpi slt, %add3A_65, %lt3A_66 : i32
      %convert_element_type3A_68 = arith.extui %lt3A_67 : i1 to i32
      %cond3A_69 = arith.constant 0 : i32
      %cond3A_70 = arith.cmpi ne, %convert_element_type3A_68, %cond3A_69 : i32
      scf.if %cond3A_70 {
        %jit3A = arith.constant 1953 : i32
        %div3A = arith.divsi %add3A_65, %jit3A : i32
        %sign3A = arith.constant 0 : i32
        %sign3A_391 = arith.cmpi sgt, %add3A_65, %sign3A : i32
        %sign3A_392 = arith.extui %sign3A_391 : i1 to i32
        %sign3A_393 = arith.constant 0 : i32
        %sign3A_394 = arith.cmpi slt, %add3A_65, %sign3A_393 : i32
        %sign3A_395 = arith.extui %sign3A_394 : i1 to i32
        %sign3A_396 = arith.subi %sign3A_392, %sign3A_395 : i32
        %sign3A_397 = arith.constant 0 : i32
        %sign3A_398 = arith.cmpi sgt, %jit3A, %sign3A_397 : i32
        %sign3A_399 = arith.extui %sign3A_398 : i1 to i32
        %sign3A_400 = arith.constant 0 : i32
        %sign3A_401 = arith.cmpi slt, %jit3A, %sign3A_400 : i32
        %sign3A_402 = arith.extui %sign3A_401 : i1 to i32
        %sign3A_403 = arith.subi %sign3A_399, %sign3A_402 : i32
        %ne3A = arith.cmpi ne, %sign3A_396, %sign3A_403 : i32
        %rem3A = arith.remsi %add3A_65, %jit3A : i32
        %ne3A_404 = arith.constant 0 : i32
        %ne3A_405 = arith.cmpi ne, %rem3A, %ne3A_404 : i32
        %and3A = arith.andi %ne3A, %ne3A_405 : i1
        %sub3A = arith.constant 1 : i32
        %sub3A_406 = arith.subi %div3A, %sub3A : i32
        %select_n3A = arith.select %and3A, %sub3A_406, %div3A : i32
        %jit3A_407 = arith.constant 1953 : i32
        %eq3A = arith.constant 0 : i32
        %eq3A_408 = arith.cmpi eq, %jit3A_407, %eq3A : i32
        %jit3A_409 = arith.constant 1 : i32
        %select_n3A_410 = arith.select %eq3A_408, %jit3A_409, %jit3A_407 : i32
        %rem3A_411 = arith.remsi %add3A_65, %select_n3A_410 : i32
        %ne3A_412 = arith.constant 0 : i32
        %ne3A_413 = arith.cmpi ne, %rem3A_411, %ne3A_412 : i32
        %lt3A_414 = arith.constant 0 : i32
        %lt3A_415 = arith.cmpi slt, %rem3A_411, %lt3A_414 : i32
        %lt3A_416 = arith.constant 0 : i32
        %lt3A_417 = arith.cmpi slt, %select_n3A_410, %lt3A_416 : i32
        %ne3A_418 = arith.xori %lt3A_415, %lt3A_417 : i1
        %and3A_419 = arith.andi %ne3A_418, %ne3A_413 : i1
        %add3A_420 = arith.addi %rem3A_411, %select_n3A_410 : i32
        %select_n3A_421 = arith.select %and3A_419, %add3A_420, %rem3A_411 : i32
        %mul3A_422 = arith.constant 256 : i32
        %mul3A_423 = arith.muli %select_n3A_421, %mul3A_422 : i32
        %multiple_of3A = tpu.assume_multiple %mul3A_423, 256 : i32
        %dma_start3A = arith.constant 0 : i32
        %dma_start3A_424 = arith.constant 0 : i32
        %dma_start3A_425 = tpu.memref_slice %arg11[%dma_start3A, %dma_start3A_424] : memref<8x128xf32, #tpu.memory_space<vmem>> -> memref<4x128xf32, #tpu.memory_space<vmem>>
        %dma_start3A_426 = arith.constant 0 : i32
        %dma_start3A_427 = tpu.memref_slice %arg2[%select_n3A, %dma_start3A_426, %multiple_of3A] : memref<4x4x500000xf32, #tpu.memory_space<hbm>> -> memref<1x4x128xf32, #tpu.memory_space<hbm>>
        %dma_start3A_428 = tpu.memref_squeeze %dma_start3A_427 : memref<1x4x128xf32, #tpu.memory_space<hbm>> -> memref<4x128xf32, #tpu.memory_space<hbm>>
        %dma_start3A_429 = arith.constant 0 : i32
        %dma_start3A_430 = arith.constant 0 : i32
        %dma_start3A_431 = tpu.memref_slice %arg11[%dma_start3A_429, %dma_start3A_430] : memref<8x128xf32, #tpu.memory_space<vmem>> -> memref<4x128xf32, #tpu.memory_space<vmem>>
        %dma_start3A_432 = arith.constant 0 : i32
        %dma_start3A_433 = tpu.memref_slice %arg2[%select_n3A, %dma_start3A_432, %multiple_of3A] : memref<4x4x500000xf32, #tpu.memory_space<hbm>> -> memref<1x4x128xf32, #tpu.memory_space<hbm>>
        %dma_start3A_434 = tpu.memref_squeeze %dma_start3A_433 : memref<1x4x128xf32, #tpu.memory_space<hbm>> -> memref<4x128xf32, #tpu.memory_space<hbm>>
        tpu.enqueue_dma source(%dma_start3A_434 : memref<4x128xf32, #tpu.memory_space<hbm>>) target(%dma_start3A_431 : memref<4x128xf32, #tpu.memory_space<vmem>>) target_semaphore(%arg20 : memref<!tpu.dma_semaphore, #tpu.memory_space<semaphore_mem>>)
        %add3A_435 = arith.constant 128 : i32
        %add3A_436 = arith.addi %multiple_of3A, %add3A_435 : i32
        %dma_start3A_437 = arith.constant 4 : i32
        %dma_start3A_438 = arith.constant 0 : i32
        %dma_start3A_439 = tpu.memref_slice %arg11[%dma_start3A_437, %dma_start3A_438] : memref<8x128xf32, #tpu.memory_space<vmem>> -> memref<4x128xf32, #tpu.memory_space<vmem>>
        %dma_start3A_440 = arith.constant 0 : i32
        %dma_start3A_441 = tpu.memref_slice %arg2[%select_n3A, %dma_start3A_440, %add3A_436] : memref<4x4x500000xf32, #tpu.memory_space<hbm>> -> memref<1x4x128xf32, #tpu.memory_space<hbm>>
        %dma_start3A_442 = tpu.memref_squeeze %dma_start3A_441 : memref<1x4x128xf32, #tpu.memory_space<hbm>> -> memref<4x128xf32, #tpu.memory_space<hbm>>
        %dma_start3A_443 = arith.constant 4 : i32
        %dma_start3A_444 = arith.constant 0 : i32
        %dma_start3A_445 = tpu.memref_slice %arg11[%dma_start3A_443, %dma_start3A_444] : memref<8x128xf32, #tpu.memory_space<vmem>> -> memref<4x128xf32, #tpu.memory_space<vmem>>
        %dma_start3A_446 = arith.constant 0 : i32
        %dma_start3A_447 = tpu.memref_slice %arg2[%select_n3A, %dma_start3A_446, %add3A_436] : memref<4x4x500000xf32, #tpu.memory_space<hbm>> -> memref<1x4x128xf32, #tpu.memory_space<hbm>>
        %dma_start3A_448 = tpu.memref_squeeze %dma_start3A_447 : memref<1x4x128xf32, #tpu.memory_space<hbm>> -> memref<4x128xf32, #tpu.memory_space<hbm>>
        tpu.enqueue_dma source(%dma_start3A_448 : memref<4x128xf32, #tpu.memory_space<hbm>>) target(%dma_start3A_445 : memref<4x128xf32, #tpu.memory_space<vmem>>) target_semaphore(%arg20 : memref<!tpu.dma_semaphore, #tpu.memory_space<semaphore_mem>>)
      } else {
      }
      %add3A_71 = arith.addi %mul3A_2, %mul3A_9 : i32
      %add3A_72 = arith.constant 8 : i32
      %add3A_73 = arith.addi %add3A_71, %add3A_72 : i32
      %lt3A_74 = arith.constant 7812 : i32
      %lt3A_75 = arith.cmpi slt, %add3A_73, %lt3A_74 : i32
      %convert_element_type3A_76 = arith.extui %lt3A_75 : i1 to i32
      %cond3A_77 = arith.constant 0 : i32
      %cond3A_78 = arith.cmpi ne, %convert_element_type3A_76, %cond3A_77 : i32
      scf.if %cond3A_78 {
        %jit3A = arith.constant 1953 : i32
        %div3A = arith.divsi %add3A_73, %jit3A : i32
        %sign3A = arith.constant 0 : i32
        %sign3A_391 = arith.cmpi sgt, %add3A_73, %sign3A : i32
        %sign3A_392 = arith.extui %sign3A_391 : i1 to i32
        %sign3A_393 = arith.constant 0 : i32
        %sign3A_394 = arith.cmpi slt, %add3A_73, %sign3A_393 : i32
        %sign3A_395 = arith.extui %sign3A_394 : i1 to i32
        %sign3A_396 = arith.subi %sign3A_392, %sign3A_395 : i32
        %sign3A_397 = arith.constant 0 : i32
        %sign3A_398 = arith.cmpi sgt, %jit3A, %sign3A_397 : i32
        %sign3A_399 = arith.extui %sign3A_398 : i1 to i32
        %sign3A_400 = arith.constant 0 : i32
        %sign3A_401 = arith.cmpi slt, %jit3A, %sign3A_400 : i32
        %sign3A_402 = arith.extui %sign3A_401 : i1 to i32
        %sign3A_403 = arith.subi %sign3A_399, %sign3A_402 : i32
        %ne3A = arith.cmpi ne, %sign3A_396, %sign3A_403 : i32
        %rem3A = arith.remsi %add3A_73, %jit3A : i32
        %ne3A_404 = arith.constant 0 : i32
        %ne3A_405 = arith.cmpi ne, %rem3A, %ne3A_404 : i32
        %and3A = arith.andi %ne3A, %ne3A_405 : i1
        %sub3A = arith.constant 1 : i32
        %sub3A_406 = arith.subi %div3A, %sub3A : i32
        %select_n3A = arith.select %and3A, %sub3A_406, %div3A : i32
        %jit3A_407 = arith.constant 1953 : i32
        %eq3A = arith.constant 0 : i32
        %eq3A_408 = arith.cmpi eq, %jit3A_407, %eq3A : i32
        %jit3A_409 = arith.constant 1 : i32
        %select_n3A_410 = arith.select %eq3A_408, %jit3A_409, %jit3A_407 : i32
        %rem3A_411 = arith.remsi %add3A_73, %select_n3A_410 : i32
        %ne3A_412 = arith.constant 0 : i32
        %ne3A_413 = arith.cmpi ne, %rem3A_411, %ne3A_412 : i32
        %lt3A_414 = arith.constant 0 : i32
        %lt3A_415 = arith.cmpi slt, %rem3A_411, %lt3A_414 : i32
        %lt3A_416 = arith.constant 0 : i32
        %lt3A_417 = arith.cmpi slt, %select_n3A_410, %lt3A_416 : i32
        %ne3A_418 = arith.xori %lt3A_415, %lt3A_417 : i1
        %and3A_419 = arith.andi %ne3A_418, %ne3A_413 : i1
        %add3A_420 = arith.addi %rem3A_411, %select_n3A_410 : i32
        %select_n3A_421 = arith.select %and3A_419, %add3A_420, %rem3A_411 : i32
        %mul3A_422 = arith.constant 256 : i32
        %mul3A_423 = arith.muli %select_n3A_421, %mul3A_422 : i32
        %multiple_of3A = tpu.assume_multiple %mul3A_423, 256 : i32
        %dma_start3A = arith.constant 0 : i32
        %dma_start3A_424 = arith.constant 0 : i32
        %dma_start3A_425 = tpu.memref_slice %arg12[%dma_start3A, %dma_start3A_424] : memref<8x128xf32, #tpu.memory_space<vmem>> -> memref<4x128xf32, #tpu.memory_space<vmem>>
        %dma_start3A_426 = arith.constant 0 : i32
        %dma_start3A_427 = tpu.memref_slice %arg2[%select_n3A, %dma_start3A_426, %multiple_of3A] : memref<4x4x500000xf32, #tpu.memory_space<hbm>> -> memref<1x4x128xf32, #tpu.memory_space<hbm>>
        %dma_start3A_428 = tpu.memref_squeeze %dma_start3A_427 : memref<1x4x128xf32, #tpu.memory_space<hbm>> -> memref<4x128xf32, #tpu.memory_space<hbm>>
        %dma_start3A_429 = arith.constant 0 : i32
        %dma_start3A_430 = arith.constant 0 : i32
        %dma_start3A_431 = tpu.memref_slice %arg12[%dma_start3A_429, %dma_start3A_430] : memref<8x128xf32, #tpu.memory_space<vmem>> -> memref<4x128xf32, #tpu.memory_space<vmem>>
        %dma_start3A_432 = arith.constant 0 : i32
        %dma_start3A_433 = tpu.memref_slice %arg2[%select_n3A, %dma_start3A_432, %multiple_of3A] : memref<4x4x500000xf32, #tpu.memory_space<hbm>> -> memref<1x4x128xf32, #tpu.memory_space<hbm>>
        %dma_start3A_434 = tpu.memref_squeeze %dma_start3A_433 : memref<1x4x128xf32, #tpu.memory_space<hbm>> -> memref<4x128xf32, #tpu.memory_space<hbm>>
        tpu.enqueue_dma source(%dma_start3A_434 : memref<4x128xf32, #tpu.memory_space<hbm>>) target(%dma_start3A_431 : memref<4x128xf32, #tpu.memory_space<vmem>>) target_semaphore(%arg20 : memref<!tpu.dma_semaphore, #tpu.memory_space<semaphore_mem>>)
        %add3A_435 = arith.constant 128 : i32
        %add3A_436 = arith.addi %multiple_of3A, %add3A_435 : i32
        %dma_start3A_437 = arith.constant 4 : i32
        %dma_start3A_438 = arith.constant 0 : i32
        %dma_start3A_439 = tpu.memref_slice %arg12[%dma_start3A_437, %dma_start3A_438] : memref<8x128xf32, #tpu.memory_space<vmem>> -> memref<4x128xf32, #tpu.memory_space<vmem>>
        %dma_start3A_440 = arith.constant 0 : i32
        %dma_start3A_441 = tpu.memref_slice %arg2[%select_n3A, %dma_start3A_440, %add3A_436] : memref<4x4x500000xf32, #tpu.memory_space<hbm>> -> memref<1x4x128xf32, #tpu.memory_space<hbm>>
        %dma_start3A_442 = tpu.memref_squeeze %dma_start3A_441 : memref<1x4x128xf32, #tpu.memory_space<hbm>> -> memref<4x128xf32, #tpu.memory_space<hbm>>
        %dma_start3A_443 = arith.constant 4 : i32
        %dma_start3A_444 = arith.constant 0 : i32
        %dma_start3A_445 = tpu.memref_slice %arg12[%dma_start3A_443, %dma_start3A_444] : memref<8x128xf32, #tpu.memory_space<vmem>> -> memref<4x128xf32, #tpu.memory_space<vmem>>
        %dma_start3A_446 = arith.constant 0 : i32
        %dma_start3A_447 = tpu.memref_slice %arg2[%select_n3A, %dma_start3A_446, %add3A_436] : memref<4x4x500000xf32, #tpu.memory_space<hbm>> -> memref<1x4x128xf32, #tpu.memory_space<hbm>>
        %dma_start3A_448 = tpu.memref_squeeze %dma_start3A_447 : memref<1x4x128xf32, #tpu.memory_space<hbm>> -> memref<4x128xf32, #tpu.memory_space<hbm>>
        tpu.enqueue_dma source(%dma_start3A_448 : memref<4x128xf32, #tpu.memory_space<hbm>>) target(%dma_start3A_445 : memref<4x128xf32, #tpu.memory_space<vmem>>) target_semaphore(%arg20 : memref<!tpu.dma_semaphore, #tpu.memory_space<semaphore_mem>>)
      } else {
      }
      %add3A_79 = arith.addi %mul3A_2, %mul3A_9 : i32
      %add3A_80 = arith.constant 9 : i32
      %add3A_81 = arith.addi %add3A_79, %add3A_80 : i32
      %lt3A_82 = arith.constant 7812 : i32
      %lt3A_83 = arith.cmpi slt, %add3A_81, %lt3A_82 : i32
      %convert_element_type3A_84 = arith.extui %lt3A_83 : i1 to i32
      %cond3A_85 = arith.constant 0 : i32
      %cond3A_86 = arith.cmpi ne, %convert_element_type3A_84, %cond3A_85 : i32
      scf.if %cond3A_86 {
        %jit3A = arith.constant 1953 : i32
        %div3A = arith.divsi %add3A_81, %jit3A : i32
        %sign3A = arith.constant 0 : i32
        %sign3A_391 = arith.cmpi sgt, %add3A_81, %sign3A : i32
        %sign3A_392 = arith.extui %sign3A_391 : i1 to i32
        %sign3A_393 = arith.constant 0 : i32
        %sign3A_394 = arith.cmpi slt, %add3A_81, %sign3A_393 : i32
        %sign3A_395 = arith.extui %sign3A_394 : i1 to i32
        %sign3A_396 = arith.subi %sign3A_392, %sign3A_395 : i32
        %sign3A_397 = arith.constant 0 : i32
        %sign3A_398 = arith.cmpi sgt, %jit3A, %sign3A_397 : i32
        %sign3A_399 = arith.extui %sign3A_398 : i1 to i32
        %sign3A_400 = arith.constant 0 : i32
        %sign3A_401 = arith.cmpi slt, %jit3A, %sign3A_400 : i32
        %sign3A_402 = arith.extui %sign3A_401 : i1 to i32
        %sign3A_403 = arith.subi %sign3A_399, %sign3A_402 : i32
        %ne3A = arith.cmpi ne, %sign3A_396, %sign3A_403 : i32
        %rem3A = arith.remsi %add3A_81, %jit3A : i32
        %ne3A_404 = arith.constant 0 : i32
        %ne3A_405 = arith.cmpi ne, %rem3A, %ne3A_404 : i32
        %and3A = arith.andi %ne3A, %ne3A_405 : i1
        %sub3A = arith.constant 1 : i32
        %sub3A_406 = arith.subi %div3A, %sub3A : i32
        %select_n3A = arith.select %and3A, %sub3A_406, %div3A : i32
        %jit3A_407 = arith.constant 1953 : i32
        %eq3A = arith.constant 0 : i32
        %eq3A_408 = arith.cmpi eq, %jit3A_407, %eq3A : i32
        %jit3A_409 = arith.constant 1 : i32
        %select_n3A_410 = arith.select %eq3A_408, %jit3A_409, %jit3A_407 : i32
        %rem3A_411 = arith.remsi %add3A_81, %select_n3A_410 : i32
        %ne3A_412 = arith.constant 0 : i32
        %ne3A_413 = arith.cmpi ne, %rem3A_411, %ne3A_412 : i32
        %lt3A_414 = arith.constant 0 : i32
        %lt3A_415 = arith.cmpi slt, %rem3A_411, %lt3A_414 : i32
        %lt3A_416 = arith.constant 0 : i32
        %lt3A_417 = arith.cmpi slt, %select_n3A_410, %lt3A_416 : i32
        %ne3A_418 = arith.xori %lt3A_415, %lt3A_417 : i1
        %and3A_419 = arith.andi %ne3A_418, %ne3A_413 : i1
        %add3A_420 = arith.addi %rem3A_411, %select_n3A_410 : i32
        %select_n3A_421 = arith.select %and3A_419, %add3A_420, %rem3A_411 : i32
        %mul3A_422 = arith.constant 256 : i32
        %mul3A_423 = arith.muli %select_n3A_421, %mul3A_422 : i32
        %multiple_of3A = tpu.assume_multiple %mul3A_423, 256 : i32
        %dma_start3A = arith.constant 0 : i32
        %dma_start3A_424 = arith.constant 0 : i32
        %dma_start3A_425 = tpu.memref_slice %arg13[%dma_start3A, %dma_start3A_424] : memref<8x128xf32, #tpu.memory_space<vmem>> -> memref<4x128xf32, #tpu.memory_space<vmem>>
        %dma_start3A_426 = arith.constant 0 : i32
        %dma_start3A_427 = tpu.memref_slice %arg2[%select_n3A, %dma_start3A_426, %multiple_of3A] : memref<4x4x500000xf32, #tpu.memory_space<hbm>> -> memref<1x4x128xf32, #tpu.memory_space<hbm>>
        %dma_start3A_428 = tpu.memref_squeeze %dma_start3A_427 : memref<1x4x128xf32, #tpu.memory_space<hbm>> -> memref<4x128xf32, #tpu.memory_space<hbm>>
        %dma_start3A_429 = arith.constant 0 : i32
        %dma_start3A_430 = arith.constant 0 : i32
        %dma_start3A_431 = tpu.memref_slice %arg13[%dma_start3A_429, %dma_start3A_430] : memref<8x128xf32, #tpu.memory_space<vmem>> -> memref<4x128xf32, #tpu.memory_space<vmem>>
        %dma_start3A_432 = arith.constant 0 : i32
        %dma_start3A_433 = tpu.memref_slice %arg2[%select_n3A, %dma_start3A_432, %multiple_of3A] : memref<4x4x500000xf32, #tpu.memory_space<hbm>> -> memref<1x4x128xf32, #tpu.memory_space<hbm>>
        %dma_start3A_434 = tpu.memref_squeeze %dma_start3A_433 : memref<1x4x128xf32, #tpu.memory_space<hbm>> -> memref<4x128xf32, #tpu.memory_space<hbm>>
        tpu.enqueue_dma source(%dma_start3A_434 : memref<4x128xf32, #tpu.memory_space<hbm>>) target(%dma_start3A_431 : memref<4x128xf32, #tpu.memory_space<vmem>>) target_semaphore(%arg20 : memref<!tpu.dma_semaphore, #tpu.memory_space<semaphore_mem>>)
        %add3A_435 = arith.constant 128 : i32
        %add3A_436 = arith.addi %multiple_of3A, %add3A_435 : i32
        %dma_start3A_437 = arith.constant 4 : i32
        %dma_start3A_438 = arith.constant 0 : i32
        %dma_start3A_439 = tpu.memref_slice %arg13[%dma_start3A_437, %dma_start3A_438] : memref<8x128xf32, #tpu.memory_space<vmem>> -> memref<4x128xf32, #tpu.memory_space<vmem>>
        %dma_start3A_440 = arith.constant 0 : i32
        %dma_start3A_441 = tpu.memref_slice %arg2[%select_n3A, %dma_start3A_440, %add3A_436] : memref<4x4x500000xf32, #tpu.memory_space<hbm>> -> memref<1x4x128xf32, #tpu.memory_space<hbm>>
        %dma_start3A_442 = tpu.memref_squeeze %dma_start3A_441 : memref<1x4x128xf32, #tpu.memory_space<hbm>> -> memref<4x128xf32, #tpu.memory_space<hbm>>
        %dma_start3A_443 = arith.constant 4 : i32
        %dma_start3A_444 = arith.constant 0 : i32
        %dma_start3A_445 = tpu.memref_slice %arg13[%dma_start3A_443, %dma_start3A_444] : memref<8x128xf32, #tpu.memory_space<vmem>> -> memref<4x128xf32, #tpu.memory_space<vmem>>
        %dma_start3A_446 = arith.constant 0 : i32
        %dma_start3A_447 = tpu.memref_slice %arg2[%select_n3A, %dma_start3A_446, %add3A_436] : memref<4x4x500000xf32, #tpu.memory_space<hbm>> -> memref<1x4x128xf32, #tpu.memory_space<hbm>>
        %dma_start3A_448 = tpu.memref_squeeze %dma_start3A_447 : memref<1x4x128xf32, #tpu.memory_space<hbm>> -> memref<4x128xf32, #tpu.memory_space<hbm>>
        tpu.enqueue_dma source(%dma_start3A_448 : memref<4x128xf32, #tpu.memory_space<hbm>>) target(%dma_start3A_445 : memref<4x128xf32, #tpu.memory_space<vmem>>) target_semaphore(%arg20 : memref<!tpu.dma_semaphore, #tpu.memory_space<semaphore_mem>>)
      } else {
      }
      %add3A_87 = arith.addi %mul3A_2, %mul3A_9 : i32
      %add3A_88 = arith.constant 10 : i32
      %add3A_89 = arith.addi %add3A_87, %add3A_88 : i32
      %lt3A_90 = arith.constant 7812 : i32
      %lt3A_91 = arith.cmpi slt, %add3A_89, %lt3A_90 : i32
      %convert_element_type3A_92 = arith.extui %lt3A_91 : i1 to i32
      %cond3A_93 = arith.constant 0 : i32
      %cond3A_94 = arith.cmpi ne, %convert_element_type3A_92, %cond3A_93 : i32
      scf.if %cond3A_94 {
        %jit3A = arith.constant 1953 : i32
        %div3A = arith.divsi %add3A_89, %jit3A : i32
        %sign3A = arith.constant 0 : i32
        %sign3A_391 = arith.cmpi sgt, %add3A_89, %sign3A : i32
        %sign3A_392 = arith.extui %sign3A_391 : i1 to i32
        %sign3A_393 = arith.constant 0 : i32
        %sign3A_394 = arith.cmpi slt, %add3A_89, %sign3A_393 : i32
        %sign3A_395 = arith.extui %sign3A_394 : i1 to i32
        %sign3A_396 = arith.subi %sign3A_392, %sign3A_395 : i32
        %sign3A_397 = arith.constant 0 : i32
        %sign3A_398 = arith.cmpi sgt, %jit3A, %sign3A_397 : i32
        %sign3A_399 = arith.extui %sign3A_398 : i1 to i32
        %sign3A_400 = arith.constant 0 : i32
        %sign3A_401 = arith.cmpi slt, %jit3A, %sign3A_400 : i32
        %sign3A_402 = arith.extui %sign3A_401 : i1 to i32
        %sign3A_403 = arith.subi %sign3A_399, %sign3A_402 : i32
        %ne3A = arith.cmpi ne, %sign3A_396, %sign3A_403 : i32
        %rem3A = arith.remsi %add3A_89, %jit3A : i32
        %ne3A_404 = arith.constant 0 : i32
        %ne3A_405 = arith.cmpi ne, %rem3A, %ne3A_404 : i32
        %and3A = arith.andi %ne3A, %ne3A_405 : i1
        %sub3A = arith.constant 1 : i32
        %sub3A_406 = arith.subi %div3A, %sub3A : i32
        %select_n3A = arith.select %and3A, %sub3A_406, %div3A : i32
        %jit3A_407 = arith.constant 1953 : i32
        %eq3A = arith.constant 0 : i32
        %eq3A_408 = arith.cmpi eq, %jit3A_407, %eq3A : i32
        %jit3A_409 = arith.constant 1 : i32
        %select_n3A_410 = arith.select %eq3A_408, %jit3A_409, %jit3A_407 : i32
        %rem3A_411 = arith.remsi %add3A_89, %select_n3A_410 : i32
        %ne3A_412 = arith.constant 0 : i32
        %ne3A_413 = arith.cmpi ne, %rem3A_411, %ne3A_412 : i32
        %lt3A_414 = arith.constant 0 : i32
        %lt3A_415 = arith.cmpi slt, %rem3A_411, %lt3A_414 : i32
        %lt3A_416 = arith.constant 0 : i32
        %lt3A_417 = arith.cmpi slt, %select_n3A_410, %lt3A_416 : i32
        %ne3A_418 = arith.xori %lt3A_415, %lt3A_417 : i1
        %and3A_419 = arith.andi %ne3A_418, %ne3A_413 : i1
        %add3A_420 = arith.addi %rem3A_411, %select_n3A_410 : i32
        %select_n3A_421 = arith.select %and3A_419, %add3A_420, %rem3A_411 : i32
        %mul3A_422 = arith.constant 256 : i32
        %mul3A_423 = arith.muli %select_n3A_421, %mul3A_422 : i32
        %multiple_of3A = tpu.assume_multiple %mul3A_423, 256 : i32
        %dma_start3A = arith.constant 0 : i32
        %dma_start3A_424 = arith.constant 0 : i32
        %dma_start3A_425 = tpu.memref_slice %arg14[%dma_start3A, %dma_start3A_424] : memref<8x128xf32, #tpu.memory_space<vmem>> -> memref<4x128xf32, #tpu.memory_space<vmem>>
        %dma_start3A_426 = arith.constant 0 : i32
        %dma_start3A_427 = tpu.memref_slice %arg2[%select_n3A, %dma_start3A_426, %multiple_of3A] : memref<4x4x500000xf32, #tpu.memory_space<hbm>> -> memref<1x4x128xf32, #tpu.memory_space<hbm>>
        %dma_start3A_428 = tpu.memref_squeeze %dma_start3A_427 : memref<1x4x128xf32, #tpu.memory_space<hbm>> -> memref<4x128xf32, #tpu.memory_space<hbm>>
        %dma_start3A_429 = arith.constant 0 : i32
        %dma_start3A_430 = arith.constant 0 : i32
        %dma_start3A_431 = tpu.memref_slice %arg14[%dma_start3A_429, %dma_start3A_430] : memref<8x128xf32, #tpu.memory_space<vmem>> -> memref<4x128xf32, #tpu.memory_space<vmem>>
        %dma_start3A_432 = arith.constant 0 : i32
        %dma_start3A_433 = tpu.memref_slice %arg2[%select_n3A, %dma_start3A_432, %multiple_of3A] : memref<4x4x500000xf32, #tpu.memory_space<hbm>> -> memref<1x4x128xf32, #tpu.memory_space<hbm>>
        %dma_start3A_434 = tpu.memref_squeeze %dma_start3A_433 : memref<1x4x128xf32, #tpu.memory_space<hbm>> -> memref<4x128xf32, #tpu.memory_space<hbm>>
        tpu.enqueue_dma source(%dma_start3A_434 : memref<4x128xf32, #tpu.memory_space<hbm>>) target(%dma_start3A_431 : memref<4x128xf32, #tpu.memory_space<vmem>>) target_semaphore(%arg20 : memref<!tpu.dma_semaphore, #tpu.memory_space<semaphore_mem>>)
        %add3A_435 = arith.constant 128 : i32
        %add3A_436 = arith.addi %multiple_of3A, %add3A_435 : i32
        %dma_start3A_437 = arith.constant 4 : i32
        %dma_start3A_438 = arith.constant 0 : i32
        %dma_start3A_439 = tpu.memref_slice %arg14[%dma_start3A_437, %dma_start3A_438] : memref<8x128xf32, #tpu.memory_space<vmem>> -> memref<4x128xf32, #tpu.memory_space<vmem>>
        %dma_start3A_440 = arith.constant 0 : i32
        %dma_start3A_441 = tpu.memref_slice %arg2[%select_n3A, %dma_start3A_440, %add3A_436] : memref<4x4x500000xf32, #tpu.memory_space<hbm>> -> memref<1x4x128xf32, #tpu.memory_space<hbm>>
        %dma_start3A_442 = tpu.memref_squeeze %dma_start3A_441 : memref<1x4x128xf32, #tpu.memory_space<hbm>> -> memref<4x128xf32, #tpu.memory_space<hbm>>
        %dma_start3A_443 = arith.constant 4 : i32
        %dma_start3A_444 = arith.constant 0 : i32
        %dma_start3A_445 = tpu.memref_slice %arg14[%dma_start3A_443, %dma_start3A_444] : memref<8x128xf32, #tpu.memory_space<vmem>> -> memref<4x128xf32, #tpu.memory_space<vmem>>
        %dma_start3A_446 = arith.constant 0 : i32
        %dma_start3A_447 = tpu.memref_slice %arg2[%select_n3A, %dma_start3A_446, %add3A_436] : memref<4x4x500000xf32, #tpu.memory_space<hbm>> -> memref<1x4x128xf32, #tpu.memory_space<hbm>>
        %dma_start3A_448 = tpu.memref_squeeze %dma_start3A_447 : memref<1x4x128xf32, #tpu.memory_space<hbm>> -> memref<4x128xf32, #tpu.memory_space<hbm>>
        tpu.enqueue_dma source(%dma_start3A_448 : memref<4x128xf32, #tpu.memory_space<hbm>>) target(%dma_start3A_445 : memref<4x128xf32, #tpu.memory_space<vmem>>) target_semaphore(%arg20 : memref<!tpu.dma_semaphore, #tpu.memory_space<semaphore_mem>>)
      } else {
      }
      %add3A_95 = arith.addi %mul3A_2, %mul3A_9 : i32
      %add3A_96 = arith.constant 11 : i32
      %add3A_97 = arith.addi %add3A_95, %add3A_96 : i32
      %lt3A_98 = arith.constant 7812 : i32
      %lt3A_99 = arith.cmpi slt, %add3A_97, %lt3A_98 : i32
      %convert_element_type3A_100 = arith.extui %lt3A_99 : i1 to i32
      %cond3A_101 = arith.constant 0 : i32
      %cond3A_102 = arith.cmpi ne, %convert_element_type3A_100, %cond3A_101 : i32
      scf.if %cond3A_102 {
        %jit3A = arith.constant 1953 : i32
        %div3A = arith.divsi %add3A_97, %jit3A : i32
        %sign3A = arith.constant 0 : i32
        %sign3A_391 = arith.cmpi sgt, %add3A_97, %sign3A : i32
        %sign3A_392 = arith.extui %sign3A_391 : i1 to i32
        %sign3A_393 = arith.constant 0 : i32
        %sign3A_394 = arith.cmpi slt, %add3A_97, %sign3A_393 : i32
        %sign3A_395 = arith.extui %sign3A_394 : i1 to i32
        %sign3A_396 = arith.subi %sign3A_392, %sign3A_395 : i32
        %sign3A_397 = arith.constant 0 : i32
        %sign3A_398 = arith.cmpi sgt, %jit3A, %sign3A_397 : i32
        %sign3A_399 = arith.extui %sign3A_398 : i1 to i32
        %sign3A_400 = arith.constant 0 : i32
        %sign3A_401 = arith.cmpi slt, %jit3A, %sign3A_400 : i32
        %sign3A_402 = arith.extui %sign3A_401 : i1 to i32
        %sign3A_403 = arith.subi %sign3A_399, %sign3A_402 : i32
        %ne3A = arith.cmpi ne, %sign3A_396, %sign3A_403 : i32
        %rem3A = arith.remsi %add3A_97, %jit3A : i32
        %ne3A_404 = arith.constant 0 : i32
        %ne3A_405 = arith.cmpi ne, %rem3A, %ne3A_404 : i32
        %and3A = arith.andi %ne3A, %ne3A_405 : i1
        %sub3A = arith.constant 1 : i32
        %sub3A_406 = arith.subi %div3A, %sub3A : i32
        %select_n3A = arith.select %and3A, %sub3A_406, %div3A : i32
        %jit3A_407 = arith.constant 1953 : i32
        %eq3A = arith.constant 0 : i32
        %eq3A_408 = arith.cmpi eq, %jit3A_407, %eq3A : i32
        %jit3A_409 = arith.constant 1 : i32
        %select_n3A_410 = arith.select %eq3A_408, %jit3A_409, %jit3A_407 : i32
        %rem3A_411 = arith.remsi %add3A_97, %select_n3A_410 : i32
        %ne3A_412 = arith.constant 0 : i32
        %ne3A_413 = arith.cmpi ne, %rem3A_411, %ne3A_412 : i32
        %lt3A_414 = arith.constant 0 : i32
        %lt3A_415 = arith.cmpi slt, %rem3A_411, %lt3A_414 : i32
        %lt3A_416 = arith.constant 0 : i32
        %lt3A_417 = arith.cmpi slt, %select_n3A_410, %lt3A_416 : i32
        %ne3A_418 = arith.xori %lt3A_415, %lt3A_417 : i1
        %and3A_419 = arith.andi %ne3A_418, %ne3A_413 : i1
        %add3A_420 = arith.addi %rem3A_411, %select_n3A_410 : i32
        %select_n3A_421 = arith.select %and3A_419, %add3A_420, %rem3A_411 : i32
        %mul3A_422 = arith.constant 256 : i32
        %mul3A_423 = arith.muli %select_n3A_421, %mul3A_422 : i32
        %multiple_of3A = tpu.assume_multiple %mul3A_423, 256 : i32
        %dma_start3A = arith.constant 0 : i32
        %dma_start3A_424 = arith.constant 0 : i32
        %dma_start3A_425 = tpu.memref_slice %arg15[%dma_start3A, %dma_start3A_424] : memref<8x128xf32, #tpu.memory_space<vmem>> -> memref<4x128xf32, #tpu.memory_space<vmem>>
        %dma_start3A_426 = arith.constant 0 : i32
        %dma_start3A_427 = tpu.memref_slice %arg2[%select_n3A, %dma_start3A_426, %multiple_of3A] : memref<4x4x500000xf32, #tpu.memory_space<hbm>> -> memref<1x4x128xf32, #tpu.memory_space<hbm>>
        %dma_start3A_428 = tpu.memref_squeeze %dma_start3A_427 : memref<1x4x128xf32, #tpu.memory_space<hbm>> -> memref<4x128xf32, #tpu.memory_space<hbm>>
        %dma_start3A_429 = arith.constant 0 : i32
        %dma_start3A_430 = arith.constant 0 : i32
        %dma_start3A_431 = tpu.memref_slice %arg15[%dma_start3A_429, %dma_start3A_430] : memref<8x128xf32, #tpu.memory_space<vmem>> -> memref<4x128xf32, #tpu.memory_space<vmem>>
        %dma_start3A_432 = arith.constant 0 : i32
        %dma_start3A_433 = tpu.memref_slice %arg2[%select_n3A, %dma_start3A_432, %multiple_of3A] : memref<4x4x500000xf32, #tpu.memory_space<hbm>> -> memref<1x4x128xf32, #tpu.memory_space<hbm>>
        %dma_start3A_434 = tpu.memref_squeeze %dma_start3A_433 : memref<1x4x128xf32, #tpu.memory_space<hbm>> -> memref<4x128xf32, #tpu.memory_space<hbm>>
        tpu.enqueue_dma source(%dma_start3A_434 : memref<4x128xf32, #tpu.memory_space<hbm>>) target(%dma_start3A_431 : memref<4x128xf32, #tpu.memory_space<vmem>>) target_semaphore(%arg20 : memref<!tpu.dma_semaphore, #tpu.memory_space<semaphore_mem>>)
        %add3A_435 = arith.constant 128 : i32
        %add3A_436 = arith.addi %multiple_of3A, %add3A_435 : i32
        %dma_start3A_437 = arith.constant 4 : i32
        %dma_start3A_438 = arith.constant 0 : i32
        %dma_start3A_439 = tpu.memref_slice %arg15[%dma_start3A_437, %dma_start3A_438] : memref<8x128xf32, #tpu.memory_space<vmem>> -> memref<4x128xf32, #tpu.memory_space<vmem>>
        %dma_start3A_440 = arith.constant 0 : i32
        %dma_start3A_441 = tpu.memref_slice %arg2[%select_n3A, %dma_start3A_440, %add3A_436] : memref<4x4x500000xf32, #tpu.memory_space<hbm>> -> memref<1x4x128xf32, #tpu.memory_space<hbm>>
        %dma_start3A_442 = tpu.memref_squeeze %dma_start3A_441 : memref<1x4x128xf32, #tpu.memory_space<hbm>> -> memref<4x128xf32, #tpu.memory_space<hbm>>
        %dma_start3A_443 = arith.constant 4 : i32
        %dma_start3A_444 = arith.constant 0 : i32
        %dma_start3A_445 = tpu.memref_slice %arg15[%dma_start3A_443, %dma_start3A_444] : memref<8x128xf32, #tpu.memory_space<vmem>> -> memref<4x128xf32, #tpu.memory_space<vmem>>
        %dma_start3A_446 = arith.constant 0 : i32
        %dma_start3A_447 = tpu.memref_slice %arg2[%select_n3A, %dma_start3A_446, %add3A_436] : memref<4x4x500000xf32, #tpu.memory_space<hbm>> -> memref<1x4x128xf32, #tpu.memory_space<hbm>>
        %dma_start3A_448 = tpu.memref_squeeze %dma_start3A_447 : memref<1x4x128xf32, #tpu.memory_space<hbm>> -> memref<4x128xf32, #tpu.memory_space<hbm>>
        tpu.enqueue_dma source(%dma_start3A_448 : memref<4x128xf32, #tpu.memory_space<hbm>>) target(%dma_start3A_445 : memref<4x128xf32, #tpu.memory_space<vmem>>) target_semaphore(%arg20 : memref<!tpu.dma_semaphore, #tpu.memory_space<semaphore_mem>>)
      } else {
      }
      %add3A_103 = arith.addi %mul3A_2, %mul3A_9 : i32
      %add3A_104 = arith.constant 12 : i32
      %add3A_105 = arith.addi %add3A_103, %add3A_104 : i32
      %lt3A_106 = arith.constant 7812 : i32
      %lt3A_107 = arith.cmpi slt, %add3A_105, %lt3A_106 : i32
      %convert_element_type3A_108 = arith.extui %lt3A_107 : i1 to i32
      %cond3A_109 = arith.constant 0 : i32
      %cond3A_110 = arith.cmpi ne, %convert_element_type3A_108, %cond3A_109 : i32
      scf.if %cond3A_110 {
        %jit3A = arith.constant 1953 : i32
        %div3A = arith.divsi %add3A_105, %jit3A : i32
        %sign3A = arith.constant 0 : i32
        %sign3A_391 = arith.cmpi sgt, %add3A_105, %sign3A : i32
        %sign3A_392 = arith.extui %sign3A_391 : i1 to i32
        %sign3A_393 = arith.constant 0 : i32
        %sign3A_394 = arith.cmpi slt, %add3A_105, %sign3A_393 : i32
        %sign3A_395 = arith.extui %sign3A_394 : i1 to i32
        %sign3A_396 = arith.subi %sign3A_392, %sign3A_395 : i32
        %sign3A_397 = arith.constant 0 : i32
        %sign3A_398 = arith.cmpi sgt, %jit3A, %sign3A_397 : i32
        %sign3A_399 = arith.extui %sign3A_398 : i1 to i32
        %sign3A_400 = arith.constant 0 : i32
        %sign3A_401 = arith.cmpi slt, %jit3A, %sign3A_400 : i32
        %sign3A_402 = arith.extui %sign3A_401 : i1 to i32
        %sign3A_403 = arith.subi %sign3A_399, %sign3A_402 : i32
        %ne3A = arith.cmpi ne, %sign3A_396, %sign3A_403 : i32
        %rem3A = arith.remsi %add3A_105, %jit3A : i32
        %ne3A_404 = arith.constant 0 : i32
        %ne3A_405 = arith.cmpi ne, %rem3A, %ne3A_404 : i32
        %and3A = arith.andi %ne3A, %ne3A_405 : i1
        %sub3A = arith.constant 1 : i32
        %sub3A_406 = arith.subi %div3A, %sub3A : i32
        %select_n3A = arith.select %and3A, %sub3A_406, %div3A : i32
        %jit3A_407 = arith.constant 1953 : i32
        %eq3A = arith.constant 0 : i32
        %eq3A_408 = arith.cmpi eq, %jit3A_407, %eq3A : i32
        %jit3A_409 = arith.constant 1 : i32
        %select_n3A_410 = arith.select %eq3A_408, %jit3A_409, %jit3A_407 : i32
        %rem3A_411 = arith.remsi %add3A_105, %select_n3A_410 : i32
        %ne3A_412 = arith.constant 0 : i32
        %ne3A_413 = arith.cmpi ne, %rem3A_411, %ne3A_412 : i32
        %lt3A_414 = arith.constant 0 : i32
        %lt3A_415 = arith.cmpi slt, %rem3A_411, %lt3A_414 : i32
        %lt3A_416 = arith.constant 0 : i32
        %lt3A_417 = arith.cmpi slt, %select_n3A_410, %lt3A_416 : i32
        %ne3A_418 = arith.xori %lt3A_415, %lt3A_417 : i1
        %and3A_419 = arith.andi %ne3A_418, %ne3A_413 : i1
        %add3A_420 = arith.addi %rem3A_411, %select_n3A_410 : i32
        %select_n3A_421 = arith.select %and3A_419, %add3A_420, %rem3A_411 : i32
        %mul3A_422 = arith.constant 256 : i32
        %mul3A_423 = arith.muli %select_n3A_421, %mul3A_422 : i32
        %multiple_of3A = tpu.assume_multiple %mul3A_423, 256 : i32
        %dma_start3A = arith.constant 0 : i32
        %dma_start3A_424 = arith.constant 0 : i32
        %dma_start3A_425 = tpu.memref_slice %arg16[%dma_start3A, %dma_start3A_424] : memref<8x128xf32, #tpu.memory_space<vmem>> -> memref<4x128xf32, #tpu.memory_space<vmem>>
        %dma_start3A_426 = arith.constant 0 : i32
        %dma_start3A_427 = tpu.memref_slice %arg2[%select_n3A, %dma_start3A_426, %multiple_of3A] : memref<4x4x500000xf32, #tpu.memory_space<hbm>> -> memref<1x4x128xf32, #tpu.memory_space<hbm>>
        %dma_start3A_428 = tpu.memref_squeeze %dma_start3A_427 : memref<1x4x128xf32, #tpu.memory_space<hbm>> -> memref<4x128xf32, #tpu.memory_space<hbm>>
        %dma_start3A_429 = arith.constant 0 : i32
        %dma_start3A_430 = arith.constant 0 : i32
        %dma_start3A_431 = tpu.memref_slice %arg16[%dma_start3A_429, %dma_start3A_430] : memref<8x128xf32, #tpu.memory_space<vmem>> -> memref<4x128xf32, #tpu.memory_space<vmem>>
        %dma_start3A_432 = arith.constant 0 : i32
        %dma_start3A_433 = tpu.memref_slice %arg2[%select_n3A, %dma_start3A_432, %multiple_of3A] : memref<4x4x500000xf32, #tpu.memory_space<hbm>> -> memref<1x4x128xf32, #tpu.memory_space<hbm>>
        %dma_start3A_434 = tpu.memref_squeeze %dma_start3A_433 : memref<1x4x128xf32, #tpu.memory_space<hbm>> -> memref<4x128xf32, #tpu.memory_space<hbm>>
        tpu.enqueue_dma source(%dma_start3A_434 : memref<4x128xf32, #tpu.memory_space<hbm>>) target(%dma_start3A_431 : memref<4x128xf32, #tpu.memory_space<vmem>>) target_semaphore(%arg20 : memref<!tpu.dma_semaphore, #tpu.memory_space<semaphore_mem>>)
        %add3A_435 = arith.constant 128 : i32
        %add3A_436 = arith.addi %multiple_of3A, %add3A_435 : i32
        %dma_start3A_437 = arith.constant 4 : i32
        %dma_start3A_438 = arith.constant 0 : i32
        %dma_start3A_439 = tpu.memref_slice %arg16[%dma_start3A_437, %dma_start3A_438] : memref<8x128xf32, #tpu.memory_space<vmem>> -> memref<4x128xf32, #tpu.memory_space<vmem>>
        %dma_start3A_440 = arith.constant 0 : i32
        %dma_start3A_441 = tpu.memref_slice %arg2[%select_n3A, %dma_start3A_440, %add3A_436] : memref<4x4x500000xf32, #tpu.memory_space<hbm>> -> memref<1x4x128xf32, #tpu.memory_space<hbm>>
        %dma_start3A_442 = tpu.memref_squeeze %dma_start3A_441 : memref<1x4x128xf32, #tpu.memory_space<hbm>> -> memref<4x128xf32, #tpu.memory_space<hbm>>
        %dma_start3A_443 = arith.constant 4 : i32
        %dma_start3A_444 = arith.constant 0 : i32
        %dma_start3A_445 = tpu.memref_slice %arg16[%dma_start3A_443, %dma_start3A_444] : memref<8x128xf32, #tpu.memory_space<vmem>> -> memref<4x128xf32, #tpu.memory_space<vmem>>
        %dma_start3A_446 = arith.constant 0 : i32
        %dma_start3A_447 = tpu.memref_slice %arg2[%select_n3A, %dma_start3A_446, %add3A_436] : memref<4x4x500000xf32, #tpu.memory_space<hbm>> -> memref<1x4x128xf32, #tpu.memory_space<hbm>>
        %dma_start3A_448 = tpu.memref_squeeze %dma_start3A_447 : memref<1x4x128xf32, #tpu.memory_space<hbm>> -> memref<4x128xf32, #tpu.memory_space<hbm>>
        tpu.enqueue_dma source(%dma_start3A_448 : memref<4x128xf32, #tpu.memory_space<hbm>>) target(%dma_start3A_445 : memref<4x128xf32, #tpu.memory_space<vmem>>) target_semaphore(%arg20 : memref<!tpu.dma_semaphore, #tpu.memory_space<semaphore_mem>>)
      } else {
      }
      %add3A_111 = arith.addi %mul3A_2, %mul3A_9 : i32
      %add3A_112 = arith.constant 13 : i32
      %add3A_113 = arith.addi %add3A_111, %add3A_112 : i32
      %lt3A_114 = arith.constant 7812 : i32
      %lt3A_115 = arith.cmpi slt, %add3A_113, %lt3A_114 : i32
      %convert_element_type3A_116 = arith.extui %lt3A_115 : i1 to i32
      %cond3A_117 = arith.constant 0 : i32
      %cond3A_118 = arith.cmpi ne, %convert_element_type3A_116, %cond3A_117 : i32
      scf.if %cond3A_118 {
        %jit3A = arith.constant 1953 : i32
        %div3A = arith.divsi %add3A_113, %jit3A : i32
        %sign3A = arith.constant 0 : i32
        %sign3A_391 = arith.cmpi sgt, %add3A_113, %sign3A : i32
        %sign3A_392 = arith.extui %sign3A_391 : i1 to i32
        %sign3A_393 = arith.constant 0 : i32
        %sign3A_394 = arith.cmpi slt, %add3A_113, %sign3A_393 : i32
        %sign3A_395 = arith.extui %sign3A_394 : i1 to i32
        %sign3A_396 = arith.subi %sign3A_392, %sign3A_395 : i32
        %sign3A_397 = arith.constant 0 : i32
        %sign3A_398 = arith.cmpi sgt, %jit3A, %sign3A_397 : i32
        %sign3A_399 = arith.extui %sign3A_398 : i1 to i32
        %sign3A_400 = arith.constant 0 : i32
        %sign3A_401 = arith.cmpi slt, %jit3A, %sign3A_400 : i32
        %sign3A_402 = arith.extui %sign3A_401 : i1 to i32
        %sign3A_403 = arith.subi %sign3A_399, %sign3A_402 : i32
        %ne3A = arith.cmpi ne, %sign3A_396, %sign3A_403 : i32
        %rem3A = arith.remsi %add3A_113, %jit3A : i32
        %ne3A_404 = arith.constant 0 : i32
        %ne3A_405 = arith.cmpi ne, %rem3A, %ne3A_404 : i32
        %and3A = arith.andi %ne3A, %ne3A_405 : i1
        %sub3A = arith.constant 1 : i32
        %sub3A_406 = arith.subi %div3A, %sub3A : i32
        %select_n3A = arith.select %and3A, %sub3A_406, %div3A : i32
        %jit3A_407 = arith.constant 1953 : i32
        %eq3A = arith.constant 0 : i32
        %eq3A_408 = arith.cmpi eq, %jit3A_407, %eq3A : i32
        %jit3A_409 = arith.constant 1 : i32
        %select_n3A_410 = arith.select %eq3A_408, %jit3A_409, %jit3A_407 : i32
        %rem3A_411 = arith.remsi %add3A_113, %select_n3A_410 : i32
        %ne3A_412 = arith.constant 0 : i32
        %ne3A_413 = arith.cmpi ne, %rem3A_411, %ne3A_412 : i32
        %lt3A_414 = arith.constant 0 : i32
        %lt3A_415 = arith.cmpi slt, %rem3A_411, %lt3A_414 : i32
        %lt3A_416 = arith.constant 0 : i32
        %lt3A_417 = arith.cmpi slt, %select_n3A_410, %lt3A_416 : i32
        %ne3A_418 = arith.xori %lt3A_415, %lt3A_417 : i1
        %and3A_419 = arith.andi %ne3A_418, %ne3A_413 : i1
        %add3A_420 = arith.addi %rem3A_411, %select_n3A_410 : i32
        %select_n3A_421 = arith.select %and3A_419, %add3A_420, %rem3A_411 : i32
        %mul3A_422 = arith.constant 256 : i32
        %mul3A_423 = arith.muli %select_n3A_421, %mul3A_422 : i32
        %multiple_of3A = tpu.assume_multiple %mul3A_423, 256 : i32
        %dma_start3A = arith.constant 0 : i32
        %dma_start3A_424 = arith.constant 0 : i32
        %dma_start3A_425 = tpu.memref_slice %arg17[%dma_start3A, %dma_start3A_424] : memref<8x128xf32, #tpu.memory_space<vmem>> -> memref<4x128xf32, #tpu.memory_space<vmem>>
        %dma_start3A_426 = arith.constant 0 : i32
        %dma_start3A_427 = tpu.memref_slice %arg2[%select_n3A, %dma_start3A_426, %multiple_of3A] : memref<4x4x500000xf32, #tpu.memory_space<hbm>> -> memref<1x4x128xf32, #tpu.memory_space<hbm>>
        %dma_start3A_428 = tpu.memref_squeeze %dma_start3A_427 : memref<1x4x128xf32, #tpu.memory_space<hbm>> -> memref<4x128xf32, #tpu.memory_space<hbm>>
        %dma_start3A_429 = arith.constant 0 : i32
        %dma_start3A_430 = arith.constant 0 : i32
        %dma_start3A_431 = tpu.memref_slice %arg17[%dma_start3A_429, %dma_start3A_430] : memref<8x128xf32, #tpu.memory_space<vmem>> -> memref<4x128xf32, #tpu.memory_space<vmem>>
        %dma_start3A_432 = arith.constant 0 : i32
        %dma_start3A_433 = tpu.memref_slice %arg2[%select_n3A, %dma_start3A_432, %multiple_of3A] : memref<4x4x500000xf32, #tpu.memory_space<hbm>> -> memref<1x4x128xf32, #tpu.memory_space<hbm>>
        %dma_start3A_434 = tpu.memref_squeeze %dma_start3A_433 : memref<1x4x128xf32, #tpu.memory_space<hbm>> -> memref<4x128xf32, #tpu.memory_space<hbm>>
        tpu.enqueue_dma source(%dma_start3A_434 : memref<4x128xf32, #tpu.memory_space<hbm>>) target(%dma_start3A_431 : memref<4x128xf32, #tpu.memory_space<vmem>>) target_semaphore(%arg20 : memref<!tpu.dma_semaphore, #tpu.memory_space<semaphore_mem>>)
        %add3A_435 = arith.constant 128 : i32
        %add3A_436 = arith.addi %multiple_of3A, %add3A_435 : i32
        %dma_start3A_437 = arith.constant 4 : i32
        %dma_start3A_438 = arith.constant 0 : i32
        %dma_start3A_439 = tpu.memref_slice %arg17[%dma_start3A_437, %dma_start3A_438] : memref<8x128xf32, #tpu.memory_space<vmem>> -> memref<4x128xf32, #tpu.memory_space<vmem>>
        %dma_start3A_440 = arith.constant 0 : i32
        %dma_start3A_441 = tpu.memref_slice %arg2[%select_n3A, %dma_start3A_440, %add3A_436] : memref<4x4x500000xf32, #tpu.memory_space<hbm>> -> memref<1x4x128xf32, #tpu.memory_space<hbm>>
        %dma_start3A_442 = tpu.memref_squeeze %dma_start3A_441 : memref<1x4x128xf32, #tpu.memory_space<hbm>> -> memref<4x128xf32, #tpu.memory_space<hbm>>
        %dma_start3A_443 = arith.constant 4 : i32
        %dma_start3A_444 = arith.constant 0 : i32
        %dma_start3A_445 = tpu.memref_slice %arg17[%dma_start3A_443, %dma_start3A_444] : memref<8x128xf32, #tpu.memory_space<vmem>> -> memref<4x128xf32, #tpu.memory_space<vmem>>
        %dma_start3A_446 = arith.constant 0 : i32
        %dma_start3A_447 = tpu.memref_slice %arg2[%select_n3A, %dma_start3A_446, %add3A_436] : memref<4x4x500000xf32, #tpu.memory_space<hbm>> -> memref<1x4x128xf32, #tpu.memory_space<hbm>>
        %dma_start3A_448 = tpu.memref_squeeze %dma_start3A_447 : memref<1x4x128xf32, #tpu.memory_space<hbm>> -> memref<4x128xf32, #tpu.memory_space<hbm>>
        tpu.enqueue_dma source(%dma_start3A_448 : memref<4x128xf32, #tpu.memory_space<hbm>>) target(%dma_start3A_445 : memref<4x128xf32, #tpu.memory_space<vmem>>) target_semaphore(%arg20 : memref<!tpu.dma_semaphore, #tpu.memory_space<semaphore_mem>>)
      } else {
      }
      %add3A_119 = arith.addi %mul3A_2, %mul3A_9 : i32
      %add3A_120 = arith.constant 14 : i32
      %add3A_121 = arith.addi %add3A_119, %add3A_120 : i32
      %lt3A_122 = arith.constant 7812 : i32
      %lt3A_123 = arith.cmpi slt, %add3A_121, %lt3A_122 : i32
      %convert_element_type3A_124 = arith.extui %lt3A_123 : i1 to i32
      %cond3A_125 = arith.constant 0 : i32
      %cond3A_126 = arith.cmpi ne, %convert_element_type3A_124, %cond3A_125 : i32
      scf.if %cond3A_126 {
        %jit3A = arith.constant 1953 : i32
        %div3A = arith.divsi %add3A_121, %jit3A : i32
        %sign3A = arith.constant 0 : i32
        %sign3A_391 = arith.cmpi sgt, %add3A_121, %sign3A : i32
        %sign3A_392 = arith.extui %sign3A_391 : i1 to i32
        %sign3A_393 = arith.constant 0 : i32
        %sign3A_394 = arith.cmpi slt, %add3A_121, %sign3A_393 : i32
        %sign3A_395 = arith.extui %sign3A_394 : i1 to i32
        %sign3A_396 = arith.subi %sign3A_392, %sign3A_395 : i32
        %sign3A_397 = arith.constant 0 : i32
        %sign3A_398 = arith.cmpi sgt, %jit3A, %sign3A_397 : i32
        %sign3A_399 = arith.extui %sign3A_398 : i1 to i32
        %sign3A_400 = arith.constant 0 : i32
        %sign3A_401 = arith.cmpi slt, %jit3A, %sign3A_400 : i32
        %sign3A_402 = arith.extui %sign3A_401 : i1 to i32
        %sign3A_403 = arith.subi %sign3A_399, %sign3A_402 : i32
        %ne3A = arith.cmpi ne, %sign3A_396, %sign3A_403 : i32
        %rem3A = arith.remsi %add3A_121, %jit3A : i32
        %ne3A_404 = arith.constant 0 : i32
        %ne3A_405 = arith.cmpi ne, %rem3A, %ne3A_404 : i32
        %and3A = arith.andi %ne3A, %ne3A_405 : i1
        %sub3A = arith.constant 1 : i32
        %sub3A_406 = arith.subi %div3A, %sub3A : i32
        %select_n3A = arith.select %and3A, %sub3A_406, %div3A : i32
        %jit3A_407 = arith.constant 1953 : i32
        %eq3A = arith.constant 0 : i32
        %eq3A_408 = arith.cmpi eq, %jit3A_407, %eq3A : i32
        %jit3A_409 = arith.constant 1 : i32
        %select_n3A_410 = arith.select %eq3A_408, %jit3A_409, %jit3A_407 : i32
        %rem3A_411 = arith.remsi %add3A_121, %select_n3A_410 : i32
        %ne3A_412 = arith.constant 0 : i32
        %ne3A_413 = arith.cmpi ne, %rem3A_411, %ne3A_412 : i32
        %lt3A_414 = arith.constant 0 : i32
        %lt3A_415 = arith.cmpi slt, %rem3A_411, %lt3A_414 : i32
        %lt3A_416 = arith.constant 0 : i32
        %lt3A_417 = arith.cmpi slt, %select_n3A_410, %lt3A_416 : i32
        %ne3A_418 = arith.xori %lt3A_415, %lt3A_417 : i1
        %and3A_419 = arith.andi %ne3A_418, %ne3A_413 : i1
        %add3A_420 = arith.addi %rem3A_411, %select_n3A_410 : i32
        %select_n3A_421 = arith.select %and3A_419, %add3A_420, %rem3A_411 : i32
        %mul3A_422 = arith.constant 256 : i32
        %mul3A_423 = arith.muli %select_n3A_421, %mul3A_422 : i32
        %multiple_of3A = tpu.assume_multiple %mul3A_423, 256 : i32
        %dma_start3A = arith.constant 0 : i32
        %dma_start3A_424 = arith.constant 0 : i32
        %dma_start3A_425 = tpu.memref_slice %arg18[%dma_start3A, %dma_start3A_424] : memref<8x128xf32, #tpu.memory_space<vmem>> -> memref<4x128xf32, #tpu.memory_space<vmem>>
        %dma_start3A_426 = arith.constant 0 : i32
        %dma_start3A_427 = tpu.memref_slice %arg2[%select_n3A, %dma_start3A_426, %multiple_of3A] : memref<4x4x500000xf32, #tpu.memory_space<hbm>> -> memref<1x4x128xf32, #tpu.memory_space<hbm>>
        %dma_start3A_428 = tpu.memref_squeeze %dma_start3A_427 : memref<1x4x128xf32, #tpu.memory_space<hbm>> -> memref<4x128xf32, #tpu.memory_space<hbm>>
        %dma_start3A_429 = arith.constant 0 : i32
        %dma_start3A_430 = arith.constant 0 : i32
        %dma_start3A_431 = tpu.memref_slice %arg18[%dma_start3A_429, %dma_start3A_430] : memref<8x128xf32, #tpu.memory_space<vmem>> -> memref<4x128xf32, #tpu.memory_space<vmem>>
        %dma_start3A_432 = arith.constant 0 : i32
        %dma_start3A_433 = tpu.memref_slice %arg2[%select_n3A, %dma_start3A_432, %multiple_of3A] : memref<4x4x500000xf32, #tpu.memory_space<hbm>> -> memref<1x4x128xf32, #tpu.memory_space<hbm>>
        %dma_start3A_434 = tpu.memref_squeeze %dma_start3A_433 : memref<1x4x128xf32, #tpu.memory_space<hbm>> -> memref<4x128xf32, #tpu.memory_space<hbm>>
        tpu.enqueue_dma source(%dma_start3A_434 : memref<4x128xf32, #tpu.memory_space<hbm>>) target(%dma_start3A_431 : memref<4x128xf32, #tpu.memory_space<vmem>>) target_semaphore(%arg20 : memref<!tpu.dma_semaphore, #tpu.memory_space<semaphore_mem>>)
        %add3A_435 = arith.constant 128 : i32
        %add3A_436 = arith.addi %multiple_of3A, %add3A_435 : i32
        %dma_start3A_437 = arith.constant 4 : i32
        %dma_start3A_438 = arith.constant 0 : i32
        %dma_start3A_439 = tpu.memref_slice %arg18[%dma_start3A_437, %dma_start3A_438] : memref<8x128xf32, #tpu.memory_space<vmem>> -> memref<4x128xf32, #tpu.memory_space<vmem>>
        %dma_start3A_440 = arith.constant 0 : i32
        %dma_start3A_441 = tpu.memref_slice %arg2[%select_n3A, %dma_start3A_440, %add3A_436] : memref<4x4x500000xf32, #tpu.memory_space<hbm>> -> memref<1x4x128xf32, #tpu.memory_space<hbm>>
        %dma_start3A_442 = tpu.memref_squeeze %dma_start3A_441 : memref<1x4x128xf32, #tpu.memory_space<hbm>> -> memref<4x128xf32, #tpu.memory_space<hbm>>
        %dma_start3A_443 = arith.constant 4 : i32
        %dma_start3A_444 = arith.constant 0 : i32
        %dma_start3A_445 = tpu.memref_slice %arg18[%dma_start3A_443, %dma_start3A_444] : memref<8x128xf32, #tpu.memory_space<vmem>> -> memref<4x128xf32, #tpu.memory_space<vmem>>
        %dma_start3A_446 = arith.constant 0 : i32
        %dma_start3A_447 = tpu.memref_slice %arg2[%select_n3A, %dma_start3A_446, %add3A_436] : memref<4x4x500000xf32, #tpu.memory_space<hbm>> -> memref<1x4x128xf32, #tpu.memory_space<hbm>>
        %dma_start3A_448 = tpu.memref_squeeze %dma_start3A_447 : memref<1x4x128xf32, #tpu.memory_space<hbm>> -> memref<4x128xf32, #tpu.memory_space<hbm>>
        tpu.enqueue_dma source(%dma_start3A_448 : memref<4x128xf32, #tpu.memory_space<hbm>>) target(%dma_start3A_445 : memref<4x128xf32, #tpu.memory_space<vmem>>) target_semaphore(%arg20 : memref<!tpu.dma_semaphore, #tpu.memory_space<semaphore_mem>>)
      } else {
      }
      %add3A_127 = arith.addi %mul3A_2, %mul3A_9 : i32
      %add3A_128 = arith.constant 15 : i32
      %add3A_129 = arith.addi %add3A_127, %add3A_128 : i32
      %lt3A_130 = arith.constant 7812 : i32
      %lt3A_131 = arith.cmpi slt, %add3A_129, %lt3A_130 : i32
      %convert_element_type3A_132 = arith.extui %lt3A_131 : i1 to i32
      %cond3A_133 = arith.constant 0 : i32
      %cond3A_134 = arith.cmpi ne, %convert_element_type3A_132, %cond3A_133 : i32
      scf.if %cond3A_134 {
        %jit3A = arith.constant 1953 : i32
        %div3A = arith.divsi %add3A_129, %jit3A : i32
        %sign3A = arith.constant 0 : i32
        %sign3A_391 = arith.cmpi sgt, %add3A_129, %sign3A : i32
        %sign3A_392 = arith.extui %sign3A_391 : i1 to i32
        %sign3A_393 = arith.constant 0 : i32
        %sign3A_394 = arith.cmpi slt, %add3A_129, %sign3A_393 : i32
        %sign3A_395 = arith.extui %sign3A_394 : i1 to i32
        %sign3A_396 = arith.subi %sign3A_392, %sign3A_395 : i32
        %sign3A_397 = arith.constant 0 : i32
        %sign3A_398 = arith.cmpi sgt, %jit3A, %sign3A_397 : i32
        %sign3A_399 = arith.extui %sign3A_398 : i1 to i32
        %sign3A_400 = arith.constant 0 : i32
        %sign3A_401 = arith.cmpi slt, %jit3A, %sign3A_400 : i32
        %sign3A_402 = arith.extui %sign3A_401 : i1 to i32
        %sign3A_403 = arith.subi %sign3A_399, %sign3A_402 : i32
        %ne3A = arith.cmpi ne, %sign3A_396, %sign3A_403 : i32
        %rem3A = arith.remsi %add3A_129, %jit3A : i32
        %ne3A_404 = arith.constant 0 : i32
        %ne3A_405 = arith.cmpi ne, %rem3A, %ne3A_404 : i32
        %and3A = arith.andi %ne3A, %ne3A_405 : i1
        %sub3A = arith.constant 1 : i32
        %sub3A_406 = arith.subi %div3A, %sub3A : i32
        %select_n3A = arith.select %and3A, %sub3A_406, %div3A : i32
        %jit3A_407 = arith.constant 1953 : i32
        %eq3A = arith.constant 0 : i32
        %eq3A_408 = arith.cmpi eq, %jit3A_407, %eq3A : i32
        %jit3A_409 = arith.constant 1 : i32
        %select_n3A_410 = arith.select %eq3A_408, %jit3A_409, %jit3A_407 : i32
        %rem3A_411 = arith.remsi %add3A_129, %select_n3A_410 : i32
        %ne3A_412 = arith.constant 0 : i32
        %ne3A_413 = arith.cmpi ne, %rem3A_411, %ne3A_412 : i32
        %lt3A_414 = arith.constant 0 : i32
        %lt3A_415 = arith.cmpi slt, %rem3A_411, %lt3A_414 : i32
        %lt3A_416 = arith.constant 0 : i32
        %lt3A_417 = arith.cmpi slt, %select_n3A_410, %lt3A_416 : i32
        %ne3A_418 = arith.xori %lt3A_415, %lt3A_417 : i1
        %and3A_419 = arith.andi %ne3A_418, %ne3A_413 : i1
        %add3A_420 = arith.addi %rem3A_411, %select_n3A_410 : i32
        %select_n3A_421 = arith.select %and3A_419, %add3A_420, %rem3A_411 : i32
        %mul3A_422 = arith.constant 256 : i32
        %mul3A_423 = arith.muli %select_n3A_421, %mul3A_422 : i32
        %multiple_of3A = tpu.assume_multiple %mul3A_423, 256 : i32
        %dma_start3A = arith.constant 0 : i32
        %dma_start3A_424 = arith.constant 0 : i32
        %dma_start3A_425 = tpu.memref_slice %arg19[%dma_start3A, %dma_start3A_424] : memref<8x128xf32, #tpu.memory_space<vmem>> -> memref<4x128xf32, #tpu.memory_space<vmem>>
        %dma_start3A_426 = arith.constant 0 : i32
        %dma_start3A_427 = tpu.memref_slice %arg2[%select_n3A, %dma_start3A_426, %multiple_of3A] : memref<4x4x500000xf32, #tpu.memory_space<hbm>> -> memref<1x4x128xf32, #tpu.memory_space<hbm>>
        %dma_start3A_428 = tpu.memref_squeeze %dma_start3A_427 : memref<1x4x128xf32, #tpu.memory_space<hbm>> -> memref<4x128xf32, #tpu.memory_space<hbm>>
        %dma_start3A_429 = arith.constant 0 : i32
        %dma_start3A_430 = arith.constant 0 : i32
        %dma_start3A_431 = tpu.memref_slice %arg19[%dma_start3A_429, %dma_start3A_430] : memref<8x128xf32, #tpu.memory_space<vmem>> -> memref<4x128xf32, #tpu.memory_space<vmem>>
        %dma_start3A_432 = arith.constant 0 : i32
        %dma_start3A_433 = tpu.memref_slice %arg2[%select_n3A, %dma_start3A_432, %multiple_of3A] : memref<4x4x500000xf32, #tpu.memory_space<hbm>> -> memref<1x4x128xf32, #tpu.memory_space<hbm>>
        %dma_start3A_434 = tpu.memref_squeeze %dma_start3A_433 : memref<1x4x128xf32, #tpu.memory_space<hbm>> -> memref<4x128xf32, #tpu.memory_space<hbm>>
        tpu.enqueue_dma source(%dma_start3A_434 : memref<4x128xf32, #tpu.memory_space<hbm>>) target(%dma_start3A_431 : memref<4x128xf32, #tpu.memory_space<vmem>>) target_semaphore(%arg20 : memref<!tpu.dma_semaphore, #tpu.memory_space<semaphore_mem>>)
        %add3A_435 = arith.constant 128 : i32
        %add3A_436 = arith.addi %multiple_of3A, %add3A_435 : i32
        %dma_start3A_437 = arith.constant 4 : i32
        %dma_start3A_438 = arith.constant 0 : i32
        %dma_start3A_439 = tpu.memref_slice %arg19[%dma_start3A_437, %dma_start3A_438] : memref<8x128xf32, #tpu.memory_space<vmem>> -> memref<4x128xf32, #tpu.memory_space<vmem>>
        %dma_start3A_440 = arith.constant 0 : i32
        %dma_start3A_441 = tpu.memref_slice %arg2[%select_n3A, %dma_start3A_440, %add3A_436] : memref<4x4x500000xf32, #tpu.memory_space<hbm>> -> memref<1x4x128xf32, #tpu.memory_space<hbm>>
        %dma_start3A_442 = tpu.memref_squeeze %dma_start3A_441 : memref<1x4x128xf32, #tpu.memory_space<hbm>> -> memref<4x128xf32, #tpu.memory_space<hbm>>
        %dma_start3A_443 = arith.constant 4 : i32
        %dma_start3A_444 = arith.constant 0 : i32
        %dma_start3A_445 = tpu.memref_slice %arg19[%dma_start3A_443, %dma_start3A_444] : memref<8x128xf32, #tpu.memory_space<vmem>> -> memref<4x128xf32, #tpu.memory_space<vmem>>
        %dma_start3A_446 = arith.constant 0 : i32
        %dma_start3A_447 = tpu.memref_slice %arg2[%select_n3A, %dma_start3A_446, %add3A_436] : memref<4x4x500000xf32, #tpu.memory_space<hbm>> -> memref<1x4x128xf32, #tpu.memory_space<hbm>>
        %dma_start3A_448 = tpu.memref_squeeze %dma_start3A_447 : memref<1x4x128xf32, #tpu.memory_space<hbm>> -> memref<4x128xf32, #tpu.memory_space<hbm>>
        tpu.enqueue_dma source(%dma_start3A_448 : memref<4x128xf32, #tpu.memory_space<hbm>>) target(%dma_start3A_445 : memref<4x128xf32, #tpu.memory_space<vmem>>) target_semaphore(%arg20 : memref<!tpu.dma_semaphore, #tpu.memory_space<semaphore_mem>>)
      } else {
      }
      %add3A_135 = arith.addi %mul3A_2, %mul3A_9 : i32
      %add3A_136 = arith.constant 0 : i32
      %add3A_137 = arith.addi %add3A_135, %add3A_136 : i32
      %lt3A_138 = arith.constant 7812 : i32
      %lt3A_139 = arith.cmpi slt, %add3A_137, %lt3A_138 : i32
      %convert_element_type3A_140 = arith.extui %lt3A_139 : i1 to i32
      %cond3A_141 = arith.constant 0 : i32
      %cond3A_142 = arith.cmpi ne, %convert_element_type3A_140, %cond3A_141 : i32
      scf.if %cond3A_142 {
        %dma_wait3A = arith.constant 0 : i32
        %dma_wait3A_391 = arith.constant 0 : i32
        %dma_wait3A_392 = arith.constant 0 : i32
        %dma_wait3A_393 = tpu.memref_slice %arg4[%dma_wait3A_391, %dma_wait3A_392] : memref<8x128xf32, #tpu.memory_space<vmem>> -> memref<4x128xf32, #tpu.memory_space<vmem>>
        %dma_wait3A_394 = arith.constant 0 : i32
        %dma_wait3A_395 = arith.constant 0 : i32
        %dma_wait3A_396 = tpu.memref_slice %arg2[%dma_wait3A, %dma_wait3A_394, %dma_wait3A_395] : memref<4x4x500000xf32, #tpu.memory_space<hbm>> -> memref<1x4x128xf32, #tpu.memory_space<hbm>>
        %dma_wait3A_397 = tpu.memref_squeeze %dma_wait3A_396 : memref<1x4x128xf32, #tpu.memory_space<hbm>> -> memref<4x128xf32, #tpu.memory_space<hbm>>
        %dma_wait3A_398 = arith.constant 0 : i32
        %dma_wait3A_399 = arith.constant 0 : i32
        %dma_wait3A_400 = tpu.memref_slice %arg4[%dma_wait3A_398, %dma_wait3A_399] : memref<8x128xf32, #tpu.memory_space<vmem>> -> memref<4x128xf32, #tpu.memory_space<vmem>>
        %dma_wait3A_401 = arith.constant 0 : i32
        %dma_wait3A_402 = arith.constant 0 : i32
        %dma_wait3A_403 = tpu.memref_slice %arg2[%dma_wait3A, %dma_wait3A_401, %dma_wait3A_402] : memref<4x4x500000xf32, #tpu.memory_space<hbm>> -> memref<1x4x128xf32, #tpu.memory_space<hbm>>
        %dma_wait3A_404 = tpu.memref_squeeze %dma_wait3A_403 : memref<1x4x128xf32, #tpu.memory_space<hbm>> -> memref<4x128xf32, #tpu.memory_space<hbm>>
        tpu.wait_dma2 semaphore(%arg20 : memref<!tpu.dma_semaphore, #tpu.memory_space<semaphore_mem>>) src(%dma_wait3A_404 : memref<4x128xf32, #tpu.memory_space<hbm>>) dst(%dma_wait3A_400 : memref<4x128xf32, #tpu.memory_space<vmem>>)
        %dma_wait3A_405 = arith.constant 0 : i32
        %dma_wait3A_406 = arith.constant 4 : i32
        %dma_wait3A_407 = arith.constant 0 : i32
        %dma_wait3A_408 = tpu.memref_slice %arg4[%dma_wait3A_406, %dma_wait3A_407] : memref<8x128xf32, #tpu.memory_space<vmem>> -> memref<4x128xf32, #tpu.memory_space<vmem>>
        %dma_wait3A_409 = arith.constant 0 : i32
        %dma_wait3A_410 = arith.constant 0 : i32
        %dma_wait3A_411 = tpu.memref_slice %arg2[%dma_wait3A_405, %dma_wait3A_409, %dma_wait3A_410] : memref<4x4x500000xf32, #tpu.memory_space<hbm>> -> memref<1x4x128xf32, #tpu.memory_space<hbm>>
        %dma_wait3A_412 = tpu.memref_squeeze %dma_wait3A_411 : memref<1x4x128xf32, #tpu.memory_space<hbm>> -> memref<4x128xf32, #tpu.memory_space<hbm>>
        %dma_wait3A_413 = arith.constant 4 : i32
        %dma_wait3A_414 = arith.constant 0 : i32
        %dma_wait3A_415 = tpu.memref_slice %arg4[%dma_wait3A_413, %dma_wait3A_414] : memref<8x128xf32, #tpu.memory_space<vmem>> -> memref<4x128xf32, #tpu.memory_space<vmem>>
        %dma_wait3A_416 = arith.constant 0 : i32
        %dma_wait3A_417 = arith.constant 0 : i32
        %dma_wait3A_418 = tpu.memref_slice %arg2[%dma_wait3A_405, %dma_wait3A_416, %dma_wait3A_417] : memref<4x4x500000xf32, #tpu.memory_space<hbm>> -> memref<1x4x128xf32, #tpu.memory_space<hbm>>
        %dma_wait3A_419 = tpu.memref_squeeze %dma_wait3A_418 : memref<1x4x128xf32, #tpu.memory_space<hbm>> -> memref<4x128xf32, #tpu.memory_space<hbm>>
        tpu.wait_dma2 semaphore(%arg20 : memref<!tpu.dma_semaphore, #tpu.memory_space<semaphore_mem>>) src(%dma_wait3A_419 : memref<4x128xf32, #tpu.memory_space<hbm>>) dst(%dma_wait3A_415 : memref<4x128xf32, #tpu.memory_space<vmem>>)
        %mul3A_420 = arith.constant 8 : i32
        %mul3A_421 = arith.muli %add3A_137, %mul3A_420 : i32
        %multiple_of3A = tpu.assume_multiple %mul3A_421, 8 : i32
        %dma_start3A = arith.constant 0 : i32
        %dma_start3A_422 = tpu.memref_slice %arg3[%multiple_of3A, %dma_start3A] : memref<62496x128xf32, #tpu.memory_space<hbm>> -> memref<8x128xf32, #tpu.memory_space<hbm>>
        %dma_start3A_423 = arith.constant 0 : i32
        %dma_start3A_424 = tpu.memref_slice %arg3[%multiple_of3A, %dma_start3A_423] : memref<62496x128xf32, #tpu.memory_space<hbm>> -> memref<8x128xf32, #tpu.memory_space<hbm>>
        tpu.enqueue_dma source(%arg4 : memref<8x128xf32, #tpu.memory_space<vmem>>) target(%dma_start3A_424 : memref<8x128xf32, #tpu.memory_space<hbm>>) target_semaphore(%arg21 : memref<!tpu.dma_semaphore, #tpu.memory_space<semaphore_mem>>)
      } else {
      }
      %add3A_143 = arith.addi %mul3A_2, %mul3A_9 : i32
      %add3A_144 = arith.constant 1 : i32
      %add3A_145 = arith.addi %add3A_143, %add3A_144 : i32
      %lt3A_146 = arith.constant 7812 : i32
      %lt3A_147 = arith.cmpi slt, %add3A_145, %lt3A_146 : i32
      %convert_element_type3A_148 = arith.extui %lt3A_147 : i1 to i32
      %cond3A_149 = arith.constant 0 : i32
      %cond3A_150 = arith.cmpi ne, %convert_element_type3A_148, %cond3A_149 : i32
      scf.if %cond3A_150 {
        %dma_wait3A = arith.constant 0 : i32
        %dma_wait3A_391 = arith.constant 0 : i32
        %dma_wait3A_392 = arith.constant 0 : i32
        %dma_wait3A_393 = tpu.memref_slice %arg5[%dma_wait3A_391, %dma_wait3A_392] : memref<8x128xf32, #tpu.memory_space<vmem>> -> memref<4x128xf32, #tpu.memory_space<vmem>>
        %dma_wait3A_394 = arith.constant 0 : i32
        %dma_wait3A_395 = arith.constant 0 : i32
        %dma_wait3A_396 = tpu.memref_slice %arg2[%dma_wait3A, %dma_wait3A_394, %dma_wait3A_395] : memref<4x4x500000xf32, #tpu.memory_space<hbm>> -> memref<1x4x128xf32, #tpu.memory_space<hbm>>
        %dma_wait3A_397 = tpu.memref_squeeze %dma_wait3A_396 : memref<1x4x128xf32, #tpu.memory_space<hbm>> -> memref<4x128xf32, #tpu.memory_space<hbm>>
        %dma_wait3A_398 = arith.constant 0 : i32
        %dma_wait3A_399 = arith.constant 0 : i32
        %dma_wait3A_400 = tpu.memref_slice %arg5[%dma_wait3A_398, %dma_wait3A_399] : memref<8x128xf32, #tpu.memory_space<vmem>> -> memref<4x128xf32, #tpu.memory_space<vmem>>
        %dma_wait3A_401 = arith.constant 0 : i32
        %dma_wait3A_402 = arith.constant 0 : i32
        %dma_wait3A_403 = tpu.memref_slice %arg2[%dma_wait3A, %dma_wait3A_401, %dma_wait3A_402] : memref<4x4x500000xf32, #tpu.memory_space<hbm>> -> memref<1x4x128xf32, #tpu.memory_space<hbm>>
        %dma_wait3A_404 = tpu.memref_squeeze %dma_wait3A_403 : memref<1x4x128xf32, #tpu.memory_space<hbm>> -> memref<4x128xf32, #tpu.memory_space<hbm>>
        tpu.wait_dma2 semaphore(%arg20 : memref<!tpu.dma_semaphore, #tpu.memory_space<semaphore_mem>>) src(%dma_wait3A_404 : memref<4x128xf32, #tpu.memory_space<hbm>>) dst(%dma_wait3A_400 : memref<4x128xf32, #tpu.memory_space<vmem>>)
        %dma_wait3A_405 = arith.constant 0 : i32
        %dma_wait3A_406 = arith.constant 4 : i32
        %dma_wait3A_407 = arith.constant 0 : i32
        %dma_wait3A_408 = tpu.memref_slice %arg5[%dma_wait3A_406, %dma_wait3A_407] : memref<8x128xf32, #tpu.memory_space<vmem>> -> memref<4x128xf32, #tpu.memory_space<vmem>>
        %dma_wait3A_409 = arith.constant 0 : i32
        %dma_wait3A_410 = arith.constant 0 : i32
        %dma_wait3A_411 = tpu.memref_slice %arg2[%dma_wait3A_405, %dma_wait3A_409, %dma_wait3A_410] : memref<4x4x500000xf32, #tpu.memory_space<hbm>> -> memref<1x4x128xf32, #tpu.memory_space<hbm>>
        %dma_wait3A_412 = tpu.memref_squeeze %dma_wait3A_411 : memref<1x4x128xf32, #tpu.memory_space<hbm>> -> memref<4x128xf32, #tpu.memory_space<hbm>>
        %dma_wait3A_413 = arith.constant 4 : i32
        %dma_wait3A_414 = arith.constant 0 : i32
        %dma_wait3A_415 = tpu.memref_slice %arg5[%dma_wait3A_413, %dma_wait3A_414] : memref<8x128xf32, #tpu.memory_space<vmem>> -> memref<4x128xf32, #tpu.memory_space<vmem>>
        %dma_wait3A_416 = arith.constant 0 : i32
        %dma_wait3A_417 = arith.constant 0 : i32
        %dma_wait3A_418 = tpu.memref_slice %arg2[%dma_wait3A_405, %dma_wait3A_416, %dma_wait3A_417] : memref<4x4x500000xf32, #tpu.memory_space<hbm>> -> memref<1x4x128xf32, #tpu.memory_space<hbm>>
        %dma_wait3A_419 = tpu.memref_squeeze %dma_wait3A_418 : memref<1x4x128xf32, #tpu.memory_space<hbm>> -> memref<4x128xf32, #tpu.memory_space<hbm>>
        tpu.wait_dma2 semaphore(%arg20 : memref<!tpu.dma_semaphore, #tpu.memory_space<semaphore_mem>>) src(%dma_wait3A_419 : memref<4x128xf32, #tpu.memory_space<hbm>>) dst(%dma_wait3A_415 : memref<4x128xf32, #tpu.memory_space<vmem>>)
        %mul3A_420 = arith.constant 8 : i32
        %mul3A_421 = arith.muli %add3A_145, %mul3A_420 : i32
        %multiple_of3A = tpu.assume_multiple %mul3A_421, 8 : i32
        %dma_start3A = arith.constant 0 : i32
        %dma_start3A_422 = tpu.memref_slice %arg3[%multiple_of3A, %dma_start3A] : memref<62496x128xf32, #tpu.memory_space<hbm>> -> memref<8x128xf32, #tpu.memory_space<hbm>>
        %dma_start3A_423 = arith.constant 0 : i32
        %dma_start3A_424 = tpu.memref_slice %arg3[%multiple_of3A, %dma_start3A_423] : memref<62496x128xf32, #tpu.memory_space<hbm>> -> memref<8x128xf32, #tpu.memory_space<hbm>>
        tpu.enqueue_dma source(%arg5 : memref<8x128xf32, #tpu.memory_space<vmem>>) target(%dma_start3A_424 : memref<8x128xf32, #tpu.memory_space<hbm>>) target_semaphore(%arg21 : memref<!tpu.dma_semaphore, #tpu.memory_space<semaphore_mem>>)
      } else {
      }
      %add3A_151 = arith.addi %mul3A_2, %mul3A_9 : i32
      %add3A_152 = arith.constant 2 : i32
      %add3A_153 = arith.addi %add3A_151, %add3A_152 : i32
      %lt3A_154 = arith.constant 7812 : i32
      %lt3A_155 = arith.cmpi slt, %add3A_153, %lt3A_154 : i32
      %convert_element_type3A_156 = arith.extui %lt3A_155 : i1 to i32
      %cond3A_157 = arith.constant 0 : i32
      %cond3A_158 = arith.cmpi ne, %convert_element_type3A_156, %cond3A_157 : i32
      scf.if %cond3A_158 {
        %dma_wait3A = arith.constant 0 : i32
        %dma_wait3A_391 = arith.constant 0 : i32
        %dma_wait3A_392 = arith.constant 0 : i32
        %dma_wait3A_393 = tpu.memref_slice %arg6[%dma_wait3A_391, %dma_wait3A_392] : memref<8x128xf32, #tpu.memory_space<vmem>> -> memref<4x128xf32, #tpu.memory_space<vmem>>
        %dma_wait3A_394 = arith.constant 0 : i32
        %dma_wait3A_395 = arith.constant 0 : i32
        %dma_wait3A_396 = tpu.memref_slice %arg2[%dma_wait3A, %dma_wait3A_394, %dma_wait3A_395] : memref<4x4x500000xf32, #tpu.memory_space<hbm>> -> memref<1x4x128xf32, #tpu.memory_space<hbm>>
        %dma_wait3A_397 = tpu.memref_squeeze %dma_wait3A_396 : memref<1x4x128xf32, #tpu.memory_space<hbm>> -> memref<4x128xf32, #tpu.memory_space<hbm>>
        %dma_wait3A_398 = arith.constant 0 : i32
        %dma_wait3A_399 = arith.constant 0 : i32
        %dma_wait3A_400 = tpu.memref_slice %arg6[%dma_wait3A_398, %dma_wait3A_399] : memref<8x128xf32, #tpu.memory_space<vmem>> -> memref<4x128xf32, #tpu.memory_space<vmem>>
        %dma_wait3A_401 = arith.constant 0 : i32
        %dma_wait3A_402 = arith.constant 0 : i32
        %dma_wait3A_403 = tpu.memref_slice %arg2[%dma_wait3A, %dma_wait3A_401, %dma_wait3A_402] : memref<4x4x500000xf32, #tpu.memory_space<hbm>> -> memref<1x4x128xf32, #tpu.memory_space<hbm>>
        %dma_wait3A_404 = tpu.memref_squeeze %dma_wait3A_403 : memref<1x4x128xf32, #tpu.memory_space<hbm>> -> memref<4x128xf32, #tpu.memory_space<hbm>>
        tpu.wait_dma2 semaphore(%arg20 : memref<!tpu.dma_semaphore, #tpu.memory_space<semaphore_mem>>) src(%dma_wait3A_404 : memref<4x128xf32, #tpu.memory_space<hbm>>) dst(%dma_wait3A_400 : memref<4x128xf32, #tpu.memory_space<vmem>>)
        %dma_wait3A_405 = arith.constant 0 : i32
        %dma_wait3A_406 = arith.constant 4 : i32
        %dma_wait3A_407 = arith.constant 0 : i32
        %dma_wait3A_408 = tpu.memref_slice %arg6[%dma_wait3A_406, %dma_wait3A_407] : memref<8x128xf32, #tpu.memory_space<vmem>> -> memref<4x128xf32, #tpu.memory_space<vmem>>
        %dma_wait3A_409 = arith.constant 0 : i32
        %dma_wait3A_410 = arith.constant 0 : i32
        %dma_wait3A_411 = tpu.memref_slice %arg2[%dma_wait3A_405, %dma_wait3A_409, %dma_wait3A_410] : memref<4x4x500000xf32, #tpu.memory_space<hbm>> -> memref<1x4x128xf32, #tpu.memory_space<hbm>>
        %dma_wait3A_412 = tpu.memref_squeeze %dma_wait3A_411 : memref<1x4x128xf32, #tpu.memory_space<hbm>> -> memref<4x128xf32, #tpu.memory_space<hbm>>
        %dma_wait3A_413 = arith.constant 4 : i32
        %dma_wait3A_414 = arith.constant 0 : i32
        %dma_wait3A_415 = tpu.memref_slice %arg6[%dma_wait3A_413, %dma_wait3A_414] : memref<8x128xf32, #tpu.memory_space<vmem>> -> memref<4x128xf32, #tpu.memory_space<vmem>>
        %dma_wait3A_416 = arith.constant 0 : i32
        %dma_wait3A_417 = arith.constant 0 : i32
        %dma_wait3A_418 = tpu.memref_slice %arg2[%dma_wait3A_405, %dma_wait3A_416, %dma_wait3A_417] : memref<4x4x500000xf32, #tpu.memory_space<hbm>> -> memref<1x4x128xf32, #tpu.memory_space<hbm>>
        %dma_wait3A_419 = tpu.memref_squeeze %dma_wait3A_418 : memref<1x4x128xf32, #tpu.memory_space<hbm>> -> memref<4x128xf32, #tpu.memory_space<hbm>>
        tpu.wait_dma2 semaphore(%arg20 : memref<!tpu.dma_semaphore, #tpu.memory_space<semaphore_mem>>) src(%dma_wait3A_419 : memref<4x128xf32, #tpu.memory_space<hbm>>) dst(%dma_wait3A_415 : memref<4x128xf32, #tpu.memory_space<vmem>>)
        %mul3A_420 = arith.constant 8 : i32
        %mul3A_421 = arith.muli %add3A_153, %mul3A_420 : i32
        %multiple_of3A = tpu.assume_multiple %mul3A_421, 8 : i32
        %dma_start3A = arith.constant 0 : i32
        %dma_start3A_422 = tpu.memref_slice %arg3[%multiple_of3A, %dma_start3A] : memref<62496x128xf32, #tpu.memory_space<hbm>> -> memref<8x128xf32, #tpu.memory_space<hbm>>
        %dma_start3A_423 = arith.constant 0 : i32
        %dma_start3A_424 = tpu.memref_slice %arg3[%multiple_of3A, %dma_start3A_423] : memref<62496x128xf32, #tpu.memory_space<hbm>> -> memref<8x128xf32, #tpu.memory_space<hbm>>
        tpu.enqueue_dma source(%arg6 : memref<8x128xf32, #tpu.memory_space<vmem>>) target(%dma_start3A_424 : memref<8x128xf32, #tpu.memory_space<hbm>>) target_semaphore(%arg21 : memref<!tpu.dma_semaphore, #tpu.memory_space<semaphore_mem>>)
      } else {
      }
      %add3A_159 = arith.addi %mul3A_2, %mul3A_9 : i32
      %add3A_160 = arith.constant 3 : i32
      %add3A_161 = arith.addi %add3A_159, %add3A_160 : i32
      %lt3A_162 = arith.constant 7812 : i32
      %lt3A_163 = arith.cmpi slt, %add3A_161, %lt3A_162 : i32
      %convert_element_type3A_164 = arith.extui %lt3A_163 : i1 to i32
      %cond3A_165 = arith.constant 0 : i32
      %cond3A_166 = arith.cmpi ne, %convert_element_type3A_164, %cond3A_165 : i32
      scf.if %cond3A_166 {
        %dma_wait3A = arith.constant 0 : i32
        %dma_wait3A_391 = arith.constant 0 : i32
        %dma_wait3A_392 = arith.constant 0 : i32
        %dma_wait3A_393 = tpu.memref_slice %arg7[%dma_wait3A_391, %dma_wait3A_392] : memref<8x128xf32, #tpu.memory_space<vmem>> -> memref<4x128xf32, #tpu.memory_space<vmem>>
        %dma_wait3A_394 = arith.constant 0 : i32
        %dma_wait3A_395 = arith.constant 0 : i32
        %dma_wait3A_396 = tpu.memref_slice %arg2[%dma_wait3A, %dma_wait3A_394, %dma_wait3A_395] : memref<4x4x500000xf32, #tpu.memory_space<hbm>> -> memref<1x4x128xf32, #tpu.memory_space<hbm>>
        %dma_wait3A_397 = tpu.memref_squeeze %dma_wait3A_396 : memref<1x4x128xf32, #tpu.memory_space<hbm>> -> memref<4x128xf32, #tpu.memory_space<hbm>>
        %dma_wait3A_398 = arith.constant 0 : i32
        %dma_wait3A_399 = arith.constant 0 : i32
        %dma_wait3A_400 = tpu.memref_slice %arg7[%dma_wait3A_398, %dma_wait3A_399] : memref<8x128xf32, #tpu.memory_space<vmem>> -> memref<4x128xf32, #tpu.memory_space<vmem>>
        %dma_wait3A_401 = arith.constant 0 : i32
        %dma_wait3A_402 = arith.constant 0 : i32
        %dma_wait3A_403 = tpu.memref_slice %arg2[%dma_wait3A, %dma_wait3A_401, %dma_wait3A_402] : memref<4x4x500000xf32, #tpu.memory_space<hbm>> -> memref<1x4x128xf32, #tpu.memory_space<hbm>>
        %dma_wait3A_404 = tpu.memref_squeeze %dma_wait3A_403 : memref<1x4x128xf32, #tpu.memory_space<hbm>> -> memref<4x128xf32, #tpu.memory_space<hbm>>
        tpu.wait_dma2 semaphore(%arg20 : memref<!tpu.dma_semaphore, #tpu.memory_space<semaphore_mem>>) src(%dma_wait3A_404 : memref<4x128xf32, #tpu.memory_space<hbm>>) dst(%dma_wait3A_400 : memref<4x128xf32, #tpu.memory_space<vmem>>)
        %dma_wait3A_405 = arith.constant 0 : i32
        %dma_wait3A_406 = arith.constant 4 : i32
        %dma_wait3A_407 = arith.constant 0 : i32
        %dma_wait3A_408 = tpu.memref_slice %arg7[%dma_wait3A_406, %dma_wait3A_407] : memref<8x128xf32, #tpu.memory_space<vmem>> -> memref<4x128xf32, #tpu.memory_space<vmem>>
        %dma_wait3A_409 = arith.constant 0 : i32
        %dma_wait3A_410 = arith.constant 0 : i32
        %dma_wait3A_411 = tpu.memref_slice %arg2[%dma_wait3A_405, %dma_wait3A_409, %dma_wait3A_410] : memref<4x4x500000xf32, #tpu.memory_space<hbm>> -> memref<1x4x128xf32, #tpu.memory_space<hbm>>
        %dma_wait3A_412 = tpu.memref_squeeze %dma_wait3A_411 : memref<1x4x128xf32, #tpu.memory_space<hbm>> -> memref<4x128xf32, #tpu.memory_space<hbm>>
        %dma_wait3A_413 = arith.constant 4 : i32
        %dma_wait3A_414 = arith.constant 0 : i32
        %dma_wait3A_415 = tpu.memref_slice %arg7[%dma_wait3A_413, %dma_wait3A_414] : memref<8x128xf32, #tpu.memory_space<vmem>> -> memref<4x128xf32, #tpu.memory_space<vmem>>
        %dma_wait3A_416 = arith.constant 0 : i32
        %dma_wait3A_417 = arith.constant 0 : i32
        %dma_wait3A_418 = tpu.memref_slice %arg2[%dma_wait3A_405, %dma_wait3A_416, %dma_wait3A_417] : memref<4x4x500000xf32, #tpu.memory_space<hbm>> -> memref<1x4x128xf32, #tpu.memory_space<hbm>>
        %dma_wait3A_419 = tpu.memref_squeeze %dma_wait3A_418 : memref<1x4x128xf32, #tpu.memory_space<hbm>> -> memref<4x128xf32, #tpu.memory_space<hbm>>
        tpu.wait_dma2 semaphore(%arg20 : memref<!tpu.dma_semaphore, #tpu.memory_space<semaphore_mem>>) src(%dma_wait3A_419 : memref<4x128xf32, #tpu.memory_space<hbm>>) dst(%dma_wait3A_415 : memref<4x128xf32, #tpu.memory_space<vmem>>)
        %mul3A_420 = arith.constant 8 : i32
        %mul3A_421 = arith.muli %add3A_161, %mul3A_420 : i32
        %multiple_of3A = tpu.assume_multiple %mul3A_421, 8 : i32
        %dma_start3A = arith.constant 0 : i32
        %dma_start3A_422 = tpu.memref_slice %arg3[%multiple_of3A, %dma_start3A] : memref<62496x128xf32, #tpu.memory_space<hbm>> -> memref<8x128xf32, #tpu.memory_space<hbm>>
        %dma_start3A_423 = arith.constant 0 : i32
        %dma_start3A_424 = tpu.memref_slice %arg3[%multiple_of3A, %dma_start3A_423] : memref<62496x128xf32, #tpu.memory_space<hbm>> -> memref<8x128xf32, #tpu.memory_space<hbm>>
        tpu.enqueue_dma source(%arg7 : memref<8x128xf32, #tpu.memory_space<vmem>>) target(%dma_start3A_424 : memref<8x128xf32, #tpu.memory_space<hbm>>) target_semaphore(%arg21 : memref<!tpu.dma_semaphore, #tpu.memory_space<semaphore_mem>>)
      } else {
      }
      %add3A_167 = arith.addi %mul3A_2, %mul3A_9 : i32
      %add3A_168 = arith.constant 4 : i32
      %add3A_169 = arith.addi %add3A_167, %add3A_168 : i32
      %lt3A_170 = arith.constant 7812 : i32
      %lt3A_171 = arith.cmpi slt, %add3A_169, %lt3A_170 : i32
      %convert_element_type3A_172 = arith.extui %lt3A_171 : i1 to i32
      %cond3A_173 = arith.constant 0 : i32
      %cond3A_174 = arith.cmpi ne, %convert_element_type3A_172, %cond3A_173 : i32
      scf.if %cond3A_174 {
        %dma_wait3A = arith.constant 0 : i32
        %dma_wait3A_391 = arith.constant 0 : i32
        %dma_wait3A_392 = arith.constant 0 : i32
        %dma_wait3A_393 = tpu.memref_slice %arg8[%dma_wait3A_391, %dma_wait3A_392] : memref<8x128xf32, #tpu.memory_space<vmem>> -> memref<4x128xf32, #tpu.memory_space<vmem>>
        %dma_wait3A_394 = arith.constant 0 : i32
        %dma_wait3A_395 = arith.constant 0 : i32
        %dma_wait3A_396 = tpu.memref_slice %arg2[%dma_wait3A, %dma_wait3A_394, %dma_wait3A_395] : memref<4x4x500000xf32, #tpu.memory_space<hbm>> -> memref<1x4x128xf32, #tpu.memory_space<hbm>>
        %dma_wait3A_397 = tpu.memref_squeeze %dma_wait3A_396 : memref<1x4x128xf32, #tpu.memory_space<hbm>> -> memref<4x128xf32, #tpu.memory_space<hbm>>
        %dma_wait3A_398 = arith.constant 0 : i32
        %dma_wait3A_399 = arith.constant 0 : i32
        %dma_wait3A_400 = tpu.memref_slice %arg8[%dma_wait3A_398, %dma_wait3A_399] : memref<8x128xf32, #tpu.memory_space<vmem>> -> memref<4x128xf32, #tpu.memory_space<vmem>>
        %dma_wait3A_401 = arith.constant 0 : i32
        %dma_wait3A_402 = arith.constant 0 : i32
        %dma_wait3A_403 = tpu.memref_slice %arg2[%dma_wait3A, %dma_wait3A_401, %dma_wait3A_402] : memref<4x4x500000xf32, #tpu.memory_space<hbm>> -> memref<1x4x128xf32, #tpu.memory_space<hbm>>
        %dma_wait3A_404 = tpu.memref_squeeze %dma_wait3A_403 : memref<1x4x128xf32, #tpu.memory_space<hbm>> -> memref<4x128xf32, #tpu.memory_space<hbm>>
        tpu.wait_dma2 semaphore(%arg20 : memref<!tpu.dma_semaphore, #tpu.memory_space<semaphore_mem>>) src(%dma_wait3A_404 : memref<4x128xf32, #tpu.memory_space<hbm>>) dst(%dma_wait3A_400 : memref<4x128xf32, #tpu.memory_space<vmem>>)
        %dma_wait3A_405 = arith.constant 0 : i32
        %dma_wait3A_406 = arith.constant 4 : i32
        %dma_wait3A_407 = arith.constant 0 : i32
        %dma_wait3A_408 = tpu.memref_slice %arg8[%dma_wait3A_406, %dma_wait3A_407] : memref<8x128xf32, #tpu.memory_space<vmem>> -> memref<4x128xf32, #tpu.memory_space<vmem>>
        %dma_wait3A_409 = arith.constant 0 : i32
        %dma_wait3A_410 = arith.constant 0 : i32
        %dma_wait3A_411 = tpu.memref_slice %arg2[%dma_wait3A_405, %dma_wait3A_409, %dma_wait3A_410] : memref<4x4x500000xf32, #tpu.memory_space<hbm>> -> memref<1x4x128xf32, #tpu.memory_space<hbm>>
        %dma_wait3A_412 = tpu.memref_squeeze %dma_wait3A_411 : memref<1x4x128xf32, #tpu.memory_space<hbm>> -> memref<4x128xf32, #tpu.memory_space<hbm>>
        %dma_wait3A_413 = arith.constant 4 : i32
        %dma_wait3A_414 = arith.constant 0 : i32
        %dma_wait3A_415 = tpu.memref_slice %arg8[%dma_wait3A_413, %dma_wait3A_414] : memref<8x128xf32, #tpu.memory_space<vmem>> -> memref<4x128xf32, #tpu.memory_space<vmem>>
        %dma_wait3A_416 = arith.constant 0 : i32
        %dma_wait3A_417 = arith.constant 0 : i32
        %dma_wait3A_418 = tpu.memref_slice %arg2[%dma_wait3A_405, %dma_wait3A_416, %dma_wait3A_417] : memref<4x4x500000xf32, #tpu.memory_space<hbm>> -> memref<1x4x128xf32, #tpu.memory_space<hbm>>
        %dma_wait3A_419 = tpu.memref_squeeze %dma_wait3A_418 : memref<1x4x128xf32, #tpu.memory_space<hbm>> -> memref<4x128xf32, #tpu.memory_space<hbm>>
        tpu.wait_dma2 semaphore(%arg20 : memref<!tpu.dma_semaphore, #tpu.memory_space<semaphore_mem>>) src(%dma_wait3A_419 : memref<4x128xf32, #tpu.memory_space<hbm>>) dst(%dma_wait3A_415 : memref<4x128xf32, #tpu.memory_space<vmem>>)
        %mul3A_420 = arith.constant 8 : i32
        %mul3A_421 = arith.muli %add3A_169, %mul3A_420 : i32
        %multiple_of3A = tpu.assume_multiple %mul3A_421, 8 : i32
        %dma_start3A = arith.constant 0 : i32
        %dma_start3A_422 = tpu.memref_slice %arg3[%multiple_of3A, %dma_start3A] : memref<62496x128xf32, #tpu.memory_space<hbm>> -> memref<8x128xf32, #tpu.memory_space<hbm>>
        %dma_start3A_423 = arith.constant 0 : i32
        %dma_start3A_424 = tpu.memref_slice %arg3[%multiple_of3A, %dma_start3A_423] : memref<62496x128xf32, #tpu.memory_space<hbm>> -> memref<8x128xf32, #tpu.memory_space<hbm>>
        tpu.enqueue_dma source(%arg8 : memref<8x128xf32, #tpu.memory_space<vmem>>) target(%dma_start3A_424 : memref<8x128xf32, #tpu.memory_space<hbm>>) target_semaphore(%arg21 : memref<!tpu.dma_semaphore, #tpu.memory_space<semaphore_mem>>)
      } else {
      }
      %add3A_175 = arith.addi %mul3A_2, %mul3A_9 : i32
      %add3A_176 = arith.constant 5 : i32
      %add3A_177 = arith.addi %add3A_175, %add3A_176 : i32
      %lt3A_178 = arith.constant 7812 : i32
      %lt3A_179 = arith.cmpi slt, %add3A_177, %lt3A_178 : i32
      %convert_element_type3A_180 = arith.extui %lt3A_179 : i1 to i32
      %cond3A_181 = arith.constant 0 : i32
      %cond3A_182 = arith.cmpi ne, %convert_element_type3A_180, %cond3A_181 : i32
      scf.if %cond3A_182 {
        %dma_wait3A = arith.constant 0 : i32
        %dma_wait3A_391 = arith.constant 0 : i32
        %dma_wait3A_392 = arith.constant 0 : i32
        %dma_wait3A_393 = tpu.memref_slice %arg9[%dma_wait3A_391, %dma_wait3A_392] : memref<8x128xf32, #tpu.memory_space<vmem>> -> memref<4x128xf32, #tpu.memory_space<vmem>>
        %dma_wait3A_394 = arith.constant 0 : i32
        %dma_wait3A_395 = arith.constant 0 : i32
        %dma_wait3A_396 = tpu.memref_slice %arg2[%dma_wait3A, %dma_wait3A_394, %dma_wait3A_395] : memref<4x4x500000xf32, #tpu.memory_space<hbm>> -> memref<1x4x128xf32, #tpu.memory_space<hbm>>
        %dma_wait3A_397 = tpu.memref_squeeze %dma_wait3A_396 : memref<1x4x128xf32, #tpu.memory_space<hbm>> -> memref<4x128xf32, #tpu.memory_space<hbm>>
        %dma_wait3A_398 = arith.constant 0 : i32
        %dma_wait3A_399 = arith.constant 0 : i32
        %dma_wait3A_400 = tpu.memref_slice %arg9[%dma_wait3A_398, %dma_wait3A_399] : memref<8x128xf32, #tpu.memory_space<vmem>> -> memref<4x128xf32, #tpu.memory_space<vmem>>
        %dma_wait3A_401 = arith.constant 0 : i32
        %dma_wait3A_402 = arith.constant 0 : i32
        %dma_wait3A_403 = tpu.memref_slice %arg2[%dma_wait3A, %dma_wait3A_401, %dma_wait3A_402] : memref<4x4x500000xf32, #tpu.memory_space<hbm>> -> memref<1x4x128xf32, #tpu.memory_space<hbm>>
        %dma_wait3A_404 = tpu.memref_squeeze %dma_wait3A_403 : memref<1x4x128xf32, #tpu.memory_space<hbm>> -> memref<4x128xf32, #tpu.memory_space<hbm>>
        tpu.wait_dma2 semaphore(%arg20 : memref<!tpu.dma_semaphore, #tpu.memory_space<semaphore_mem>>) src(%dma_wait3A_404 : memref<4x128xf32, #tpu.memory_space<hbm>>) dst(%dma_wait3A_400 : memref<4x128xf32, #tpu.memory_space<vmem>>)
        %dma_wait3A_405 = arith.constant 0 : i32
        %dma_wait3A_406 = arith.constant 4 : i32
        %dma_wait3A_407 = arith.constant 0 : i32
        %dma_wait3A_408 = tpu.memref_slice %arg9[%dma_wait3A_406, %dma_wait3A_407] : memref<8x128xf32, #tpu.memory_space<vmem>> -> memref<4x128xf32, #tpu.memory_space<vmem>>
        %dma_wait3A_409 = arith.constant 0 : i32
        %dma_wait3A_410 = arith.constant 0 : i32
        %dma_wait3A_411 = tpu.memref_slice %arg2[%dma_wait3A_405, %dma_wait3A_409, %dma_wait3A_410] : memref<4x4x500000xf32, #tpu.memory_space<hbm>> -> memref<1x4x128xf32, #tpu.memory_space<hbm>>
        %dma_wait3A_412 = tpu.memref_squeeze %dma_wait3A_411 : memref<1x4x128xf32, #tpu.memory_space<hbm>> -> memref<4x128xf32, #tpu.memory_space<hbm>>
        %dma_wait3A_413 = arith.constant 4 : i32
        %dma_wait3A_414 = arith.constant 0 : i32
        %dma_wait3A_415 = tpu.memref_slice %arg9[%dma_wait3A_413, %dma_wait3A_414] : memref<8x128xf32, #tpu.memory_space<vmem>> -> memref<4x128xf32, #tpu.memory_space<vmem>>
        %dma_wait3A_416 = arith.constant 0 : i32
        %dma_wait3A_417 = arith.constant 0 : i32
        %dma_wait3A_418 = tpu.memref_slice %arg2[%dma_wait3A_405, %dma_wait3A_416, %dma_wait3A_417] : memref<4x4x500000xf32, #tpu.memory_space<hbm>> -> memref<1x4x128xf32, #tpu.memory_space<hbm>>
        %dma_wait3A_419 = tpu.memref_squeeze %dma_wait3A_418 : memref<1x4x128xf32, #tpu.memory_space<hbm>> -> memref<4x128xf32, #tpu.memory_space<hbm>>
        tpu.wait_dma2 semaphore(%arg20 : memref<!tpu.dma_semaphore, #tpu.memory_space<semaphore_mem>>) src(%dma_wait3A_419 : memref<4x128xf32, #tpu.memory_space<hbm>>) dst(%dma_wait3A_415 : memref<4x128xf32, #tpu.memory_space<vmem>>)
        %mul3A_420 = arith.constant 8 : i32
        %mul3A_421 = arith.muli %add3A_177, %mul3A_420 : i32
        %multiple_of3A = tpu.assume_multiple %mul3A_421, 8 : i32
        %dma_start3A = arith.constant 0 : i32
        %dma_start3A_422 = tpu.memref_slice %arg3[%multiple_of3A, %dma_start3A] : memref<62496x128xf32, #tpu.memory_space<hbm>> -> memref<8x128xf32, #tpu.memory_space<hbm>>
        %dma_start3A_423 = arith.constant 0 : i32
        %dma_start3A_424 = tpu.memref_slice %arg3[%multiple_of3A, %dma_start3A_423] : memref<62496x128xf32, #tpu.memory_space<hbm>> -> memref<8x128xf32, #tpu.memory_space<hbm>>
        tpu.enqueue_dma source(%arg9 : memref<8x128xf32, #tpu.memory_space<vmem>>) target(%dma_start3A_424 : memref<8x128xf32, #tpu.memory_space<hbm>>) target_semaphore(%arg21 : memref<!tpu.dma_semaphore, #tpu.memory_space<semaphore_mem>>)
      } else {
      }
      %add3A_183 = arith.addi %mul3A_2, %mul3A_9 : i32
      %add3A_184 = arith.constant 6 : i32
      %add3A_185 = arith.addi %add3A_183, %add3A_184 : i32
      %lt3A_186 = arith.constant 7812 : i32
      %lt3A_187 = arith.cmpi slt, %add3A_185, %lt3A_186 : i32
      %convert_element_type3A_188 = arith.extui %lt3A_187 : i1 to i32
      %cond3A_189 = arith.constant 0 : i32
      %cond3A_190 = arith.cmpi ne, %convert_element_type3A_188, %cond3A_189 : i32
      scf.if %cond3A_190 {
        %dma_wait3A = arith.constant 0 : i32
        %dma_wait3A_391 = arith.constant 0 : i32
        %dma_wait3A_392 = arith.constant 0 : i32
        %dma_wait3A_393 = tpu.memref_slice %arg10[%dma_wait3A_391, %dma_wait3A_392] : memref<8x128xf32, #tpu.memory_space<vmem>> -> memref<4x128xf32, #tpu.memory_space<vmem>>
        %dma_wait3A_394 = arith.constant 0 : i32
        %dma_wait3A_395 = arith.constant 0 : i32
        %dma_wait3A_396 = tpu.memref_slice %arg2[%dma_wait3A, %dma_wait3A_394, %dma_wait3A_395] : memref<4x4x500000xf32, #tpu.memory_space<hbm>> -> memref<1x4x128xf32, #tpu.memory_space<hbm>>
        %dma_wait3A_397 = tpu.memref_squeeze %dma_wait3A_396 : memref<1x4x128xf32, #tpu.memory_space<hbm>> -> memref<4x128xf32, #tpu.memory_space<hbm>>
        %dma_wait3A_398 = arith.constant 0 : i32
        %dma_wait3A_399 = arith.constant 0 : i32
        %dma_wait3A_400 = tpu.memref_slice %arg10[%dma_wait3A_398, %dma_wait3A_399] : memref<8x128xf32, #tpu.memory_space<vmem>> -> memref<4x128xf32, #tpu.memory_space<vmem>>
        %dma_wait3A_401 = arith.constant 0 : i32
        %dma_wait3A_402 = arith.constant 0 : i32
        %dma_wait3A_403 = tpu.memref_slice %arg2[%dma_wait3A, %dma_wait3A_401, %dma_wait3A_402] : memref<4x4x500000xf32, #tpu.memory_space<hbm>> -> memref<1x4x128xf32, #tpu.memory_space<hbm>>
        %dma_wait3A_404 = tpu.memref_squeeze %dma_wait3A_403 : memref<1x4x128xf32, #tpu.memory_space<hbm>> -> memref<4x128xf32, #tpu.memory_space<hbm>>
        tpu.wait_dma2 semaphore(%arg20 : memref<!tpu.dma_semaphore, #tpu.memory_space<semaphore_mem>>) src(%dma_wait3A_404 : memref<4x128xf32, #tpu.memory_space<hbm>>) dst(%dma_wait3A_400 : memref<4x128xf32, #tpu.memory_space<vmem>>)
        %dma_wait3A_405 = arith.constant 0 : i32
        %dma_wait3A_406 = arith.constant 4 : i32
        %dma_wait3A_407 = arith.constant 0 : i32
        %dma_wait3A_408 = tpu.memref_slice %arg10[%dma_wait3A_406, %dma_wait3A_407] : memref<8x128xf32, #tpu.memory_space<vmem>> -> memref<4x128xf32, #tpu.memory_space<vmem>>
        %dma_wait3A_409 = arith.constant 0 : i32
        %dma_wait3A_410 = arith.constant 0 : i32
        %dma_wait3A_411 = tpu.memref_slice %arg2[%dma_wait3A_405, %dma_wait3A_409, %dma_wait3A_410] : memref<4x4x500000xf32, #tpu.memory_space<hbm>> -> memref<1x4x128xf32, #tpu.memory_space<hbm>>
        %dma_wait3A_412 = tpu.memref_squeeze %dma_wait3A_411 : memref<1x4x128xf32, #tpu.memory_space<hbm>> -> memref<4x128xf32, #tpu.memory_space<hbm>>
        %dma_wait3A_413 = arith.constant 4 : i32
        %dma_wait3A_414 = arith.constant 0 : i32
        %dma_wait3A_415 = tpu.memref_slice %arg10[%dma_wait3A_413, %dma_wait3A_414] : memref<8x128xf32, #tpu.memory_space<vmem>> -> memref<4x128xf32, #tpu.memory_space<vmem>>
        %dma_wait3A_416 = arith.constant 0 : i32
        %dma_wait3A_417 = arith.constant 0 : i32
        %dma_wait3A_418 = tpu.memref_slice %arg2[%dma_wait3A_405, %dma_wait3A_416, %dma_wait3A_417] : memref<4x4x500000xf32, #tpu.memory_space<hbm>> -> memref<1x4x128xf32, #tpu.memory_space<hbm>>
        %dma_wait3A_419 = tpu.memref_squeeze %dma_wait3A_418 : memref<1x4x128xf32, #tpu.memory_space<hbm>> -> memref<4x128xf32, #tpu.memory_space<hbm>>
        tpu.wait_dma2 semaphore(%arg20 : memref<!tpu.dma_semaphore, #tpu.memory_space<semaphore_mem>>) src(%dma_wait3A_419 : memref<4x128xf32, #tpu.memory_space<hbm>>) dst(%dma_wait3A_415 : memref<4x128xf32, #tpu.memory_space<vmem>>)
        %mul3A_420 = arith.constant 8 : i32
        %mul3A_421 = arith.muli %add3A_185, %mul3A_420 : i32
        %multiple_of3A = tpu.assume_multiple %mul3A_421, 8 : i32
        %dma_start3A = arith.constant 0 : i32
        %dma_start3A_422 = tpu.memref_slice %arg3[%multiple_of3A, %dma_start3A] : memref<62496x128xf32, #tpu.memory_space<hbm>> -> memref<8x128xf32, #tpu.memory_space<hbm>>
        %dma_start3A_423 = arith.constant 0 : i32
        %dma_start3A_424 = tpu.memref_slice %arg3[%multiple_of3A, %dma_start3A_423] : memref<62496x128xf32, #tpu.memory_space<hbm>> -> memref<8x128xf32, #tpu.memory_space<hbm>>
        tpu.enqueue_dma source(%arg10 : memref<8x128xf32, #tpu.memory_space<vmem>>) target(%dma_start3A_424 : memref<8x128xf32, #tpu.memory_space<hbm>>) target_semaphore(%arg21 : memref<!tpu.dma_semaphore, #tpu.memory_space<semaphore_mem>>)
      } else {
      }
      %add3A_191 = arith.addi %mul3A_2, %mul3A_9 : i32
      %add3A_192 = arith.constant 7 : i32
      %add3A_193 = arith.addi %add3A_191, %add3A_192 : i32
      %lt3A_194 = arith.constant 7812 : i32
      %lt3A_195 = arith.cmpi slt, %add3A_193, %lt3A_194 : i32
      %convert_element_type3A_196 = arith.extui %lt3A_195 : i1 to i32
      %cond3A_197 = arith.constant 0 : i32
      %cond3A_198 = arith.cmpi ne, %convert_element_type3A_196, %cond3A_197 : i32
      scf.if %cond3A_198 {
        %dma_wait3A = arith.constant 0 : i32
        %dma_wait3A_391 = arith.constant 0 : i32
        %dma_wait3A_392 = arith.constant 0 : i32
        %dma_wait3A_393 = tpu.memref_slice %arg11[%dma_wait3A_391, %dma_wait3A_392] : memref<8x128xf32, #tpu.memory_space<vmem>> -> memref<4x128xf32, #tpu.memory_space<vmem>>
        %dma_wait3A_394 = arith.constant 0 : i32
        %dma_wait3A_395 = arith.constant 0 : i32
        %dma_wait3A_396 = tpu.memref_slice %arg2[%dma_wait3A, %dma_wait3A_394, %dma_wait3A_395] : memref<4x4x500000xf32, #tpu.memory_space<hbm>> -> memref<1x4x128xf32, #tpu.memory_space<hbm>>
        %dma_wait3A_397 = tpu.memref_squeeze %dma_wait3A_396 : memref<1x4x128xf32, #tpu.memory_space<hbm>> -> memref<4x128xf32, #tpu.memory_space<hbm>>
        %dma_wait3A_398 = arith.constant 0 : i32
        %dma_wait3A_399 = arith.constant 0 : i32
        %dma_wait3A_400 = tpu.memref_slice %arg11[%dma_wait3A_398, %dma_wait3A_399] : memref<8x128xf32, #tpu.memory_space<vmem>> -> memref<4x128xf32, #tpu.memory_space<vmem>>
        %dma_wait3A_401 = arith.constant 0 : i32
        %dma_wait3A_402 = arith.constant 0 : i32
        %dma_wait3A_403 = tpu.memref_slice %arg2[%dma_wait3A, %dma_wait3A_401, %dma_wait3A_402] : memref<4x4x500000xf32, #tpu.memory_space<hbm>> -> memref<1x4x128xf32, #tpu.memory_space<hbm>>
        %dma_wait3A_404 = tpu.memref_squeeze %dma_wait3A_403 : memref<1x4x128xf32, #tpu.memory_space<hbm>> -> memref<4x128xf32, #tpu.memory_space<hbm>>
        tpu.wait_dma2 semaphore(%arg20 : memref<!tpu.dma_semaphore, #tpu.memory_space<semaphore_mem>>) src(%dma_wait3A_404 : memref<4x128xf32, #tpu.memory_space<hbm>>) dst(%dma_wait3A_400 : memref<4x128xf32, #tpu.memory_space<vmem>>)
        %dma_wait3A_405 = arith.constant 0 : i32
        %dma_wait3A_406 = arith.constant 4 : i32
        %dma_wait3A_407 = arith.constant 0 : i32
        %dma_wait3A_408 = tpu.memref_slice %arg11[%dma_wait3A_406, %dma_wait3A_407] : memref<8x128xf32, #tpu.memory_space<vmem>> -> memref<4x128xf32, #tpu.memory_space<vmem>>
        %dma_wait3A_409 = arith.constant 0 : i32
        %dma_wait3A_410 = arith.constant 0 : i32
        %dma_wait3A_411 = tpu.memref_slice %arg2[%dma_wait3A_405, %dma_wait3A_409, %dma_wait3A_410] : memref<4x4x500000xf32, #tpu.memory_space<hbm>> -> memref<1x4x128xf32, #tpu.memory_space<hbm>>
        %dma_wait3A_412 = tpu.memref_squeeze %dma_wait3A_411 : memref<1x4x128xf32, #tpu.memory_space<hbm>> -> memref<4x128xf32, #tpu.memory_space<hbm>>
        %dma_wait3A_413 = arith.constant 4 : i32
        %dma_wait3A_414 = arith.constant 0 : i32
        %dma_wait3A_415 = tpu.memref_slice %arg11[%dma_wait3A_413, %dma_wait3A_414] : memref<8x128xf32, #tpu.memory_space<vmem>> -> memref<4x128xf32, #tpu.memory_space<vmem>>
        %dma_wait3A_416 = arith.constant 0 : i32
        %dma_wait3A_417 = arith.constant 0 : i32
        %dma_wait3A_418 = tpu.memref_slice %arg2[%dma_wait3A_405, %dma_wait3A_416, %dma_wait3A_417] : memref<4x4x500000xf32, #tpu.memory_space<hbm>> -> memref<1x4x128xf32, #tpu.memory_space<hbm>>
        %dma_wait3A_419 = tpu.memref_squeeze %dma_wait3A_418 : memref<1x4x128xf32, #tpu.memory_space<hbm>> -> memref<4x128xf32, #tpu.memory_space<hbm>>
        tpu.wait_dma2 semaphore(%arg20 : memref<!tpu.dma_semaphore, #tpu.memory_space<semaphore_mem>>) src(%dma_wait3A_419 : memref<4x128xf32, #tpu.memory_space<hbm>>) dst(%dma_wait3A_415 : memref<4x128xf32, #tpu.memory_space<vmem>>)
        %mul3A_420 = arith.constant 8 : i32
        %mul3A_421 = arith.muli %add3A_193, %mul3A_420 : i32
        %multiple_of3A = tpu.assume_multiple %mul3A_421, 8 : i32
        %dma_start3A = arith.constant 0 : i32
        %dma_start3A_422 = tpu.memref_slice %arg3[%multiple_of3A, %dma_start3A] : memref<62496x128xf32, #tpu.memory_space<hbm>> -> memref<8x128xf32, #tpu.memory_space<hbm>>
        %dma_start3A_423 = arith.constant 0 : i32
        %dma_start3A_424 = tpu.memref_slice %arg3[%multiple_of3A, %dma_start3A_423] : memref<62496x128xf32, #tpu.memory_space<hbm>> -> memref<8x128xf32, #tpu.memory_space<hbm>>
        tpu.enqueue_dma source(%arg11 : memref<8x128xf32, #tpu.memory_space<vmem>>) target(%dma_start3A_424 : memref<8x128xf32, #tpu.memory_space<hbm>>) target_semaphore(%arg21 : memref<!tpu.dma_semaphore, #tpu.memory_space<semaphore_mem>>)
      } else {
      }
      %add3A_199 = arith.addi %mul3A_2, %mul3A_9 : i32
      %add3A_200 = arith.constant 8 : i32
      %add3A_201 = arith.addi %add3A_199, %add3A_200 : i32
      %lt3A_202 = arith.constant 7812 : i32
      %lt3A_203 = arith.cmpi slt, %add3A_201, %lt3A_202 : i32
      %convert_element_type3A_204 = arith.extui %lt3A_203 : i1 to i32
      %cond3A_205 = arith.constant 0 : i32
      %cond3A_206 = arith.cmpi ne, %convert_element_type3A_204, %cond3A_205 : i32
      scf.if %cond3A_206 {
        %dma_wait3A = arith.constant 0 : i32
        %dma_wait3A_391 = arith.constant 0 : i32
        %dma_wait3A_392 = arith.constant 0 : i32
        %dma_wait3A_393 = tpu.memref_slice %arg12[%dma_wait3A_391, %dma_wait3A_392] : memref<8x128xf32, #tpu.memory_space<vmem>> -> memref<4x128xf32, #tpu.memory_space<vmem>>
        %dma_wait3A_394 = arith.constant 0 : i32
        %dma_wait3A_395 = arith.constant 0 : i32
        %dma_wait3A_396 = tpu.memref_slice %arg2[%dma_wait3A, %dma_wait3A_394, %dma_wait3A_395] : memref<4x4x500000xf32, #tpu.memory_space<hbm>> -> memref<1x4x128xf32, #tpu.memory_space<hbm>>
        %dma_wait3A_397 = tpu.memref_squeeze %dma_wait3A_396 : memref<1x4x128xf32, #tpu.memory_space<hbm>> -> memref<4x128xf32, #tpu.memory_space<hbm>>
        %dma_wait3A_398 = arith.constant 0 : i32
        %dma_wait3A_399 = arith.constant 0 : i32
        %dma_wait3A_400 = tpu.memref_slice %arg12[%dma_wait3A_398, %dma_wait3A_399] : memref<8x128xf32, #tpu.memory_space<vmem>> -> memref<4x128xf32, #tpu.memory_space<vmem>>
        %dma_wait3A_401 = arith.constant 0 : i32
        %dma_wait3A_402 = arith.constant 0 : i32
        %dma_wait3A_403 = tpu.memref_slice %arg2[%dma_wait3A, %dma_wait3A_401, %dma_wait3A_402] : memref<4x4x500000xf32, #tpu.memory_space<hbm>> -> memref<1x4x128xf32, #tpu.memory_space<hbm>>
        %dma_wait3A_404 = tpu.memref_squeeze %dma_wait3A_403 : memref<1x4x128xf32, #tpu.memory_space<hbm>> -> memref<4x128xf32, #tpu.memory_space<hbm>>
        tpu.wait_dma2 semaphore(%arg20 : memref<!tpu.dma_semaphore, #tpu.memory_space<semaphore_mem>>) src(%dma_wait3A_404 : memref<4x128xf32, #tpu.memory_space<hbm>>) dst(%dma_wait3A_400 : memref<4x128xf32, #tpu.memory_space<vmem>>)
        %dma_wait3A_405 = arith.constant 0 : i32
        %dma_wait3A_406 = arith.constant 4 : i32
        %dma_wait3A_407 = arith.constant 0 : i32
        %dma_wait3A_408 = tpu.memref_slice %arg12[%dma_wait3A_406, %dma_wait3A_407] : memref<8x128xf32, #tpu.memory_space<vmem>> -> memref<4x128xf32, #tpu.memory_space<vmem>>
        %dma_wait3A_409 = arith.constant 0 : i32
        %dma_wait3A_410 = arith.constant 0 : i32
        %dma_wait3A_411 = tpu.memref_slice %arg2[%dma_wait3A_405, %dma_wait3A_409, %dma_wait3A_410] : memref<4x4x500000xf32, #tpu.memory_space<hbm>> -> memref<1x4x128xf32, #tpu.memory_space<hbm>>
        %dma_wait3A_412 = tpu.memref_squeeze %dma_wait3A_411 : memref<1x4x128xf32, #tpu.memory_space<hbm>> -> memref<4x128xf32, #tpu.memory_space<hbm>>
        %dma_wait3A_413 = arith.constant 4 : i32
        %dma_wait3A_414 = arith.constant 0 : i32
        %dma_wait3A_415 = tpu.memref_slice %arg12[%dma_wait3A_413, %dma_wait3A_414] : memref<8x128xf32, #tpu.memory_space<vmem>> -> memref<4x128xf32, #tpu.memory_space<vmem>>
        %dma_wait3A_416 = arith.constant 0 : i32
        %dma_wait3A_417 = arith.constant 0 : i32
        %dma_wait3A_418 = tpu.memref_slice %arg2[%dma_wait3A_405, %dma_wait3A_416, %dma_wait3A_417] : memref<4x4x500000xf32, #tpu.memory_space<hbm>> -> memref<1x4x128xf32, #tpu.memory_space<hbm>>
        %dma_wait3A_419 = tpu.memref_squeeze %dma_wait3A_418 : memref<1x4x128xf32, #tpu.memory_space<hbm>> -> memref<4x128xf32, #tpu.memory_space<hbm>>
        tpu.wait_dma2 semaphore(%arg20 : memref<!tpu.dma_semaphore, #tpu.memory_space<semaphore_mem>>) src(%dma_wait3A_419 : memref<4x128xf32, #tpu.memory_space<hbm>>) dst(%dma_wait3A_415 : memref<4x128xf32, #tpu.memory_space<vmem>>)
        %mul3A_420 = arith.constant 8 : i32
        %mul3A_421 = arith.muli %add3A_201, %mul3A_420 : i32
        %multiple_of3A = tpu.assume_multiple %mul3A_421, 8 : i32
        %dma_start3A = arith.constant 0 : i32
        %dma_start3A_422 = tpu.memref_slice %arg3[%multiple_of3A, %dma_start3A] : memref<62496x128xf32, #tpu.memory_space<hbm>> -> memref<8x128xf32, #tpu.memory_space<hbm>>
        %dma_start3A_423 = arith.constant 0 : i32
        %dma_start3A_424 = tpu.memref_slice %arg3[%multiple_of3A, %dma_start3A_423] : memref<62496x128xf32, #tpu.memory_space<hbm>> -> memref<8x128xf32, #tpu.memory_space<hbm>>
        tpu.enqueue_dma source(%arg12 : memref<8x128xf32, #tpu.memory_space<vmem>>) target(%dma_start3A_424 : memref<8x128xf32, #tpu.memory_space<hbm>>) target_semaphore(%arg21 : memref<!tpu.dma_semaphore, #tpu.memory_space<semaphore_mem>>)
      } else {
      }
      %add3A_207 = arith.addi %mul3A_2, %mul3A_9 : i32
      %add3A_208 = arith.constant 9 : i32
      %add3A_209 = arith.addi %add3A_207, %add3A_208 : i32
      %lt3A_210 = arith.constant 7812 : i32
      %lt3A_211 = arith.cmpi slt, %add3A_209, %lt3A_210 : i32
      %convert_element_type3A_212 = arith.extui %lt3A_211 : i1 to i32
      %cond3A_213 = arith.constant 0 : i32
      %cond3A_214 = arith.cmpi ne, %convert_element_type3A_212, %cond3A_213 : i32
      scf.if %cond3A_214 {
        %dma_wait3A = arith.constant 0 : i32
        %dma_wait3A_391 = arith.constant 0 : i32
        %dma_wait3A_392 = arith.constant 0 : i32
        %dma_wait3A_393 = tpu.memref_slice %arg13[%dma_wait3A_391, %dma_wait3A_392] : memref<8x128xf32, #tpu.memory_space<vmem>> -> memref<4x128xf32, #tpu.memory_space<vmem>>
        %dma_wait3A_394 = arith.constant 0 : i32
        %dma_wait3A_395 = arith.constant 0 : i32
        %dma_wait3A_396 = tpu.memref_slice %arg2[%dma_wait3A, %dma_wait3A_394, %dma_wait3A_395] : memref<4x4x500000xf32, #tpu.memory_space<hbm>> -> memref<1x4x128xf32, #tpu.memory_space<hbm>>
        %dma_wait3A_397 = tpu.memref_squeeze %dma_wait3A_396 : memref<1x4x128xf32, #tpu.memory_space<hbm>> -> memref<4x128xf32, #tpu.memory_space<hbm>>
        %dma_wait3A_398 = arith.constant 0 : i32
        %dma_wait3A_399 = arith.constant 0 : i32
        %dma_wait3A_400 = tpu.memref_slice %arg13[%dma_wait3A_398, %dma_wait3A_399] : memref<8x128xf32, #tpu.memory_space<vmem>> -> memref<4x128xf32, #tpu.memory_space<vmem>>
        %dma_wait3A_401 = arith.constant 0 : i32
        %dma_wait3A_402 = arith.constant 0 : i32
        %dma_wait3A_403 = tpu.memref_slice %arg2[%dma_wait3A, %dma_wait3A_401, %dma_wait3A_402] : memref<4x4x500000xf32, #tpu.memory_space<hbm>> -> memref<1x4x128xf32, #tpu.memory_space<hbm>>
        %dma_wait3A_404 = tpu.memref_squeeze %dma_wait3A_403 : memref<1x4x128xf32, #tpu.memory_space<hbm>> -> memref<4x128xf32, #tpu.memory_space<hbm>>
        tpu.wait_dma2 semaphore(%arg20 : memref<!tpu.dma_semaphore, #tpu.memory_space<semaphore_mem>>) src(%dma_wait3A_404 : memref<4x128xf32, #tpu.memory_space<hbm>>) dst(%dma_wait3A_400 : memref<4x128xf32, #tpu.memory_space<vmem>>)
        %dma_wait3A_405 = arith.constant 0 : i32
        %dma_wait3A_406 = arith.constant 4 : i32
        %dma_wait3A_407 = arith.constant 0 : i32
        %dma_wait3A_408 = tpu.memref_slice %arg13[%dma_wait3A_406, %dma_wait3A_407] : memref<8x128xf32, #tpu.memory_space<vmem>> -> memref<4x128xf32, #tpu.memory_space<vmem>>
        %dma_wait3A_409 = arith.constant 0 : i32
        %dma_wait3A_410 = arith.constant 0 : i32
        %dma_wait3A_411 = tpu.memref_slice %arg2[%dma_wait3A_405, %dma_wait3A_409, %dma_wait3A_410] : memref<4x4x500000xf32, #tpu.memory_space<hbm>> -> memref<1x4x128xf32, #tpu.memory_space<hbm>>
        %dma_wait3A_412 = tpu.memref_squeeze %dma_wait3A_411 : memref<1x4x128xf32, #tpu.memory_space<hbm>> -> memref<4x128xf32, #tpu.memory_space<hbm>>
        %dma_wait3A_413 = arith.constant 4 : i32
        %dma_wait3A_414 = arith.constant 0 : i32
        %dma_wait3A_415 = tpu.memref_slice %arg13[%dma_wait3A_413, %dma_wait3A_414] : memref<8x128xf32, #tpu.memory_space<vmem>> -> memref<4x128xf32, #tpu.memory_space<vmem>>
        %dma_wait3A_416 = arith.constant 0 : i32
        %dma_wait3A_417 = arith.constant 0 : i32
        %dma_wait3A_418 = tpu.memref_slice %arg2[%dma_wait3A_405, %dma_wait3A_416, %dma_wait3A_417] : memref<4x4x500000xf32, #tpu.memory_space<hbm>> -> memref<1x4x128xf32, #tpu.memory_space<hbm>>
        %dma_wait3A_419 = tpu.memref_squeeze %dma_wait3A_418 : memref<1x4x128xf32, #tpu.memory_space<hbm>> -> memref<4x128xf32, #tpu.memory_space<hbm>>
        tpu.wait_dma2 semaphore(%arg20 : memref<!tpu.dma_semaphore, #tpu.memory_space<semaphore_mem>>) src(%dma_wait3A_419 : memref<4x128xf32, #tpu.memory_space<hbm>>) dst(%dma_wait3A_415 : memref<4x128xf32, #tpu.memory_space<vmem>>)
        %mul3A_420 = arith.constant 8 : i32
        %mul3A_421 = arith.muli %add3A_209, %mul3A_420 : i32
        %multiple_of3A = tpu.assume_multiple %mul3A_421, 8 : i32
        %dma_start3A = arith.constant 0 : i32
        %dma_start3A_422 = tpu.memref_slice %arg3[%multiple_of3A, %dma_start3A] : memref<62496x128xf32, #tpu.memory_space<hbm>> -> memref<8x128xf32, #tpu.memory_space<hbm>>
        %dma_start3A_423 = arith.constant 0 : i32
        %dma_start3A_424 = tpu.memref_slice %arg3[%multiple_of3A, %dma_start3A_423] : memref<62496x128xf32, #tpu.memory_space<hbm>> -> memref<8x128xf32, #tpu.memory_space<hbm>>
        tpu.enqueue_dma source(%arg13 : memref<8x128xf32, #tpu.memory_space<vmem>>) target(%dma_start3A_424 : memref<8x128xf32, #tpu.memory_space<hbm>>) target_semaphore(%arg21 : memref<!tpu.dma_semaphore, #tpu.memory_space<semaphore_mem>>)
      } else {
      }
      %add3A_215 = arith.addi %mul3A_2, %mul3A_9 : i32
      %add3A_216 = arith.constant 10 : i32
      %add3A_217 = arith.addi %add3A_215, %add3A_216 : i32
      %lt3A_218 = arith.constant 7812 : i32
      %lt3A_219 = arith.cmpi slt, %add3A_217, %lt3A_218 : i32
      %convert_element_type3A_220 = arith.extui %lt3A_219 : i1 to i32
      %cond3A_221 = arith.constant 0 : i32
      %cond3A_222 = arith.cmpi ne, %convert_element_type3A_220, %cond3A_221 : i32
      scf.if %cond3A_222 {
        %dma_wait3A = arith.constant 0 : i32
        %dma_wait3A_391 = arith.constant 0 : i32
        %dma_wait3A_392 = arith.constant 0 : i32
        %dma_wait3A_393 = tpu.memref_slice %arg14[%dma_wait3A_391, %dma_wait3A_392] : memref<8x128xf32, #tpu.memory_space<vmem>> -> memref<4x128xf32, #tpu.memory_space<vmem>>
        %dma_wait3A_394 = arith.constant 0 : i32
        %dma_wait3A_395 = arith.constant 0 : i32
        %dma_wait3A_396 = tpu.memref_slice %arg2[%dma_wait3A, %dma_wait3A_394, %dma_wait3A_395] : memref<4x4x500000xf32, #tpu.memory_space<hbm>> -> memref<1x4x128xf32, #tpu.memory_space<hbm>>
        %dma_wait3A_397 = tpu.memref_squeeze %dma_wait3A_396 : memref<1x4x128xf32, #tpu.memory_space<hbm>> -> memref<4x128xf32, #tpu.memory_space<hbm>>
        %dma_wait3A_398 = arith.constant 0 : i32
        %dma_wait3A_399 = arith.constant 0 : i32
        %dma_wait3A_400 = tpu.memref_slice %arg14[%dma_wait3A_398, %dma_wait3A_399] : memref<8x128xf32, #tpu.memory_space<vmem>> -> memref<4x128xf32, #tpu.memory_space<vmem>>
        %dma_wait3A_401 = arith.constant 0 : i32
        %dma_wait3A_402 = arith.constant 0 : i32
        %dma_wait3A_403 = tpu.memref_slice %arg2[%dma_wait3A, %dma_wait3A_401, %dma_wait3A_402] : memref<4x4x500000xf32, #tpu.memory_space<hbm>> -> memref<1x4x128xf32, #tpu.memory_space<hbm>>
        %dma_wait3A_404 = tpu.memref_squeeze %dma_wait3A_403 : memref<1x4x128xf32, #tpu.memory_space<hbm>> -> memref<4x128xf32, #tpu.memory_space<hbm>>
        tpu.wait_dma2 semaphore(%arg20 : memref<!tpu.dma_semaphore, #tpu.memory_space<semaphore_mem>>) src(%dma_wait3A_404 : memref<4x128xf32, #tpu.memory_space<hbm>>) dst(%dma_wait3A_400 : memref<4x128xf32, #tpu.memory_space<vmem>>)
        %dma_wait3A_405 = arith.constant 0 : i32
        %dma_wait3A_406 = arith.constant 4 : i32
        %dma_wait3A_407 = arith.constant 0 : i32
        %dma_wait3A_408 = tpu.memref_slice %arg14[%dma_wait3A_406, %dma_wait3A_407] : memref<8x128xf32, #tpu.memory_space<vmem>> -> memref<4x128xf32, #tpu.memory_space<vmem>>
        %dma_wait3A_409 = arith.constant 0 : i32
        %dma_wait3A_410 = arith.constant 0 : i32
        %dma_wait3A_411 = tpu.memref_slice %arg2[%dma_wait3A_405, %dma_wait3A_409, %dma_wait3A_410] : memref<4x4x500000xf32, #tpu.memory_space<hbm>> -> memref<1x4x128xf32, #tpu.memory_space<hbm>>
        %dma_wait3A_412 = tpu.memref_squeeze %dma_wait3A_411 : memref<1x4x128xf32, #tpu.memory_space<hbm>> -> memref<4x128xf32, #tpu.memory_space<hbm>>
        %dma_wait3A_413 = arith.constant 4 : i32
        %dma_wait3A_414 = arith.constant 0 : i32
        %dma_wait3A_415 = tpu.memref_slice %arg14[%dma_wait3A_413, %dma_wait3A_414] : memref<8x128xf32, #tpu.memory_space<vmem>> -> memref<4x128xf32, #tpu.memory_space<vmem>>
        %dma_wait3A_416 = arith.constant 0 : i32
        %dma_wait3A_417 = arith.constant 0 : i32
        %dma_wait3A_418 = tpu.memref_slice %arg2[%dma_wait3A_405, %dma_wait3A_416, %dma_wait3A_417] : memref<4x4x500000xf32, #tpu.memory_space<hbm>> -> memref<1x4x128xf32, #tpu.memory_space<hbm>>
        %dma_wait3A_419 = tpu.memref_squeeze %dma_wait3A_418 : memref<1x4x128xf32, #tpu.memory_space<hbm>> -> memref<4x128xf32, #tpu.memory_space<hbm>>
        tpu.wait_dma2 semaphore(%arg20 : memref<!tpu.dma_semaphore, #tpu.memory_space<semaphore_mem>>) src(%dma_wait3A_419 : memref<4x128xf32, #tpu.memory_space<hbm>>) dst(%dma_wait3A_415 : memref<4x128xf32, #tpu.memory_space<vmem>>)
        %mul3A_420 = arith.constant 8 : i32
        %mul3A_421 = arith.muli %add3A_217, %mul3A_420 : i32
        %multiple_of3A = tpu.assume_multiple %mul3A_421, 8 : i32
        %dma_start3A = arith.constant 0 : i32
        %dma_start3A_422 = tpu.memref_slice %arg3[%multiple_of3A, %dma_start3A] : memref<62496x128xf32, #tpu.memory_space<hbm>> -> memref<8x128xf32, #tpu.memory_space<hbm>>
        %dma_start3A_423 = arith.constant 0 : i32
        %dma_start3A_424 = tpu.memref_slice %arg3[%multiple_of3A, %dma_start3A_423] : memref<62496x128xf32, #tpu.memory_space<hbm>> -> memref<8x128xf32, #tpu.memory_space<hbm>>
        tpu.enqueue_dma source(%arg14 : memref<8x128xf32, #tpu.memory_space<vmem>>) target(%dma_start3A_424 : memref<8x128xf32, #tpu.memory_space<hbm>>) target_semaphore(%arg21 : memref<!tpu.dma_semaphore, #tpu.memory_space<semaphore_mem>>)
      } else {
      }
      %add3A_223 = arith.addi %mul3A_2, %mul3A_9 : i32
      %add3A_224 = arith.constant 11 : i32
      %add3A_225 = arith.addi %add3A_223, %add3A_224 : i32
      %lt3A_226 = arith.constant 7812 : i32
      %lt3A_227 = arith.cmpi slt, %add3A_225, %lt3A_226 : i32
      %convert_element_type3A_228 = arith.extui %lt3A_227 : i1 to i32
      %cond3A_229 = arith.constant 0 : i32
      %cond3A_230 = arith.cmpi ne, %convert_element_type3A_228, %cond3A_229 : i32
      scf.if %cond3A_230 {
        %dma_wait3A = arith.constant 0 : i32
        %dma_wait3A_391 = arith.constant 0 : i32
        %dma_wait3A_392 = arith.constant 0 : i32
        %dma_wait3A_393 = tpu.memref_slice %arg15[%dma_wait3A_391, %dma_wait3A_392] : memref<8x128xf32, #tpu.memory_space<vmem>> -> memref<4x128xf32, #tpu.memory_space<vmem>>
        %dma_wait3A_394 = arith.constant 0 : i32
        %dma_wait3A_395 = arith.constant 0 : i32
        %dma_wait3A_396 = tpu.memref_slice %arg2[%dma_wait3A, %dma_wait3A_394, %dma_wait3A_395] : memref<4x4x500000xf32, #tpu.memory_space<hbm>> -> memref<1x4x128xf32, #tpu.memory_space<hbm>>
        %dma_wait3A_397 = tpu.memref_squeeze %dma_wait3A_396 : memref<1x4x128xf32, #tpu.memory_space<hbm>> -> memref<4x128xf32, #tpu.memory_space<hbm>>
        %dma_wait3A_398 = arith.constant 0 : i32
        %dma_wait3A_399 = arith.constant 0 : i32
        %dma_wait3A_400 = tpu.memref_slice %arg15[%dma_wait3A_398, %dma_wait3A_399] : memref<8x128xf32, #tpu.memory_space<vmem>> -> memref<4x128xf32, #tpu.memory_space<vmem>>
        %dma_wait3A_401 = arith.constant 0 : i32
        %dma_wait3A_402 = arith.constant 0 : i32
        %dma_wait3A_403 = tpu.memref_slice %arg2[%dma_wait3A, %dma_wait3A_401, %dma_wait3A_402] : memref<4x4x500000xf32, #tpu.memory_space<hbm>> -> memref<1x4x128xf32, #tpu.memory_space<hbm>>
        %dma_wait3A_404 = tpu.memref_squeeze %dma_wait3A_403 : memref<1x4x128xf32, #tpu.memory_space<hbm>> -> memref<4x128xf32, #tpu.memory_space<hbm>>
        tpu.wait_dma2 semaphore(%arg20 : memref<!tpu.dma_semaphore, #tpu.memory_space<semaphore_mem>>) src(%dma_wait3A_404 : memref<4x128xf32, #tpu.memory_space<hbm>>) dst(%dma_wait3A_400 : memref<4x128xf32, #tpu.memory_space<vmem>>)
        %dma_wait3A_405 = arith.constant 0 : i32
        %dma_wait3A_406 = arith.constant 4 : i32
        %dma_wait3A_407 = arith.constant 0 : i32
        %dma_wait3A_408 = tpu.memref_slice %arg15[%dma_wait3A_406, %dma_wait3A_407] : memref<8x128xf32, #tpu.memory_space<vmem>> -> memref<4x128xf32, #tpu.memory_space<vmem>>
        %dma_wait3A_409 = arith.constant 0 : i32
        %dma_wait3A_410 = arith.constant 0 : i32
        %dma_wait3A_411 = tpu.memref_slice %arg2[%dma_wait3A_405, %dma_wait3A_409, %dma_wait3A_410] : memref<4x4x500000xf32, #tpu.memory_space<hbm>> -> memref<1x4x128xf32, #tpu.memory_space<hbm>>
        %dma_wait3A_412 = tpu.memref_squeeze %dma_wait3A_411 : memref<1x4x128xf32, #tpu.memory_space<hbm>> -> memref<4x128xf32, #tpu.memory_space<hbm>>
        %dma_wait3A_413 = arith.constant 4 : i32
        %dma_wait3A_414 = arith.constant 0 : i32
        %dma_wait3A_415 = tpu.memref_slice %arg15[%dma_wait3A_413, %dma_wait3A_414] : memref<8x128xf32, #tpu.memory_space<vmem>> -> memref<4x128xf32, #tpu.memory_space<vmem>>
        %dma_wait3A_416 = arith.constant 0 : i32
        %dma_wait3A_417 = arith.constant 0 : i32
        %dma_wait3A_418 = tpu.memref_slice %arg2[%dma_wait3A_405, %dma_wait3A_416, %dma_wait3A_417] : memref<4x4x500000xf32, #tpu.memory_space<hbm>> -> memref<1x4x128xf32, #tpu.memory_space<hbm>>
        %dma_wait3A_419 = tpu.memref_squeeze %dma_wait3A_418 : memref<1x4x128xf32, #tpu.memory_space<hbm>> -> memref<4x128xf32, #tpu.memory_space<hbm>>
        tpu.wait_dma2 semaphore(%arg20 : memref<!tpu.dma_semaphore, #tpu.memory_space<semaphore_mem>>) src(%dma_wait3A_419 : memref<4x128xf32, #tpu.memory_space<hbm>>) dst(%dma_wait3A_415 : memref<4x128xf32, #tpu.memory_space<vmem>>)
        %mul3A_420 = arith.constant 8 : i32
        %mul3A_421 = arith.muli %add3A_225, %mul3A_420 : i32
        %multiple_of3A = tpu.assume_multiple %mul3A_421, 8 : i32
        %dma_start3A = arith.constant 0 : i32
        %dma_start3A_422 = tpu.memref_slice %arg3[%multiple_of3A, %dma_start3A] : memref<62496x128xf32, #tpu.memory_space<hbm>> -> memref<8x128xf32, #tpu.memory_space<hbm>>
        %dma_start3A_423 = arith.constant 0 : i32
        %dma_start3A_424 = tpu.memref_slice %arg3[%multiple_of3A, %dma_start3A_423] : memref<62496x128xf32, #tpu.memory_space<hbm>> -> memref<8x128xf32, #tpu.memory_space<hbm>>
        tpu.enqueue_dma source(%arg15 : memref<8x128xf32, #tpu.memory_space<vmem>>) target(%dma_start3A_424 : memref<8x128xf32, #tpu.memory_space<hbm>>) target_semaphore(%arg21 : memref<!tpu.dma_semaphore, #tpu.memory_space<semaphore_mem>>)
      } else {
      }
      %add3A_231 = arith.addi %mul3A_2, %mul3A_9 : i32
      %add3A_232 = arith.constant 12 : i32
      %add3A_233 = arith.addi %add3A_231, %add3A_232 : i32
      %lt3A_234 = arith.constant 7812 : i32
      %lt3A_235 = arith.cmpi slt, %add3A_233, %lt3A_234 : i32
      %convert_element_type3A_236 = arith.extui %lt3A_235 : i1 to i32
      %cond3A_237 = arith.constant 0 : i32
      %cond3A_238 = arith.cmpi ne, %convert_element_type3A_236, %cond3A_237 : i32
      scf.if %cond3A_238 {
        %dma_wait3A = arith.constant 0 : i32
        %dma_wait3A_391 = arith.constant 0 : i32
        %dma_wait3A_392 = arith.constant 0 : i32
        %dma_wait3A_393 = tpu.memref_slice %arg16[%dma_wait3A_391, %dma_wait3A_392] : memref<8x128xf32, #tpu.memory_space<vmem>> -> memref<4x128xf32, #tpu.memory_space<vmem>>
        %dma_wait3A_394 = arith.constant 0 : i32
        %dma_wait3A_395 = arith.constant 0 : i32
        %dma_wait3A_396 = tpu.memref_slice %arg2[%dma_wait3A, %dma_wait3A_394, %dma_wait3A_395] : memref<4x4x500000xf32, #tpu.memory_space<hbm>> -> memref<1x4x128xf32, #tpu.memory_space<hbm>>
        %dma_wait3A_397 = tpu.memref_squeeze %dma_wait3A_396 : memref<1x4x128xf32, #tpu.memory_space<hbm>> -> memref<4x128xf32, #tpu.memory_space<hbm>>
        %dma_wait3A_398 = arith.constant 0 : i32
        %dma_wait3A_399 = arith.constant 0 : i32
        %dma_wait3A_400 = tpu.memref_slice %arg16[%dma_wait3A_398, %dma_wait3A_399] : memref<8x128xf32, #tpu.memory_space<vmem>> -> memref<4x128xf32, #tpu.memory_space<vmem>>
        %dma_wait3A_401 = arith.constant 0 : i32
        %dma_wait3A_402 = arith.constant 0 : i32
        %dma_wait3A_403 = tpu.memref_slice %arg2[%dma_wait3A, %dma_wait3A_401, %dma_wait3A_402] : memref<4x4x500000xf32, #tpu.memory_space<hbm>> -> memref<1x4x128xf32, #tpu.memory_space<hbm>>
        %dma_wait3A_404 = tpu.memref_squeeze %dma_wait3A_403 : memref<1x4x128xf32, #tpu.memory_space<hbm>> -> memref<4x128xf32, #tpu.memory_space<hbm>>
        tpu.wait_dma2 semaphore(%arg20 : memref<!tpu.dma_semaphore, #tpu.memory_space<semaphore_mem>>) src(%dma_wait3A_404 : memref<4x128xf32, #tpu.memory_space<hbm>>) dst(%dma_wait3A_400 : memref<4x128xf32, #tpu.memory_space<vmem>>)
        %dma_wait3A_405 = arith.constant 0 : i32
        %dma_wait3A_406 = arith.constant 4 : i32
        %dma_wait3A_407 = arith.constant 0 : i32
        %dma_wait3A_408 = tpu.memref_slice %arg16[%dma_wait3A_406, %dma_wait3A_407] : memref<8x128xf32, #tpu.memory_space<vmem>> -> memref<4x128xf32, #tpu.memory_space<vmem>>
        %dma_wait3A_409 = arith.constant 0 : i32
        %dma_wait3A_410 = arith.constant 0 : i32
        %dma_wait3A_411 = tpu.memref_slice %arg2[%dma_wait3A_405, %dma_wait3A_409, %dma_wait3A_410] : memref<4x4x500000xf32, #tpu.memory_space<hbm>> -> memref<1x4x128xf32, #tpu.memory_space<hbm>>
        %dma_wait3A_412 = tpu.memref_squeeze %dma_wait3A_411 : memref<1x4x128xf32, #tpu.memory_space<hbm>> -> memref<4x128xf32, #tpu.memory_space<hbm>>
        %dma_wait3A_413 = arith.constant 4 : i32
        %dma_wait3A_414 = arith.constant 0 : i32
        %dma_wait3A_415 = tpu.memref_slice %arg16[%dma_wait3A_413, %dma_wait3A_414] : memref<8x128xf32, #tpu.memory_space<vmem>> -> memref<4x128xf32, #tpu.memory_space<vmem>>
        %dma_wait3A_416 = arith.constant 0 : i32
        %dma_wait3A_417 = arith.constant 0 : i32
        %dma_wait3A_418 = tpu.memref_slice %arg2[%dma_wait3A_405, %dma_wait3A_416, %dma_wait3A_417] : memref<4x4x500000xf32, #tpu.memory_space<hbm>> -> memref<1x4x128xf32, #tpu.memory_space<hbm>>
        %dma_wait3A_419 = tpu.memref_squeeze %dma_wait3A_418 : memref<1x4x128xf32, #tpu.memory_space<hbm>> -> memref<4x128xf32, #tpu.memory_space<hbm>>
        tpu.wait_dma2 semaphore(%arg20 : memref<!tpu.dma_semaphore, #tpu.memory_space<semaphore_mem>>) src(%dma_wait3A_419 : memref<4x128xf32, #tpu.memory_space<hbm>>) dst(%dma_wait3A_415 : memref<4x128xf32, #tpu.memory_space<vmem>>)
        %mul3A_420 = arith.constant 8 : i32
        %mul3A_421 = arith.muli %add3A_233, %mul3A_420 : i32
        %multiple_of3A = tpu.assume_multiple %mul3A_421, 8 : i32
        %dma_start3A = arith.constant 0 : i32
        %dma_start3A_422 = tpu.memref_slice %arg3[%multiple_of3A, %dma_start3A] : memref<62496x128xf32, #tpu.memory_space<hbm>> -> memref<8x128xf32, #tpu.memory_space<hbm>>
        %dma_start3A_423 = arith.constant 0 : i32
        %dma_start3A_424 = tpu.memref_slice %arg3[%multiple_of3A, %dma_start3A_423] : memref<62496x128xf32, #tpu.memory_space<hbm>> -> memref<8x128xf32, #tpu.memory_space<hbm>>
        tpu.enqueue_dma source(%arg16 : memref<8x128xf32, #tpu.memory_space<vmem>>) target(%dma_start3A_424 : memref<8x128xf32, #tpu.memory_space<hbm>>) target_semaphore(%arg21 : memref<!tpu.dma_semaphore, #tpu.memory_space<semaphore_mem>>)
      } else {
      }
      %add3A_239 = arith.addi %mul3A_2, %mul3A_9 : i32
      %add3A_240 = arith.constant 13 : i32
      %add3A_241 = arith.addi %add3A_239, %add3A_240 : i32
      %lt3A_242 = arith.constant 7812 : i32
      %lt3A_243 = arith.cmpi slt, %add3A_241, %lt3A_242 : i32
      %convert_element_type3A_244 = arith.extui %lt3A_243 : i1 to i32
      %cond3A_245 = arith.constant 0 : i32
      %cond3A_246 = arith.cmpi ne, %convert_element_type3A_244, %cond3A_245 : i32
      scf.if %cond3A_246 {
        %dma_wait3A = arith.constant 0 : i32
        %dma_wait3A_391 = arith.constant 0 : i32
        %dma_wait3A_392 = arith.constant 0 : i32
        %dma_wait3A_393 = tpu.memref_slice %arg17[%dma_wait3A_391, %dma_wait3A_392] : memref<8x128xf32, #tpu.memory_space<vmem>> -> memref<4x128xf32, #tpu.memory_space<vmem>>
        %dma_wait3A_394 = arith.constant 0 : i32
        %dma_wait3A_395 = arith.constant 0 : i32
        %dma_wait3A_396 = tpu.memref_slice %arg2[%dma_wait3A, %dma_wait3A_394, %dma_wait3A_395] : memref<4x4x500000xf32, #tpu.memory_space<hbm>> -> memref<1x4x128xf32, #tpu.memory_space<hbm>>
        %dma_wait3A_397 = tpu.memref_squeeze %dma_wait3A_396 : memref<1x4x128xf32, #tpu.memory_space<hbm>> -> memref<4x128xf32, #tpu.memory_space<hbm>>
        %dma_wait3A_398 = arith.constant 0 : i32
        %dma_wait3A_399 = arith.constant 0 : i32
        %dma_wait3A_400 = tpu.memref_slice %arg17[%dma_wait3A_398, %dma_wait3A_399] : memref<8x128xf32, #tpu.memory_space<vmem>> -> memref<4x128xf32, #tpu.memory_space<vmem>>
        %dma_wait3A_401 = arith.constant 0 : i32
        %dma_wait3A_402 = arith.constant 0 : i32
        %dma_wait3A_403 = tpu.memref_slice %arg2[%dma_wait3A, %dma_wait3A_401, %dma_wait3A_402] : memref<4x4x500000xf32, #tpu.memory_space<hbm>> -> memref<1x4x128xf32, #tpu.memory_space<hbm>>
        %dma_wait3A_404 = tpu.memref_squeeze %dma_wait3A_403 : memref<1x4x128xf32, #tpu.memory_space<hbm>> -> memref<4x128xf32, #tpu.memory_space<hbm>>
        tpu.wait_dma2 semaphore(%arg20 : memref<!tpu.dma_semaphore, #tpu.memory_space<semaphore_mem>>) src(%dma_wait3A_404 : memref<4x128xf32, #tpu.memory_space<hbm>>) dst(%dma_wait3A_400 : memref<4x128xf32, #tpu.memory_space<vmem>>)
        %dma_wait3A_405 = arith.constant 0 : i32
        %dma_wait3A_406 = arith.constant 4 : i32
        %dma_wait3A_407 = arith.constant 0 : i32
        %dma_wait3A_408 = tpu.memref_slice %arg17[%dma_wait3A_406, %dma_wait3A_407] : memref<8x128xf32, #tpu.memory_space<vmem>> -> memref<4x128xf32, #tpu.memory_space<vmem>>
        %dma_wait3A_409 = arith.constant 0 : i32
        %dma_wait3A_410 = arith.constant 0 : i32
        %dma_wait3A_411 = tpu.memref_slice %arg2[%dma_wait3A_405, %dma_wait3A_409, %dma_wait3A_410] : memref<4x4x500000xf32, #tpu.memory_space<hbm>> -> memref<1x4x128xf32, #tpu.memory_space<hbm>>
        %dma_wait3A_412 = tpu.memref_squeeze %dma_wait3A_411 : memref<1x4x128xf32, #tpu.memory_space<hbm>> -> memref<4x128xf32, #tpu.memory_space<hbm>>
        %dma_wait3A_413 = arith.constant 4 : i32
        %dma_wait3A_414 = arith.constant 0 : i32
        %dma_wait3A_415 = tpu.memref_slice %arg17[%dma_wait3A_413, %dma_wait3A_414] : memref<8x128xf32, #tpu.memory_space<vmem>> -> memref<4x128xf32, #tpu.memory_space<vmem>>
        %dma_wait3A_416 = arith.constant 0 : i32
        %dma_wait3A_417 = arith.constant 0 : i32
        %dma_wait3A_418 = tpu.memref_slice %arg2[%dma_wait3A_405, %dma_wait3A_416, %dma_wait3A_417] : memref<4x4x500000xf32, #tpu.memory_space<hbm>> -> memref<1x4x128xf32, #tpu.memory_space<hbm>>
        %dma_wait3A_419 = tpu.memref_squeeze %dma_wait3A_418 : memref<1x4x128xf32, #tpu.memory_space<hbm>> -> memref<4x128xf32, #tpu.memory_space<hbm>>
        tpu.wait_dma2 semaphore(%arg20 : memref<!tpu.dma_semaphore, #tpu.memory_space<semaphore_mem>>) src(%dma_wait3A_419 : memref<4x128xf32, #tpu.memory_space<hbm>>) dst(%dma_wait3A_415 : memref<4x128xf32, #tpu.memory_space<vmem>>)
        %mul3A_420 = arith.constant 8 : i32
        %mul3A_421 = arith.muli %add3A_241, %mul3A_420 : i32
        %multiple_of3A = tpu.assume_multiple %mul3A_421, 8 : i32
        %dma_start3A = arith.constant 0 : i32
        %dma_start3A_422 = tpu.memref_slice %arg3[%multiple_of3A, %dma_start3A] : memref<62496x128xf32, #tpu.memory_space<hbm>> -> memref<8x128xf32, #tpu.memory_space<hbm>>
        %dma_start3A_423 = arith.constant 0 : i32
        %dma_start3A_424 = tpu.memref_slice %arg3[%multiple_of3A, %dma_start3A_423] : memref<62496x128xf32, #tpu.memory_space<hbm>> -> memref<8x128xf32, #tpu.memory_space<hbm>>
        tpu.enqueue_dma source(%arg17 : memref<8x128xf32, #tpu.memory_space<vmem>>) target(%dma_start3A_424 : memref<8x128xf32, #tpu.memory_space<hbm>>) target_semaphore(%arg21 : memref<!tpu.dma_semaphore, #tpu.memory_space<semaphore_mem>>)
      } else {
      }
      %add3A_247 = arith.addi %mul3A_2, %mul3A_9 : i32
      %add3A_248 = arith.constant 14 : i32
      %add3A_249 = arith.addi %add3A_247, %add3A_248 : i32
      %lt3A_250 = arith.constant 7812 : i32
      %lt3A_251 = arith.cmpi slt, %add3A_249, %lt3A_250 : i32
      %convert_element_type3A_252 = arith.extui %lt3A_251 : i1 to i32
      %cond3A_253 = arith.constant 0 : i32
      %cond3A_254 = arith.cmpi ne, %convert_element_type3A_252, %cond3A_253 : i32
      scf.if %cond3A_254 {
        %dma_wait3A = arith.constant 0 : i32
        %dma_wait3A_391 = arith.constant 0 : i32
        %dma_wait3A_392 = arith.constant 0 : i32
        %dma_wait3A_393 = tpu.memref_slice %arg18[%dma_wait3A_391, %dma_wait3A_392] : memref<8x128xf32, #tpu.memory_space<vmem>> -> memref<4x128xf32, #tpu.memory_space<vmem>>
        %dma_wait3A_394 = arith.constant 0 : i32
        %dma_wait3A_395 = arith.constant 0 : i32
        %dma_wait3A_396 = tpu.memref_slice %arg2[%dma_wait3A, %dma_wait3A_394, %dma_wait3A_395] : memref<4x4x500000xf32, #tpu.memory_space<hbm>> -> memref<1x4x128xf32, #tpu.memory_space<hbm>>
        %dma_wait3A_397 = tpu.memref_squeeze %dma_wait3A_396 : memref<1x4x128xf32, #tpu.memory_space<hbm>> -> memref<4x128xf32, #tpu.memory_space<hbm>>
        %dma_wait3A_398 = arith.constant 0 : i32
        %dma_wait3A_399 = arith.constant 0 : i32
        %dma_wait3A_400 = tpu.memref_slice %arg18[%dma_wait3A_398, %dma_wait3A_399] : memref<8x128xf32, #tpu.memory_space<vmem>> -> memref<4x128xf32, #tpu.memory_space<vmem>>
        %dma_wait3A_401 = arith.constant 0 : i32
        %dma_wait3A_402 = arith.constant 0 : i32
        %dma_wait3A_403 = tpu.memref_slice %arg2[%dma_wait3A, %dma_wait3A_401, %dma_wait3A_402] : memref<4x4x500000xf32, #tpu.memory_space<hbm>> -> memref<1x4x128xf32, #tpu.memory_space<hbm>>
        %dma_wait3A_404 = tpu.memref_squeeze %dma_wait3A_403 : memref<1x4x128xf32, #tpu.memory_space<hbm>> -> memref<4x128xf32, #tpu.memory_space<hbm>>
        tpu.wait_dma2 semaphore(%arg20 : memref<!tpu.dma_semaphore, #tpu.memory_space<semaphore_mem>>) src(%dma_wait3A_404 : memref<4x128xf32, #tpu.memory_space<hbm>>) dst(%dma_wait3A_400 : memref<4x128xf32, #tpu.memory_space<vmem>>)
        %dma_wait3A_405 = arith.constant 0 : i32
        %dma_wait3A_406 = arith.constant 4 : i32
        %dma_wait3A_407 = arith.constant 0 : i32
        %dma_wait3A_408 = tpu.memref_slice %arg18[%dma_wait3A_406, %dma_wait3A_407] : memref<8x128xf32, #tpu.memory_space<vmem>> -> memref<4x128xf32, #tpu.memory_space<vmem>>
        %dma_wait3A_409 = arith.constant 0 : i32
        %dma_wait3A_410 = arith.constant 0 : i32
        %dma_wait3A_411 = tpu.memref_slice %arg2[%dma_wait3A_405, %dma_wait3A_409, %dma_wait3A_410] : memref<4x4x500000xf32, #tpu.memory_space<hbm>> -> memref<1x4x128xf32, #tpu.memory_space<hbm>>
        %dma_wait3A_412 = tpu.memref_squeeze %dma_wait3A_411 : memref<1x4x128xf32, #tpu.memory_space<hbm>> -> memref<4x128xf32, #tpu.memory_space<hbm>>
        %dma_wait3A_413 = arith.constant 4 : i32
        %dma_wait3A_414 = arith.constant 0 : i32
        %dma_wait3A_415 = tpu.memref_slice %arg18[%dma_wait3A_413, %dma_wait3A_414] : memref<8x128xf32, #tpu.memory_space<vmem>> -> memref<4x128xf32, #tpu.memory_space<vmem>>
        %dma_wait3A_416 = arith.constant 0 : i32
        %dma_wait3A_417 = arith.constant 0 : i32
        %dma_wait3A_418 = tpu.memref_slice %arg2[%dma_wait3A_405, %dma_wait3A_416, %dma_wait3A_417] : memref<4x4x500000xf32, #tpu.memory_space<hbm>> -> memref<1x4x128xf32, #tpu.memory_space<hbm>>
        %dma_wait3A_419 = tpu.memref_squeeze %dma_wait3A_418 : memref<1x4x128xf32, #tpu.memory_space<hbm>> -> memref<4x128xf32, #tpu.memory_space<hbm>>
        tpu.wait_dma2 semaphore(%arg20 : memref<!tpu.dma_semaphore, #tpu.memory_space<semaphore_mem>>) src(%dma_wait3A_419 : memref<4x128xf32, #tpu.memory_space<hbm>>) dst(%dma_wait3A_415 : memref<4x128xf32, #tpu.memory_space<vmem>>)
        %mul3A_420 = arith.constant 8 : i32
        %mul3A_421 = arith.muli %add3A_249, %mul3A_420 : i32
        %multiple_of3A = tpu.assume_multiple %mul3A_421, 8 : i32
        %dma_start3A = arith.constant 0 : i32
        %dma_start3A_422 = tpu.memref_slice %arg3[%multiple_of3A, %dma_start3A] : memref<62496x128xf32, #tpu.memory_space<hbm>> -> memref<8x128xf32, #tpu.memory_space<hbm>>
        %dma_start3A_423 = arith.constant 0 : i32
        %dma_start3A_424 = tpu.memref_slice %arg3[%multiple_of3A, %dma_start3A_423] : memref<62496x128xf32, #tpu.memory_space<hbm>> -> memref<8x128xf32, #tpu.memory_space<hbm>>
        tpu.enqueue_dma source(%arg18 : memref<8x128xf32, #tpu.memory_space<vmem>>) target(%dma_start3A_424 : memref<8x128xf32, #tpu.memory_space<hbm>>) target_semaphore(%arg21 : memref<!tpu.dma_semaphore, #tpu.memory_space<semaphore_mem>>)
      } else {
      }
      %add3A_255 = arith.addi %mul3A_2, %mul3A_9 : i32
      %add3A_256 = arith.constant 15 : i32
      %add3A_257 = arith.addi %add3A_255, %add3A_256 : i32
      %lt3A_258 = arith.constant 7812 : i32
      %lt3A_259 = arith.cmpi slt, %add3A_257, %lt3A_258 : i32
      %convert_element_type3A_260 = arith.extui %lt3A_259 : i1 to i32
      %cond3A_261 = arith.constant 0 : i32
      %cond3A_262 = arith.cmpi ne, %convert_element_type3A_260, %cond3A_261 : i32
      scf.if %cond3A_262 {
        %dma_wait3A = arith.constant 0 : i32
        %dma_wait3A_391 = arith.constant 0 : i32
        %dma_wait3A_392 = arith.constant 0 : i32
        %dma_wait3A_393 = tpu.memref_slice %arg19[%dma_wait3A_391, %dma_wait3A_392] : memref<8x128xf32, #tpu.memory_space<vmem>> -> memref<4x128xf32, #tpu.memory_space<vmem>>
        %dma_wait3A_394 = arith.constant 0 : i32
        %dma_wait3A_395 = arith.constant 0 : i32
        %dma_wait3A_396 = tpu.memref_slice %arg2[%dma_wait3A, %dma_wait3A_394, %dma_wait3A_395] : memref<4x4x500000xf32, #tpu.memory_space<hbm>> -> memref<1x4x128xf32, #tpu.memory_space<hbm>>
        %dma_wait3A_397 = tpu.memref_squeeze %dma_wait3A_396 : memref<1x4x128xf32, #tpu.memory_space<hbm>> -> memref<4x128xf32, #tpu.memory_space<hbm>>
        %dma_wait3A_398 = arith.constant 0 : i32
        %dma_wait3A_399 = arith.constant 0 : i32
        %dma_wait3A_400 = tpu.memref_slice %arg19[%dma_wait3A_398, %dma_wait3A_399] : memref<8x128xf32, #tpu.memory_space<vmem>> -> memref<4x128xf32, #tpu.memory_space<vmem>>
        %dma_wait3A_401 = arith.constant 0 : i32
        %dma_wait3A_402 = arith.constant 0 : i32
        %dma_wait3A_403 = tpu.memref_slice %arg2[%dma_wait3A, %dma_wait3A_401, %dma_wait3A_402] : memref<4x4x500000xf32, #tpu.memory_space<hbm>> -> memref<1x4x128xf32, #tpu.memory_space<hbm>>
        %dma_wait3A_404 = tpu.memref_squeeze %dma_wait3A_403 : memref<1x4x128xf32, #tpu.memory_space<hbm>> -> memref<4x128xf32, #tpu.memory_space<hbm>>
        tpu.wait_dma2 semaphore(%arg20 : memref<!tpu.dma_semaphore, #tpu.memory_space<semaphore_mem>>) src(%dma_wait3A_404 : memref<4x128xf32, #tpu.memory_space<hbm>>) dst(%dma_wait3A_400 : memref<4x128xf32, #tpu.memory_space<vmem>>)
        %dma_wait3A_405 = arith.constant 0 : i32
        %dma_wait3A_406 = arith.constant 4 : i32
        %dma_wait3A_407 = arith.constant 0 : i32
        %dma_wait3A_408 = tpu.memref_slice %arg19[%dma_wait3A_406, %dma_wait3A_407] : memref<8x128xf32, #tpu.memory_space<vmem>> -> memref<4x128xf32, #tpu.memory_space<vmem>>
        %dma_wait3A_409 = arith.constant 0 : i32
        %dma_wait3A_410 = arith.constant 0 : i32
        %dma_wait3A_411 = tpu.memref_slice %arg2[%dma_wait3A_405, %dma_wait3A_409, %dma_wait3A_410] : memref<4x4x500000xf32, #tpu.memory_space<hbm>> -> memref<1x4x128xf32, #tpu.memory_space<hbm>>
        %dma_wait3A_412 = tpu.memref_squeeze %dma_wait3A_411 : memref<1x4x128xf32, #tpu.memory_space<hbm>> -> memref<4x128xf32, #tpu.memory_space<hbm>>
        %dma_wait3A_413 = arith.constant 4 : i32
        %dma_wait3A_414 = arith.constant 0 : i32
        %dma_wait3A_415 = tpu.memref_slice %arg19[%dma_wait3A_413, %dma_wait3A_414] : memref<8x128xf32, #tpu.memory_space<vmem>> -> memref<4x128xf32, #tpu.memory_space<vmem>>
        %dma_wait3A_416 = arith.constant 0 : i32
        %dma_wait3A_417 = arith.constant 0 : i32
        %dma_wait3A_418 = tpu.memref_slice %arg2[%dma_wait3A_405, %dma_wait3A_416, %dma_wait3A_417] : memref<4x4x500000xf32, #tpu.memory_space<hbm>> -> memref<1x4x128xf32, #tpu.memory_space<hbm>>
        %dma_wait3A_419 = tpu.memref_squeeze %dma_wait3A_418 : memref<1x4x128xf32, #tpu.memory_space<hbm>> -> memref<4x128xf32, #tpu.memory_space<hbm>>
        tpu.wait_dma2 semaphore(%arg20 : memref<!tpu.dma_semaphore, #tpu.memory_space<semaphore_mem>>) src(%dma_wait3A_419 : memref<4x128xf32, #tpu.memory_space<hbm>>) dst(%dma_wait3A_415 : memref<4x128xf32, #tpu.memory_space<vmem>>)
        %mul3A_420 = arith.constant 8 : i32
        %mul3A_421 = arith.muli %add3A_257, %mul3A_420 : i32
        %multiple_of3A = tpu.assume_multiple %mul3A_421, 8 : i32
        %dma_start3A = arith.constant 0 : i32
        %dma_start3A_422 = tpu.memref_slice %arg3[%multiple_of3A, %dma_start3A] : memref<62496x128xf32, #tpu.memory_space<hbm>> -> memref<8x128xf32, #tpu.memory_space<hbm>>
        %dma_start3A_423 = arith.constant 0 : i32
        %dma_start3A_424 = tpu.memref_slice %arg3[%multiple_of3A, %dma_start3A_423] : memref<62496x128xf32, #tpu.memory_space<hbm>> -> memref<8x128xf32, #tpu.memory_space<hbm>>
        tpu.enqueue_dma source(%arg19 : memref<8x128xf32, #tpu.memory_space<vmem>>) target(%dma_start3A_424 : memref<8x128xf32, #tpu.memory_space<hbm>>) target_semaphore(%arg21 : memref<!tpu.dma_semaphore, #tpu.memory_space<semaphore_mem>>)
      } else {
      }
      %add3A_263 = arith.addi %mul3A_2, %mul3A_9 : i32
      %add3A_264 = arith.constant 0 : i32
      %add3A_265 = arith.addi %add3A_263, %add3A_264 : i32
      %lt3A_266 = arith.constant 7812 : i32
      %lt3A_267 = arith.cmpi slt, %add3A_265, %lt3A_266 : i32
      %convert_element_type3A_268 = arith.extui %lt3A_267 : i1 to i32
      %cond3A_269 = arith.constant 0 : i32
      %cond3A_270 = arith.cmpi ne, %convert_element_type3A_268, %cond3A_269 : i32
      scf.if %cond3A_270 {
        %dma_wait3A = arith.constant 0 : i32
        %dma_wait3A_391 = arith.constant 0 : i32
        %dma_wait3A_392 = tpu.memref_slice %arg3[%dma_wait3A, %dma_wait3A_391] : memref<62496x128xf32, #tpu.memory_space<hbm>> -> memref<8x128xf32, #tpu.memory_space<hbm>>
        %dma_wait3A_393 = arith.constant 0 : i32
        %dma_wait3A_394 = arith.constant 0 : i32
        %dma_wait3A_395 = tpu.memref_slice %arg3[%dma_wait3A_393, %dma_wait3A_394] : memref<62496x128xf32, #tpu.memory_space<hbm>> -> memref<8x128xf32, #tpu.memory_space<hbm>>
        tpu.wait_dma2 semaphore(%arg21 : memref<!tpu.dma_semaphore, #tpu.memory_space<semaphore_mem>>) src(%dma_wait3A_395 : memref<8x128xf32, #tpu.memory_space<hbm>>) dst(%arg4 : memref<8x128xf32, #tpu.memory_space<vmem>>)
      } else {
      }
      %add3A_271 = arith.addi %mul3A_2, %mul3A_9 : i32
      %add3A_272 = arith.constant 1 : i32
      %add3A_273 = arith.addi %add3A_271, %add3A_272 : i32
      %lt3A_274 = arith.constant 7812 : i32
      %lt3A_275 = arith.cmpi slt, %add3A_273, %lt3A_274 : i32
      %convert_element_type3A_276 = arith.extui %lt3A_275 : i1 to i32
      %cond3A_277 = arith.constant 0 : i32
      %cond3A_278 = arith.cmpi ne, %convert_element_type3A_276, %cond3A_277 : i32
      scf.if %cond3A_278 {
        %dma_wait3A = arith.constant 0 : i32
        %dma_wait3A_391 = arith.constant 0 : i32
        %dma_wait3A_392 = tpu.memref_slice %arg3[%dma_wait3A, %dma_wait3A_391] : memref<62496x128xf32, #tpu.memory_space<hbm>> -> memref<8x128xf32, #tpu.memory_space<hbm>>
        %dma_wait3A_393 = arith.constant 0 : i32
        %dma_wait3A_394 = arith.constant 0 : i32
        %dma_wait3A_395 = tpu.memref_slice %arg3[%dma_wait3A_393, %dma_wait3A_394] : memref<62496x128xf32, #tpu.memory_space<hbm>> -> memref<8x128xf32, #tpu.memory_space<hbm>>
        tpu.wait_dma2 semaphore(%arg21 : memref<!tpu.dma_semaphore, #tpu.memory_space<semaphore_mem>>) src(%dma_wait3A_395 : memref<8x128xf32, #tpu.memory_space<hbm>>) dst(%arg5 : memref<8x128xf32, #tpu.memory_space<vmem>>)
      } else {
      }
      %add3A_279 = arith.addi %mul3A_2, %mul3A_9 : i32
      %add3A_280 = arith.constant 2 : i32
      %add3A_281 = arith.addi %add3A_279, %add3A_280 : i32
      %lt3A_282 = arith.constant 7812 : i32
      %lt3A_283 = arith.cmpi slt, %add3A_281, %lt3A_282 : i32
      %convert_element_type3A_284 = arith.extui %lt3A_283 : i1 to i32
      %cond3A_285 = arith.constant 0 : i32
      %cond3A_286 = arith.cmpi ne, %convert_element_type3A_284, %cond3A_285 : i32
      scf.if %cond3A_286 {
        %dma_wait3A = arith.constant 0 : i32
        %dma_wait3A_391 = arith.constant 0 : i32
        %dma_wait3A_392 = tpu.memref_slice %arg3[%dma_wait3A, %dma_wait3A_391] : memref<62496x128xf32, #tpu.memory_space<hbm>> -> memref<8x128xf32, #tpu.memory_space<hbm>>
        %dma_wait3A_393 = arith.constant 0 : i32
        %dma_wait3A_394 = arith.constant 0 : i32
        %dma_wait3A_395 = tpu.memref_slice %arg3[%dma_wait3A_393, %dma_wait3A_394] : memref<62496x128xf32, #tpu.memory_space<hbm>> -> memref<8x128xf32, #tpu.memory_space<hbm>>
        tpu.wait_dma2 semaphore(%arg21 : memref<!tpu.dma_semaphore, #tpu.memory_space<semaphore_mem>>) src(%dma_wait3A_395 : memref<8x128xf32, #tpu.memory_space<hbm>>) dst(%arg6 : memref<8x128xf32, #tpu.memory_space<vmem>>)
      } else {
      }
      %add3A_287 = arith.addi %mul3A_2, %mul3A_9 : i32
      %add3A_288 = arith.constant 3 : i32
      %add3A_289 = arith.addi %add3A_287, %add3A_288 : i32
      %lt3A_290 = arith.constant 7812 : i32
      %lt3A_291 = arith.cmpi slt, %add3A_289, %lt3A_290 : i32
      %convert_element_type3A_292 = arith.extui %lt3A_291 : i1 to i32
      %cond3A_293 = arith.constant 0 : i32
      %cond3A_294 = arith.cmpi ne, %convert_element_type3A_292, %cond3A_293 : i32
      scf.if %cond3A_294 {
        %dma_wait3A = arith.constant 0 : i32
        %dma_wait3A_391 = arith.constant 0 : i32
        %dma_wait3A_392 = tpu.memref_slice %arg3[%dma_wait3A, %dma_wait3A_391] : memref<62496x128xf32, #tpu.memory_space<hbm>> -> memref<8x128xf32, #tpu.memory_space<hbm>>
        %dma_wait3A_393 = arith.constant 0 : i32
        %dma_wait3A_394 = arith.constant 0 : i32
        %dma_wait3A_395 = tpu.memref_slice %arg3[%dma_wait3A_393, %dma_wait3A_394] : memref<62496x128xf32, #tpu.memory_space<hbm>> -> memref<8x128xf32, #tpu.memory_space<hbm>>
        tpu.wait_dma2 semaphore(%arg21 : memref<!tpu.dma_semaphore, #tpu.memory_space<semaphore_mem>>) src(%dma_wait3A_395 : memref<8x128xf32, #tpu.memory_space<hbm>>) dst(%arg7 : memref<8x128xf32, #tpu.memory_space<vmem>>)
      } else {
      }
      %add3A_295 = arith.addi %mul3A_2, %mul3A_9 : i32
      %add3A_296 = arith.constant 4 : i32
      %add3A_297 = arith.addi %add3A_295, %add3A_296 : i32
      %lt3A_298 = arith.constant 7812 : i32
      %lt3A_299 = arith.cmpi slt, %add3A_297, %lt3A_298 : i32
      %convert_element_type3A_300 = arith.extui %lt3A_299 : i1 to i32
      %cond3A_301 = arith.constant 0 : i32
      %cond3A_302 = arith.cmpi ne, %convert_element_type3A_300, %cond3A_301 : i32
      scf.if %cond3A_302 {
        %dma_wait3A = arith.constant 0 : i32
        %dma_wait3A_391 = arith.constant 0 : i32
        %dma_wait3A_392 = tpu.memref_slice %arg3[%dma_wait3A, %dma_wait3A_391] : memref<62496x128xf32, #tpu.memory_space<hbm>> -> memref<8x128xf32, #tpu.memory_space<hbm>>
        %dma_wait3A_393 = arith.constant 0 : i32
        %dma_wait3A_394 = arith.constant 0 : i32
        %dma_wait3A_395 = tpu.memref_slice %arg3[%dma_wait3A_393, %dma_wait3A_394] : memref<62496x128xf32, #tpu.memory_space<hbm>> -> memref<8x128xf32, #tpu.memory_space<hbm>>
        tpu.wait_dma2 semaphore(%arg21 : memref<!tpu.dma_semaphore, #tpu.memory_space<semaphore_mem>>) src(%dma_wait3A_395 : memref<8x128xf32, #tpu.memory_space<hbm>>) dst(%arg8 : memref<8x128xf32, #tpu.memory_space<vmem>>)
      } else {
      }
      %add3A_303 = arith.addi %mul3A_2, %mul3A_9 : i32
      %add3A_304 = arith.constant 5 : i32
      %add3A_305 = arith.addi %add3A_303, %add3A_304 : i32
      %lt3A_306 = arith.constant 7812 : i32
      %lt3A_307 = arith.cmpi slt, %add3A_305, %lt3A_306 : i32
      %convert_element_type3A_308 = arith.extui %lt3A_307 : i1 to i32
      %cond3A_309 = arith.constant 0 : i32
      %cond3A_310 = arith.cmpi ne, %convert_element_type3A_308, %cond3A_309 : i32
      scf.if %cond3A_310 {
        %dma_wait3A = arith.constant 0 : i32
        %dma_wait3A_391 = arith.constant 0 : i32
        %dma_wait3A_392 = tpu.memref_slice %arg3[%dma_wait3A, %dma_wait3A_391] : memref<62496x128xf32, #tpu.memory_space<hbm>> -> memref<8x128xf32, #tpu.memory_space<hbm>>
        %dma_wait3A_393 = arith.constant 0 : i32
        %dma_wait3A_394 = arith.constant 0 : i32
        %dma_wait3A_395 = tpu.memref_slice %arg3[%dma_wait3A_393, %dma_wait3A_394] : memref<62496x128xf32, #tpu.memory_space<hbm>> -> memref<8x128xf32, #tpu.memory_space<hbm>>
        tpu.wait_dma2 semaphore(%arg21 : memref<!tpu.dma_semaphore, #tpu.memory_space<semaphore_mem>>) src(%dma_wait3A_395 : memref<8x128xf32, #tpu.memory_space<hbm>>) dst(%arg9 : memref<8x128xf32, #tpu.memory_space<vmem>>)
      } else {
      }
      %add3A_311 = arith.addi %mul3A_2, %mul3A_9 : i32
      %add3A_312 = arith.constant 6 : i32
      %add3A_313 = arith.addi %add3A_311, %add3A_312 : i32
      %lt3A_314 = arith.constant 7812 : i32
      %lt3A_315 = arith.cmpi slt, %add3A_313, %lt3A_314 : i32
      %convert_element_type3A_316 = arith.extui %lt3A_315 : i1 to i32
      %cond3A_317 = arith.constant 0 : i32
      %cond3A_318 = arith.cmpi ne, %convert_element_type3A_316, %cond3A_317 : i32
      scf.if %cond3A_318 {
        %dma_wait3A = arith.constant 0 : i32
        %dma_wait3A_391 = arith.constant 0 : i32
        %dma_wait3A_392 = tpu.memref_slice %arg3[%dma_wait3A, %dma_wait3A_391] : memref<62496x128xf32, #tpu.memory_space<hbm>> -> memref<8x128xf32, #tpu.memory_space<hbm>>
        %dma_wait3A_393 = arith.constant 0 : i32
        %dma_wait3A_394 = arith.constant 0 : i32
        %dma_wait3A_395 = tpu.memref_slice %arg3[%dma_wait3A_393, %dma_wait3A_394] : memref<62496x128xf32, #tpu.memory_space<hbm>> -> memref<8x128xf32, #tpu.memory_space<hbm>>
        tpu.wait_dma2 semaphore(%arg21 : memref<!tpu.dma_semaphore, #tpu.memory_space<semaphore_mem>>) src(%dma_wait3A_395 : memref<8x128xf32, #tpu.memory_space<hbm>>) dst(%arg10 : memref<8x128xf32, #tpu.memory_space<vmem>>)
      } else {
      }
      %add3A_319 = arith.addi %mul3A_2, %mul3A_9 : i32
      %add3A_320 = arith.constant 7 : i32
      %add3A_321 = arith.addi %add3A_319, %add3A_320 : i32
      %lt3A_322 = arith.constant 7812 : i32
      %lt3A_323 = arith.cmpi slt, %add3A_321, %lt3A_322 : i32
      %convert_element_type3A_324 = arith.extui %lt3A_323 : i1 to i32
      %cond3A_325 = arith.constant 0 : i32
      %cond3A_326 = arith.cmpi ne, %convert_element_type3A_324, %cond3A_325 : i32
      scf.if %cond3A_326 {
        %dma_wait3A = arith.constant 0 : i32
        %dma_wait3A_391 = arith.constant 0 : i32
        %dma_wait3A_392 = tpu.memref_slice %arg3[%dma_wait3A, %dma_wait3A_391] : memref<62496x128xf32, #tpu.memory_space<hbm>> -> memref<8x128xf32, #tpu.memory_space<hbm>>
        %dma_wait3A_393 = arith.constant 0 : i32
        %dma_wait3A_394 = arith.constant 0 : i32
        %dma_wait3A_395 = tpu.memref_slice %arg3[%dma_wait3A_393, %dma_wait3A_394] : memref<62496x128xf32, #tpu.memory_space<hbm>> -> memref<8x128xf32, #tpu.memory_space<hbm>>
        tpu.wait_dma2 semaphore(%arg21 : memref<!tpu.dma_semaphore, #tpu.memory_space<semaphore_mem>>) src(%dma_wait3A_395 : memref<8x128xf32, #tpu.memory_space<hbm>>) dst(%arg11 : memref<8x128xf32, #tpu.memory_space<vmem>>)
      } else {
      }
      %add3A_327 = arith.addi %mul3A_2, %mul3A_9 : i32
      %add3A_328 = arith.constant 8 : i32
      %add3A_329 = arith.addi %add3A_327, %add3A_328 : i32
      %lt3A_330 = arith.constant 7812 : i32
      %lt3A_331 = arith.cmpi slt, %add3A_329, %lt3A_330 : i32
      %convert_element_type3A_332 = arith.extui %lt3A_331 : i1 to i32
      %cond3A_333 = arith.constant 0 : i32
      %cond3A_334 = arith.cmpi ne, %convert_element_type3A_332, %cond3A_333 : i32
      scf.if %cond3A_334 {
        %dma_wait3A = arith.constant 0 : i32
        %dma_wait3A_391 = arith.constant 0 : i32
        %dma_wait3A_392 = tpu.memref_slice %arg3[%dma_wait3A, %dma_wait3A_391] : memref<62496x128xf32, #tpu.memory_space<hbm>> -> memref<8x128xf32, #tpu.memory_space<hbm>>
        %dma_wait3A_393 = arith.constant 0 : i32
        %dma_wait3A_394 = arith.constant 0 : i32
        %dma_wait3A_395 = tpu.memref_slice %arg3[%dma_wait3A_393, %dma_wait3A_394] : memref<62496x128xf32, #tpu.memory_space<hbm>> -> memref<8x128xf32, #tpu.memory_space<hbm>>
        tpu.wait_dma2 semaphore(%arg21 : memref<!tpu.dma_semaphore, #tpu.memory_space<semaphore_mem>>) src(%dma_wait3A_395 : memref<8x128xf32, #tpu.memory_space<hbm>>) dst(%arg12 : memref<8x128xf32, #tpu.memory_space<vmem>>)
      } else {
      }
      %add3A_335 = arith.addi %mul3A_2, %mul3A_9 : i32
      %add3A_336 = arith.constant 9 : i32
      %add3A_337 = arith.addi %add3A_335, %add3A_336 : i32
      %lt3A_338 = arith.constant 7812 : i32
      %lt3A_339 = arith.cmpi slt, %add3A_337, %lt3A_338 : i32
      %convert_element_type3A_340 = arith.extui %lt3A_339 : i1 to i32
      %cond3A_341 = arith.constant 0 : i32
      %cond3A_342 = arith.cmpi ne, %convert_element_type3A_340, %cond3A_341 : i32
      scf.if %cond3A_342 {
        %dma_wait3A = arith.constant 0 : i32
        %dma_wait3A_391 = arith.constant 0 : i32
        %dma_wait3A_392 = tpu.memref_slice %arg3[%dma_wait3A, %dma_wait3A_391] : memref<62496x128xf32, #tpu.memory_space<hbm>> -> memref<8x128xf32, #tpu.memory_space<hbm>>
        %dma_wait3A_393 = arith.constant 0 : i32
        %dma_wait3A_394 = arith.constant 0 : i32
        %dma_wait3A_395 = tpu.memref_slice %arg3[%dma_wait3A_393, %dma_wait3A_394] : memref<62496x128xf32, #tpu.memory_space<hbm>> -> memref<8x128xf32, #tpu.memory_space<hbm>>
        tpu.wait_dma2 semaphore(%arg21 : memref<!tpu.dma_semaphore, #tpu.memory_space<semaphore_mem>>) src(%dma_wait3A_395 : memref<8x128xf32, #tpu.memory_space<hbm>>) dst(%arg13 : memref<8x128xf32, #tpu.memory_space<vmem>>)
      } else {
      }
      %add3A_343 = arith.addi %mul3A_2, %mul3A_9 : i32
      %add3A_344 = arith.constant 10 : i32
      %add3A_345 = arith.addi %add3A_343, %add3A_344 : i32
      %lt3A_346 = arith.constant 7812 : i32
      %lt3A_347 = arith.cmpi slt, %add3A_345, %lt3A_346 : i32
      %convert_element_type3A_348 = arith.extui %lt3A_347 : i1 to i32
      %cond3A_349 = arith.constant 0 : i32
      %cond3A_350 = arith.cmpi ne, %convert_element_type3A_348, %cond3A_349 : i32
      scf.if %cond3A_350 {
        %dma_wait3A = arith.constant 0 : i32
        %dma_wait3A_391 = arith.constant 0 : i32
        %dma_wait3A_392 = tpu.memref_slice %arg3[%dma_wait3A, %dma_wait3A_391] : memref<62496x128xf32, #tpu.memory_space<hbm>> -> memref<8x128xf32, #tpu.memory_space<hbm>>
        %dma_wait3A_393 = arith.constant 0 : i32
        %dma_wait3A_394 = arith.constant 0 : i32
        %dma_wait3A_395 = tpu.memref_slice %arg3[%dma_wait3A_393, %dma_wait3A_394] : memref<62496x128xf32, #tpu.memory_space<hbm>> -> memref<8x128xf32, #tpu.memory_space<hbm>>
        tpu.wait_dma2 semaphore(%arg21 : memref<!tpu.dma_semaphore, #tpu.memory_space<semaphore_mem>>) src(%dma_wait3A_395 : memref<8x128xf32, #tpu.memory_space<hbm>>) dst(%arg14 : memref<8x128xf32, #tpu.memory_space<vmem>>)
      } else {
      }
      %add3A_351 = arith.addi %mul3A_2, %mul3A_9 : i32
      %add3A_352 = arith.constant 11 : i32
      %add3A_353 = arith.addi %add3A_351, %add3A_352 : i32
      %lt3A_354 = arith.constant 7812 : i32
      %lt3A_355 = arith.cmpi slt, %add3A_353, %lt3A_354 : i32
      %convert_element_type3A_356 = arith.extui %lt3A_355 : i1 to i32
      %cond3A_357 = arith.constant 0 : i32
      %cond3A_358 = arith.cmpi ne, %convert_element_type3A_356, %cond3A_357 : i32
      scf.if %cond3A_358 {
        %dma_wait3A = arith.constant 0 : i32
        %dma_wait3A_391 = arith.constant 0 : i32
        %dma_wait3A_392 = tpu.memref_slice %arg3[%dma_wait3A, %dma_wait3A_391] : memref<62496x128xf32, #tpu.memory_space<hbm>> -> memref<8x128xf32, #tpu.memory_space<hbm>>
        %dma_wait3A_393 = arith.constant 0 : i32
        %dma_wait3A_394 = arith.constant 0 : i32
        %dma_wait3A_395 = tpu.memref_slice %arg3[%dma_wait3A_393, %dma_wait3A_394] : memref<62496x128xf32, #tpu.memory_space<hbm>> -> memref<8x128xf32, #tpu.memory_space<hbm>>
        tpu.wait_dma2 semaphore(%arg21 : memref<!tpu.dma_semaphore, #tpu.memory_space<semaphore_mem>>) src(%dma_wait3A_395 : memref<8x128xf32, #tpu.memory_space<hbm>>) dst(%arg15 : memref<8x128xf32, #tpu.memory_space<vmem>>)
      } else {
      }
      %add3A_359 = arith.addi %mul3A_2, %mul3A_9 : i32
      %add3A_360 = arith.constant 12 : i32
      %add3A_361 = arith.addi %add3A_359, %add3A_360 : i32
      %lt3A_362 = arith.constant 7812 : i32
      %lt3A_363 = arith.cmpi slt, %add3A_361, %lt3A_362 : i32
      %convert_element_type3A_364 = arith.extui %lt3A_363 : i1 to i32
      %cond3A_365 = arith.constant 0 : i32
      %cond3A_366 = arith.cmpi ne, %convert_element_type3A_364, %cond3A_365 : i32
      scf.if %cond3A_366 {
        %dma_wait3A = arith.constant 0 : i32
        %dma_wait3A_391 = arith.constant 0 : i32
        %dma_wait3A_392 = tpu.memref_slice %arg3[%dma_wait3A, %dma_wait3A_391] : memref<62496x128xf32, #tpu.memory_space<hbm>> -> memref<8x128xf32, #tpu.memory_space<hbm>>
        %dma_wait3A_393 = arith.constant 0 : i32
        %dma_wait3A_394 = arith.constant 0 : i32
        %dma_wait3A_395 = tpu.memref_slice %arg3[%dma_wait3A_393, %dma_wait3A_394] : memref<62496x128xf32, #tpu.memory_space<hbm>> -> memref<8x128xf32, #tpu.memory_space<hbm>>
        tpu.wait_dma2 semaphore(%arg21 : memref<!tpu.dma_semaphore, #tpu.memory_space<semaphore_mem>>) src(%dma_wait3A_395 : memref<8x128xf32, #tpu.memory_space<hbm>>) dst(%arg16 : memref<8x128xf32, #tpu.memory_space<vmem>>)
      } else {
      }
      %add3A_367 = arith.addi %mul3A_2, %mul3A_9 : i32
      %add3A_368 = arith.constant 13 : i32
      %add3A_369 = arith.addi %add3A_367, %add3A_368 : i32
      %lt3A_370 = arith.constant 7812 : i32
      %lt3A_371 = arith.cmpi slt, %add3A_369, %lt3A_370 : i32
      %convert_element_type3A_372 = arith.extui %lt3A_371 : i1 to i32
      %cond3A_373 = arith.constant 0 : i32
      %cond3A_374 = arith.cmpi ne, %convert_element_type3A_372, %cond3A_373 : i32
      scf.if %cond3A_374 {
        %dma_wait3A = arith.constant 0 : i32
        %dma_wait3A_391 = arith.constant 0 : i32
        %dma_wait3A_392 = tpu.memref_slice %arg3[%dma_wait3A, %dma_wait3A_391] : memref<62496x128xf32, #tpu.memory_space<hbm>> -> memref<8x128xf32, #tpu.memory_space<hbm>>
        %dma_wait3A_393 = arith.constant 0 : i32
        %dma_wait3A_394 = arith.constant 0 : i32
        %dma_wait3A_395 = tpu.memref_slice %arg3[%dma_wait3A_393, %dma_wait3A_394] : memref<62496x128xf32, #tpu.memory_space<hbm>> -> memref<8x128xf32, #tpu.memory_space<hbm>>
        tpu.wait_dma2 semaphore(%arg21 : memref<!tpu.dma_semaphore, #tpu.memory_space<semaphore_mem>>) src(%dma_wait3A_395 : memref<8x128xf32, #tpu.memory_space<hbm>>) dst(%arg17 : memref<8x128xf32, #tpu.memory_space<vmem>>)
      } else {
      }
      %add3A_375 = arith.addi %mul3A_2, %mul3A_9 : i32
      %add3A_376 = arith.constant 14 : i32
      %add3A_377 = arith.addi %add3A_375, %add3A_376 : i32
      %lt3A_378 = arith.constant 7812 : i32
      %lt3A_379 = arith.cmpi slt, %add3A_377, %lt3A_378 : i32
      %convert_element_type3A_380 = arith.extui %lt3A_379 : i1 to i32
      %cond3A_381 = arith.constant 0 : i32
      %cond3A_382 = arith.cmpi ne, %convert_element_type3A_380, %cond3A_381 : i32
      scf.if %cond3A_382 {
        %dma_wait3A = arith.constant 0 : i32
        %dma_wait3A_391 = arith.constant 0 : i32
        %dma_wait3A_392 = tpu.memref_slice %arg3[%dma_wait3A, %dma_wait3A_391] : memref<62496x128xf32, #tpu.memory_space<hbm>> -> memref<8x128xf32, #tpu.memory_space<hbm>>
        %dma_wait3A_393 = arith.constant 0 : i32
        %dma_wait3A_394 = arith.constant 0 : i32
        %dma_wait3A_395 = tpu.memref_slice %arg3[%dma_wait3A_393, %dma_wait3A_394] : memref<62496x128xf32, #tpu.memory_space<hbm>> -> memref<8x128xf32, #tpu.memory_space<hbm>>
        tpu.wait_dma2 semaphore(%arg21 : memref<!tpu.dma_semaphore, #tpu.memory_space<semaphore_mem>>) src(%dma_wait3A_395 : memref<8x128xf32, #tpu.memory_space<hbm>>) dst(%arg18 : memref<8x128xf32, #tpu.memory_space<vmem>>)
      } else {
      }
      %add3A_383 = arith.addi %mul3A_2, %mul3A_9 : i32
      %add3A_384 = arith.constant 15 : i32
      %add3A_385 = arith.addi %add3A_383, %add3A_384 : i32
      %lt3A_386 = arith.constant 7812 : i32
      %lt3A_387 = arith.cmpi slt, %add3A_385, %lt3A_386 : i32
      %convert_element_type3A_388 = arith.extui %lt3A_387 : i1 to i32
      %cond3A_389 = arith.constant 0 : i32
      %cond3A_390 = arith.cmpi ne, %convert_element_type3A_388, %cond3A_389 : i32
      scf.if %cond3A_390 {
        %dma_wait3A = arith.constant 0 : i32
        %dma_wait3A_391 = arith.constant 0 : i32
        %dma_wait3A_392 = tpu.memref_slice %arg3[%dma_wait3A, %dma_wait3A_391] : memref<62496x128xf32, #tpu.memory_space<hbm>> -> memref<8x128xf32, #tpu.memory_space<hbm>>
        %dma_wait3A_393 = arith.constant 0 : i32
        %dma_wait3A_394 = arith.constant 0 : i32
        %dma_wait3A_395 = tpu.memref_slice %arg3[%dma_wait3A_393, %dma_wait3A_394] : memref<62496x128xf32, #tpu.memory_space<hbm>> -> memref<8x128xf32, #tpu.memory_space<hbm>>
        tpu.wait_dma2 semaphore(%arg21 : memref<!tpu.dma_semaphore, #tpu.memory_space<semaphore_mem>>) src(%dma_wait3A_395 : memref<8x128xf32, #tpu.memory_space<hbm>>) dst(%arg19 : memref<8x128xf32, #tpu.memory_space<vmem>>)
      } else {
      }
    }
    %scan3A_6 = arith.constant 16 : i32
    return
  }
}

#map = affine_map<(d0, d1) -> (0)>
#map1 = affine_map<(d0, d1) -> (0, 0)>
#map2 = affine_map<(d0, d1) -> (0, 0, 0)>
module attributes {stable_mosaic.version = 14 : i64} {
  func.func @gather_kernel(%arg0: i32, %arg1: i32, %arg2: memref<7999488xf32, #tpu.memory_space<hbm>>, %arg3: memref<256x128xi32, #tpu.memory_space<hbm>>, %arg4: memref<4x4x500000xf32, #tpu.memory_space<hbm>>, %arg5: memref<32768xf32, #tpu.memory_space<hbm>>, %arg6: memref<8x128xi32, #tpu.memory_space<vmem>>, %arg7: memref<1024xf32, #tpu.memory_space<vmem>>, %arg8: memref<16xf32, #tpu.memory_space<vmem>>, %arg9: memref<!tpu.dma_semaphore, #tpu.memory_space<semaphore_mem>>) attributes {dimension_semantics = [#tpu.dimension_semantics<core_parallel>, #tpu.dimension_semantics<subcore_parallel>], iteration_bounds = array<i64: 2, 16>, scalar_prefetch = 0 : i64, scratch_operands = 4 : i64, tpu.core_type = #tpu.core_type<sc_vector_subcore>, window_params = [{transform_indices = #map}, {transform_indices = #map1}, {transform_indices = #map2}, {transform_indices = #map}]} {
    %mul3A = arith.constant 2 : i32
    %mul3A_0 = arith.muli %arg1, %mul3A : i32
    %add3A = arith.addi %mul3A_0, %arg0 : i32
    %mul3A_1 = arith.constant 8 : i32
    %mul3A_2 = arith.muli %add3A, %mul3A_1 : i32
    "tpu.region"() ({
      %run_scoped3A = tpu.sem_alloc : memref<!tpu.dma_semaphore, #tpu.memory_space<semaphore_mem>>
      %dma_start3A_131 = arith.constant 0 : i32
      %dma_start3A_132 = tpu.memref_slice %arg3[%mul3A_2, %dma_start3A_131] : memref<256x128xi32, #tpu.memory_space<hbm>> -> memref<8x128xi32, #tpu.memory_space<hbm>>
      %dma_start3A_133 = arith.constant 0 : i32
      %dma_start3A_134 = tpu.memref_slice %arg3[%mul3A_2, %dma_start3A_133] : memref<256x128xi32, #tpu.memory_space<hbm>> -> memref<8x128xi32, #tpu.memory_space<hbm>>
      tpu.enqueue_dma source(%dma_start3A_134 : memref<8x128xi32, #tpu.memory_space<hbm>>) target(%arg6 : memref<8x128xi32, #tpu.memory_space<vmem>>) target_semaphore(%run_scoped3A : memref<!tpu.dma_semaphore, #tpu.memory_space<semaphore_mem>>)
      %dma_wait3A_135 = arith.constant 0 : i32
      %dma_wait3A_136 = tpu.memref_slice %arg3[%mul3A_2, %dma_wait3A_135] : memref<256x128xi32, #tpu.memory_space<hbm>> -> memref<8x128xi32, #tpu.memory_space<hbm>>
      %dma_wait3A_137 = arith.constant 0 : i32
      %dma_wait3A_138 = tpu.memref_slice %arg3[%mul3A_2, %dma_wait3A_137] : memref<256x128xi32, #tpu.memory_space<hbm>> -> memref<8x128xi32, #tpu.memory_space<hbm>>
      tpu.wait_dma2 semaphore(%run_scoped3A : memref<!tpu.dma_semaphore, #tpu.memory_space<semaphore_mem>>) src(%dma_wait3A_138 : memref<8x128xi32, #tpu.memory_space<hbm>>) dst(%arg6 : memref<8x128xi32, #tpu.memory_space<vmem>>)
      tpu.yield
    }) : () -> ()
    %dma_start3A = arith.constant 0 : i32
    %dma_start3A_3 = arith.constant 0 : i32
    %dma_start3A_4 = tpu.memref_slice %arg7[%dma_start3A_3] : memref<1024xf32, #tpu.memory_space<vmem>> -> memref<128xf32, #tpu.memory_space<vmem>>
    %dma_start3A_5 = arith.constant 0 : i32
    %dma_start3A_6 = tpu.memref_slice %arg6[%dma_start3A, %dma_start3A_5] : memref<8x128xi32, #tpu.memory_space<vmem>> -> memref<1x128xi32, #tpu.memory_space<vmem>>
    %dma_start3A_7 = tpu.memref_squeeze %dma_start3A_6 : memref<1x128xi32, #tpu.memory_space<vmem>> -> memref<128xi32, #tpu.memory_space<vmem>>
    %dma_start3A_8 = arith.constant 0 : i32
    %dma_start3A_9 = tpu.memref_slice %arg2[%dma_start3A_8] : memref<7999488xf32, #tpu.memory_space<hbm>> -> memref<7999488xf32, #tpu.memory_space<hbm>>
    tpu.enqueue_indirect_dma source(%dma_start3A_9 : memref<7999488xf32, #tpu.memory_space<hbm>>) target(%dma_start3A_4 : memref<128xf32, #tpu.memory_space<vmem>>) offsets(%dma_start3A_7 : memref<128xi32, #tpu.memory_space<vmem>>) semaphore(%arg9 : memref<!tpu.dma_semaphore, #tpu.memory_space<semaphore_mem>>)
    %dma_start3A_10 = arith.constant 1 : i32
    %dma_start3A_11 = arith.constant 128 : i32
    %dma_start3A_12 = tpu.memref_slice %arg7[%dma_start3A_11] : memref<1024xf32, #tpu.memory_space<vmem>> -> memref<128xf32, #tpu.memory_space<vmem>>
    %dma_start3A_13 = arith.constant 0 : i32
    %dma_start3A_14 = tpu.memref_slice %arg6[%dma_start3A_10, %dma_start3A_13] : memref<8x128xi32, #tpu.memory_space<vmem>> -> memref<1x128xi32, #tpu.memory_space<vmem>>
    %dma_start3A_15 = tpu.memref_squeeze %dma_start3A_14 : memref<1x128xi32, #tpu.memory_space<vmem>> -> memref<128xi32, #tpu.memory_space<vmem>>
    %dma_start3A_16 = arith.constant 0 : i32
    %dma_start3A_17 = tpu.memref_slice %arg2[%dma_start3A_16] : memref<7999488xf32, #tpu.memory_space<hbm>> -> memref<7999488xf32, #tpu.memory_space<hbm>>
    tpu.enqueue_indirect_dma source(%dma_start3A_17 : memref<7999488xf32, #tpu.memory_space<hbm>>) target(%dma_start3A_12 : memref<128xf32, #tpu.memory_space<vmem>>) offsets(%dma_start3A_15 : memref<128xi32, #tpu.memory_space<vmem>>) semaphore(%arg9 : memref<!tpu.dma_semaphore, #tpu.memory_space<semaphore_mem>>)
    %dma_start3A_18 = arith.constant 2 : i32
    %dma_start3A_19 = arith.constant 256 : i32
    %dma_start3A_20 = tpu.memref_slice %arg7[%dma_start3A_19] : memref<1024xf32, #tpu.memory_space<vmem>> -> memref<128xf32, #tpu.memory_space<vmem>>
    %dma_start3A_21 = arith.constant 0 : i32
    %dma_start3A_22 = tpu.memref_slice %arg6[%dma_start3A_18, %dma_start3A_21] : memref<8x128xi32, #tpu.memory_space<vmem>> -> memref<1x128xi32, #tpu.memory_space<vmem>>
    %dma_start3A_23 = tpu.memref_squeeze %dma_start3A_22 : memref<1x128xi32, #tpu.memory_space<vmem>> -> memref<128xi32, #tpu.memory_space<vmem>>
    %dma_start3A_24 = arith.constant 0 : i32
    %dma_start3A_25 = tpu.memref_slice %arg2[%dma_start3A_24] : memref<7999488xf32, #tpu.memory_space<hbm>> -> memref<7999488xf32, #tpu.memory_space<hbm>>
    tpu.enqueue_indirect_dma source(%dma_start3A_25 : memref<7999488xf32, #tpu.memory_space<hbm>>) target(%dma_start3A_20 : memref<128xf32, #tpu.memory_space<vmem>>) offsets(%dma_start3A_23 : memref<128xi32, #tpu.memory_space<vmem>>) semaphore(%arg9 : memref<!tpu.dma_semaphore, #tpu.memory_space<semaphore_mem>>)
    %dma_start3A_26 = arith.constant 3 : i32
    %dma_start3A_27 = arith.constant 384 : i32
    %dma_start3A_28 = tpu.memref_slice %arg7[%dma_start3A_27] : memref<1024xf32, #tpu.memory_space<vmem>> -> memref<128xf32, #tpu.memory_space<vmem>>
    %dma_start3A_29 = arith.constant 0 : i32
    %dma_start3A_30 = tpu.memref_slice %arg6[%dma_start3A_26, %dma_start3A_29] : memref<8x128xi32, #tpu.memory_space<vmem>> -> memref<1x128xi32, #tpu.memory_space<vmem>>
    %dma_start3A_31 = tpu.memref_squeeze %dma_start3A_30 : memref<1x128xi32, #tpu.memory_space<vmem>> -> memref<128xi32, #tpu.memory_space<vmem>>
    %dma_start3A_32 = arith.constant 0 : i32
    %dma_start3A_33 = tpu.memref_slice %arg2[%dma_start3A_32] : memref<7999488xf32, #tpu.memory_space<hbm>> -> memref<7999488xf32, #tpu.memory_space<hbm>>
    tpu.enqueue_indirect_dma source(%dma_start3A_33 : memref<7999488xf32, #tpu.memory_space<hbm>>) target(%dma_start3A_28 : memref<128xf32, #tpu.memory_space<vmem>>) offsets(%dma_start3A_31 : memref<128xi32, #tpu.memory_space<vmem>>) semaphore(%arg9 : memref<!tpu.dma_semaphore, #tpu.memory_space<semaphore_mem>>)
    %dma_start3A_34 = arith.constant 4 : i32
    %dma_start3A_35 = arith.constant 512 : i32
    %dma_start3A_36 = tpu.memref_slice %arg7[%dma_start3A_35] : memref<1024xf32, #tpu.memory_space<vmem>> -> memref<128xf32, #tpu.memory_space<vmem>>
    %dma_start3A_37 = arith.constant 0 : i32
    %dma_start3A_38 = tpu.memref_slice %arg6[%dma_start3A_34, %dma_start3A_37] : memref<8x128xi32, #tpu.memory_space<vmem>> -> memref<1x128xi32, #tpu.memory_space<vmem>>
    %dma_start3A_39 = tpu.memref_squeeze %dma_start3A_38 : memref<1x128xi32, #tpu.memory_space<vmem>> -> memref<128xi32, #tpu.memory_space<vmem>>
    %dma_start3A_40 = arith.constant 0 : i32
    %dma_start3A_41 = tpu.memref_slice %arg2[%dma_start3A_40] : memref<7999488xf32, #tpu.memory_space<hbm>> -> memref<7999488xf32, #tpu.memory_space<hbm>>
    tpu.enqueue_indirect_dma source(%dma_start3A_41 : memref<7999488xf32, #tpu.memory_space<hbm>>) target(%dma_start3A_36 : memref<128xf32, #tpu.memory_space<vmem>>) offsets(%dma_start3A_39 : memref<128xi32, #tpu.memory_space<vmem>>) semaphore(%arg9 : memref<!tpu.dma_semaphore, #tpu.memory_space<semaphore_mem>>)
    %dma_start3A_42 = arith.constant 5 : i32
    %dma_start3A_43 = arith.constant 640 : i32
    %dma_start3A_44 = tpu.memref_slice %arg7[%dma_start3A_43] : memref<1024xf32, #tpu.memory_space<vmem>> -> memref<128xf32, #tpu.memory_space<vmem>>
    %dma_start3A_45 = arith.constant 0 : i32
    %dma_start3A_46 = tpu.memref_slice %arg6[%dma_start3A_42, %dma_start3A_45] : memref<8x128xi32, #tpu.memory_space<vmem>> -> memref<1x128xi32, #tpu.memory_space<vmem>>
    %dma_start3A_47 = tpu.memref_squeeze %dma_start3A_46 : memref<1x128xi32, #tpu.memory_space<vmem>> -> memref<128xi32, #tpu.memory_space<vmem>>
    %dma_start3A_48 = arith.constant 0 : i32
    %dma_start3A_49 = tpu.memref_slice %arg2[%dma_start3A_48] : memref<7999488xf32, #tpu.memory_space<hbm>> -> memref<7999488xf32, #tpu.memory_space<hbm>>
    tpu.enqueue_indirect_dma source(%dma_start3A_49 : memref<7999488xf32, #tpu.memory_space<hbm>>) target(%dma_start3A_44 : memref<128xf32, #tpu.memory_space<vmem>>) offsets(%dma_start3A_47 : memref<128xi32, #tpu.memory_space<vmem>>) semaphore(%arg9 : memref<!tpu.dma_semaphore, #tpu.memory_space<semaphore_mem>>)
    %dma_start3A_50 = arith.constant 6 : i32
    %dma_start3A_51 = arith.constant 768 : i32
    %dma_start3A_52 = tpu.memref_slice %arg7[%dma_start3A_51] : memref<1024xf32, #tpu.memory_space<vmem>> -> memref<128xf32, #tpu.memory_space<vmem>>
    %dma_start3A_53 = arith.constant 0 : i32
    %dma_start3A_54 = tpu.memref_slice %arg6[%dma_start3A_50, %dma_start3A_53] : memref<8x128xi32, #tpu.memory_space<vmem>> -> memref<1x128xi32, #tpu.memory_space<vmem>>
    %dma_start3A_55 = tpu.memref_squeeze %dma_start3A_54 : memref<1x128xi32, #tpu.memory_space<vmem>> -> memref<128xi32, #tpu.memory_space<vmem>>
    %dma_start3A_56 = arith.constant 0 : i32
    %dma_start3A_57 = tpu.memref_slice %arg2[%dma_start3A_56] : memref<7999488xf32, #tpu.memory_space<hbm>> -> memref<7999488xf32, #tpu.memory_space<hbm>>
    tpu.enqueue_indirect_dma source(%dma_start3A_57 : memref<7999488xf32, #tpu.memory_space<hbm>>) target(%dma_start3A_52 : memref<128xf32, #tpu.memory_space<vmem>>) offsets(%dma_start3A_55 : memref<128xi32, #tpu.memory_space<vmem>>) semaphore(%arg9 : memref<!tpu.dma_semaphore, #tpu.memory_space<semaphore_mem>>)
    %dma_start3A_58 = arith.constant 7 : i32
    %dma_start3A_59 = arith.constant 896 : i32
    %dma_start3A_60 = tpu.memref_slice %arg7[%dma_start3A_59] : memref<1024xf32, #tpu.memory_space<vmem>> -> memref<128xf32, #tpu.memory_space<vmem>>
    %dma_start3A_61 = arith.constant 0 : i32
    %dma_start3A_62 = tpu.memref_slice %arg6[%dma_start3A_58, %dma_start3A_61] : memref<8x128xi32, #tpu.memory_space<vmem>> -> memref<1x128xi32, #tpu.memory_space<vmem>>
    %dma_start3A_63 = tpu.memref_squeeze %dma_start3A_62 : memref<1x128xi32, #tpu.memory_space<vmem>> -> memref<128xi32, #tpu.memory_space<vmem>>
    %dma_start3A_64 = arith.constant 0 : i32
    %dma_start3A_65 = tpu.memref_slice %arg2[%dma_start3A_64] : memref<7999488xf32, #tpu.memory_space<hbm>> -> memref<7999488xf32, #tpu.memory_space<hbm>>
    tpu.enqueue_indirect_dma source(%dma_start3A_65 : memref<7999488xf32, #tpu.memory_space<hbm>>) target(%dma_start3A_60 : memref<128xf32, #tpu.memory_space<vmem>>) offsets(%dma_start3A_63 : memref<128xi32, #tpu.memory_space<vmem>>) semaphore(%arg9 : memref<!tpu.dma_semaphore, #tpu.memory_space<semaphore_mem>>)
    %dma_wait3A = arith.constant 0 : i32
    %dma_wait3A_66 = arith.constant 0 : i32
    %dma_wait3A_67 = tpu.memref_slice %arg7[%dma_wait3A_66] : memref<1024xf32, #tpu.memory_space<vmem>> -> memref<128xf32, #tpu.memory_space<vmem>>
    %dma_wait3A_68 = arith.constant 0 : i32
    %dma_wait3A_69 = tpu.memref_slice %arg6[%dma_wait3A, %dma_wait3A_68] : memref<8x128xi32, #tpu.memory_space<vmem>> -> memref<1x128xi32, #tpu.memory_space<vmem>>
    %dma_wait3A_70 = tpu.memref_squeeze %dma_wait3A_69 : memref<1x128xi32, #tpu.memory_space<vmem>> -> memref<128xi32, #tpu.memory_space<vmem>>
    %dma_wait3A_71 = arith.constant 0 : i32
    %dma_wait3A_72 = tpu.memref_slice %arg2[%dma_wait3A_71] : memref<7999488xf32, #tpu.memory_space<hbm>> -> memref<7999488xf32, #tpu.memory_space<hbm>>
    tpu.wait_indirect_dma semaphore(%arg9 : memref<!tpu.dma_semaphore, #tpu.memory_space<semaphore_mem>>) src(%dma_wait3A_72 : memref<7999488xf32, #tpu.memory_space<hbm>>) dst(%dma_wait3A_67 : memref<128xf32, #tpu.memory_space<vmem>>)
    %dma_wait3A_73 = arith.constant 1 : i32
    %dma_wait3A_74 = arith.constant 128 : i32
    %dma_wait3A_75 = tpu.memref_slice %arg7[%dma_wait3A_74] : memref<1024xf32, #tpu.memory_space<vmem>> -> memref<128xf32, #tpu.memory_space<vmem>>
    %dma_wait3A_76 = arith.constant 0 : i32
    %dma_wait3A_77 = tpu.memref_slice %arg6[%dma_wait3A_73, %dma_wait3A_76] : memref<8x128xi32, #tpu.memory_space<vmem>> -> memref<1x128xi32, #tpu.memory_space<vmem>>
    %dma_wait3A_78 = tpu.memref_squeeze %dma_wait3A_77 : memref<1x128xi32, #tpu.memory_space<vmem>> -> memref<128xi32, #tpu.memory_space<vmem>>
    %dma_wait3A_79 = arith.constant 0 : i32
    %dma_wait3A_80 = tpu.memref_slice %arg2[%dma_wait3A_79] : memref<7999488xf32, #tpu.memory_space<hbm>> -> memref<7999488xf32, #tpu.memory_space<hbm>>
    tpu.wait_indirect_dma semaphore(%arg9 : memref<!tpu.dma_semaphore, #tpu.memory_space<semaphore_mem>>) src(%dma_wait3A_80 : memref<7999488xf32, #tpu.memory_space<hbm>>) dst(%dma_wait3A_75 : memref<128xf32, #tpu.memory_space<vmem>>)
    %dma_wait3A_81 = arith.constant 2 : i32
    %dma_wait3A_82 = arith.constant 256 : i32
    %dma_wait3A_83 = tpu.memref_slice %arg7[%dma_wait3A_82] : memref<1024xf32, #tpu.memory_space<vmem>> -> memref<128xf32, #tpu.memory_space<vmem>>
    %dma_wait3A_84 = arith.constant 0 : i32
    %dma_wait3A_85 = tpu.memref_slice %arg6[%dma_wait3A_81, %dma_wait3A_84] : memref<8x128xi32, #tpu.memory_space<vmem>> -> memref<1x128xi32, #tpu.memory_space<vmem>>
    %dma_wait3A_86 = tpu.memref_squeeze %dma_wait3A_85 : memref<1x128xi32, #tpu.memory_space<vmem>> -> memref<128xi32, #tpu.memory_space<vmem>>
    %dma_wait3A_87 = arith.constant 0 : i32
    %dma_wait3A_88 = tpu.memref_slice %arg2[%dma_wait3A_87] : memref<7999488xf32, #tpu.memory_space<hbm>> -> memref<7999488xf32, #tpu.memory_space<hbm>>
    tpu.wait_indirect_dma semaphore(%arg9 : memref<!tpu.dma_semaphore, #tpu.memory_space<semaphore_mem>>) src(%dma_wait3A_88 : memref<7999488xf32, #tpu.memory_space<hbm>>) dst(%dma_wait3A_83 : memref<128xf32, #tpu.memory_space<vmem>>)
    %dma_wait3A_89 = arith.constant 3 : i32
    %dma_wait3A_90 = arith.constant 384 : i32
    %dma_wait3A_91 = tpu.memref_slice %arg7[%dma_wait3A_90] : memref<1024xf32, #tpu.memory_space<vmem>> -> memref<128xf32, #tpu.memory_space<vmem>>
    %dma_wait3A_92 = arith.constant 0 : i32
    %dma_wait3A_93 = tpu.memref_slice %arg6[%dma_wait3A_89, %dma_wait3A_92] : memref<8x128xi32, #tpu.memory_space<vmem>> -> memref<1x128xi32, #tpu.memory_space<vmem>>
    %dma_wait3A_94 = tpu.memref_squeeze %dma_wait3A_93 : memref<1x128xi32, #tpu.memory_space<vmem>> -> memref<128xi32, #tpu.memory_space<vmem>>
    %dma_wait3A_95 = arith.constant 0 : i32
    %dma_wait3A_96 = tpu.memref_slice %arg2[%dma_wait3A_95] : memref<7999488xf32, #tpu.memory_space<hbm>> -> memref<7999488xf32, #tpu.memory_space<hbm>>
    tpu.wait_indirect_dma semaphore(%arg9 : memref<!tpu.dma_semaphore, #tpu.memory_space<semaphore_mem>>) src(%dma_wait3A_96 : memref<7999488xf32, #tpu.memory_space<hbm>>) dst(%dma_wait3A_91 : memref<128xf32, #tpu.memory_space<vmem>>)
    %dma_wait3A_97 = arith.constant 4 : i32
    %dma_wait3A_98 = arith.constant 512 : i32
    %dma_wait3A_99 = tpu.memref_slice %arg7[%dma_wait3A_98] : memref<1024xf32, #tpu.memory_space<vmem>> -> memref<128xf32, #tpu.memory_space<vmem>>
    %dma_wait3A_100 = arith.constant 0 : i32
    %dma_wait3A_101 = tpu.memref_slice %arg6[%dma_wait3A_97, %dma_wait3A_100] : memref<8x128xi32, #tpu.memory_space<vmem>> -> memref<1x128xi32, #tpu.memory_space<vmem>>
    %dma_wait3A_102 = tpu.memref_squeeze %dma_wait3A_101 : memref<1x128xi32, #tpu.memory_space<vmem>> -> memref<128xi32, #tpu.memory_space<vmem>>
    %dma_wait3A_103 = arith.constant 0 : i32
    %dma_wait3A_104 = tpu.memref_slice %arg2[%dma_wait3A_103] : memref<7999488xf32, #tpu.memory_space<hbm>> -> memref<7999488xf32, #tpu.memory_space<hbm>>
    tpu.wait_indirect_dma semaphore(%arg9 : memref<!tpu.dma_semaphore, #tpu.memory_space<semaphore_mem>>) src(%dma_wait3A_104 : memref<7999488xf32, #tpu.memory_space<hbm>>) dst(%dma_wait3A_99 : memref<128xf32, #tpu.memory_space<vmem>>)
    %dma_wait3A_105 = arith.constant 5 : i32
    %dma_wait3A_106 = arith.constant 640 : i32
    %dma_wait3A_107 = tpu.memref_slice %arg7[%dma_wait3A_106] : memref<1024xf32, #tpu.memory_space<vmem>> -> memref<128xf32, #tpu.memory_space<vmem>>
    %dma_wait3A_108 = arith.constant 0 : i32
    %dma_wait3A_109 = tpu.memref_slice %arg6[%dma_wait3A_105, %dma_wait3A_108] : memref<8x128xi32, #tpu.memory_space<vmem>> -> memref<1x128xi32, #tpu.memory_space<vmem>>
    %dma_wait3A_110 = tpu.memref_squeeze %dma_wait3A_109 : memref<1x128xi32, #tpu.memory_space<vmem>> -> memref<128xi32, #tpu.memory_space<vmem>>
    %dma_wait3A_111 = arith.constant 0 : i32
    %dma_wait3A_112 = tpu.memref_slice %arg2[%dma_wait3A_111] : memref<7999488xf32, #tpu.memory_space<hbm>> -> memref<7999488xf32, #tpu.memory_space<hbm>>
    tpu.wait_indirect_dma semaphore(%arg9 : memref<!tpu.dma_semaphore, #tpu.memory_space<semaphore_mem>>) src(%dma_wait3A_112 : memref<7999488xf32, #tpu.memory_space<hbm>>) dst(%dma_wait3A_107 : memref<128xf32, #tpu.memory_space<vmem>>)
    %dma_wait3A_113 = arith.constant 6 : i32
    %dma_wait3A_114 = arith.constant 768 : i32
    %dma_wait3A_115 = tpu.memref_slice %arg7[%dma_wait3A_114] : memref<1024xf32, #tpu.memory_space<vmem>> -> memref<128xf32, #tpu.memory_space<vmem>>
    %dma_wait3A_116 = arith.constant 0 : i32
    %dma_wait3A_117 = tpu.memref_slice %arg6[%dma_wait3A_113, %dma_wait3A_116] : memref<8x128xi32, #tpu.memory_space<vmem>> -> memref<1x128xi32, #tpu.memory_space<vmem>>
    %dma_wait3A_118 = tpu.memref_squeeze %dma_wait3A_117 : memref<1x128xi32, #tpu.memory_space<vmem>> -> memref<128xi32, #tpu.memory_space<vmem>>
    %dma_wait3A_119 = arith.constant 0 : i32
    %dma_wait3A_120 = tpu.memref_slice %arg2[%dma_wait3A_119] : memref<7999488xf32, #tpu.memory_space<hbm>> -> memref<7999488xf32, #tpu.memory_space<hbm>>
    tpu.wait_indirect_dma semaphore(%arg9 : memref<!tpu.dma_semaphore, #tpu.memory_space<semaphore_mem>>) src(%dma_wait3A_120 : memref<7999488xf32, #tpu.memory_space<hbm>>) dst(%dma_wait3A_115 : memref<128xf32, #tpu.memory_space<vmem>>)
    %dma_wait3A_121 = arith.constant 7 : i32
    %dma_wait3A_122 = arith.constant 896 : i32
    %dma_wait3A_123 = tpu.memref_slice %arg7[%dma_wait3A_122] : memref<1024xf32, #tpu.memory_space<vmem>> -> memref<128xf32, #tpu.memory_space<vmem>>
    %dma_wait3A_124 = arith.constant 0 : i32
    %dma_wait3A_125 = tpu.memref_slice %arg6[%dma_wait3A_121, %dma_wait3A_124] : memref<8x128xi32, #tpu.memory_space<vmem>> -> memref<1x128xi32, #tpu.memory_space<vmem>>
    %dma_wait3A_126 = tpu.memref_squeeze %dma_wait3A_125 : memref<1x128xi32, #tpu.memory_space<vmem>> -> memref<128xi32, #tpu.memory_space<vmem>>
    %dma_wait3A_127 = arith.constant 0 : i32
    %dma_wait3A_128 = tpu.memref_slice %arg2[%dma_wait3A_127] : memref<7999488xf32, #tpu.memory_space<hbm>> -> memref<7999488xf32, #tpu.memory_space<hbm>>
    tpu.wait_indirect_dma semaphore(%arg9 : memref<!tpu.dma_semaphore, #tpu.memory_space<semaphore_mem>>) src(%dma_wait3A_128 : memref<7999488xf32, #tpu.memory_space<hbm>>) dst(%dma_wait3A_123 : memref<128xf32, #tpu.memory_space<vmem>>)
    %mul3A_129 = arith.constant 1024 : i32
    %mul3A_130 = arith.muli %add3A, %mul3A_129 : i32
    "tpu.region"() ({
      %run_scoped3A = tpu.sem_alloc : memref<!tpu.dma_semaphore, #tpu.memory_space<semaphore_mem>>
      %dma_start3A_131 = tpu.memref_slice %arg5[%mul3A_130] : memref<32768xf32, #tpu.memory_space<hbm>> -> memref<1024xf32, #tpu.memory_space<hbm>>
      %dma_start3A_132 = tpu.memref_slice %arg5[%mul3A_130] : memref<32768xf32, #tpu.memory_space<hbm>> -> memref<1024xf32, #tpu.memory_space<hbm>>
      tpu.enqueue_dma source(%arg7 : memref<1024xf32, #tpu.memory_space<vmem>>) target(%dma_start3A_132 : memref<1024xf32, #tpu.memory_space<hbm>>) target_semaphore(%run_scoped3A : memref<!tpu.dma_semaphore, #tpu.memory_space<semaphore_mem>>)
      %dma_wait3A_133 = tpu.memref_slice %arg5[%mul3A_130] : memref<32768xf32, #tpu.memory_space<hbm>> -> memref<1024xf32, #tpu.memory_space<hbm>>
      %dma_wait3A_134 = tpu.memref_slice %arg5[%mul3A_130] : memref<32768xf32, #tpu.memory_space<hbm>> -> memref<1024xf32, #tpu.memory_space<hbm>>
      tpu.wait_dma2 semaphore(%run_scoped3A : memref<!tpu.dma_semaphore, #tpu.memory_space<semaphore_mem>>) src(%arg7 : memref<1024xf32, #tpu.memory_space<vmem>>) dst(%dma_wait3A_134 : memref<1024xf32, #tpu.memory_space<hbm>>)
      tpu.yield
    }) : () -> ()
    return
  }
}

</mosaic_0001>

<sc_bundles>
// kernel: kernel.4.cloned.1.call-start
scs
__scs_entry_jumppad:
0x0: {  	(pc) =	sbr.rel $0x88, $3  }
0x1: {  	(tag) =	ssettag $0x0;
	lr =	simm.s32 $0x1  }
0x2: {  	[smem:$0x3FA0] =	sst lr;
	_ =	strace $0xD0000000  }
0x3: {  	_ = 	snop  }
0x4: {  	_ = 	snop  }
0x5: {  	_ = 	snop  }
0x6: {  	_ = 	snop  }
0x7: {  	_ = 	snop  }
__scs_overlays_trampoline_lowered:
0x8: {  	[smem:$0x3FAF] =	sst s0  }
0x9: {  	[smem:$0x3FB0] =	sst s1  }
0xa: {  	[smem:$0x3FB1] =	sst s2  }
0xb: {  	[smem:$0x3FB2] =	sst s3  }
0xc: {  	[smem:$0x3FB3] =	sst s4  }
0xd: {  	[smem:$0x3FB4] =	sst s5  }
0xe: {  	[smem:$0x3FB5] =	sst s6  }
0xf: {  	[smem:$0x3FB6] =	sst s7  }
0x10: {  	[smem:$0x3FB7] =	sst s8  }
0x11: {  	[smem:$0x3FB8] =	sst s9;
	s0 =	simm.s32 @!p0 $0x0  }
0x12: {  	s1 =	sld [smem:$0x3F9E];
	s0 =	simm.s32 @p0 $0x1  }
0x13: {  	[smem:$0x3FB9] =	sst s0;
	s0 =	simm.s32 @!p1 $0x0  }
0x14: {  	s2 =	sld [smem:$0x3F9D];
	s0 =	simm.s32 @p1 $0x1  }
0x15: {  	[smem:$0x3FBA] =	sst s0;
	s0 =	simm.s32 @!p2 $0x0  }
0x16: {  	s3 =	sld [smem:$0x3FDB];
	s0 =	simm.s32 @p2 $0x1  }
0x17: {  	s4 =	simm.s32 $0x1BF5;
	[smem:$0x3FBC] =	sst s0  }
0x18: {  	s0 =	sld [smem:$0x3F9F];
	_ =	swait.ge [sflag:s4], $0x0  }
0x19: {  	s7 =	sld [smem:$0x3FA0]  }
0x1a: {  	s8 =	sadd.s32 $0xFFFFE003, lr  }
0x1b: {  	s9 =	sadd.s32 $0xFFFFFEF7, lr;
	s5 =	simm.s32 $0xFFFFFFFF;
	p2 =	slt.u32 s8, $0xFFFFF086  }
0x1c: {  	p1 =	slt.u32 s9, $0xF7A;
	s5 =	simm.s32 @!p2 $0x0  }
0x1d: {  	s5 =	simm.s32 @p1 $0x1;
	p0 =	seq.s32 s7, s2  }
0x1e: {  	s7 =	smul.u32 @!p0 $0xF7A, s2;
	p2 =	seq.s32 @!p0 s5, $0x0  }
0x1f: {  	s9 =	smul.u32 $0xF7A, s1;
	s8 =	simm.s32 @!p0 $0x1BF5;
	p2 =	por !p2, p0  }
0x20: {  	[sflag:s8] =	ssyncset.s32 @!p0 $0xFFFFF086;
	s6 =	sadd.s32 @!p0 s3, s7;
	s7 =	simm.s32 @!p0 $0x108  }
0x21: {  	s3 =	sadd.s32 s3, s9;
	s6 =	sadd.s32 @!p0 $0x88, s6;
	s7 =	simm.s32 @p2 $0x1082  }
0x22: {  	[simem:s7], [sflag:s8] =	dma.local @!p0 [hbm:s6], $0xF7A  }
0x23: {  	s9 =	sor.u32 $0xD0000000, s2;
	s6 =	simm.s32 $0x108;
	_ =	swait.ge @!p0 [sflag:s8], $0x0  }
0x24: {  	s3 =	sadd.s32 $0x88, s3;
	s6 =	simm.s32 @!p1 $0x1082;
	[sflag:s4] =	ssyncset.s32 $0xFFFFF086  }
0x25: {  	[simem:s6], [sflag:s4] =	dma.local [hbm:s3], $0xF7A  }
0x26: {  	[smem:$0x3FA0] =	sst s1;
	(tag) =	ssettag s2;
	_ =	strace s9  }
0x27: {  	s1 =	sld [smem:$0x3FB0]  }
0x28: {  	s2 =	sld [smem:$0x3FB1]  }
0x29: {  	s4 =	sld [smem:$0x3FB3]  }
0x2a: {  	p0 =	seq.s32 s5, $0x0;
	s5 =	sld [smem:$0x3FB4]  }
0x2b: {  	s6 =	sld [smem:$0x3FB5]  }
0x2c: {  	s7 =	sld [smem:$0x3FB6]  }
0x2d: {  	s3 =	simm.s32 $0x108;
	s8 =	sld [smem:$0x3FB7]  }
0x2e: {  	s3 =	simm.s32 @!p0 $0x1082;
	s9 =	sld [smem:$0x3FB8]  }
0x2f: {  	lr =	sadd.s32 s0, s3;
	s0 =	sld [smem:$0x3FAF]  }
0x30: {  	s3 =	sld [smem:$0x3FB2]  }
0x31: {  	[smem:$0x3FBB] =	sst s10  }
0x32: {  	s10 =	sld [smem:$0x3FB9];
	_ =	sdelay $0x3  }
0x33: {  	p0 =	seq.s32 s10, $0x1;
	s10 =	sld [smem:$0x3FBB];
	_ =	sdelay $0x3  }
0x34: {  	[smem:$0x3FBB] =	sst s10  }
0x35: {  	s10 =	sld [smem:$0x3FBA];
	_ =	sdelay $0x3  }
0x36: {  	p1 =	seq.s32 s10, $0x1;
	s10 =	sld [smem:$0x3FBB];
	_ =	sdelay $0x3  }
0x37: {  	[smem:$0x3FBB] =	sst s10  }
0x38: {  	s10 =	sld [smem:$0x3FBC]  }
0x39: {  	_ = 	snop;
	(pc) =	sbr.ind lr, $3  }
0x3a: {  	_ = 	snop  }
0x3b: {  	_ = 	snop  }
0x3c: {  	p2 =	seq.s32 s10, $0x1;
	s10 =	sld [smem:$0x3FBB]  }
0x3d: {  	_ =	shalt  }
0x3e: {  	_ =	shalt  }
0x3f: {  	_ =	shalt  }
0x40: {  	_ =	shalt  }
0x41: {  	_ =	shalt  }
0x42: {  	_ =	shalt  }
0x43: {  	_ =	shalt  }
0x44: {  	_ =	shalt  }
0x45: {  	_ =	shalt  }
0x46: {  	_ =	shalt  }
0x47: {  	_ =	shalt  }
0x48: {  	_ =	shalt  }
0x49: {  	_ =	shalt  }
0x4a: {  	_ =	shalt  }
0x4b: {  	_ =	shalt  }
0x4c: {  	_ =	shalt  }
0x4d: {  	_ =	shalt  }
0x4e: {  	_ =	shalt  }
0x4f: {  	_ =	shalt  }
0x50: {  	_ =	shalt  }
0x51: {  	_ =	shalt  }
0x52: {  	_ =	shalt  }
0x53: {  	_ =	shalt  }
0x54: {  	_ =	shalt  }
0x55: {  	_ =	shalt  }
0x56: {  	_ =	shalt  }
0x57: {  	_ =	shalt  }
0x58: {  	_ =	shalt  }
0x59: {  	_ =	shalt  }
0x5a: {  	_ =	shalt  }
0x5b: {  	_ =	shalt  }
0x5c: {  	_ =	shalt  }
0x5d: {  	_ =	shalt  }
0x5e: {  	_ =	shalt  }
0x5f: {  	_ =	shalt  }
0x60: {  	_ =	shalt  }
0x61: {  	_ =	shalt  }
0x62: {  	_ =	shalt  }
0x63: {  	_ =	shalt  }
0x64: {  	_ =	shalt  }
0x65: {  	_ =	shalt  }
0x66: {  	_ =	shalt  }
0x67: {  	_ =	shalt  }
0x68: {  	_ =	shalt  }
0x69: {  	_ =	shalt  }
0x6a: {  	_ =	shalt  }
0x6b: {  	_ =	shalt  }
0x6c: {  	_ =	shalt  }
0x6d: {  	_ =	shalt  }
0x6e: {  	_ =	shalt  }
0x6f: {  	_ =	shalt  }
0x70: {  	_ =	shalt  }
0x71: {  	_ =	shalt  }
0x72: {  	_ =	shalt  }
0x73: {  	_ =	shalt  }
0x74: {  	_ =	shalt  }
0x75: {  	_ =	shalt  }
0x76: {  	_ =	shalt  }
0x77: {  	_ =	shalt  }
0x78: {  	_ =	shalt  }
0x79: {  	_ =	shalt  }
0x7a: {  	_ =	shalt  }
0x7b: {  	_ =	shalt  }
0x7c: {  	_ =	shalt  }
0x7d: {  	_ =	shalt  }
0x7e: {  	_ =	shalt  }
0x7f: {  	_ =	shalt  }
0x80: {  	_ =	shalt  }
0x81: {  	_ =	shalt  }
0x82: {  	_ =	shalt  }
0x83: {  	_ =	shalt  }
0x84: {  	_ =	shalt  }
0x85: {  	_ =	shalt  }
0x86: {  	_ =	shalt  }
0x87: {  	_ =	shalt  }
.Lfunc_end0:
.L_simem_size_0:
called_computation_lowered:
.L_overlay_start_0:
0x88: {  	s2 =	sld [smem:$0x3FD9]  }
0x89: {  	s3 =	sld [smem:$0x3FFE];
	_ =	sdelay $0x1  }
0x8a: {  	s1 =	srdreg.scid  }
0x8b: {  	s0 =	sand.u32 $0x1, s1  }
0x8c: {  	s17 =	sshll.u32 s0, $0xA;
	s2 =	sadd.s32 s3, s2  }
0x8d: {  	s2 =	sadd.s32 s2, s17  }
0x8e: {  	[smem:$0x3FC7] =	sst s2  }
0x8f: {  	_ = 	snop  }
0x90: {  	s2 =	sld [smem:$0x3FC9];
	(tm) =	ssettm $0x1  }
0x91: {  	s18 =	sld [smem:$0x3FFB];
	_ =	sdelay $0x3  }
0x92: {  	_ =	strace s18  }
0x93: {  	s3 =	sld [smem:$0x3FFC];
	_ =	sdelay $0x3  }
0x94: {  	_ =	strace s3  }
0x95: {  	s3 =	sld [smem:$0x3FFD];
	_ =	sdelay $0x3  }
0x96: {  	_ =	strace s3  }
0x97: {  	_ =	strace $0x8FFFFFFF  }
0x98: {  	s19 =	sld [smem:$0x3FDB];
	_ =	sdelay $0x1  }
0x99: {  	s4 =	simm.s32 $_scs_section_size  }
0x9a: {  	s5 =	simm.s32 $_size__tile_overlayer_lowered;
	s6 =	simm.s32 $_tile_overlayer_lowered  }
0x9b: {  	s22 =	simm.s32 $0x1BFF;
	s21 =	sshll.u32 s6, $0x1;
	s3 =	sadd.s32 s4, s19  }
0x9c: {  	s7 =	simm.s32 $0x0;
	s20 =	sshll.u32 s5, $0x1;
	s5 =	sadd.s32 s21, s3  }
0x9d: {  	[timem:s7], [sflag:s22] =	dma.local [hbm:s5], s20  }
0x9e: {  	_ =	swait.ge [sflag:s22], s20  }
0x9f: {  	s4 =	ssub.s32 $0x0, s20;
	[sflag:s22] =	ssyncset.done $0x0  }
0xa0: {  	[sflag:s22] =	ssyncadd.s32 s4;
	_ =	sdelay $0x1  }
0xa1: {  	s23 =	simm.s32 $0x1B8B  }
0xa2: {  	_ =	swait.ge [sflag:s23], $0x1  }
0xa3: {  	[sflag:s23] =	ssyncset.done $0x0  }
0xa4: {  	s25 =	simm.s32 $0x1B8E;
	s24 =	sld [smem:$0x3FFE];
	[sflag:s23] =	ssyncadd.s32 $0xFFFFFFFF  }
0xa5: {  	s26 =	simm.s32 $execute0_lowered;
	[smem:$0x3FD2] =	sst s25  }
0xa6: {  	s5 =	sshll.u32 s26, $0x1;
	_ =	strace $0x80000046;
	[dreg:$0x1] =	wrdreg $0xFFFFFFFF  }
0xa7: {  	s28 =	simm.s32 $_size_execute0_lowered;
	s3 =	sadd.s32 s3, s5;
	[dreg:$0x0] =	wrdreg $0x0  }
0xa8: {  	s5 =	sshll.u32 s28, $0x1;
	[dreg:$0x2] =	wrdreg s3  }
0xa9: {  	[dreg:$0x3] =	wrdreg s5  }
0xaa: {  	[dreg:$0x4] =	wrdreg $0xC0  }
0xab: {  	_ =	task [dreg:s7], $0x5FFFF  }
0xac: {  	[dreg:$0x1] =	wrdreg $0xFFFFFFFF  }
0xad: {  	[dreg:$0x0] =	wrdreg $0x60  }
0xae: {  	[dreg:$0x2] =	wrdreg s2  }
0xaf: {  	[dreg:$0x3] =	wrdreg s24  }
0xb0: {  	[dreg:$0x4] =	wrdreg $0x9  }
0xb1: {  	_ =	task.clear_ibuf [dreg:s7], $0x5FFFF;
	_ =	strace $0x90000046  }
0xb2: {  	s29 =	simm.s32 $0x9;
	_ =	strace $0x80000048  }
0xb3: {  	_ =	swait.ge [sflag:s29], $0x1  }
0xb4: {  	[sflag:s29] =	ssyncadd.s32 $0xFFFFFFFF  }
0xb5: {  	_ =	strace $0x90000048  }
0xb6: {  	_ =	sfence  }
0xb7: {  	s30 =	sld [smem:$0x0];
	_ =	sdelay $0x2  }
0xb8: {  	s31 =	sshll.u32 s1, $0xD;
	s1 =	sshrl.u32 s1, $0x2  }
0xb9: {  	s3 =	sand.u32 $0x4000, s31;
	s1 =	sadd.s32 s1, s30  }
0xba: {  	s0 =	sor.u32 s3, s0;
	s1 =	sshll.u32 s1, $0x11  }
0xbb: {  	s0 =	sor.u32 s1, s0  }
0xbc: {  	s0 =	sadd.s32 $0x8F2B, s0  }
0xbd: {  	[sflag:s0] =	ssyncadd.remote.s32 $0x1  }
0xbe: {  	_ =	sfence.sel $0xFFFF  }
0xbf: {  	[dreg:$0x0] =	wrdreg $0xFFFFFFFF;
	(pc) =	sbr.abs _section_cstart, $3  }
0xc0: {  	[dreg:$0x1] =	wrdreg $0xFFFFFFFF  }
0xc1: {  	_ =	task.clear_ibuf [dreg:s7], $0x2FFFF;
	_ =	strace $0x9FFFFFFF  }
0xc2: {  	(tm) =	ssettm $0x7FFFFFFF  }
0xc3: {  	_ =	shalt  }
tec
execute0_lowered:
.L_overlay_start_1:
0x0: {  	(tag) =	ssettag $0x1  }
0x1: {  	s1 =	rddreg [dreg:$0x0]  }
0x2: {  	s0 =	rddreg [dreg:$0x1];
	s3 =	simm.s32 $0x0  }
0x3: {  	s2 =	srdreg.scid;
	s7 =	stileid.u32;
	s21 =	simm.s32 $0x200  }
0x4: {  	s9 =	simm.s32 $0x400;
	s11 =	simm.s32 $0x800;
	s13 =	simm.s32 $0xC00  }
0x5: {  	s15 =	simm.s32 $0x1000;
	s2 =	sand.u32 $0x1, s2;
	s5 =	smul.u32 $0xF500, s7  }
0x6: {  	s28 =	simm.s32 $0x1;
	[smem:$0x7FF] =	sst s3;
	s8 =	smul.u32 $0x7A80, s2  }
.Ltmp0:
0x7: {  	s4 =	sadd.s32 $0xA00, s0;
	s30 =	ssub.s32 $0x2, s2;
	(pc) =	sbr.rel .LBB2_1-.Ltmp0, $4  }
0x8: {  	s7 =	sshll.u32 s7, $0x1;
	s6 =	sshrl.u32 s30, $0x1;
	s31 =	sadd.s32 s5, s4  }
0x9: {  	_ =	strace $0x80000047;
	s0 =	ssub.s32 s30, s6;
	s19 =	sadd.s32 s8, s31  }
0xa: {  	s2 =	sor.u32 s2, s7;
	s17 =	smax.u32 s0, $0x1;
	[dreg:$0x4] =	wrdreg s19  }
0xb: {  	s5 =	smul.u32 $0xF5, s2;
	s0 =	simm.s32 $0x0;
	[dreg:$0x3] =	wrdreg s17  }
.LBB2_64:
0xc: {  	s0 =	rddreg [dreg:$0x5]  }
0xd: {  	s0 =	sadd.s32 $0x1, s0  }
0xe: {  	p0 =	sne.s32 s0, s17  }
.Ltmp1:
0xf: {  	_ = 	snop;
	(pc) =	sbr.rel @!p0 .LBB2_65-.Ltmp1, $1  }
0x10: {  	_ =	sdelay $0x3  }
.LBB2_1:
.Ltmp2:
0x11: {  	(pc) =	sbr.rel .LBB2_2-.Ltmp2, $3  }
0x12: {  	_ =	sdelay $0x1  }
0x13: {  	[dreg:$0x5] =	wrdreg s0  }
0x14: {  	s7 =	smov.u32 s19;
	s20 =	simm.s32 $0x0;
	s18 =	simm.s32 $0x0  }
.LBB2_62:
0x15: {  	_ =	swait.ge [sflag:s28], $0x200  }
0x16: {  	[sflag:s28] =	ssyncset.done $0x0  }
0x17: {  	[sflag:s28] =	ssyncadd.s32 $0xFFFFFE00  }
0x18: {  	_ =	swait.ge [sflag:s28], $0x200  }
0x19: {  	s0 =	sshll.u32 s2, $0x7;
	s31 =	simm.s32 $0x3C00;
	[sflag:s28] =	ssyncset.done $0x0  }
0x1a: {  	p0 =	por $0x1, $0x1;
	s0 =	sadd.s32 s4, s0;
	[sflag:s28] =	ssyncadd.s32 $0xFFFFFE00  }
0x1b: {  	[hbm4b:s0+s3] =	stream.linear.scatter [tilespmem:s31], [sflag:$0x2], $0x400, $0x38;
	[tilespmem:$0x4000] =	vst v63  }
.LBB2_63:
0x1c: {  	p2 =	sgt.u32 s16, $0x1E83  }
0x1d: {  	s0 =	simm.s32 @!p2 $0x2  }
0x1e: {  	_ =	swait.ge @!p2 [sflag:s0], $0x400  }
0x1f: {  	s16 =	sld [smem:$0x7ED];
	_ =	sdelay $0x1  }
0x20: {  	[sflag:s0] =	ssyncset.done @!p2 $0x0  }
0x21: {  	[sflag:s0] =	ssyncadd.s32 @!p2 $0xFFFFFC00;
	p2 =	seq.s32 s16, $0x1  }
0x22: {  	s0 =	simm.s32 @p2 $0x2  }
0x23: {  	_ =	swait.ge @p2 [sflag:s0], $0x400  }
0x24: {  	s22 =	sld [smem:$0x7EC];
	_ =	sdelay $0x1  }
0x25: {  	[sflag:s0] =	ssyncset.done @p2 $0x0  }
0x26: {  	[sflag:s0] =	ssyncadd.s32 @p2 $0xFFFFFC00;
	p2 =	seq.s32 s22, $0x1  }
0x27: {  	s0 =	simm.s32 @p2 $0x2  }
0x28: {  	_ =	swait.ge @p2 [sflag:s0], $0x400  }
0x29: {  	s23 =	sld [smem:$0x7EB];
	_ =	sdelay $0x1  }
0x2a: {  	[sflag:s0] =	ssyncset.done @p2 $0x0  }
0x2b: {  	[sflag:s0] =	ssyncadd.s32 @p2 $0xFFFFFC00;
	p2 =	seq.s32 s23, $0x1  }
0x2c: {  	s0 =	simm.s32 @p2 $0x2  }
0x2d: {  	_ =	swait.ge @p2 [sflag:s0], $0x400  }
0x2e: {  	s24 =	sld [smem:$0x7EA];
	_ =	sdelay $0x1  }
0x2f: {  	[sflag:s0] =	ssyncset.done @p2 $0x0  }
0x30: {  	[sflag:s0] =	ssyncadd.s32 @p2 $0xFFFFFC00;
	p2 =	seq.s32 s24, $0x1  }
0x31: {  	s0 =	simm.s32 @p2 $0x2  }
0x32: {  	_ =	swait.ge @p2 [sflag:s0], $0x400  }
0x33: {  	s25 =	sld [smem:$0x7E9];
	_ =	sdelay $0x1  }
0x34: {  	[sflag:s0] =	ssyncset.done @p2 $0x0  }
0x35: {  	[sflag:s0] =	ssyncadd.s32 @p2 $0xFFFFFC00;
	p2 =	seq.s32 s25, $0x1  }
0x36: {  	s0 =	simm.s32 @p2 $0x2  }
0x37: {  	_ =	swait.ge @p2 [sflag:s0], $0x400  }
0x38: {  	s26 =	sld [smem:$0x7E8];
	_ =	sdelay $0x1  }
0x39: {  	[sflag:s0] =	ssyncset.done @p2 $0x0  }
0x3a: {  	[sflag:s0] =	ssyncadd.s32 @p2 $0xFFFFFC00;
	p2 =	seq.s32 s26, $0x1  }
0x3b: {  	s0 =	simm.s32 @p2 $0x2  }
0x3c: {  	_ =	swait.ge @p2 [sflag:s0], $0x400  }
0x3d: {  	s29 =	sld [smem:$0x7E7];
	_ =	sdelay $0x1  }
0x3e: {  	[sflag:s0] =	ssyncset.done @p2 $0x0  }
0x3f: {  	[sflag:s0] =	ssyncadd.s32 @p2 $0xFFFFFC00;
	p2 =	seq.s32 s29, $0x1  }
0x40: {  	s0 =	simm.s32 @p2 $0x2  }
0x41: {  	_ =	swait.ge @p2 [sflag:s0], $0x400  }
0x42: {  	s30 =	sld [smem:$0x7E6];
	_ =	sdelay $0x1  }
0x43: {  	[sflag:s0] =	ssyncset.done @p2 $0x0  }
0x44: {  	[sflag:s0] =	ssyncadd.s32 @p2 $0xFFFFFC00;
	p2 =	seq.s32 s30, $0x1  }
0x45: {  	s0 =	simm.s32 @p2 $0x2  }
0x46: {  	_ =	swait.ge @p2 [sflag:s0], $0x400  }
0x47: {  	s31 =	sld [smem:$0x7E5];
	_ =	sdelay $0x1  }
0x48: {  	[sflag:s0] =	ssyncset.done @p2 $0x0  }
0x49: {  	[sflag:s0] =	ssyncadd.s32 @p2 $0xFFFFFC00;
	p2 =	seq.s32 s31, $0x1  }
0x4a: {  	s0 =	simm.s32 @p2 $0x2  }
0x4b: {  	_ =	swait.ge @p2 [sflag:s0], $0x400  }
0x4c: {  	[sflag:s0] =	ssyncset.done @p2 $0x0  }
0x4d: {  	[sflag:s0] =	ssyncadd.s32 @p2 $0xFFFFFC00;
	s0 =	simm.s32 @p4 $0x2  }
0x4e: {  	_ =	swait.ge @p4 [sflag:s0], $0x400  }
0x4f: {  	[sflag:s0] =	ssyncset.done @p4 $0x0  }
0x50: {  	[sflag:s0] =	ssyncadd.s32 @p4 $0xFFFFFC00;
	s0 =	simm.s32 @p6 $0x2  }
0x51: {  	_ =	swait.ge @p6 [sflag:s0], $0x400  }
0x52: {  	[sflag:s0] =	ssyncset.done @p6 $0x0  }
0x53: {  	[sflag:s0] =	ssyncadd.s32 @p6 $0xFFFFFC00;
	s0 =	simm.s32 @p1 $0x2  }
0x54: {  	_ =	swait.ge @p1 [sflag:s0], $0x400  }
0x55: {  	[sflag:s0] =	ssyncset.done @p1 $0x0  }
0x56: {  	[sflag:s0] =	ssyncadd.s32 @p1 $0xFFFFFC00;
	s0 =	simm.s32 @p3 $0x2  }
0x57: {  	_ =	swait.ge @p3 [sflag:s0], $0x400  }
0x58: {  	[sflag:s0] =	ssyncset.done @p3 $0x0  }
0x59: {  	s20 =	sadd.s32 $0x10, s20;
	[sflag:s0] =	ssyncadd.s32 @p3 $0xFFFFFC00;
	s0 =	simm.s32 @p5 $0x2  }
0x5a: {  	p1 =	sne.s32 s20, $0x100;
	_ =	swait.ge @p5 [sflag:s0], $0x400  }
.Ltmp3:
0x5b: {  	[sflag:s0] =	ssyncset.done @p5 $0x0;
	(pc) =	sbr.rel @!p1 .LBB2_64-.Ltmp3, $4  }
0x5c: {  	[sflag:s0] =	ssyncadd.s32 @p5 $0xFFFFFC00;
	s0 =	simm.s32 @p0 $0x2  }
0x5d: {  	_ =	swait.ge @p0 [sflag:s0], $0x400  }
0x5e: {  	[sflag:s0] =	ssyncset.done @p0 $0x0  }
0x5f: {  	s18 =	sadd.s32 $0x1, s18;
	s7 =	sadd.s32 $0x800, s7;
	[sflag:s0] =	ssyncadd.s32 @p0 $0xFFFFFC00  }
.LBB2_2:
0x60: {  	s16 =	sadd.s32 s20, s5  }
0x61: {  	p0 =	slt.u32 s16, $0x1E84  }
.Ltmp4:
0x62: {  	_ = 	snop;
	(pc) =	sbr.rel @!p0 .LBB2_3-.Ltmp4, $1  }
0x63: {  	_ =	sdelay $0x3  }
0x64: {  	s0 =	smul.u32 $0x431D, s16;
	_ =	sdelay $0x1  }
0x65: {  	s0 =	sshrl.u32 s0, $0x19  }
0x66: {  	s2 =	smul.u32 $0x7A1, s0;
	_ =	sdelay $0x1  }
0x67: {  	s2 =	ssub.s32 s16, s2  }
0x68: {  	s0 =	smul.u32 $0x1E8600, s0;
	s2 =	sand.u32 $0xFFFF, s2  }
0x69: {  	s31 =	sadd.s32 $0xFFFFE17D, s16;
	s2 =	sshll.u32 s2, $0xA  }
0x6a: {  	p0 =	sne.s32 s31, $0x0;
	s0 =	sadd.s32 s2, s0  }
.Ltmp5:
0x6b: {  	s2 =	sshrl.u32 s0, $0x3;
	s0 =	sadd.s32 $0x200, s0;
	(pc) =	sbr.rel @!p0 .LBB2_5-.Ltmp5, $4  }
0x6c: {  	s2 =	sadd.s32 s1, s2;
	s0 =	sshrl.u32 s0, $0x3  }
0x6d: {  	[tilespmem:s3], [sflag:$0x1] =	stream.linear.gather [hbm4b:s2+s3], $0x200, $0x38;
	[tilespmem:$0x4000] =	vst v63  }
0x6e: {  	s0 =	sadd.s32 s1, s0  }
0x6f: {  	[tilespmem:s21], [sflag:$0x1] =	stream.linear.gather [hbm4b:s0+s3], $0x200, $0x38;
	[tilespmem:$0x4000] =	vst v63  }
0x70: {  	s6 =	sadd.s32 $0x1, s16  }
0x71: {  	s0 =	smul.u32 $0x431D, s6;
	_ =	sdelay $0x1  }
0x72: {  	s0 =	sshrl.u32 s0, $0x19  }
0x73: {  	s2 =	smul.u32 $0x7A1, s0;
	_ =	sdelay $0x1  }
0x74: {  	s2 =	ssub.s32 s6, s2  }
0x75: {  	s0 =	smul.u32 $0x1E8600, s0;
	s2 =	sand.u32 $0xFFFF, s2  }
0x76: {  	s2 =	sshll.u32 s2, $0xA  }
0x77: {  	p0 =	slt.u32 s16, $0x1E82;
	s0 =	sadd.s32 s2, s0  }
.Ltmp6:
0x78: {  	s2 =	sshrl.u32 s0, $0x3;
	s0 =	sadd.s32 $0x200, s0;
	(pc) =	sbr.rel @!p0 .LBB2_8-.Ltmp6, $4  }
0x79: {  	s2 =	sadd.s32 s1, s2;
	s0 =	sshrl.u32 s0, $0x3  }
0x7a: {  	[tilespmem:s9], [sflag:$0x1] =	stream.linear.gather [hbm4b:s2+s3], $0x200, $0x38;
	[tilespmem:$0x4000] =	vst v63  }
0x7b: {  	s31 =	simm.s32 $0x600;
	s0 =	sadd.s32 s1, s0  }
0x7c: {  	[tilespmem:s31], [sflag:$0x1] =	stream.linear.gather [hbm4b:s0+s3], $0x200, $0x38;
	[tilespmem:$0x4000] =	vst v63  }
0x7d: {  	s22 =	sadd.s32 $0x2, s16  }
0x7e: {  	s0 =	smul.u32 $0x431D, s22;
	_ =	sdelay $0x1  }
0x7f: {  	s0 =	sshrl.u32 s0, $0x19  }
0x80: {  	s2 =	smul.u32 $0x7A1, s0;
	_ =	sdelay $0x1  }
0x81: {  	s2 =	ssub.s32 s22, s2  }
0x82: {  	s0 =	smul.u32 $0x1E8600, s0;
	s2 =	sand.u32 $0xFFFF, s2  }
0x83: {  	s31 =	sadd.s32 $0xFFFFE17F, s16;
	s2 =	sshll.u32 s2, $0xA  }
0x84: {  	p0 =	sne.s32 s31, $0x0;
	s0 =	sadd.s32 s2, s0  }
.Ltmp7:
0x85: {  	s2 =	sshrl.u32 s0, $0x3;
	s0 =	sadd.s32 $0x200, s0;
	(pc) =	sbr.rel @!p0 .LBB2_11-.Ltmp7, $4  }
0x86: {  	s2 =	sadd.s32 s1, s2;
	s0 =	sshrl.u32 s0, $0x3  }
0x87: {  	[tilespmem:s11], [sflag:$0x1] =	stream.linear.gather [hbm4b:s2+s3], $0x200, $0x38;
	[tilespmem:$0x4000] =	vst v63  }
0x88: {  	s8 =	simm.s32 $0xA00;
	s0 =	sadd.s32 s1, s0  }
0x89: {  	[tilespmem:s8], [sflag:$0x1] =	stream.linear.gather [hbm4b:s0+s3], $0x200, $0x38;
	[tilespmem:$0x4000] =	vst v63  }
0x8a: {  	s12 =	sadd.s32 $0x3, s16  }
0x8b: {  	s0 =	smul.u32 $0x431D, s12;
	_ =	sdelay $0x1  }
0x8c: {  	s0 =	sshrl.u32 s0, $0x19  }
0x8d: {  	s2 =	smul.u32 $0x7A1, s0;
	_ =	sdelay $0x1  }
0x8e: {  	s2 =	ssub.s32 s12, s2  }
0x8f: {  	s0 =	smul.u32 $0x1E8600, s0;
	s2 =	sand.u32 $0xFFFF, s2  }
0x90: {  	s2 =	sshll.u32 s2, $0xA  }
0x91: {  	p0 =	slt.u32 s16, $0x1E80;
	s0 =	sadd.s32 s2, s0  }
.Ltmp8:
0x92: {  	s2 =	sshrl.u32 s0, $0x3;
	s0 =	sadd.s32 $0x200, s0;
	(pc) =	sbr.rel @!p0 .LBB2_14-.Ltmp8, $4  }
0x93: {  	s2 =	sadd.s32 s1, s2;
	s0 =	sshrl.u32 s0, $0x3  }
0x94: {  	[tilespmem:s13], [sflag:$0x1] =	stream.linear.gather [hbm4b:s2+s3], $0x200, $0x38;
	[tilespmem:$0x4000] =	vst v63  }
0x95: {  	s31 =	simm.s32 $0xE00;
	s0 =	sadd.s32 s1, s0  }
0x96: {  	[tilespmem:s31], [sflag:$0x1] =	stream.linear.gather [hbm4b:s0+s3], $0x200, $0x38;
	[tilespmem:$0x4000] =	vst v63  }
0x97: {  	s14 =	sadd.s32 $0x4, s16  }
0x98: {  	s0 =	smul.u32 $0x431D, s14;
	_ =	sdelay $0x1  }
0x99: {  	s0 =	sshrl.u32 s0, $0x19  }
0x9a: {  	s2 =	smul.u32 $0x7A1, s0;
	_ =	sdelay $0x1  }
0x9b: {  	s2 =	ssub.s32 s14, s2  }
0x9c: {  	s0 =	smul.u32 $0x1E8600, s0;
	s2 =	sand.u32 $0xFFFF, s2  }
0x9d: {  	s31 =	sadd.s32 $0xFFFFE181, s16;
	s2 =	sshll.u32 s2, $0xA  }
0x9e: {  	p0 =	sne.s32 s31, $0x0;
	s0 =	sadd.s32 s2, s0  }
.Ltmp9:
0x9f: {  	s2 =	sshrl.u32 s0, $0x3;
	s0 =	sadd.s32 $0x200, s0;
	(pc) =	sbr.rel @!p0 .LBB2_17-.Ltmp9, $4  }
0xa0: {  	s2 =	sadd.s32 s1, s2;
	s0 =	sshrl.u32 s0, $0x3  }
0xa1: {  	[tilespmem:s15], [sflag:$0x1] =	stream.linear.gather [hbm4b:s2+s3], $0x200, $0x38;
	[tilespmem:$0x4000] =	vst v63  }
0xa2: {  	s8 =	simm.s32 $0x1200;
	s0 =	sadd.s32 s1, s0  }
0xa3: {  	[tilespmem:s8], [sflag:$0x1] =	stream.linear.gather [hbm4b:s0+s3], $0x200, $0x38;
	[tilespmem:$0x4000] =	vst v63  }
0xa4: {  	s10 =	sadd.s32 $0x5, s16  }
0xa5: {  	s0 =	smul.u32 $0x431D, s10;
	_ =	sdelay $0x1  }
0xa6: {  	s0 =	sshrl.u32 s0, $0x19  }
0xa7: {  	s2 =	smul.u32 $0x7A1, s0;
	_ =	sdelay $0x1  }
0xa8: {  	s2 =	ssub.s32 s10, s2  }
0xa9: {  	s0 =	smul.u32 $0x1E8600, s0;
	s2 =	sand.u32 $0xFFFF, s2  }
0xaa: {  	s2 =	sshll.u32 s2, $0xA  }
0xab: {  	p0 =	slt.u32 s16, $0x1E7E;
	s0 =	sadd.s32 s2, s0  }
.Ltmp10:
0xac: {  	s2 =	sshrl.u32 s0, $0x3;
	s0 =	sadd.s32 $0x200, s0;
	(pc) =	sbr.rel @!p0 .LBB2_20-.Ltmp10, $4  }
0xad: {  	s8 =	simm.s32 $0x1400;
	s2 =	sadd.s32 s1, s2;
	s0 =	sshrl.u32 s0, $0x3  }
0xae: {  	[tilespmem:s8], [sflag:$0x1] =	stream.linear.gather [hbm4b:s2+s3], $0x200, $0x38;
	[tilespmem:$0x4000] =	vst v63  }
0xaf: {  	s31 =	simm.s32 $0x1600;
	s0 =	sadd.s32 s1, s0  }
0xb0: {  	[tilespmem:s31], [sflag:$0x1] =	stream.linear.gather [hbm4b:s0+s3], $0x200, $0x38;
	[tilespmem:$0x4000] =	vst v63  }
0xb1: {  	s24 =	sadd.s32 $0x6, s16  }
0xb2: {  	s0 =	smul.u32 $0x431D, s24;
	_ =	sdelay $0x1  }
0xb3: {  	s0 =	sshrl.u32 s0, $0x19  }
0xb4: {  	s2 =	smul.u32 $0x7A1, s0;
	_ =	sdelay $0x1  }
0xb5: {  	s2 =	ssub.s32 s24, s2  }
0xb6: {  	s0 =	smul.u32 $0x1E8600, s0;
	s2 =	sand.u32 $0xFFFF, s2  }
0xb7: {  	s30 =	sadd.s32 $0xFFFFE183, s16;
	s2 =	sshll.u32 s2, $0xA  }
0xb8: {  	p0 =	sne.s32 s30, $0x0;
	s0 =	sadd.s32 s2, s0  }
.Ltmp11:
0xb9: {  	s2 =	sshrl.u32 s0, $0x3;
	s0 =	sadd.s32 $0x200, s0;
	(pc) =	sbr.rel @!p0 .LBB2_23-.Ltmp11, $4  }
0xba: {  	s8 =	simm.s32 $0x1800;
	s2 =	sadd.s32 s1, s2;
	s0 =	sshrl.u32 s0, $0x3  }
0xbb: {  	[tilespmem:s8], [sflag:$0x1] =	stream.linear.gather [hbm4b:s2+s3], $0x200, $0x38;
	[tilespmem:$0x4000] =	vst v63  }
0xbc: {  	s31 =	simm.s32 $0x1A00;
	s0 =	sadd.s32 s1, s0  }
0xbd: {  	[tilespmem:s31], [sflag:$0x1] =	stream.linear.gather [hbm4b:s0+s3], $0x200, $0x38;
	[tilespmem:$0x4000] =	vst v63  }
0xbe: {  	s8 =	sadd.s32 $0x7, s16  }
0xbf: {  	s0 =	smul.u32 $0x431D, s8;
	_ =	sdelay $0x1  }
0xc0: {  	s0 =	sshrl.u32 s0, $0x19  }
0xc1: {  	s2 =	smul.u32 $0x7A1, s0;
	_ =	sdelay $0x1  }
0xc2: {  	s2 =	ssub.s32 s8, s2  }
0xc3: {  	s0 =	smul.u32 $0x1E8600, s0;
	s2 =	sand.u32 $0xFFFF, s2  }
0xc4: {  	s2 =	sshll.u32 s2, $0xA  }
0xc5: {  	p0 =	sgt.u32 s16, $0x1E7B;
	s0 =	sadd.s32 s2, s0  }
.Ltmp12:
0xc6: {  	s2 =	sshrl.u32 s0, $0x3;
	s0 =	sadd.s32 $0x200, s0;
	(pc) =	sbr.rel @p0 .LBB2_28-.Ltmp12, $4  }
0xc7: {  	s23 =	simm.s32 $0x1C00;
	s2 =	sadd.s32 s1, s2;
	s0 =	sshrl.u32 s0, $0x3  }
0xc8: {  	[tilespmem:s23], [sflag:$0x1] =	stream.linear.gather [hbm4b:s2+s3], $0x200, $0x38;
	[tilespmem:$0x4000] =	vst v63  }
0xc9: {  	s31 =	simm.s32 $0x1E00;
	s0 =	sadd.s32 s1, s0  }
0xca: {  	[tilespmem:s31], [sflag:$0x1] =	stream.linear.gather [hbm4b:s0+s3], $0x200, $0x38;
	[tilespmem:$0x4000] =	vst v63  }
0xcb: {  	s29 =	sadd.s32 $0x8, s16  }
0xcc: {  	s0 =	smul.u32 $0x431D, s29;
	_ =	sdelay $0x1  }
0xcd: {  	s0 =	sshrl.u32 s0, $0x19  }
0xce: {  	s2 =	smul.u32 $0x7A1, s0;
	_ =	sdelay $0x1  }
0xcf: {  	s2 =	ssub.s32 s29, s2  }
0xd0: {  	s0 =	smul.u32 $0x1E8600, s0;
	s2 =	sand.u32 $0xFFFF, s2  }
0xd1: {  	s2 =	sshll.u32 s2, $0xA  }
0xd2: {  	s0 =	sadd.s32 s2, s0  }
0xd3: {  	s23 =	sadd.s32 $0xFFFFE185, s16;
	s17 =	simm.s32 $0x2000;
	s2 =	sshrl.u32 s0, $0x3  }
0xd4: {  	s30 =	sadd.s32 $0x9, s16;
	p4 =	seq.s32 s23, $0x0;
	s2 =	sadd.s32 s1, s2  }
0xd5: {  	[tilespmem:s17], [sflag:$0x1] =	stream.linear.gather [hbm4b:s2+s3], $0x200, $0x38;
	[tilespmem:$0x4000] =	vst v63  }
0xd6: {  	s2 =	smul.u32 @!p4 $0x431D, s30  }
0xd7: {  	s0 =	sadd.s32 $0x200, s0  }
0xd8: {  	s0 =	sshrl.u32 s0, $0x3;
	s2 =	sshrl.u32 @!p4 s2, $0x19  }
0xd9: {  	s26 =	simm.s32 $0x2200;
	s0 =	sadd.s32 s1, s0;
	s23 =	smul.u32 @!p4 $0x7A1, s2  }
0xda: {  	[tilespmem:s26], [sflag:$0x1] =	stream.linear.gather [hbm4b:s0+s3], $0x200, $0x38;
	[tilespmem:$0x4000] =	vst v63  }
0xdb: {  	s0 =	ssub.s32 @!p4 s30, s23  }
0xdc: {  	s2 =	smul.u32 @!p4 $0x1E8600, s2;
	s0 =	sand.u32 @!p4 $0xFFFF, s0  }
0xdd: {  	s0 =	sshll.u32 @!p4 s0, $0xA  }
0xde: {  	s0 =	sadd.s32 @!p4 s0, s2  }
0xdf: {  	s2 =	sshrl.u32 @!p4 s0, $0x3  }
0xe0: {  	s25 =	simm.s32 @!p4 $0x2400;
	s23 =	simm.s32 @!p4 $0x0;
	s2 =	sadd.s32 @!p4 s1, s2  }
0xe1: {  	[tilespmem:s25], [sflag:$0x1] =	stream.linear.gather @!p4 [hbm4b:s2+s23], $0x200, $0x38;
	[tilespmem:$0x4000] =	vst v63  }
0xe2: {  	p0 =	sgt.u32 @!p4 s16, $0x1E79;
	s2 =	sadd.s32 @!p4 s20, s5  }
0xe3: {  	p1 =	por p4, p0;
	s25 =	sadd.s32 @!p4 $0xA, s2  }
0xe4: {  	s2 =	smul.u32 @!p1 $0x431D, s25  }
0xe5: {  	s0 =	sadd.s32 @!p4 $0x200, s0  }
0xe6: {  	s0 =	sshrl.u32 @!p4 s0, $0x3;
	s2 =	sshrl.u32 @!p1 s2, $0x19  }
0xe7: {  	s26 =	simm.s32 @!p4 $0x2600;
	s0 =	sadd.s32 @!p4 s1, s0;
	s31 =	smul.u32 @!p1 $0x7A1, s2  }
0xe8: {  	[tilespmem:s26], [sflag:$0x1] =	stream.linear.gather @!p4 [hbm4b:s0+s23], $0x200, $0x38;
	[tilespmem:$0x4000] =	vst v63  }
0xe9: {  	s0 =	ssub.s32 @!p1 s25, s31  }
0xea: {  	s2 =	smul.u32 @!p1 $0x1E8600, s2;
	s0 =	sand.u32 @!p1 $0xFFFF, s0  }
0xeb: {  	s0 =	sshll.u32 @!p1 s0, $0xA  }
0xec: {  	s0 =	sadd.s32 @!p1 s0, s2  }
0xed: {  	s26 =	simm.s32 @!p1 $0x2800;
	s23 =	sshrl.u32 @!p1 s0, $0x3  }
0xee: {  	s31 =	simm.s32 @!p1 $0x0;
	s2 =	sadd.s32 $0xFFFFE187, s16;
	s23 =	sadd.s32 @!p1 s1, s23  }
0xef: {  	[tilespmem:s26], [sflag:$0x1] =	stream.linear.gather @!p1 [hbm4b:s23+s31], $0x200, $0x38;
	[tilespmem:$0x4000] =	vst v63  }
0xf0: {  	p0 =	seq.s32 @!p1 s2, $0x0;
	s23 =	sadd.s32 @!p1 s20, s5  }
0xf1: {  	p2 =	por p1, p0;
	s26 =	sadd.s32 @!p1 $0xB, s23  }
0xf2: {  	s2 =	smul.u32 @!p2 $0x431D, s26  }
0xf3: {  	s0 =	sadd.s32 @!p1 $0x200, s0  }
0xf4: {  	s0 =	sshrl.u32 @!p1 s0, $0x3;
	s2 =	sshrl.u32 @!p2 s2, $0x19  }
0xf5: {  	s0 =	sadd.s32 @!p1 s1, s0;
	s23 =	simm.s32 @!p1 $0x2A00;
	s21 =	smul.u32 @!p2 $0x7A1, s2  }
0xf6: {  	[tilespmem:s23], [sflag:$0x1] =	stream.linear.gather @!p1 [hbm4b:s0+s31], $0x200, $0x38;
	[tilespmem:$0x4000] =	vst v63  }
0xf7: {  	s0 =	ssub.s32 @!p2 s26, s21  }
0xf8: {  	s2 =	smul.u32 @!p2 $0x1E8600, s2;
	s0 =	sand.u32 @!p2 $0xFFFF, s0  }
0xf9: {  	s0 =	sshll.u32 @!p2 s0, $0xA  }
0xfa: {  	s0 =	sadd.s32 @!p2 s0, s2  }
0xfb: {  	s2 =	sshrl.u32 @!p2 s0, $0x3  }
0xfc: {  	s23 =	simm.s32 @!p2 $0x2C00;
	s21 =	simm.s32 @!p2 $0x0;
	s2 =	sadd.s32 @!p2 s1, s2  }
0xfd: {  	[tilespmem:s23], [sflag:$0x1] =	stream.linear.gather @!p2 [hbm4b:s2+s21], $0x200, $0x38;
	[tilespmem:$0x4000] =	vst v63  }
0xfe: {  	p0 =	sgt.u32 @!p2 s16, $0x1E77;
	s2 =	sadd.s32 @!p2 s20, s5  }
0xff: {  	p3 =	por p2, p0;
	s31 =	sadd.s32 @!p2 $0xC, s2  }
0x100: {  	s2 =	smul.u32 @!p3 $0x431D, s31  }
0x101: {  	s0 =	sadd.s32 @!p2 $0x200, s0  }
0x102: {  	s0 =	sshrl.u32 @!p2 s0, $0x3;
	s2 =	sshrl.u32 @!p3 s2, $0x19  }
0x103: {  	s0 =	sadd.s32 @!p2 s1, s0;
	s23 =	simm.s32 @!p2 $0x2E00;
	s19 =	smul.u32 @!p3 $0x7A1, s2  }
0x104: {  	[tilespmem:s23], [sflag:$0x1] =	stream.linear.gather @!p2 [hbm4b:s0+s21], $0x200, $0x38;
	[tilespmem:$0x4000] =	vst v63  }
0x105: {  	s0 =	ssub.s32 @!p3 s31, s19  }
0x106: {  	s2 =	smul.u32 @!p3 $0x1E8600, s2;
	s0 =	sand.u32 @!p3 $0xFFFF, s0  }
0x107: {  	s0 =	sshll.u32 @!p3 s0, $0xA  }
0x108: {  	s2 =	sadd.s32 @!p3 s0, s2  }
0x109: {  	s21 =	simm.s32 @!p3 $0x0;
	s19 =	sshrl.u32 @!p3 s2, $0x3  }
0x10a: {  	s23 =	simm.s32 @!p3 $0x3000;
	s0 =	sadd.s32 $0xFFFFE189, s16;
	s19 =	sadd.s32 @!p3 s1, s19  }
0x10b: {  	[tilespmem:s23], [sflag:$0x1] =	stream.linear.gather @!p3 [hbm4b:s19+s21], $0x200, $0x38;
	[tilespmem:$0x4000] =	vst v63  }
0x10c: {  	p0 =	seq.s32 @!p3 s0, $0x0;
	s19 =	sadd.s32 @!p3 s20, s5  }
0x10d: {  	p0 =	por p3, p0;
	s0 =	sadd.s32 @!p3 $0xD, s19  }
0x10e: {  	s19 =	smul.u32 @!p0 $0x431D, s0  }
0x10f: {  	s2 =	sadd.s32 @!p3 $0x200, s2  }
0x110: {  	s2 =	sshrl.u32 @!p3 s2, $0x3;
	s19 =	sshrl.u32 @!p0 s19, $0x19  }
0x111: {  	s2 =	sadd.s32 @!p3 s1, s2;
	s23 =	simm.s32 @!p3 $0x3200;
	s17 =	smul.u32 @!p0 $0x7A1, s19  }
0x112: {  	[tilespmem:s23], [sflag:$0x1] =	stream.linear.gather @!p3 [hbm4b:s2+s21], $0x200, $0x38;
	[tilespmem:$0x4000] =	vst v63  }
0x113: {  	s2 =	ssub.s32 @!p0 s0, s17  }
0x114: {  	s17 =	smul.u32 @!p0 $0x1E8600, s19;
	s2 =	sand.u32 @!p0 $0xFFFF, s2  }
0x115: {  	p5 =	sgt.u32 @!p0 s16, $0x1E75;
	s2 =	sshll.u32 @!p0 s2, $0xA  }
0x116: {  	p5 =	por p0, p5;
	s21 =	simm.s32 @!p0 $0x3400;
	s2 =	sadd.s32 @!p0 s2, s17  }
.Ltmp13:
0x117: {  	s17 =	sshrl.u32 @!p0 s2, $0x3;
	s2 =	sadd.s32 @!p0 $0x200, s2;
	(pc) =	sbr.rel @p5 .LBB2_30-.Ltmp13, $4  }
0x118: {  	s19 =	simm.s32 @!p0 $0x0;
	s17 =	sadd.s32 @!p0 s1, s17;
	s2 =	sshrl.u32 @!p0 s2, $0x3  }
0x119: {  	[tilespmem:s21], [sflag:$0x1] =	stream.linear.gather @!p0 [hbm4b:s17+s19], $0x200, $0x38;
	[tilespmem:$0x4000] =	vst v63  }
0x11a: {  	s2 =	sadd.s32 @!p0 s1, s2;
	s17 =	simm.s32 @!p0 $0x3600  }
0x11b: {  	[tilespmem:s17], [sflag:$0x1] =	stream.linear.gather @!p0 [hbm4b:s2+s19], $0x200, $0x38;
	[tilespmem:$0x4000] =	vst v63  }
0x11c: {  	s2 =	sadd.s32 @!p0 s20, s5  }
0x11d: {  	s23 =	sadd.s32 @!p0 $0xE, s2  }
0x11e: {  	s2 =	smul.u32 $0x431D, s23;
	_ =	sdelay $0x1  }
0x11f: {  	s2 =	sshrl.u32 s2, $0x19  }
0x120: {  	s17 =	smul.u32 $0x7A1, s2;
	_ =	sdelay $0x1  }
0x121: {  	s17 =	ssub.s32 s23, s17  }
0x122: {  	s2 =	smul.u32 $0x1E8600, s2;
	s17 =	sand.u32 $0xFFFF, s17  }
0x123: {  	s17 =	sshll.u32 s17, $0xA  }
0x124: {  	s17 =	sadd.s32 s17, s2  }
0x125: {  	s19 =	sadd.s32 $0xFFFFE18B, s16;
	s2 =	sshrl.u32 s17, $0x3  }
0x126: {  	s21 =	simm.s32 $0x3800;
	p0 =	seq.s32 s19, $0x0;
	s2 =	sadd.s32 s1, s2  }
0x127: {  	[tilespmem:s21], [sflag:$0x1] =	stream.linear.gather [hbm4b:s2+s3], $0x200, $0x38;
	[tilespmem:$0x4000] =	vst v63  }
0x128: {  	s2 =	simm.s32 @!p0 $0x0  }
0x129: {  	s2 =	simm.s32 @p0 $0x1  }
0x12a: {  	[smem:$0x7EF] =	sst s2;
	s2 =	sadd.s32 @!p0 s20, s5  }
0x12b: {  	s2 =	sadd.s32 @!p0 $0xF, s2  }
0x12c: {  	s17 =	sadd.s32 $0x200, s17;
	s19 =	smul.u32 @!p0 $0x431D, s2  }
0x12d: {  	s17 =	sshrl.u32 s17, $0x3  }
0x12e: {  	s17 =	sadd.s32 s1, s17;
	s19 =	sshrl.u32 @!p0 s19, $0x19  }
0x12f: {  	[dreg:$0x8] =	wrdreg s17;
	s17 =	smul.u32 @!p0 $0x7A1, s19  }
0x130: {  	s21 =	rddreg [dreg:$0x8]  }
0x131: {  	[dreg:$0x9] =	wrdreg s17;
	s17 =	simm.s32 $0x3A00  }
0x132: {  	[tilespmem:s17], [sflag:$0x1] =	stream.linear.gather [hbm4b:s21+s3], $0x200, $0x38;
	[tilespmem:$0x4000] =	vst v63  }
0x133: {  	s17 =	rddreg [dreg:$0x9]  }
0x134: {  	s17 =	ssub.s32 @!p0 s2, s17  }
0x135: {  	s19 =	smul.u32 @!p0 $0x1E8600, s19;
	s17 =	sand.u32 @!p0 $0xFFFF, s17  }
0x136: {  	s17 =	sshll.u32 @!p0 s17, $0xA  }
0x137: {  	s17 =	sadd.s32 @!p0 s17, s19  }
0x138: {  	s19 =	sshrl.u32 @!p0 s17, $0x3  }
0x139: {  	[dreg:$0x7] =	wrdreg s17;
	s19 =	sadd.s32 @!p0 s1, s19  }
0x13a: {  	[dreg:$0x6] =	wrdreg s19  }
0x13b: {  	s21 =	simm.s32 @!p0 $0x3C00;
	s19 =	simm.s32 @!p0 $0x0;
	s17 =	rddreg [dreg:$0x6]  }
0x13c: {  	[tilespmem:s21], [sflag:$0x1] =	stream.linear.gather @!p0 [hbm4b:s17+s19], $0x200, $0x38;
	[tilespmem:$0x4000] =	vst v63  }
0x13d: {  	s17 =	rddreg [dreg:$0x7]  }
0x13e: {  	p2 =	por $0x1, $0x1;
	p3 =	por @!p0 $0x1, $0x1;
	s17 =	sadd.s32 @!p0 $0x200, s17  }
0x13f: {  	p2 =	por @!p0 p3, p3;
	s17 =	sshrl.u32 @!p0 s17, $0x3  }
0x140: {  	s21 =	simm.s32 @!p0 $0x0;
	s19 =	simm.s32 @!p0 $0x3E00;
	s17 =	sadd.s32 @!p0 s1, s17  }
0x141: {  	[tilespmem:s19], [sflag:$0x1] =	stream.linear.gather @!p0 [hbm4b:s17+s21], $0x200, $0x38;
	[tilespmem:$0x4000] =	vst v63  }
0x142: {  	p1 =	por $0x1, $0x1;
	s17 =	simm.s32 @!p2 $0x0  }
0x143: {  	p1 =	por @!p0 p3, p3;
	s17 =	simm.s32 @p2 $0x1  }
0x144: {  	[smem:$0x7F7] =	sst s17;
	s17 =	simm.s32 @!p1 $0x0  }
0x145: {  	p5 =	por $0x1, $0x1;
	s17 =	simm.s32 @p1 $0x1;
	p1 =	por $0x1, $0x1  }
0x146: {  	p4 =	por $0x1, $0x1;
	p5 =	por @!p0 p3, p3;
	p1 =	por @!p0 p3, p3  }
0x147: {  	p2 =	por $0x1, $0x1;
	[smem:$0x7F0] =	sst s17;
	s17 =	simm.s32 @!p1 $0x0  }
0x148: {  	s21 =	sld [smem:$0x7EF];
	p2 =	por @!p0 p3, p3;
	s17 =	simm.s32 @p1 $0x1  }
0x149: {  	p1 =	por $0x1, $0x1;
	[smem:$0x7FA] =	sst s17;
	s17 =	simm.s32 @!p2 $0x0  }
0x14a: {  	s19 =	sld [smem:$0x7EF];
	p1 =	por @!p0 p3, p3;
	s17 =	simm.s32 @p2 $0x1  }
0x14b: {  	p4 =	por @!p0 p3, p3;
	[smem:$0x7F1] =	sst s17;
	s17 =	simm.s32 @!p1 $0x0  }
0x14c: {  	p2 =	por $0x1, $0x1;
	s17 =	simm.s32 @p1 $0x1;
	p1 =	por $0x1, $0x1  }
0x14d: {  	p2 =	por @!p0 p3, p3;
	[smem:$0x7FC] =	sst s17;
	p1 =	por @!p0 p3, p3  }
0x14e: {  	p0 =	seq.s32 s21, $0x1;
	s21 =	sld [smem:$0x7EF];
	s17 =	simm.s32 @!p1 $0x0  }
0x14f: {  	p6 =	por @!p0 $0x1, $0x1;
	p0 =	seq.s32 s19, $0x1;
	s19 =	sld [smem:$0x7EF]  }
0x150: {  	p3 =	por $0x1, $0x1;
	s17 =	simm.s32 @p1 $0x1;
	p1 =	por $0x1, $0x1  }
0x151: {  	p3 =	por @!p0 p6, p6;
	p0 =	seq.s32 s21, $0x1;
	s21 =	sld [smem:$0x7EF]  }
0x152: {  	p6 =	por @!p0 $0x1, $0x1;
	p0 =	seq.s32 s19, $0x1;
	s19 =	sld [smem:$0x7EF]  }
0x153: {  	[smem:$0x7FD] =	sst s17;
	p1 =	por @!p0 p6, p6;
	p6 =	por $0x1, $0x1  }
0x154: {  	s17 =	simm.s32 @!p1 $0x0;
	p0 =	seq.s32 s21, $0x1;
	s21 =	sld [smem:$0x7EF]  }
0x155: {  	s17 =	simm.s32 @p1 $0x1;
	p0 =	por @!p0 $0x1, $0x1;
	p1 =	seq.s32 s19, $0x1  }
0x156: {  	s19 =	sld [smem:$0x7EF];
	p6 =	por @!p1 p0, p0  }
0x157: {  	[smem:$0x7FB] =	sst s17;
	s17 =	simm.s32 @!p6 $0x0  }
0x158: {  	p0 =	seq.s32 s21, $0x1;
	s21 =	sld [smem:$0x7EF];
	s17 =	simm.s32 @p6 $0x1  }
0x159: {  	p6 =	por $0x1, $0x1;
	p0 =	por @!p0 $0x1, $0x1;
	p1 =	seq.s32 s19, $0x1  }
0x15a: {  	s19 =	sld [smem:$0x7EF];
	p6 =	por @!p1 p0, p0  }
0x15b: {  	[smem:$0x7F2] =	sst s17;
	s17 =	simm.s32 @!p6 $0x0  }
0x15c: {  	p0 =	seq.s32 s21, $0x1;
	s21 =	sld [smem:$0x7EF];
	s17 =	simm.s32 @p6 $0x1  }
0x15d: {  	p1 =	por $0x1, $0x1;
	p6 =	por @!p0 $0x1, $0x1;
	[smem:$0x7F3] =	sst s17  }
0x15e: {  	p1 =	por @!p0 p6, p6;
	p6 =	por $0x0, $0x0;
	p0 =	seq.s32 s19, $0x1  }
0x15f: {  	s19 =	sld [smem:$0x7EF];
	s17 =	simm.s32 @!p1 $0x0;
	p0 =	por @!p0 $0x1, $0x1  }
0x160: {  	s17 =	simm.s32 @p1 $0x1;
	p1 =	seq.s32 s21, $0x1;
	s21 =	sld [smem:$0x7FA]  }
0x161: {  	[smem:$0x7F5] =	sst s17;
	p6 =	por @!p1 p0, p0  }
0x162: {  	p0 =	seq.s32 s19, $0x1;
	s19 =	rddreg [dreg:$0x4];
	s17 =	simm.s32 @!p6 $0x0  }
0x163: {  	s23 =	simm.s32 @p0 $0x1E83;
	s31 =	simm.s32 @p0 $0x1E81;
	s25 =	simm.s32 @p0 $0x1E7F  }
0x164: {  	s29 =	simm.s32 @p0 $0x1E7D;
	s24 =	simm.s32 @p0 $0x1E7B;
	s14 =	simm.s32 @p0 $0x1E79  }
.Ltmp14:
0x165: {  	s22 =	simm.s32 @p0 $0x1E77;
	s6 =	simm.s32 @p0 $0x1E76;
	(pc) =	sbr.rel .LBB2_32-.Ltmp14, $4  }
0x166: {  	s12 =	simm.s32 @p0 $0x1E78;
	s10 =	simm.s32 @p0 $0x1E7A;
	s8 =	simm.s32 @p0 $0x1E7C  }
0x167: {  	s30 =	simm.s32 @p0 $0x1E7E;
	s26 =	simm.s32 @p0 $0x1E80;
	s17 =	simm.s32 @p6 $0x1  }
0x168: {  	s0 =	simm.s32 @p0 $0x1E82;
	s2 =	simm.s32 @p0 $0x1E84;
	[smem:$0x7F9] =	sst s17  }
0x169: {  	p0 =	seq.s32 s21, $0x1;
	s21 =	simm.s32 $0x200;
	s17 =	rddreg [dreg:$0x3]  }
.LBB2_3:
.Ltmp15:
0x16a: {  	(pc) =	sbr.rel .LBB2_6-.Ltmp15, $2  }
0x16b: {  	_ =	sdelay $0x2  }
0x16c: {  	s6 =	sadd.s32 $0x1, s16  }
.LBB2_5:
0x16d: {  	s6 =	simm.s32 $0x1E84  }
.LBB2_6:
0x16e: {  	s22 =	sadd.s32 $0x2, s16;
	p5 =	por $0x0, $0x0  }
.LBB2_9:
0x16f: {  	s12 =	sadd.s32 $0x3, s16;
	p2 =	por $0x0, $0x0  }
.LBB2_12:
0x170: {  	s14 =	sadd.s32 $0x4, s16;
	p4 =	por $0x0, $0x0  }
.LBB2_15:
0x171: {  	p0 =	por $0x0, $0x0  }
0x172: {  	s0 =	simm.s32 @!p0 $0x0  }
0x173: {  	s0 =	simm.s32 @p0 $0x1  }
0x174: {  	s10 =	sadd.s32 $0x5, s16;
	[smem:$0x7FD] =	sst s0  }
.LBB2_18:
0x175: {  	s24 =	sadd.s32 $0x6, s16;
	p3 =	por $0x0, $0x0  }
.LBB2_21:
0x176: {  	p0 =	por $0x0, $0x0  }
0x177: {  	s0 =	simm.s32 @!p0 $0x0  }
0x178: {  	s0 =	simm.s32 @p0 $0x1  }
0x179: {  	s8 =	sadd.s32 $0x7, s16;
	[smem:$0x7FC] =	sst s0  }
.LBB2_24:
0x17a: {  	p0 =	por $0x0, $0x0  }
0x17b: {  	s0 =	simm.s32 @!p0 $0x0  }
0x17c: {  	s0 =	simm.s32 @p0 $0x1  }
0x17d: {  	s29 =	sadd.s32 $0x8, s16;
	[smem:$0x7FB] =	sst s0  }
.LBB2_25:
0x17e: {  	p0 =	sgt.u32 s16, $0x1E83  }
.Ltmp16:
0x17f: {  	_ = 	snop;
	(pc) =	sbr.rel @p0 .LBB2_47-.Ltmp16, $1  }
0x180: {  	_ =	sdelay $0x3  }
0x181: {  	_ = 	snop  }
0x182: {  	p0 =	por $0x0, $0x0  }
0x183: {  	[smem:$0x7EE] =	sst s1;
	s1 =	simm.s32 @!p0 $0x0  }
0x184: {  	s1 =	simm.s32 @p0 $0x1  }
0x185: {  	[smem:$0x7F7] =	sst s1  }
0x186: {  	s1 =	sld [smem:$0x7EE];
	_ =	sdelay $0x1  }
0x187: {  	p0 =	por $0x0, $0x0  }
0x188: {  	[smem:$0x7EE] =	sst s1;
	s1 =	simm.s32 @!p0 $0x0  }
0x189: {  	s1 =	simm.s32 @p0 $0x1  }
0x18a: {  	[smem:$0x7F0] =	sst s1  }
0x18b: {  	s1 =	sld [smem:$0x7EE];
	_ =	sdelay $0x1  }
0x18c: {  	p6 =	por $0x0, $0x0  }
0x18d: {  	[smem:$0x7EE] =	sst s1;
	s1 =	simm.s32 @!p6 $0x0  }
0x18e: {  	s1 =	simm.s32 @p6 $0x1  }
0x18f: {  	[smem:$0x7F1] =	sst s1  }
0x190: {  	s1 =	sld [smem:$0x7EE];
	_ =	sdelay $0x1  }
0x191: {  	p6 =	por $0x0, $0x0  }
0x192: {  	[smem:$0x7EE] =	sst s1;
	s1 =	simm.s32 @!p6 $0x0  }
0x193: {  	s1 =	simm.s32 @p6 $0x1  }
0x194: {  	[smem:$0x7F2] =	sst s1  }
0x195: {  	s1 =	sld [smem:$0x7EE];
	_ =	sdelay $0x1  }
0x196: {  	p6 =	por $0x0, $0x0  }
0x197: {  	[smem:$0x7EE] =	sst s1;
	s1 =	simm.s32 @!p6 $0x0  }
0x198: {  	s1 =	simm.s32 @p6 $0x1  }
0x199: {  	[smem:$0x7F3] =	sst s1  }
0x19a: {  	s1 =	sld [smem:$0x7EE];
	_ =	sdelay $0x1  }
0x19b: {  	p6 =	por $0x0, $0x0  }
0x19c: {  	[smem:$0x7EE] =	sst s1;
	s1 =	simm.s32 @!p6 $0x0  }
0x19d: {  	s1 =	simm.s32 @p6 $0x1  }
0x19e: {  	[smem:$0x7F5] =	sst s1  }
0x19f: {  	s0 =	sshll.u32 s18, $0x4;
	s1 =	sld [smem:$0x7EE]  }
0x1a0: {  	s2 =	sadd.s32 s5, s0  }
0x1a1: {  	s30 =	sadd.s32 $0x9, s2;
	p6 =	por $0x0, $0x0  }
0x1a2: {  	s25 =	sadd.s32 $0xA, s2;
	[smem:$0x7EE] =	sst s1;
	s1 =	simm.s32 @!p6 $0x0  }
0x1a3: {  	s26 =	sadd.s32 $0xB, s2;
	s31 =	sadd.s32 $0xC, s2;
	s1 =	simm.s32 @p6 $0x1  }
0x1a4: {  	s0 =	sadd.s32 $0xD, s2;
	s23 =	sadd.s32 $0xE, s2;
	[smem:$0x7F9] =	sst s1  }
0x1a5: {  	s2 =	sadd.s32 $0xF, s2;
	p0 =	por $0x0, $0x0;
	s1 =	sld [smem:$0x7EE]  }
.LBB2_32:
0x1a6: {  	_ =	swait.ge [sflag:s28], $0x200  }
0x1a7: {  	[sflag:s28] =	ssyncset.done $0x0  }
.Ltmp17:
0x1a8: {  	[sflag:s28] =	ssyncadd.s32 $0xFFFFFE00;
	(pc) =	sbr.rel @!p5 .LBB2_33-.Ltmp17, $4  }
0x1a9: {  	_ =	swait.ge [sflag:s28], $0x200  }
0x1aa: {  	[sflag:s28] =	ssyncset.done $0x0  }
0x1ab: {  	[sflag:s28] =	ssyncadd.s32 $0xFFFFFE00  }
0x1ac: {  	[hbm4b:s7+s3] =	stream.linear.scatter [tilespmem:s3], [sflag:$0x2], $0x400, $0x38;
	[tilespmem:$0x4000] =	vst v63  }
.LBB2_48:
0x1ad: {  	_ =	swait.ge [sflag:s28], $0x200  }
0x1ae: {  	[sflag:s28] =	ssyncset.done $0x0  }
0x1af: {  	[sflag:s28] =	ssyncadd.s32 $0xFFFFFE00  }
0x1b0: {  	_ =	swait.ge [sflag:s28], $0x200  }
0x1b1: {  	s6 =	sshll.u32 s6, $0x7;
	p5 =	por $0x1, $0x1;
	[sflag:s28] =	ssyncset.done $0x0  }
.Ltmp18:
0x1b2: {  	s6 =	sadd.s32 s4, s6;
	[sflag:s28] =	ssyncadd.s32 $0xFFFFFE00;
	(pc) =	sbr.rel @p2 .LBB2_49-.Ltmp18, $4  }
0x1b3: {  	[hbm4b:s6+s3] =	stream.linear.scatter [tilespmem:s9], [sflag:$0x2], $0x400, $0x38;
	[tilespmem:$0x4000] =	vst v63  }
0x1b4: {  	s6 =	simm.s32 @!p5 $0x0  }
0x1b5: {  	s6 =	simm.s32 @p5 $0x1  }
0x1b6: {  	[smem:$0x7ED] =	sst s6  }
.LBB2_34:
.Ltmp19:
0x1b7: {  	(pc) =	sbr.rel @!p4 .LBB2_35-.Ltmp19, $4  }
0x1b8: {  	p2 =	por $0x0, $0x0  }
0x1b9: {  	s6 =	simm.s32 @!p2 $0x0  }
0x1ba: {  	s6 =	simm.s32 @p2 $0x1  }
0x1bb: {  	[smem:$0x7EC] =	sst s6  }
.LBB2_50:
0x1bc: {  	_ =	swait.ge [sflag:s28], $0x200  }
0x1bd: {  	[sflag:s28] =	ssyncset.done $0x0  }
0x1be: {  	[sflag:s28] =	ssyncadd.s32 $0xFFFFFE00  }
0x1bf: {  	_ =	swait.ge [sflag:s28], $0x200  }
0x1c0: {  	s22 =	sld [smem:$0x7FD];
	_ =	sdelay $0x1  }
0x1c1: {  	s6 =	sshll.u32 s12, $0x7  }
0x1c2: {  	p2 =	por $0x1, $0x1;
	[sflag:s28] =	ssyncset.done $0x0;
	p1 =	seq.s32 s22, $0x1  }
.Ltmp20:
0x1c3: {  	s6 =	sadd.s32 s4, s6;
	[sflag:s28] =	ssyncadd.s32 $0xFFFFFE00;
	(pc) =	sbr.rel @p1 .LBB2_51-.Ltmp20, $4  }
0x1c4: {  	[hbm4b:s6+s3] =	stream.linear.scatter [tilespmem:s13], [sflag:$0x2], $0x400, $0x38;
	[tilespmem:$0x4000] =	vst v63  }
0x1c5: {  	s6 =	simm.s32 @!p2 $0x0  }
0x1c6: {  	s6 =	simm.s32 @p2 $0x1  }
0x1c7: {  	[smem:$0x7EB] =	sst s6  }
.LBB2_36:
.Ltmp21:
0x1c8: {  	(pc) =	sbr.rel @!p3 .LBB2_37-.Ltmp21, $4  }
0x1c9: {  	p1 =	por $0x0, $0x0  }
0x1ca: {  	s6 =	simm.s32 @!p1 $0x0  }
0x1cb: {  	s6 =	simm.s32 @p1 $0x1  }
0x1cc: {  	[smem:$0x7EA] =	sst s6  }
.LBB2_52:
0x1cd: {  	_ =	swait.ge [sflag:s28], $0x200  }
0x1ce: {  	[sflag:s28] =	ssyncset.done $0x0  }
0x1cf: {  	[sflag:s28] =	ssyncadd.s32 $0xFFFFFE00  }
0x1d0: {  	s6 =	sshll.u32 s10, $0x7;
	_ =	swait.ge [sflag:s28], $0x200  }
0x1d1: {  	s14 =	simm.s32 $0x1400;
	p1 =	por $0x1, $0x1;
	[sflag:s28] =	ssyncset.done $0x0  }
0x1d2: {  	s6 =	sadd.s32 s4, s6;
	s22 =	sld [smem:$0x7FC];
	[sflag:s28] =	ssyncadd.s32 $0xFFFFFE00  }
0x1d3: {  	[hbm4b:s6+s3] =	stream.linear.scatter [tilespmem:s14], [sflag:$0x2], $0x400, $0x38;
	[tilespmem:$0x4000] =	vst v63  }
0x1d4: {  	s6 =	simm.s32 @!p1 $0x0  }
0x1d5: {  	s6 =	simm.s32 @p1 $0x1;
	p1 =	seq.s32 s22, $0x1  }
.Ltmp22:
0x1d6: {  	_ = 	snop;
	(pc) =	sbr.rel @p1 .LBB2_53-.Ltmp22, $2  }
0x1d7: {  	_ =	sdelay $0x2  }
0x1d8: {  	[smem:$0x7E9] =	sst s6  }
.LBB2_38:
0x1d9: {  	s24 =	sld [smem:$0x7FB]  }
0x1da: {  	p1 =	por $0x0, $0x0  }
0x1db: {  	s6 =	simm.s32 @!p1 $0x0  }
0x1dc: {  	s6 =	simm.s32 @p1 $0x1;
	p1 =	seq.s32 s24, $0x1  }
.Ltmp23:
0x1dd: {  	_ = 	snop;
	(pc) =	sbr.rel @!p1 .LBB2_39-.Ltmp23, $2  }
0x1de: {  	_ =	sdelay $0x2  }
0x1df: {  	[smem:$0x7E8] =	sst s6  }
.LBB2_54:
0x1e0: {  	_ =	swait.ge [sflag:s28], $0x200  }
0x1e1: {  	[sflag:s28] =	ssyncset.done $0x0  }
0x1e2: {  	[sflag:s28] =	ssyncadd.s32 $0xFFFFFE00  }
0x1e3: {  	s6 =	sshll.u32 s8, $0x7;
	_ =	swait.ge [sflag:s28], $0x200  }
0x1e4: {  	s22 =	simm.s32 $0x1C00;
	p1 =	por $0x1, $0x1;
	[sflag:s28] =	ssyncset.done $0x0  }
0x1e5: {  	s6 =	sadd.s32 s4, s6;
	s24 =	sld [smem:$0x7F1];
	[sflag:s28] =	ssyncadd.s32 $0xFFFFFE00  }
0x1e6: {  	[hbm4b:s6+s3] =	stream.linear.scatter [tilespmem:s22], [sflag:$0x2], $0x400, $0x38;
	[tilespmem:$0x4000] =	vst v63  }
0x1e7: {  	s6 =	simm.s32 @!p1 $0x0  }
0x1e8: {  	s6 =	simm.s32 @p1 $0x1;
	p1 =	seq.s32 s24, $0x1  }
.Ltmp24:
0x1e9: {  	_ = 	snop;
	(pc) =	sbr.rel @p1 .LBB2_55-.Ltmp24, $2  }
0x1ea: {  	_ =	sdelay $0x2  }
0x1eb: {  	[smem:$0x7E7] =	sst s6  }
.LBB2_40:
0x1ec: {  	s29 =	sld [smem:$0x7F2]  }
0x1ed: {  	p1 =	por $0x0, $0x0  }
0x1ee: {  	s6 =	simm.s32 @!p1 $0x0  }
0x1ef: {  	s6 =	simm.s32 @p1 $0x1;
	p1 =	seq.s32 s29, $0x1  }
.Ltmp25:
0x1f0: {  	_ = 	snop;
	(pc) =	sbr.rel @!p1 .LBB2_41-.Ltmp25, $2  }
0x1f1: {  	_ =	sdelay $0x2  }
0x1f2: {  	[smem:$0x7E6] =	sst s6  }
.LBB2_56:
0x1f3: {  	_ =	swait.ge [sflag:s28], $0x200  }
0x1f4: {  	[sflag:s28] =	ssyncset.done $0x0  }
0x1f5: {  	[sflag:s28] =	ssyncadd.s32 $0xFFFFFE00  }
0x1f6: {  	s6 =	sshll.u32 s30, $0x7;
	_ =	swait.ge [sflag:s28], $0x200  }
0x1f7: {  	s8 =	simm.s32 $0x2400;
	p1 =	por $0x1, $0x1;
	[sflag:s28] =	ssyncset.done $0x0  }
.Ltmp26:
0x1f8: {  	s6 =	sadd.s32 s4, s6;
	[sflag:s28] =	ssyncadd.s32 $0xFFFFFE00;
	(pc) =	sbr.rel @p0 .LBB2_57-.Ltmp26, $4  }
0x1f9: {  	[hbm4b:s6+s3] =	stream.linear.scatter [tilespmem:s8], [sflag:$0x2], $0x400, $0x38;
	[tilespmem:$0x4000] =	vst v63  }
0x1fa: {  	s6 =	simm.s32 @!p1 $0x0  }
0x1fb: {  	s6 =	simm.s32 @p1 $0x1  }
0x1fc: {  	[smem:$0x7E5] =	sst s6  }
.LBB2_42:
0x1fd: {  	s6 =	sld [smem:$0x7F3];
	_ =	sdelay $0x2  }
0x1fe: {  	p0 =	seq.s32 s6, $0x1  }
.Ltmp27:
0x1ff: {  	_ = 	snop;
	(pc) =	sbr.rel @!p0 .LBB2_43-.Ltmp27, $2  }
0x200: {  	_ =	sdelay $0x2  }
0x201: {  	p4 =	por $0x0, $0x0  }
.LBB2_58:
0x202: {  	_ =	swait.ge [sflag:s28], $0x200  }
0x203: {  	[sflag:s28] =	ssyncset.done $0x0  }
0x204: {  	[sflag:s28] =	ssyncadd.s32 $0xFFFFFE00  }
0x205: {  	_ =	swait.ge [sflag:s28], $0x200  }
0x206: {  	s30 =	sld [smem:$0x7F0];
	_ =	sdelay $0x2  }
0x207: {  	p0 =	seq.s32 s30, $0x1  }
.Ltmp28:
0x208: {  	_ = 	snop;
	(pc) =	sbr.rel @p0 .LBB2_59-.Ltmp28, $4  }
0x209: {  	_ = 	snop  }
0x20a: {  	s6 =	sshll.u32 s26, $0x7;
	s8 =	simm.s32 $0x2C00;
	[sflag:s28] =	ssyncset.done $0x0  }
0x20b: {  	p6 =	por $0x1, $0x1;
	s6 =	sadd.s32 s4, s6;
	[sflag:s28] =	ssyncadd.s32 $0xFFFFFE00  }
0x20c: {  	[hbm4b:s6+s3] =	stream.linear.scatter [tilespmem:s8], [sflag:$0x2], $0x400, $0x38;
	[tilespmem:$0x4000] =	vst v63  }
.LBB2_44:
0x20d: {  	s6 =	sld [smem:$0x7F5];
	_ =	sdelay $0x2  }
0x20e: {  	p0 =	seq.s32 s6, $0x1  }
.Ltmp29:
0x20f: {  	_ = 	snop;
	(pc) =	sbr.rel @!p0 .LBB2_45-.Ltmp29, $2  }
0x210: {  	_ =	sdelay $0x2  }
0x211: {  	p1 =	por $0x0, $0x0  }
.LBB2_60:
0x212: {  	_ =	swait.ge [sflag:s28], $0x200  }
0x213: {  	[sflag:s28] =	ssyncset.done $0x0  }
0x214: {  	[sflag:s28] =	ssyncadd.s32 $0xFFFFFE00  }
0x215: {  	_ =	swait.ge [sflag:s28], $0x200  }
0x216: {  	s31 =	sld [smem:$0x7F7];
	_ =	sdelay $0x2  }
0x217: {  	p0 =	seq.s32 s31, $0x1  }
.Ltmp30:
0x218: {  	_ = 	snop;
	(pc) =	sbr.rel @p0 .LBB2_61-.Ltmp30, $4  }
0x219: {  	_ = 	snop  }
0x21a: {  	s0 =	sshll.u32 s0, $0x7;
	s6 =	simm.s32 $0x3400;
	[sflag:s28] =	ssyncset.done $0x0  }
0x21b: {  	p3 =	por $0x1, $0x1;
	s0 =	sadd.s32 s4, s0;
	[sflag:s28] =	ssyncadd.s32 $0xFFFFFE00  }
0x21c: {  	[hbm4b:s0+s3] =	stream.linear.scatter [tilespmem:s6], [sflag:$0x2], $0x400, $0x38;
	[tilespmem:$0x4000] =	vst v63  }
.LBB2_46:
0x21d: {  	s0 =	sld [smem:$0x7F9];
	_ =	sdelay $0x2  }
0x21e: {  	p2 =	seq.s32 s0, $0x1  }
.Ltmp31:
0x21f: {  	_ = 	snop;
	(pc) =	sbr.rel @!p2 .LBB2_63-.Ltmp31, $4  }
.Ltmp32:
0x220: {  	_ = 	snop;
	(pc) =	sbr.rel @p2 .LBB2_62-.Ltmp32, $4  }
0x221: {  	_ = 	snop  }
0x222: {  	_ = 	snop  }
0x223: {  	p5 =	por $0x0, $0x0;
	p0 =	por $0x0, $0x0  }
0x224: {  	_ = 	snop  }
.LBB2_47:
0x225: {  	_ = 	snop  }
0x226: {  	p0 =	por $0x0, $0x0  }
0x227: {  	[smem:$0x7EE] =	sst s1;
	s1 =	simm.s32 @!p0 $0x0  }
0x228: {  	s1 =	simm.s32 @p0 $0x1  }
0x229: {  	[smem:$0x7F9] =	sst s1  }
0x22a: {  	s1 =	sld [smem:$0x7EE];
	_ =	sdelay $0x1  }
0x22b: {  	p0 =	por $0x0, $0x0  }
0x22c: {  	[smem:$0x7EE] =	sst s1;
	s1 =	simm.s32 @!p0 $0x0  }
0x22d: {  	s1 =	simm.s32 @p0 $0x1  }
0x22e: {  	[smem:$0x7F5] =	sst s1  }
0x22f: {  	s1 =	sld [smem:$0x7EE];
	_ =	sdelay $0x1  }
0x230: {  	p0 =	por $0x0, $0x0  }
0x231: {  	[smem:$0x7EE] =	sst s1;
	s1 =	simm.s32 @!p0 $0x0  }
0x232: {  	s1 =	simm.s32 @p0 $0x1  }
0x233: {  	[smem:$0x7F3] =	sst s1  }
0x234: {  	s1 =	sld [smem:$0x7EE];
	_ =	sdelay $0x1  }
0x235: {  	p0 =	por $0x0, $0x0  }
0x236: {  	[smem:$0x7EE] =	sst s1;
	s1 =	simm.s32 @!p0 $0x0  }
0x237: {  	s1 =	simm.s32 @p0 $0x1  }
0x238: {  	[smem:$0x7F2] =	sst s1  }
0x239: {  	s1 =	sld [smem:$0x7EE];
	_ =	sdelay $0x1  }
0x23a: {  	p0 =	por $0x0, $0x0  }
0x23b: {  	[smem:$0x7EE] =	sst s1;
	s1 =	simm.s32 @!p0 $0x0  }
0x23c: {  	s1 =	simm.s32 @p0 $0x1  }
0x23d: {  	[smem:$0x7F1] =	sst s1  }
0x23e: {  	s1 =	sld [smem:$0x7EE];
	_ =	sdelay $0x1  }
0x23f: {  	p6 =	por $0x0, $0x0  }
0x240: {  	[smem:$0x7EE] =	sst s1;
	s1 =	simm.s32 @!p6 $0x0  }
0x241: {  	s1 =	simm.s32 @p6 $0x1  }
0x242: {  	[smem:$0x7F0] =	sst s1  }
0x243: {  	s1 =	sld [smem:$0x7EE];
	_ =	sdelay $0x1  }
.Ltmp33:
0x244: {  	s30 =	sadd.s32 $0x9, s16;
	p6 =	por $0x0, $0x0;
	(pc) =	sbr.rel @p5 .LBB2_48-.Ltmp33, $4  }
0x245: {  	s25 =	sadd.s32 $0xA, s16;
	[smem:$0x7EE] =	sst s1;
	s1 =	simm.s32 @!p6 $0x0  }
0x246: {  	s26 =	sadd.s32 $0xB, s16;
	s31 =	sadd.s32 $0xC, s16;
	s1 =	simm.s32 @p6 $0x1  }
0x247: {  	s0 =	sadd.s32 $0xD, s16;
	s23 =	sadd.s32 $0xE, s16;
	[smem:$0x7F7] =	sst s1  }
0x248: {  	s2 =	sadd.s32 $0xF, s16;
	p0 =	por $0x0, $0x0;
	s1 =	sld [smem:$0x7EE]  }
.LBB2_33:
.Ltmp34:
0x249: {  	(pc) =	sbr.rel @!p2 .LBB2_34-.Ltmp34, $4  }
0x24a: {  	p5 =	por $0x0, $0x0  }
0x24b: {  	s6 =	simm.s32 @!p5 $0x0  }
0x24c: {  	s6 =	simm.s32 @p5 $0x1  }
0x24d: {  	[smem:$0x7ED] =	sst s6  }
.LBB2_49:
0x24e: {  	_ =	swait.ge [sflag:s28], $0x200  }
0x24f: {  	[sflag:s28] =	ssyncset.done $0x0  }
0x250: {  	[sflag:s28] =	ssyncadd.s32 $0xFFFFFE00  }
0x251: {  	_ =	swait.ge [sflag:s28], $0x200  }
0x252: {  	s6 =	sshll.u32 s22, $0x7;
	p2 =	por $0x1, $0x1;
	[sflag:s28] =	ssyncset.done $0x0  }
.Ltmp35:
0x253: {  	s6 =	sadd.s32 s4, s6;
	[sflag:s28] =	ssyncadd.s32 $0xFFFFFE00;
	(pc) =	sbr.rel @p4 .LBB2_50-.Ltmp35, $4  }
0x254: {  	[hbm4b:s6+s3] =	stream.linear.scatter [tilespmem:s11], [sflag:$0x2], $0x400, $0x38;
	[tilespmem:$0x4000] =	vst v63  }
0x255: {  	s6 =	simm.s32 @!p2 $0x0  }
0x256: {  	s6 =	simm.s32 @p2 $0x1  }
0x257: {  	[smem:$0x7EC] =	sst s6  }
.LBB2_35:
0x258: {  	s22 =	sld [smem:$0x7FD];
	_ =	sdelay $0x2  }
0x259: {  	p1 =	seq.s32 s22, $0x1  }
.Ltmp36:
0x25a: {  	_ = 	snop;
	(pc) =	sbr.rel @!p1 .LBB2_36-.Ltmp36, $4  }
0x25b: {  	p2 =	por $0x0, $0x0  }
0x25c: {  	s6 =	simm.s32 @!p2 $0x0  }
0x25d: {  	s6 =	simm.s32 @p2 $0x1  }
0x25e: {  	[smem:$0x7EB] =	sst s6  }
.LBB2_51:
0x25f: {  	_ =	swait.ge [sflag:s28], $0x200  }
0x260: {  	[sflag:s28] =	ssyncset.done $0x0  }
0x261: {  	[sflag:s28] =	ssyncadd.s32 $0xFFFFFE00  }
0x262: {  	_ =	swait.ge [sflag:s28], $0x200  }
0x263: {  	s6 =	sshll.u32 s14, $0x7;
	p1 =	por $0x1, $0x1;
	[sflag:s28] =	ssyncset.done $0x0  }
.Ltmp37:
0x264: {  	s6 =	sadd.s32 s4, s6;
	[sflag:s28] =	ssyncadd.s32 $0xFFFFFE00;
	(pc) =	sbr.rel @p3 .LBB2_52-.Ltmp37, $4  }
0x265: {  	[hbm4b:s6+s3] =	stream.linear.scatter [tilespmem:s15], [sflag:$0x2], $0x400, $0x38;
	[tilespmem:$0x4000] =	vst v63  }
0x266: {  	s6 =	simm.s32 @!p1 $0x0  }
0x267: {  	s6 =	simm.s32 @p1 $0x1  }
0x268: {  	[smem:$0x7EA] =	sst s6  }
.LBB2_37:
0x269: {  	s22 =	sld [smem:$0x7FC]  }
0x26a: {  	p1 =	por $0x0, $0x0  }
0x26b: {  	s6 =	simm.s32 @!p1 $0x0  }
0x26c: {  	s6 =	simm.s32 @p1 $0x1;
	p1 =	seq.s32 s22, $0x1  }
.Ltmp38:
0x26d: {  	_ = 	snop;
	(pc) =	sbr.rel @!p1 .LBB2_38-.Ltmp38, $2  }
0x26e: {  	_ =	sdelay $0x2  }
0x26f: {  	[smem:$0x7E9] =	sst s6  }
.LBB2_53:
0x270: {  	_ =	swait.ge [sflag:s28], $0x200  }
0x271: {  	[sflag:s28] =	ssyncset.done $0x0  }
0x272: {  	[sflag:s28] =	ssyncadd.s32 $0xFFFFFE00  }
0x273: {  	s6 =	sshll.u32 s24, $0x7;
	_ =	swait.ge [sflag:s28], $0x200  }
0x274: {  	s10 =	simm.s32 $0x1800;
	p1 =	por $0x1, $0x1;
	[sflag:s28] =	ssyncset.done $0x0  }
0x275: {  	s6 =	sadd.s32 s4, s6;
	s24 =	sld [smem:$0x7FB];
	[sflag:s28] =	ssyncadd.s32 $0xFFFFFE00  }
0x276: {  	[hbm4b:s6+s3] =	stream.linear.scatter [tilespmem:s10], [sflag:$0x2], $0x400, $0x38;
	[tilespmem:$0x4000] =	vst v63  }
0x277: {  	s6 =	simm.s32 @!p1 $0x0  }
0x278: {  	s6 =	simm.s32 @p1 $0x1;
	p1 =	seq.s32 s24, $0x1  }
.Ltmp39:
0x279: {  	_ = 	snop;
	(pc) =	sbr.rel @p1 .LBB2_54-.Ltmp39, $2  }
0x27a: {  	_ =	sdelay $0x2  }
0x27b: {  	[smem:$0x7E8] =	sst s6  }
.LBB2_39:
0x27c: {  	s24 =	sld [smem:$0x7F1]  }
0x27d: {  	p1 =	por $0x0, $0x0  }
0x27e: {  	s6 =	simm.s32 @!p1 $0x0  }
0x27f: {  	s6 =	simm.s32 @p1 $0x1;
	p1 =	seq.s32 s24, $0x1  }
.Ltmp40:
0x280: {  	_ = 	snop;
	(pc) =	sbr.rel @!p1 .LBB2_40-.Ltmp40, $2  }
0x281: {  	_ =	sdelay $0x2  }
0x282: {  	[smem:$0x7E7] =	sst s6  }
.LBB2_55:
0x283: {  	_ =	swait.ge [sflag:s28], $0x200  }
0x284: {  	[sflag:s28] =	ssyncset.done $0x0  }
0x285: {  	[sflag:s28] =	ssyncadd.s32 $0xFFFFFE00  }
0x286: {  	s6 =	sshll.u32 s29, $0x7;
	_ =	swait.ge [sflag:s28], $0x200  }
0x287: {  	s8 =	simm.s32 $0x2000;
	p1 =	por $0x1, $0x1;
	[sflag:s28] =	ssyncset.done $0x0  }
0x288: {  	s6 =	sadd.s32 s4, s6;
	s29 =	sld [smem:$0x7F2];
	[sflag:s28] =	ssyncadd.s32 $0xFFFFFE00  }
0x289: {  	[hbm4b:s6+s3] =	stream.linear.scatter [tilespmem:s8], [sflag:$0x2], $0x400, $0x38;
	[tilespmem:$0x4000] =	vst v63  }
0x28a: {  	s6 =	simm.s32 @!p1 $0x0  }
0x28b: {  	s6 =	simm.s32 @p1 $0x1;
	p1 =	seq.s32 s29, $0x1  }
.Ltmp41:
0x28c: {  	_ = 	snop;
	(pc) =	sbr.rel @p1 .LBB2_56-.Ltmp41, $2  }
0x28d: {  	_ =	sdelay $0x2  }
0x28e: {  	[smem:$0x7E6] =	sst s6  }
.LBB2_41:
.Ltmp42:
0x28f: {  	(pc) =	sbr.rel @!p0 .LBB2_42-.Ltmp42, $4  }
0x290: {  	p1 =	por $0x0, $0x0  }
0x291: {  	s6 =	simm.s32 @!p1 $0x0  }
0x292: {  	s6 =	simm.s32 @p1 $0x1  }
0x293: {  	[smem:$0x7E5] =	sst s6  }
.LBB2_57:
0x294: {  	_ =	swait.ge [sflag:s28], $0x200  }
0x295: {  	[sflag:s28] =	ssyncset.done $0x0  }
0x296: {  	[sflag:s28] =	ssyncadd.s32 $0xFFFFFE00  }
0x297: {  	_ =	swait.ge [sflag:s28], $0x200  }
0x298: {  	s30 =	sld [smem:$0x7F3];
	_ =	sdelay $0x2  }
0x299: {  	p0 =	seq.s32 s30, $0x1  }
.Ltmp43:
0x29a: {  	_ = 	snop;
	(pc) =	sbr.rel @p0 .LBB2_58-.Ltmp43, $4  }
0x29b: {  	_ = 	snop  }
0x29c: {  	s6 =	sshll.u32 s25, $0x7;
	s8 =	simm.s32 $0x2800;
	[sflag:s28] =	ssyncset.done $0x0  }
0x29d: {  	p4 =	por $0x1, $0x1;
	s6 =	sadd.s32 s4, s6;
	[sflag:s28] =	ssyncadd.s32 $0xFFFFFE00  }
0x29e: {  	[hbm4b:s6+s3] =	stream.linear.scatter [tilespmem:s8], [sflag:$0x2], $0x400, $0x38;
	[tilespmem:$0x4000] =	vst v63  }
.LBB2_43:
0x29f: {  	s6 =	sld [smem:$0x7F0];
	_ =	sdelay $0x2  }
0x2a0: {  	p0 =	seq.s32 s6, $0x1  }
.Ltmp44:
0x2a1: {  	_ = 	snop;
	(pc) =	sbr.rel @!p0 .LBB2_44-.Ltmp44, $2  }
0x2a2: {  	_ =	sdelay $0x2  }
0x2a3: {  	p6 =	por $0x0, $0x0  }
.LBB2_59:
0x2a4: {  	_ =	swait.ge [sflag:s28], $0x200  }
0x2a5: {  	[sflag:s28] =	ssyncset.done $0x0  }
0x2a6: {  	[sflag:s28] =	ssyncadd.s32 $0xFFFFFE00  }
0x2a7: {  	_ =	swait.ge [sflag:s28], $0x200  }
0x2a8: {  	s6 =	sshll.u32 s31, $0x7;
	s31 =	sld [smem:$0x7F5];
	_ =	sdelay $0x2  }
0x2a9: {  	p0 =	seq.s32 s31, $0x1  }
.Ltmp45:
0x2aa: {  	_ = 	snop;
	(pc) =	sbr.rel @p0 .LBB2_60-.Ltmp45, $4  }
0x2ab: {  	_ = 	snop  }
0x2ac: {  	s8 =	simm.s32 $0x3000;
	[sflag:s28] =	ssyncset.done $0x0  }
0x2ad: {  	p1 =	por $0x1, $0x1;
	s6 =	sadd.s32 s4, s6;
	[sflag:s28] =	ssyncadd.s32 $0xFFFFFE00  }
0x2ae: {  	[hbm4b:s6+s3] =	stream.linear.scatter [tilespmem:s8], [sflag:$0x2], $0x400, $0x38;
	[tilespmem:$0x4000] =	vst v63  }
.LBB2_45:
0x2af: {  	s0 =	sld [smem:$0x7F7];
	_ =	sdelay $0x2  }
0x2b0: {  	p0 =	seq.s32 s0, $0x1  }
.Ltmp46:
0x2b1: {  	_ = 	snop;
	(pc) =	sbr.rel @!p0 .LBB2_46-.Ltmp46, $2  }
0x2b2: {  	_ =	sdelay $0x2  }
0x2b3: {  	p3 =	por $0x0, $0x0  }
.LBB2_61:
0x2b4: {  	_ =	swait.ge [sflag:s28], $0x200  }
0x2b5: {  	[sflag:s28] =	ssyncset.done $0x0  }
0x2b6: {  	[sflag:s28] =	ssyncadd.s32 $0xFFFFFE00  }
0x2b7: {  	_ =	swait.ge [sflag:s28], $0x200  }
0x2b8: {  	s31 =	sld [smem:$0x7F9];
	_ =	sdelay $0x2  }
0x2b9: {  	p2 =	seq.s32 s31, $0x1  }
.Ltmp47:
0x2ba: {  	_ = 	snop;
	(pc) =	sbr.rel @!p2 .LBB2_63-.Ltmp47, $4  }
.Ltmp48:
0x2bb: {  	s0 =	sshll.u32 s23, $0x7;
	(pc) =	sbr.rel @p2 .LBB2_62-.Ltmp48, $4  }
0x2bc: {  	s6 =	simm.s32 $0x3800;
	p0 =	por $0x0, $0x0;
	[sflag:s28] =	ssyncset.done $0x0  }
0x2bd: {  	p5 =	por $0x1, $0x1;
	s0 =	sadd.s32 s4, s0;
	[sflag:s28] =	ssyncadd.s32 $0xFFFFFE00  }
0x2be: {  	[hbm4b:s0+s3] =	stream.linear.scatter [tilespmem:s6], [sflag:$0x2], $0x400, $0x38;
	[tilespmem:$0x4000] =	vst v63  }
0x2bf: {  	_ = 	snop  }
.LBB2_8:
.Ltmp49:
0x2c0: {  	(pc) =	sbr.rel .LBB2_9-.Ltmp49, $2  }
0x2c1: {  	_ =	sdelay $0x2  }
0x2c2: {  	p5 =	por $0x1, $0x1;
	s6 =	simm.s32 $0x1E83;
	s22 =	simm.s32 $0x1E84  }
.LBB2_11:
.Ltmp50:
0x2c3: {  	(pc) =	sbr.rel .LBB2_12-.Ltmp50, $3  }
0x2c4: {  	_ =	sdelay $0x1  }
0x2c5: {  	s22 =	simm.s32 $0x1E83;
	s6 =	simm.s32 $0x1E82  }
0x2c6: {  	p5 =	por $0x1, $0x1;
	s12 =	simm.s32 $0x1E84;
	p2 =	por $0x1, $0x1  }
.LBB2_14:
.Ltmp51:
0x2c7: {  	(pc) =	sbr.rel .LBB2_15-.Ltmp51, $4  }
0x2c8: {  	_ = 	snop  }
0x2c9: {  	s12 =	simm.s32 $0x1E83  }
0x2ca: {  	s6 =	simm.s32 $0x1E81;
	s22 =	simm.s32 $0x1E82;
	p2 =	por $0x1, $0x1  }
0x2cb: {  	s14 =	simm.s32 $0x1E84;
	p5 =	por $0x1, $0x1;
	p4 =	por $0x1, $0x1  }
.LBB2_17:
.Ltmp52:
0x2cc: {  	(pc) =	sbr.rel .LBB2_18-.Ltmp52, $4  }
0x2cd: {  	s14 =	simm.s32 $0x1E83;
	s22 =	simm.s32 $0x1E81;
	p0 =	por $0x1, $0x1  }
0x2ce: {  	s6 =	simm.s32 $0x1E80;
	s12 =	simm.s32 $0x1E82;
	s0 =	simm.s32 @!p0 $0x0  }
0x2cf: {  	p4 =	por $0x1, $0x1;
	s10 =	simm.s32 $0x1E84;
	s0 =	simm.s32 @p0 $0x1  }
0x2d0: {  	p5 =	por $0x1, $0x1;
	p2 =	por $0x1, $0x1;
	[smem:$0x7FD] =	sst s0  }
.LBB2_20:
.Ltmp53:
0x2d1: {  	s10 =	simm.s32 $0x1E83;
	s12 =	simm.s32 $0x1E81;
	(pc) =	sbr.rel .LBB2_21-.Ltmp53, $4  }
0x2d2: {  	s6 =	simm.s32 $0x1E7F;
	s22 =	simm.s32 $0x1E80;
	p0 =	por $0x1, $0x1  }
0x2d3: {  	s14 =	simm.s32 $0x1E82;
	s24 =	simm.s32 $0x1E84;
	s0 =	simm.s32 @!p0 $0x0  }
0x2d4: {  	p2 =	por $0x1, $0x1;
	p5 =	por $0x1, $0x1;
	s0 =	simm.s32 @p0 $0x1  }
0x2d5: {  	p4 =	por $0x1, $0x1;
	p3 =	por $0x1, $0x1;
	[smem:$0x7FD] =	sst s0  }
.LBB2_23:
0x2d6: {  	s24 =	simm.s32 $0x1E83;
	s14 =	simm.s32 $0x1E81  }
0x2d7: {  	s22 =	simm.s32 $0x1E7F;
	s6 =	simm.s32 $0x1E7E;
	p0 =	por $0x1, $0x1  }
.Ltmp54:
0x2d8: {  	s12 =	simm.s32 $0x1E80;
	s0 =	simm.s32 @!p0 $0x0;
	(pc) =	sbr.rel .LBB2_24-.Ltmp54, $4  }
0x2d9: {  	s10 =	simm.s32 $0x1E82;
	s0 =	simm.s32 @p0 $0x1;
	p0 =	por $0x1, $0x1  }
0x2da: {  	p3 =	por $0x1, $0x1;
	[smem:$0x7FD] =	sst s0;
	s0 =	simm.s32 @!p0 $0x0  }
0x2db: {  	s8 =	simm.s32 $0x1E84;
	p4 =	por $0x1, $0x1;
	s0 =	simm.s32 @p0 $0x1  }
0x2dc: {  	p5 =	por $0x1, $0x1;
	p2 =	por $0x1, $0x1;
	[smem:$0x7FC] =	sst s0  }
.LBB2_28:
0x2dd: {  	s8 =	simm.s32 $0x1E83  }
0x2de: {  	s10 =	simm.s32 $0x1E81;
	s12 =	simm.s32 $0x1E7F;
	p0 =	por $0x1, $0x1  }
0x2df: {  	s6 =	simm.s32 $0x1E7D;
	s22 =	simm.s32 $0x1E7E;
	s0 =	simm.s32 @!p0 $0x0  }
0x2e0: {  	s14 =	simm.s32 $0x1E80;
	s0 =	simm.s32 @p0 $0x1;
	p0 =	por $0x1, $0x1  }
.Ltmp55:
0x2e1: {  	[smem:$0x7FC] =	sst s0;
	s0 =	simm.s32 @!p0 $0x0;
	(pc) =	sbr.rel .LBB2_25-.Ltmp55, $4  }
0x2e2: {  	s24 =	simm.s32 $0x1E82;
	s0 =	simm.s32 @p0 $0x1;
	p0 =	por $0x1, $0x1  }
0x2e3: {  	s29 =	simm.s32 $0x1E84;
	[smem:$0x7FD] =	sst s0;
	s0 =	simm.s32 @!p0 $0x0  }
0x2e4: {  	p2 =	por $0x1, $0x1;
	p5 =	por $0x1, $0x1;
	s0 =	simm.s32 @p0 $0x1  }
0x2e5: {  	p4 =	por $0x1, $0x1;
	p3 =	por $0x1, $0x1;
	[smem:$0x7FB] =	sst s0  }
.LBB2_30:
0x2e6: {  	p6 =	por $0x0, $0x0  }
0x2e7: {  	p5 =	por @!p4 $0x0, $0x0;
	s30 =	simm.s32 @!p4 $0x1E83;
	s10 =	simm.s32 @!p4 $0x1E7F  }
0x2e8: {  	s6 =	simm.s32 @!p4 $0x1E7B;
	s14 =	simm.s32 @!p4 $0x1E7E;
	s29 =	simm.s32 @!p4 $0x1E82  }
0x2e9: {  	s31 =	simm.s32 @!p4 $0x1E86;
	s23 =	simm.s32 @!p4 $0x1E88;
	s25 =	simm.s32 @!p4 $0x1E84  }
0x2ea: {  	s24 =	simm.s32 @!p4 $0x1E80;
	s22 =	simm.s32 @!p4 $0x1E7C;
	s12 =	simm.s32 @!p4 $0x1E7D  }
0x2eb: {  	s8 =	simm.s32 @!p4 $0x1E81;
	s26 =	simm.s32 @!p4 $0x1E85;
	s2 =	simm.s32 @!p4 $0x1E89  }
0x2ec: {  	p6 =	por @!p4 p5, p5;
	p5 =	por $0x1, $0x1;
	s23 =	simm.s32 @p4 $0x1E89  }
0x2ed: {  	s31 =	simm.s32 @p4 $0x1E87;
	s25 =	simm.s32 @p4 $0x1E85;
	s29 =	simm.s32 @p4 $0x1E83  }
0x2ee: {  	s24 =	simm.s32 @p4 $0x1E81;
	s14 =	simm.s32 @p4 $0x1E7F;
	s22 =	simm.s32 @p4 $0x1E7D  }
0x2ef: {  	s6 =	simm.s32 @p4 $0x1E7C;
	s12 =	simm.s32 @p4 $0x1E7E;
	s10 =	simm.s32 @p4 $0x1E80  }
0x2f0: {  	s8 =	simm.s32 @p4 $0x1E82;
	s30 =	simm.s32 @p4 $0x1E84;
	s26 =	simm.s32 @p4 $0x1E86  }
0x2f1: {  	s2 =	simm.s32 @p4 $0x1E8A;
	s0 =	simm.s32 @!p6 $0x0;
	s23 =	simm.s32 @!p1 $0x1E87  }
0x2f2: {  	s31 =	simm.s32 @!p1 $0x1E85;
	s25 =	simm.s32 @!p1 $0x1E83;
	s29 =	simm.s32 @!p1 $0x1E81  }
0x2f3: {  	s24 =	simm.s32 @!p1 $0x1E7F;
	s14 =	simm.s32 @!p1 $0x1E7D;
	s22 =	simm.s32 @!p1 $0x1E7B  }
0x2f4: {  	s6 =	simm.s32 @!p1 $0x1E7A;
	s12 =	simm.s32 @!p1 $0x1E7C;
	s10 =	simm.s32 @!p1 $0x1E7E  }
0x2f5: {  	s8 =	simm.s32 @!p1 $0x1E80;
	s0 =	simm.s32 @p6 $0x1;
	p6 =	por @!p4 $0x1, $0x1  }
0x2f6: {  	s30 =	simm.s32 @!p1 $0x1E82;
	s26 =	simm.s32 @!p1 $0x1E84;
	p5 =	por @!p4 p6, p6  }
0x2f7: {  	s2 =	simm.s32 @!p1 $0x1E88;
	[smem:$0x7FA] =	sst s0;
	s0 =	simm.s32 @!p5 $0x0  }
0x2f8: {  	s23 =	simm.s32 @!p2 $0x1E86;
	s0 =	simm.s32 @p5 $0x1;
	p5 =	por $0x0, $0x0  }
0x2f9: {  	s31 =	simm.s32 @!p2 $0x1E84;
	s17 =	sld [smem:$0x7FA];
	p5 =	por @!p4 p6, p6  }
0x2fa: {  	s25 =	simm.s32 @!p2 $0x1E82;
	[smem:$0x7FB] =	sst s0;
	s0 =	simm.s32 @!p5 $0x0  }
0x2fb: {  	s29 =	simm.s32 @!p2 $0x1E80;
	s24 =	simm.s32 @!p2 $0x1E7E;
	s0 =	simm.s32 @p5 $0x1  }
0x2fc: {  	s14 =	simm.s32 @!p2 $0x1E7C;
	[smem:$0x7F2] =	sst s0;
	s0 =	simm.s32 @!p4 $0x1E87  }
0x2fd: {  	s22 =	simm.s32 @!p2 $0x1E7A;
	s0 =	simm.s32 @p4 $0x1E88;
	p4 =	seq.s32 s17, $0x1  }
0x2fe: {  	s6 =	simm.s32 @!p2 $0x1E79;
	p5 =	por @!p1 $0x0, $0x0;
	p6 =	por p4, p4  }
0x2ff: {  	s12 =	simm.s32 @!p2 $0x1E7B;
	s10 =	simm.s32 @!p2 $0x1E7D;
	p6 =	por @!p1 p5, p5  }
0x300: {  	s21 =	sld [smem:$0x7FB];
	p5 =	por @!p1 $0x1, $0x1;
	s17 =	simm.s32 @!p6 $0x0  }
0x301: {  	s8 =	simm.s32 @!p2 $0x1E7F;
	p4 =	por @!p1 p5, p5;
	s17 =	simm.s32 @p6 $0x1  }
0x302: {  	s30 =	simm.s32 @!p2 $0x1E81;
	[smem:$0x7F3] =	sst s17;
	s17 =	simm.s32 @!p4 $0x0  }
0x303: {  	s19 =	sld [smem:$0x7F2];
	s17 =	simm.s32 @p4 $0x1;
	p4 =	seq.s32 s21, $0x1  }
0x304: {  	s26 =	simm.s32 @!p2 $0x1E83;
	s21 =	sld [smem:$0x7F3];
	p4 =	por @!p1 p5, p5  }
0x305: {  	s2 =	simm.s32 @!p2 $0x1E87;
	[smem:$0x7FA] =	sst s17;
	s17 =	simm.s32 @!p4 $0x0  }
0x306: {  	s17 =	simm.s32 @p4 $0x1;
	p4 =	seq.s32 s19, $0x1;
	s19 =	sld [smem:$0x7FA]  }
0x307: {  	s0 =	simm.s32 @!p1 $0x1E86;
	p6 =	por @!p2 $0x1, $0x1;
	[smem:$0x7FB] =	sst s17  }
0x308: {  	p4 =	por @!p1 p5, p5;
	p5 =	seq.s32 s21, $0x1;
	p1 =	por @!p2 $0x0, $0x0  }
0x309: {  	p5 =	por @!p2 p1, p1;
	s21 =	sld [smem:$0x7FB];
	p1 =	seq.s32 s19, $0x1  }
0x30a: {  	s23 =	simm.s32 @!p3 $0x1E85;
	s31 =	simm.s32 @!p3 $0x1E83;
	p1 =	por @!p2 p6, p6  }
0x30b: {  	s25 =	simm.s32 @!p3 $0x1E81;
	s29 =	simm.s32 @!p3 $0x1E7F;
	s17 =	simm.s32 @!p1 $0x0  }
0x30c: {  	p6 =	por @!p2 $0x1, $0x1;
	s17 =	simm.s32 @p1 $0x1;
	p1 =	seq.s32 s21, $0x1  }
0x30d: {  	s24 =	simm.s32 @!p3 $0x1E7D;
	s14 =	simm.s32 @!p3 $0x1E7B;
	p1 =	por @!p2 p6, p6  }
0x30e: {  	s22 =	simm.s32 @!p3 $0x1E79;
	[smem:$0x7FA] =	sst s17;
	s17 =	simm.s32 @!p1 $0x0  }
0x30f: {  	s19 =	sld [smem:$0x7F3];
	s17 =	simm.s32 @p1 $0x1;
	p1 =	por @!p2 $0x1, $0x1  }
0x310: {  	s6 =	simm.s32 @!p3 $0x1E78;
	s12 =	simm.s32 @!p3 $0x1E7A;
	p4 =	por @!p2 p1, p1  }
0x311: {  	p6 =	por p5, p5;
	[smem:$0x7FB] =	sst s17;
	s17 =	simm.s32 @!p4 $0x0  }
0x312: {  	s17 =	simm.s32 @p4 $0x1;
	p4 =	seq.s32 s19, $0x1;
	s19 =	sld [smem:$0x7FB]  }
0x313: {  	s21 =	sld [smem:$0x7FA];
	p4 =	por @!p2 p1, p1;
	p1 =	por @!p3 $0x0, $0x0  }
0x314: {  	s0 =	simm.s32 @!p2 $0x1E85;
	[smem:$0x7F2] =	sst s17;
	p6 =	por @!p3 p1, p1  }
0x315: {  	p1 =	por @!p3 $0x1, $0x1;
	s17 =	simm.s32 @!p6 $0x0;
	p2 =	seq.s32 s19, $0x1  }
0x316: {  	s17 =	simm.s32 @p6 $0x1;
	p6 =	seq.s32 s21, $0x1;
	s21 =	sld [smem:$0x7F2]  }
0x317: {  	s10 =	simm.s32 @!p3 $0x1E7C;
	s8 =	simm.s32 @!p3 $0x1E7E;
	p2 =	por @!p3 p1, p1  }
0x318: {  	s30 =	simm.s32 @!p3 $0x1E80;
	[smem:$0x7F9] =	sst s17;
	s17 =	simm.s32 @!p2 $0x0  }
0x319: {  	s26 =	simm.s32 @!p3 $0x1E82;
	s17 =	simm.s32 @p2 $0x1;
	p2 =	seq.s32 s21, $0x1  }
0x31a: {  	s2 =	simm.s32 @!p3 $0x1E86;
	s0 =	simm.s32 @!p3 $0x1E84;
	p2 =	por @!p3 p1, p1  }
0x31b: {  	p5 =	por @!p3 p1, p1;
	[smem:$0x7FB] =	sst s17;
	s17 =	simm.s32 @!p2 $0x0  }
0x31c: {  	p4 =	por @!p3 p1, p1;
	p6 =	por @!p3 p1, p1;
	s17 =	simm.s32 @p2 $0x1  }
0x31d: {  	p3 =	por @!p0 $0x1, $0x1;
	[smem:$0x7F2] =	sst s17;
	s17 =	simm.s32 @!p4 $0x0  }
0x31e: {  	s19 =	sld [smem:$0x7FB];
	p5 =	por @!p0 p3, p3;
	s17 =	simm.s32 @p4 $0x1  }
0x31f: {  	[smem:$0x7F3] =	sst s17;
	s17 =	simm.s32 @!p5 $0x0  }
0x320: {  	p6 =	por @!p0 p3, p3;
	s17 =	simm.s32 @p5 $0x1  }
0x321: {  	[smem:$0x7F0] =	sst s17;
	s17 =	simm.s32 @!p6 $0x0  }
0x322: {  	s17 =	simm.s32 @p6 $0x1;
	p6 =	seq.s32 s19, $0x1  }
0x323: {  	p2 =	por p6, p6  }
0x324: {  	[smem:$0x7FA] =	sst s17;
	p2 =	por @!p0 p3, p3  }
0x325: {  	p1 =	por p6, p6;
	p5 =	por p6, p6;
	s17 =	simm.s32 @!p2 $0x0  }
0x326: {  	p4 =	por p6, p6;
	p1 =	por @!p0 p3, p3;
	s17 =	simm.s32 @p2 $0x1  }
0x327: {  	p5 =	por @!p0 p3, p3;
	[smem:$0x7F1] =	sst s17;
	s17 =	simm.s32 @!p1 $0x0  }
0x328: {  	p2 =	por p6, p6;
	s17 =	simm.s32 @p1 $0x1;
	p1 =	por p6, p6  }
0x329: {  	p4 =	por @!p0 p3, p3;
	p2 =	por @!p0 p3, p3;
	p1 =	por @!p0 p3, p3  }
0x32a: {  	[smem:$0x7FC] =	sst s17;
	p3 =	por p6, p6;
	s17 =	simm.s32 @!p1 $0x0  }
0x32b: {  	s17 =	simm.s32 @p1 $0x1;
	p1 =	por p6, p6;
	p6 =	por @!p0 $0x1, $0x1  }
0x32c: {  	p3 =	por @!p0 p6, p6  }
0x32d: {  	[smem:$0x7FD] =	sst s17;
	p6 =	por @!p0 $0x1, $0x1;
	s17 =	simm.s32 @!p3 $0x0  }
0x32e: {  	p1 =	por @!p0 p6, p6;
	s17 =	simm.s32 @p3 $0x1  }
0x32f: {  	[smem:$0x7F4] =	sst s17;
	s17 =	simm.s32 @!p1 $0x0  }
0x330: {  	s17 =	simm.s32 @p1 $0x1  }
0x331: {  	[smem:$0x7FB] =	sst s17;
	s17 =	simm.s32 @!p0 $0x0  }
0x332: {  	s21 =	sld [smem:$0x7F2];
	s17 =	simm.s32 @p0 $0x1  }
0x333: {  	[smem:$0x7F6] =	sst s17  }
0x334: {  	s17 =	sld [smem:$0x7F6]  }
0x335: {  	s19 =	sld [smem:$0x7F6];
	_ =	sdelay $0x1  }
0x336: {  	p6 =	seq.s32 s21, $0x1;
	p0 =	seq.s32 s17, $0x1  }
0x337: {  	s21 =	sld [smem:$0x7F3];
	p3 =	seq.s32 s19, $0x1;
	p0 =	por @!p0 $0x1, $0x1  }
0x338: {  	p6 =	por @!p3 p0, p0  }
0x339: {  	s19 =	sld [smem:$0x7F6];
	s17 =	simm.s32 @!p6 $0x0  }
0x33a: {  	s17 =	simm.s32 @p6 $0x1;
	p6 =	seq.s32 s21, $0x1;
	s21 =	sld [smem:$0x7F6]  }
0x33b: {  	_ = 	snop  }
0x33c: {  	p0 =	seq.s32 s19, $0x1;
	s19 =	sld [smem:$0x7F6]  }
0x33d: {  	p0 =	por @!p0 $0x1, $0x1;
	p3 =	seq.s32 s21, $0x1  }
0x33e: {  	[smem:$0x7F2] =	sst s17;
	p6 =	por @!p3 p0, p0  }
0x33f: {  	p0 =	seq.s32 s19, $0x1;
	s19 =	sld [smem:$0x7F9];
	s17 =	simm.s32 @!p6 $0x0  }
0x340: {  	s21 =	sld [smem:$0x7F9];
	s17 =	simm.s32 @p6 $0x1  }
0x341: {  	p0 =	por @!p0 $0x0, $0x0;
	[smem:$0x7F3] =	sst s17  }
0x342: {  	s17 =	simm.s32 @!p0 $0x0;
	p6 =	seq.s32 s19, $0x1;
	s19 =	sld [smem:$0x7F6]  }
0x343: {  	s17 =	simm.s32 @p0 $0x1;
	p0 =	seq.s32 s21, $0x1;
	s21 =	sld [smem:$0x7F6]  }
0x344: {  	[smem:$0x7F8] =	sst s17  }
0x345: {  	s17 =	simm.s32 @!p0 $0x0;
	p3 =	seq.s32 s19, $0x1;
	s19 =	sld [smem:$0x7F6]  }
0x346: {  	s17 =	simm.s32 @p0 $0x1;
	p0 =	seq.s32 s21, $0x1;
	s21 =	sld [smem:$0x7F4]  }
0x347: {  	p0 =	por @!p0 $0x1, $0x1  }
0x348: {  	[smem:$0x7F7] =	sst s17;
	p6 =	por @!p3 p0, p0  }
0x349: {  	p1 =	seq.s32 s19, $0x1;
	s19 =	sld [smem:$0x7F7];
	p3 =	seq.s32 s21, $0x1  }
0x34a: {  	s17 =	simm.s32 @!p6 $0x0;
	s21 =	sld [smem:$0x7F8];
	s23 =	simm.s32 @!p1 $0x1E84  }
0x34b: {  	s31 =	simm.s32 @!p1 $0x1E82;
	s25 =	simm.s32 @!p1 $0x1E80;
	s29 =	simm.s32 @!p1 $0x1E7E  }
0x34c: {  	s24 =	simm.s32 @!p1 $0x1E7C;
	s14 =	simm.s32 @!p1 $0x1E7A;
	s22 =	simm.s32 @!p1 $0x1E78  }
0x34d: {  	s6 =	simm.s32 @!p1 $0x1E77;
	p0 =	seq.s32 s19, $0x1;
	s19 =	sld [smem:$0x7F8]  }
0x34e: {  	s17 =	simm.s32 @p6 $0x1;
	p6 =	seq.s32 s21, $0x1;
	s21 =	sld [smem:$0x7F9]  }
0x34f: {  	s12 =	simm.s32 @!p1 $0x1E79;
	s10 =	simm.s32 @!p1 $0x1E7B;
	p0 =	por @!p1 p6, p6  }
0x350: {  	s8 =	simm.s32 @!p1 $0x1E7D;
	[smem:$0x7F5] =	sst s17;
	s17 =	simm.s32 @!p0 $0x0  }
0x351: {  	s17 =	simm.s32 @p0 $0x1;
	p6 =	seq.s32 s21, $0x1;
	p0 =	seq.s32 s19, $0x1  }
.Ltmp56:
0x352: {  	s21 =	sld [smem:$0x7FA];
	p6 =	por @!p1 p0, p0;
	(pc) =	sbr.rel .LBB2_32-.Ltmp56, $4  }
0x353: {  	s30 =	simm.s32 @!p1 $0x1E7F;
	[smem:$0x7F7] =	sst s17;
	s17 =	simm.s32 @!p6 $0x0  }
0x354: {  	s26 =	simm.s32 @!p1 $0x1E81;
	s19 =	rddreg [dreg:$0x4];
	s17 =	simm.s32 @p6 $0x1  }
0x355: {  	s0 =	simm.s32 @!p1 $0x1E83;
	s2 =	simm.s32 @!p1 $0x1E85;
	[smem:$0x7F9] =	sst s17  }
0x356: {  	p0 =	seq.s32 s21, $0x1;
	s21 =	simm.s32 $0x200;
	s17 =	rddreg [dreg:$0x3]  }
.LBB2_65:
0x357: {  	_ =	sfence.sel $0x180000  }
0x358: {  	[bflag:$0x0] =	sbarrier.arrive $0xFFFF  }
0x359: {  	_ =	strace $0x90000047  }
0x35a: {  	s0 =	stileid.u32;
	[bflag:$0x2] =	sbarrier.arrive $0xFFFF  }
0x35b: {  	p0 =	sne.s32 s0, $0x0;
	s0 =	rddreg [dreg:$0x2]  }
0x35c: {  	s0 =	sadd.s32 @!p0 $0x100000, s0  }
0x35d: {  	[sflag:s0] =	ssyncadd.tile.s32 @!p0 $0x1;
	_ =	shalt  }
.Lfunc_end2:
_tile_overlayer_lowered:
.L_overlay_start_2:
0x35e: {  	(tag) =	ssettag $0x2  }
0x35f: {  	s0 =	rddreg [dreg:$0x0];
	s2 =	stileid.u32  }
0x360: {  	s1 =	rddreg [dreg:$0x1];
	p0 =	sne.s32 s2, $0x0  }
0x361: {  	s3 =	rddreg [dreg:$0x2];
	[bflag:$0x3] =	sbarrier.arrive $0xFFFF;
	s2 =	simm.s32 @!p0 $0x1C03  }
0x362: {  	[timem:s3], [sflag:s2] =	dma.local @!p0 [hbm:s0], s1  }
0x363: {  	s0 =	simm.s32 @!p0 $0x3  }
0x364: {  	_ =	swait.ge @!p0 [sflag:s0], s1  }
0x365: {  	s1 =	ssub.s32 @!p0 $0x0, s1;
	[sflag:s0] =	ssyncset.done @!p0 $0x0  }
0x366: {  	[sflag:s0] =	ssyncadd.s32 @!p0 s1  }
0x367: {  	[bflag:$0x3] =	sbarrier.arrive $0xFFFF  }
0x368: {  	_ =	shalt  }

// kernel: kernel.7.cloned.1.call-start
scs
__scs_entry_jumppad:
0x0: {  	(pc) =	sbr.rel $0x88, $3  }
0x1: {  	(tag) =	ssettag $0x0;
	lr =	simm.s32 $0x1  }
0x2: {  	[smem:$0x3FA0] =	sst lr;
	_ =	strace $0xD0000000  }
0x3: {  	_ = 	snop  }
0x4: {  	_ = 	snop  }
0x5: {  	_ = 	snop  }
0x6: {  	_ = 	snop  }
0x7: {  	_ = 	snop  }
__scs_overlays_trampoline_lowered:
0x8: {  	[smem:$0x3FAF] =	sst s0  }
0x9: {  	[smem:$0x3FB0] =	sst s1  }
0xa: {  	[smem:$0x3FB1] =	sst s2  }
0xb: {  	[smem:$0x3FB2] =	sst s3  }
0xc: {  	[smem:$0x3FB3] =	sst s4  }
0xd: {  	[smem:$0x3FB4] =	sst s5  }
0xe: {  	[smem:$0x3FB5] =	sst s6  }
0xf: {  	[smem:$0x3FB6] =	sst s7  }
0x10: {  	[smem:$0x3FB7] =	sst s8  }
0x11: {  	[smem:$0x3FB8] =	sst s9;
	s0 =	simm.s32 @!p0 $0x0  }
0x12: {  	s1 =	sld [smem:$0x3F9E];
	s0 =	simm.s32 @p0 $0x1  }
0x13: {  	[smem:$0x3FB9] =	sst s0;
	s0 =	simm.s32 @!p1 $0x0  }
0x14: {  	s2 =	sld [smem:$0x3F9D];
	s0 =	simm.s32 @p1 $0x1  }
0x15: {  	[smem:$0x3FBA] =	sst s0;
	s0 =	simm.s32 @!p2 $0x0  }
0x16: {  	s3 =	sld [smem:$0x3FDB];
	s0 =	simm.s32 @p2 $0x1  }
0x17: {  	s4 =	simm.s32 $0x1BF5;
	[smem:$0x3FBC] =	sst s0  }
0x18: {  	s0 =	sld [smem:$0x3F9F];
	_ =	swait.ge [sflag:s4], $0x0  }
0x19: {  	s7 =	sld [smem:$0x3FA0]  }
0x1a: {  	s8 =	sadd.s32 $0xFFFFE003, lr  }
0x1b: {  	s9 =	sadd.s32 $0xFFFFFEF7, lr;
	s5 =	simm.s32 $0xFFFFFFFF;
	p2 =	slt.u32 s8, $0xFFFFF086  }
0x1c: {  	p1 =	slt.u32 s9, $0xF7A;
	s5 =	simm.s32 @!p2 $0x0  }
0x1d: {  	s5 =	simm.s32 @p1 $0x1;
	p0 =	seq.s32 s7, s2  }
0x1e: {  	s7 =	smul.u32 @!p0 $0xF7A, s2;
	p2 =	seq.s32 @!p0 s5, $0x0  }
0x1f: {  	s9 =	smul.u32 $0xF7A, s1;
	s8 =	simm.s32 @!p0 $0x1BF5;
	p2 =	por !p2, p0  }
0x20: {  	[sflag:s8] =	ssyncset.s32 @!p0 $0xFFFFF086;
	s6 =	sadd.s32 @!p0 s3, s7;
	s7 =	simm.s32 @!p0 $0x108  }
0x21: {  	s3 =	sadd.s32 s3, s9;
	s6 =	sadd.s32 @!p0 $0x88, s6;
	s7 =	simm.s32 @p2 $0x1082  }
0x22: {  	[simem:s7], [sflag:s8] =	dma.local @!p0 [hbm:s6], $0xF7A  }
0x23: {  	s9 =	sor.u32 $0xD0000000, s2;
	s6 =	simm.s32 $0x108;
	_ =	swait.ge @!p0 [sflag:s8], $0x0  }
0x24: {  	s3 =	sadd.s32 $0x88, s3;
	s6 =	simm.s32 @!p1 $0x1082;
	[sflag:s4] =	ssyncset.s32 $0xFFFFF086  }
0x25: {  	[simem:s6], [sflag:s4] =	dma.local [hbm:s3], $0xF7A  }
0x26: {  	[smem:$0x3FA0] =	sst s1;
	(tag) =	ssettag s2;
	_ =	strace s9  }
0x27: {  	s1 =	sld [smem:$0x3FB0]  }
0x28: {  	s2 =	sld [smem:$0x3FB1]  }
0x29: {  	s4 =	sld [smem:$0x3FB3]  }
0x2a: {  	p0 =	seq.s32 s5, $0x0;
	s5 =	sld [smem:$0x3FB4]  }
0x2b: {  	s6 =	sld [smem:$0x3FB5]  }
0x2c: {  	s7 =	sld [smem:$0x3FB6]  }
0x2d: {  	s3 =	simm.s32 $0x108;
	s8 =	sld [smem:$0x3FB7]  }
0x2e: {  	s3 =	simm.s32 @!p0 $0x1082;
	s9 =	sld [smem:$0x3FB8]  }
0x2f: {  	lr =	sadd.s32 s0, s3;
	s0 =	sld [smem:$0x3FAF]  }
0x30: {  	s3 =	sld [smem:$0x3FB2]  }
0x31: {  	[smem:$0x3FBB] =	sst s10  }
0x32: {  	s10 =	sld [smem:$0x3FB9];
	_ =	sdelay $0x3  }
0x33: {  	p0 =	seq.s32 s10, $0x1;
	s10 =	sld [smem:$0x3FBB];
	_ =	sdelay $0x3  }
0x34: {  	[smem:$0x3FBB] =	sst s10  }
0x35: {  	s10 =	sld [smem:$0x3FBA];
	_ =	sdelay $0x3  }
0x36: {  	p1 =	seq.s32 s10, $0x1;
	s10 =	sld [smem:$0x3FBB];
	_ =	sdelay $0x3  }
0x37: {  	[smem:$0x3FBB] =	sst s10  }
0x38: {  	s10 =	sld [smem:$0x3FBC]  }
0x39: {  	_ = 	snop;
	(pc) =	sbr.ind lr, $3  }
0x3a: {  	_ = 	snop  }
0x3b: {  	_ = 	snop  }
0x3c: {  	p2 =	seq.s32 s10, $0x1;
	s10 =	sld [smem:$0x3FBB]  }
0x3d: {  	_ =	shalt  }
0x3e: {  	_ =	shalt  }
0x3f: {  	_ =	shalt  }
0x40: {  	_ =	shalt  }
0x41: {  	_ =	shalt  }
0x42: {  	_ =	shalt  }
0x43: {  	_ =	shalt  }
0x44: {  	_ =	shalt  }
0x45: {  	_ =	shalt  }
0x46: {  	_ =	shalt  }
0x47: {  	_ =	shalt  }
0x48: {  	_ =	shalt  }
0x49: {  	_ =	shalt  }
0x4a: {  	_ =	shalt  }
0x4b: {  	_ =	shalt  }
0x4c: {  	_ =	shalt  }
0x4d: {  	_ =	shalt  }
0x4e: {  	_ =	shalt  }
0x4f: {  	_ =	shalt  }
0x50: {  	_ =	shalt  }
0x51: {  	_ =	shalt  }
0x52: {  	_ =	shalt  }
0x53: {  	_ =	shalt  }
0x54: {  	_ =	shalt  }
0x55: {  	_ =	shalt  }
0x56: {  	_ =	shalt  }
0x57: {  	_ =	shalt  }
0x58: {  	_ =	shalt  }
0x59: {  	_ =	shalt  }
0x5a: {  	_ =	shalt  }
0x5b: {  	_ =	shalt  }
0x5c: {  	_ =	shalt  }
0x5d: {  	_ =	shalt  }
0x5e: {  	_ =	shalt  }
0x5f: {  	_ =	shalt  }
0x60: {  	_ =	shalt  }
0x61: {  	_ =	shalt  }
0x62: {  	_ =	shalt  }
0x63: {  	_ =	shalt  }
0x64: {  	_ =	shalt  }
0x65: {  	_ =	shalt  }
0x66: {  	_ =	shalt  }
0x67: {  	_ =	shalt  }
0x68: {  	_ =	shalt  }
0x69: {  	_ =	shalt  }
0x6a: {  	_ =	shalt  }
0x6b: {  	_ =	shalt  }
0x6c: {  	_ =	shalt  }
0x6d: {  	_ =	shalt  }
0x6e: {  	_ =	shalt  }
0x6f: {  	_ =	shalt  }
0x70: {  	_ =	shalt  }
0x71: {  	_ =	shalt  }
0x72: {  	_ =	shalt  }
0x73: {  	_ =	shalt  }
0x74: {  	_ =	shalt  }
0x75: {  	_ =	shalt  }
0x76: {  	_ =	shalt  }
0x77: {  	_ =	shalt  }
0x78: {  	_ =	shalt  }
0x79: {  	_ =	shalt  }
0x7a: {  	_ =	shalt  }
0x7b: {  	_ =	shalt  }
0x7c: {  	_ =	shalt  }
0x7d: {  	_ =	shalt  }
0x7e: {  	_ =	shalt  }
0x7f: {  	_ =	shalt  }
0x80: {  	_ =	shalt  }
0x81: {  	_ =	shalt  }
0x82: {  	_ =	shalt  }
0x83: {  	_ =	shalt  }
0x84: {  	_ =	shalt  }
0x85: {  	_ =	shalt  }
0x86: {  	_ =	shalt  }
0x87: {  	_ =	shalt  }
.Lfunc_end0:
.L_simem_size_0:
called_computation.1_lowered:
.L_overlay_start_0:
0x88: {  	s2 =	sld [smem:$0x3FD9]  }
0x89: {  	s3 =	sld [smem:$0x3FFE];
	_ =	sdelay $0x1  }
0x8a: {  	s1 =	srdreg.scid  }
0x8b: {  	s0 =	sand.u32 $0x1, s1  }
0x8c: {  	s17 =	sshll.u32 s0, $0xA;
	s2 =	sadd.s32 s3, s2  }
0x8d: {  	s2 =	sadd.s32 s2, s17  }
0x8e: {  	[smem:$0x3FC7] =	sst s2  }
0x8f: {  	_ = 	snop  }
0x90: {  	s2 =	sld [smem:$0x3FD0];
	(tm) =	ssettm $0x1  }
0x91: {  	s18 =	sld [smem:$0x3FFB];
	_ =	sdelay $0x3  }
0x92: {  	_ =	strace s18  }
0x93: {  	s3 =	sld [smem:$0x3FFC];
	_ =	sdelay $0x3  }
0x94: {  	_ =	strace s3  }
0x95: {  	s3 =	sld [smem:$0x3FFD];
	_ =	sdelay $0x3  }
0x96: {  	_ =	strace s3  }
0x97: {  	_ =	strace $0x8FFFFFFF  }
0x98: {  	s19 =	sld [smem:$0x3FDB];
	_ =	sdelay $0x1  }
0x99: {  	s4 =	simm.s32 $_scs_section_size  }
0x9a: {  	s5 =	simm.s32 $_size__tile_overlayer_lowered;
	s6 =	simm.s32 $_tile_overlayer_lowered  }
0x9b: {  	s22 =	simm.s32 $0x1BFF;
	s21 =	sshll.u32 s6, $0x1;
	s3 =	sadd.s32 s4, s19  }
0x9c: {  	s7 =	simm.s32 $0x0;
	s20 =	sshll.u32 s5, $0x1;
	s5 =	sadd.s32 s21, s3  }
0x9d: {  	[timem:s7], [sflag:s22] =	dma.local [hbm:s5], s20  }
0x9e: {  	_ =	swait.ge [sflag:s22], s20  }
0x9f: {  	s4 =	ssub.s32 $0x0, s20;
	[sflag:s22] =	ssyncset.done $0x0  }
0xa0: {  	[sflag:s22] =	ssyncadd.s32 s4;
	_ =	sdelay $0x1  }
0xa1: {  	s23 =	simm.s32 $0x1B8B  }
0xa2: {  	_ =	swait.ge [sflag:s23], $0x1  }
0xa3: {  	[sflag:s23] =	ssyncset.done $0x0  }
0xa4: {  	s25 =	simm.s32 $0x1B8E;
	s24 =	sld [smem:$0x3FFE];
	[sflag:s23] =	ssyncadd.s32 $0xFFFFFFFF  }
0xa5: {  	s26 =	simm.s32 $execute0_lowered;
	[smem:$0x3FD2] =	sst s25  }
0xa6: {  	s5 =	sshll.u32 s26, $0x1;
	_ =	strace $0x80000049;
	[dreg:$0x1] =	wrdreg $0xFFFFFFFF  }
0xa7: {  	s28 =	simm.s32 $_size_execute0_lowered;
	s3 =	sadd.s32 s3, s5;
	[dreg:$0x0] =	wrdreg $0x0  }
0xa8: {  	s5 =	sshll.u32 s28, $0x1;
	[dreg:$0x2] =	wrdreg s3  }
0xa9: {  	[dreg:$0x3] =	wrdreg s5  }
0xaa: {  	[dreg:$0x4] =	wrdreg $0xC0  }
0xab: {  	_ =	task [dreg:s7], $0x5FFFF  }
0xac: {  	[dreg:$0x1] =	wrdreg $0xFFFFFFFF  }
0xad: {  	[dreg:$0x0] =	wrdreg $0x60  }
0xae: {  	[dreg:$0x2] =	wrdreg s24  }
0xaf: {  	[dreg:$0x3] =	wrdreg s2  }
0xb0: {  	[dreg:$0x4] =	wrdreg $0x9  }
0xb1: {  	_ =	task.clear_ibuf [dreg:s7], $0x5FFFF;
	_ =	strace $0x90000049  }
0xb2: {  	s29 =	simm.s32 $0x9;
	_ =	strace $0x8000004B  }
0xb3: {  	_ =	swait.ge [sflag:s29], $0x1  }
0xb4: {  	[sflag:s29] =	ssyncadd.s32 $0xFFFFFFFF  }
0xb5: {  	_ =	strace $0x9000004B  }
0xb6: {  	_ =	sfence  }
0xb7: {  	s30 =	sld [smem:$0x0];
	_ =	sdelay $0x2  }
0xb8: {  	s31 =	sshll.u32 s1, $0xD;
	s1 =	sshrl.u32 s1, $0x2  }
0xb9: {  	s3 =	sand.u32 $0x4000, s31;
	s1 =	sadd.s32 s1, s30  }
0xba: {  	s0 =	sor.u32 s3, s0;
	s1 =	sshll.u32 s1, $0x11  }
0xbb: {  	s0 =	sor.u32 s1, s0  }
0xbc: {  	s0 =	sadd.s32 $0x8F2B, s0  }
0xbd: {  	[sflag:s0] =	ssyncadd.remote.s32 $0x1  }
0xbe: {  	_ =	sfence.sel $0xFFFF  }
0xbf: {  	[dreg:$0x0] =	wrdreg $0xFFFFFFFF;
	(pc) =	sbr.abs _section_cstart, $3  }
0xc0: {  	[dreg:$0x1] =	wrdreg $0xFFFFFFFF  }
0xc1: {  	_ =	task.clear_ibuf [dreg:s7], $0x2FFFF;
	_ =	strace $0x9FFFFFFF  }
0xc2: {  	(tm) =	ssettm $0x7FFFFFFF  }
0xc3: {  	_ =	shalt  }
tec
execute0_lowered:
.L_overlay_start_1:
0x0: {  	(tag) =	ssettag $0x1  }
0x1: {  	s22 =	rddreg [dreg:$0x0]  }
0x2: {  	s3 =	rddreg [dreg:$0x1];
	s2 =	srdreg.scid  }
0x3: {  	s0 =	rddreg [dreg:$0x2];
	s1 =	stileid.u32;
	s23 =	sand.u32 $0x1, s2  }
0x4: {  	s2 =	simm.s32 $0x0;
	s4 =	sshll.u32 s1, $0x8;
	s5 =	sshll.u32 s23, $0x7  }
0x5: {  	[smem:$0x7FF] =	sst s2;
	s24 =	sor.u32 s5, s4  }
0x6: {  	_ =	strace $0x8000004A;
	s4 =	sadd.s32 s3, s24;
	s3 =	simm.s32 $0x2  }
0x7: {  	[tilespmem:s2], [sflag:$0x2] =	stream.linear.gather [hbm4b:s4+s2], $0x400, $0x38;
	[tilespmem:$0x800] =	vst v63  }
0x8: {  	_ =	swait.ge [sflag:s3], $0x400  }
0x9: {  	s6 =	simm.s32 $0x80;
	[sflag:s3] =	ssyncset.done $0x0  }
0xa: {  	s7 =	simm.s32 $0x400;
	s5 =	sadd.s32 $0xA00, s22;
	[sflag:s3] =	ssyncadd.s32 $0xFFFFFC00  }
0xb: {  	[tilespmem:s7], [sflag:$0x1] =	stream.indirect.gather [hbm4b:s5+s6], $0x1, s2, s6, $0xb8;
	[tilespmem:$0x800] =	vst v63  }
0xc: {  	s8 =	simm.s32 $0x480  }
0xd: {  	[tilespmem:s8], [sflag:$0x1] =	stream.indirect.gather [hbm4b:s5+s6], $0x1, s6, s6, $0xb8;
	[tilespmem:$0x800] =	vst v63  }
0xe: {  	s9 =	simm.s32 $0x100;
	s10 =	simm.s32 $0x500  }
0xf: {  	[tilespmem:s10], [sflag:$0x1] =	stream.indirect.gather [hbm4b:s5+s6], $0x1, s9, s6, $0xb8;
	[tilespmem:$0x800] =	vst v63  }
0x10: {  	s11 =	simm.s32 $0x180;
	s12 =	simm.s32 $0x580  }
0x11: {  	[tilespmem:s12], [sflag:$0x1] =	stream.indirect.gather [hbm4b:s5+s6], $0x1, s11, s6, $0xb8;
	[tilespmem:$0x800] =	vst v63  }
0x12: {  	s13 =	simm.s32 $0x200;
	s14 =	simm.s32 $0x600  }
0x13: {  	[tilespmem:s14], [sflag:$0x1] =	stream.indirect.gather [hbm4b:s5+s6], $0x1, s13, s6, $0xb8;
	[tilespmem:$0x800] =	vst v63  }
0x14: {  	s15 =	simm.s32 $0x280;
	s16 =	simm.s32 $0x680  }
0x15: {  	[tilespmem:s16], [sflag:$0x1] =	stream.indirect.gather [hbm4b:s5+s6], $0x1, s15, s6, $0xb8;
	[tilespmem:$0x800] =	vst v63  }
0x16: {  	s17 =	simm.s32 $0x300;
	s18 =	simm.s32 $0x700  }
0x17: {  	[tilespmem:s18], [sflag:$0x1] =	stream.indirect.gather [hbm4b:s5+s6], $0x1, s17, s6, $0xb8;
	[tilespmem:$0x800] =	vst v63  }
0x18: {  	s19 =	simm.s32 $0x380;
	s20 =	simm.s32 $0x780;
	s21 =	simm.s32 $0x1  }
0x19: {  	[tilespmem:s20], [sflag:$0x1] =	stream.indirect.gather [hbm4b:s5+s6], $0x1, s19, s6, $0xb8;
	[tilespmem:$0x800] =	vst v63  }
0x1a: {  	_ =	swait.ge [sflag:s21], $0x80  }
0x1b: {  	[sflag:s21] =	ssyncset.done $0x0  }
0x1c: {  	[sflag:s21] =	ssyncadd.s32 $0xFFFFFF80  }
0x1d: {  	_ =	swait.ge [sflag:s21], $0x80  }
0x1e: {  	[sflag:s21] =	ssyncset.done $0x0  }
0x1f: {  	[sflag:s21] =	ssyncadd.s32 $0xFFFFFF80  }
0x20: {  	_ =	swait.ge [sflag:s21], $0x80  }
0x21: {  	[sflag:s21] =	ssyncset.done $0x0  }
0x22: {  	[sflag:s21] =	ssyncadd.s32 $0xFFFFFF80  }
0x23: {  	_ =	swait.ge [sflag:s21], $0x80  }
0x24: {  	[sflag:s21] =	ssyncset.done $0x0  }
0x25: {  	[sflag:s21] =	ssyncadd.s32 $0xFFFFFF80  }
0x26: {  	_ =	swait.ge [sflag:s21], $0x80  }
0x27: {  	[sflag:s21] =	ssyncset.done $0x0  }
0x28: {  	[sflag:s21] =	ssyncadd.s32 $0xFFFFFF80  }
0x29: {  	_ =	swait.ge [sflag:s21], $0x80  }
0x2a: {  	[sflag:s21] =	ssyncset.done $0x0  }
0x2b: {  	s23 =	ssub.s32 $0x2, s23;
	[sflag:s21] =	ssyncadd.s32 $0xFFFFFF80  }
0x2c: {  	s25 =	sshrl.u32 s23, $0x1;
	_ =	swait.ge [sflag:s21], $0x80  }
0x2d: {  	s23 =	ssub.s32 s23, s25;
	[sflag:s21] =	ssyncset.done $0x0  }
0x2e: {  	s23 =	smax.u32 s23, $0x1;
	[sflag:s21] =	ssyncadd.s32 $0xFFFFFF80  }
0x2f: {  	p0 =	sne.s32 s23, $0x1;
	_ =	swait.ge [sflag:s21], $0x80  }
.Ltmp0:
0x30: {  	s22 =	sadd.s32 s24, s22;
	[sflag:s21] =	ssyncset.done $0x0;
	(pc) =	sbr.rel @!p0 .LBB2_2-.Ltmp0, $4  }
0x31: {  	s22 =	sadd.s32 $0xF4C00, s22;
	[sflag:s21] =	ssyncadd.s32 $0xFFFFFF80  }
0x32: {  	[hbm4b:s22+s2] =	stream.linear.scatter [tilespmem:s7], [sflag:$0x2], $0x400, $0x38;
	[tilespmem:$0x800] =	vst v63  }
0x33: {  	_ =	swait.ge [sflag:s3], $0x400  }
0x34: {  	s23 =	sadd.s32 $0xFFFFFFFF, s23;
	[sflag:s3] =	ssyncset.done $0x0  }
.LBB2_1:
0x35: {  	p0 =	sne.s32 s23, $0x1;
	s23 =	sadd.s32 $0xFFFFFFFF, s23;
	[sflag:s3] =	ssyncadd.s32 $0xFFFFFC00  }
0x36: {  	[tilespmem:s2], [sflag:$0x2] =	stream.linear.gather [hbm4b:s4+s2], $0x400, $0x38;
	[tilespmem:$0x800] =	vst v63  }
0x37: {  	_ =	swait.ge [sflag:s3], $0x400  }
0x38: {  	[sflag:s3] =	ssyncset.done $0x0  }
0x39: {  	[sflag:s3] =	ssyncadd.s32 $0xFFFFFC00  }
0x3a: {  	[tilespmem:s7], [sflag:$0x1] =	stream.indirect.gather [hbm4b:s5+s6], $0x1, s2, s6, $0xb8;
	[tilespmem:$0x800] =	vst v63  }
0x3b: {  	_ = 	snop  }
0x3c: {  	[tilespmem:s8], [sflag:$0x1] =	stream.indirect.gather [hbm4b:s5+s6], $0x1, s6, s6, $0xb8;
	[tilespmem:$0x800] =	vst v63  }
0x3d: {  	_ = 	snop  }
0x3e: {  	[tilespmem:s10], [sflag:$0x1] =	stream.indirect.gather [hbm4b:s5+s6], $0x1, s9, s6, $0xb8;
	[tilespmem:$0x800] =	vst v63  }
0x3f: {  	_ = 	snop  }
0x40: {  	[tilespmem:s12], [sflag:$0x1] =	stream.indirect.gather [hbm4b:s5+s6], $0x1, s11, s6, $0xb8;
	[tilespmem:$0x800] =	vst v63  }
0x41: {  	_ = 	snop  }
0x42: {  	[tilespmem:s14], [sflag:$0x1] =	stream.indirect.gather [hbm4b:s5+s6], $0x1, s13, s6, $0xb8;
	[tilespmem:$0x800] =	vst v63  }
0x43: {  	_ = 	snop  }
0x44: {  	[tilespmem:s16], [sflag:$0x1] =	stream.indirect.gather [hbm4b:s5+s6], $0x1, s15, s6, $0xb8;
	[tilespmem:$0x800] =	vst v63  }
0x45: {  	_ = 	snop  }
0x46: {  	[tilespmem:s18], [sflag:$0x1] =	stream.indirect.gather [hbm4b:s5+s6], $0x1, s17, s6, $0xb8;
	[tilespmem:$0x800] =	vst v63  }
0x47: {  	_ = 	snop  }
0x48: {  	[tilespmem:s20], [sflag:$0x1] =	stream.indirect.gather [hbm4b:s5+s6], $0x1, s19, s6, $0xb8;
	[tilespmem:$0x800] =	vst v63  }
0x49: {  	_ =	swait.ge [sflag:s21], $0x80  }
0x4a: {  	[sflag:s21] =	ssyncset.done $0x0  }
0x4b: {  	[sflag:s21] =	ssyncadd.s32 $0xFFFFFF80  }
0x4c: {  	_ =	swait.ge [sflag:s21], $0x80  }
0x4d: {  	[sflag:s21] =	ssyncset.done $0x0  }
0x4e: {  	[sflag:s21] =	ssyncadd.s32 $0xFFFFFF80  }
0x4f: {  	_ =	swait.ge [sflag:s21], $0x80  }
0x50: {  	[sflag:s21] =	ssyncset.done $0x0  }
0x51: {  	[sflag:s21] =	ssyncadd.s32 $0xFFFFFF80  }
0x52: {  	_ =	swait.ge [sflag:s21], $0x80  }
0x53: {  	[sflag:s21] =	ssyncset.done $0x0  }
0x54: {  	[sflag:s21] =	ssyncadd.s32 $0xFFFFFF80  }
0x55: {  	_ =	swait.ge [sflag:s21], $0x80  }
0x56: {  	[sflag:s21] =	ssyncset.done $0x0  }
0x57: {  	[sflag:s21] =	ssyncadd.s32 $0xFFFFFF80  }
0x58: {  	_ =	swait.ge [sflag:s21], $0x80  }
0x59: {  	[sflag:s21] =	ssyncset.done $0x0  }
0x5a: {  	[sflag:s21] =	ssyncadd.s32 $0xFFFFFF80  }
0x5b: {  	_ =	swait.ge [sflag:s21], $0x80  }
0x5c: {  	[sflag:s21] =	ssyncset.done $0x0  }
0x5d: {  	[sflag:s21] =	ssyncadd.s32 $0xFFFFFF80  }
0x5e: {  	_ =	swait.ge [sflag:s21], $0x80  }
.Ltmp1:
0x5f: {  	[sflag:s21] =	ssyncset.done $0x0;
	(pc) =	sbr.rel @p0 .LBB2_1-.Ltmp1, $4  }
0x60: {  	[sflag:s21] =	ssyncadd.s32 $0xFFFFFF80  }
0x61: {  	[hbm4b:s22+s2] =	stream.linear.scatter [tilespmem:s7], [sflag:$0x2], $0x400, $0x38;
	[tilespmem:$0x800] =	vst v63  }
0x62: {  	_ =	swait.ge [sflag:s3], $0x400  }
0x63: {  	[sflag:s3] =	ssyncset.done $0x0  }
.LBB2_2:
0x64: {  	[sflag:s3] =	ssyncadd.s32 $0xFFFFFC00  }
0x65: {  	_ =	sfence.sel $0x180000  }
0x66: {  	[bflag:$0x0] =	sbarrier.arrive $0xFFFF  }
0x67: {  	p0 =	sne.s32 s1, $0x0;
	_ =	strace $0x9000004A  }
0x68: {  	s0 =	sadd.s32 @!p0 $0x100000, s0;
	[bflag:$0x2] =	sbarrier.arrive $0xFFFF  }
0x69: {  	[sflag:s0] =	ssyncadd.tile.s32 @!p0 $0x1;
	_ =	shalt  }
.Lfunc_end2:
_tile_overlayer_lowered:
.L_overlay_start_2:
0x6a: {  	(tag) =	ssettag $0x2  }
0x6b: {  	s0 =	rddreg [dreg:$0x0];
	s2 =	stileid.u32  }
0x6c: {  	s1 =	rddreg [dreg:$0x1];
	p0 =	sne.s32 s2, $0x0  }
0x6d: {  	s3 =	rddreg [dreg:$0x2];
	[bflag:$0x3] =	sbarrier.arrive $0xFFFF;
	s2 =	simm.s32 @!p0 $0x1C02  }
0x6e: {  	[timem:s3], [sflag:s2] =	dma.local @!p0 [hbm:s0], s1  }
0x6f: {  	s0 =	simm.s32 @!p0 $0x2  }
0x70: {  	_ =	swait.ge @!p0 [sflag:s0], s1  }
0x71: {  	s1 =	ssub.s32 @!p0 $0x0, s1;
	[sflag:s0] =	ssyncset.done @!p0 $0x0  }
0x72: {  	[sflag:s0] =	ssyncadd.s32 @!p0 s1  }
0x73: {  	[bflag:$0x3] =	sbarrier.arrive $0xFFFF  }
0x74: {  	_ =	shalt  }

</sc_bundles>
